<compile_context>
chip_gen: v7x
topology: tpu7x:2x2x1
jax: 0.10.2.dev20260603
libtpu: 0.0.44.dev20260713+nightly
codegen_flags: <defaults>
</compile_context>

<pallas_src>
import functools

import jax
import jax.numpy as jnp
from jax.experimental import pallas as pl
from jax.experimental.pallas import tpu as pltpu
from jax.experimental.pallas import tpu_sc as plsc

_B, _N, _F = 4, 2048, 6
_K = 8
_R = 512
_NT = _N // _R
_EPS = 1e-3

_P = _B * _N
_NW = 32
_PPW = _P // _NW
_G = 16


def _bn_expr(x, g, b, m, v):
    return g * (x - m) / jnp.sqrt(v + _EPS) + b


def _knn_body(x_ref, xt_ref,
              w1_ref, b1_ref, w2_ref, b2_ref,
              upd1_ref, knn_ref):
    t = pl.program_id(1)
    xb = x_ref[0]
    feat = xb[:, 2:]
    xr = x_ref[0, pl.ds(t * _R, _R), :]
    prx = xr[:, 0:1]
    pry = xr[:, 1:2]
    pcx = xt_ref[0, 0:1, :]
    pcy = xt_ref[0, 1:2, :]
    d = jnp.sqrt((prx - pcx) ** 2 + (pry - pcy) ** 2)
    col = jax.lax.broadcasted_iota(jnp.int32, (_R, _N), 1)
    acc = jnp.zeros((_R, _N), jnp.float32)
    big = jnp.float32(3.0e38)
    for k in range(_K + 1):
        if k == 0:
            first = jnp.min(jnp.where(d == 0.0, col, _N), axis=1,
                            keepdims=True)
        else:
            first = jnp.argmin(d, axis=1, keepdims=True)
        oh = col == first
        if k > 0:
            acc = acc + oh.astype(jnp.float32)
            knn_ref[0, :, k - 1] = first[:, 0] + pl.program_id(0) * _N
        if k < _K:
            d = jnp.where(oh, big, d)
    fh = feat.astype(jnp.bfloat16).astype(jnp.float32)
    r1 = feat - fh
    f1 = r1.astype(jnp.bfloat16).astype(jnp.float32)
    f2 = r1 - f1
    agg = (jax.lax.dot(acc, fh, preferred_element_type=jnp.float32)
           + jax.lax.dot(acc, f1, preferred_element_type=jnp.float32)
           + jax.lax.dot(acc, f2, preferred_element_type=jnp.float32)) * 0.125
    h = jnp.maximum(
        jnp.dot(agg, w1_ref[...], preferred_element_type=jnp.float32)
        + b1_ref[...], 0.0)
    upd1_ref[0, :, 0:32] = (
        jnp.dot(h, w2_ref[...], preferred_element_type=jnp.float32)
        + b2_ref[...])


@functools.partial(
    pl.kernel,
    mesh=plsc.VectorSubcoreMesh(core_axis_name="c", subcore_axis_name="s"),
    out_type=jax.ShapeDtypeStruct((_P, 32), jnp.float32),
    scratch_types=[
        pltpu.VMEM((_PPW * _K,), jnp.int32),
        pltpu.VMEM((2, 128, 128), jnp.float32),
        pltpu.VMEM((_PPW, 32), jnp.float32),
        pltpu.SemaphoreType.DMA,
        pltpu.SemaphoreType.DMA,
    ],
)
def _sc_gather_sum(idx_hbm, table_hbm, out_hbm, idx_v, rows_v, out_v,
                   sem0, sem1):
    wid = jax.lax.axis_index("s") * 2 + jax.lax.axis_index("c")
    base = wid * _PPW
    pltpu.sync_copy(idx_hbm.at[pl.ds(base * _K, _PPW * _K)], idx_v)

    def start(ch, slot, sem):
        off = pl.multiple_of(ch * 128, 128)
        pltpu.async_copy(
            table_hbm.at[idx_v.at[pl.ds(off, 128)]],
            rows_v.at[slot], sem)

    start(0, 0, sem0)
    start(1, 1, sem1)

    def drain(slot, sem):
        pltpu.make_async_copy(table_hbm.at[pl.ds(0, 128)],
                              rows_v.at[slot], sem).wait()

    def accum(ch, slot):
        for pp in range(16):
            r0 = pp * _K
            for c in range(2):
                s = rows_v[slot, r0, pl.ds(c * 16, 16)]
                for k in range(1, _K):
                    s = s + rows_v[slot, r0 + k, pl.ds(c * 16, 16)]
                out_v[ch * 16 + pp, pl.ds(c * 16, 16)] = s

    def body(g2, carry):
        ch = g2 * 2
        drain(0, sem0)
        accum(ch, 0)
        pl.when(g2 < _G // 2 - 1)(lambda: start(ch + 2, 0, sem0))
        drain(1, sem1)
        accum(ch + 1, 1)
        pl.when(g2 < _G // 2 - 1)(lambda: start(ch + 3, 1, sem1))
        return carry

    jax.lax.fori_loop(0, _G // 2, body, 0)
    pltpu.sync_copy(out_v, out_hbm.at[pl.ds(base, _PPW)])


def _tail_body(xr_ref, upd1_ref, aggsum_ref,
               g2w1_ref, g2b1_ref, g2w2_ref, g2b2_ref,
               d1w_ref, d1b_ref,
               d2w_ref, d2b_ref, d3w_ref, d3b_ref,
               g2bn_ref, b2bn_ref, m2bn_ref, v2bn_ref, ow_ref, ob_ref,
               out_ref):
    t = pl.program_id(1)
    xr = xr_ref[0]
    pos = xr[:, 0:2]
    agg = aggsum_ref[0] * 0.125
    h = jnp.maximum(
        jnp.dot(agg, g2w1_ref[...], preferred_element_type=jnp.float32)
        + g2b1_ref[...], 0.0)
    upd2 = (jnp.dot(h, g2w2_ref[...], preferred_element_type=jnp.float32)
            + g2b2_ref[...])
    u1r = upd1_ref[0][:, 0:32]
    xcat = jnp.concatenate([pos, u1r, pos, upd2], axis=1)
    y = jnp.maximum(
        jnp.dot(xcat, d1w_ref[...], preferred_element_type=jnp.float32)
        + d1b_ref[...], 0.0)
    y = jnp.maximum(
        jnp.dot(y, d2w_ref[...], preferred_element_type=jnp.float32)
        + d2b_ref[...], 0.0)
    y = jnp.maximum(
        jnp.dot(y, d3w_ref[...], preferred_element_type=jnp.float32)
        + d3b_ref[...], 0.0)
    y = _bn_expr(y, g2bn_ref[...], b2bn_ref[...], m2bn_ref[...], v2bn_ref[...])
    out_ref[0] = (jnp.dot(y, ow_ref[...], preferred_element_type=jnp.float32)
                  + ob_ref[...])


def _full(shape):
    nd = len(shape)
    return pl.BlockSpec(shape, lambda b, t, _n=nd: (0,) * _n)


def kernel(inputs, bn1_gamma, bn1_beta, bn1_mean, bn1_var,
           g1_w1, g1_b1, g1_w2, g1_b2,
           g2_w1, g2_b1, g2_w2, g2_b2,
           d1_w, d1_b, d2_w, d2_b, d3_w, d3_b,
           bn2_gamma, bn2_beta, bn2_mean, bn2_var,
           out_w, out_b):
    f32 = jnp.float32
    xb = _bn_expr(inputs, bn1_gamma, bn1_beta, bn1_mean, bn1_var)
    xbt = jnp.transpose(xb, (0, 2, 1))

    upd1, knn = pl.pallas_call(
        _knn_body,
        grid=(_B, _NT),
        in_specs=[
            pl.BlockSpec((1, _N, _F), lambda b, t: (b, 0, 0)),
            pl.BlockSpec((1, _F, _N), lambda b, t: (b, 0, 0)),
            _full((_F - 2, 32)), _full((1, 32)),
            _full((32, 32)), _full((1, 32)),
        ],
        out_specs=[
            pl.BlockSpec((1, _R, 128), lambda b, t: (b, t, 0)),
            pl.BlockSpec((1, _R, _K), lambda b, t: (b, t, 0)),
        ],
        out_shape=[jax.ShapeDtypeStruct((_B, _N, 128), f32),
                   jax.ShapeDtypeStruct((_B, _N, _K), jnp.int32)],
    )(xb, xbt,
      g1_w1, g1_b1.reshape(1, 32), g1_w2, g1_b2.reshape(1, 32))

    aggsum = _sc_gather_sum(knn.reshape(_P * _K), upd1.reshape(_P, 128))
    aggsum = aggsum.reshape(_B, _N, 32)

    bn2r = [a.reshape(1, 32) for a in (bn2_gamma, bn2_beta, bn2_mean, bn2_var)]

    out = pl.pallas_call(
        _tail_body,
        grid=(_B, _NT),
        in_specs=[
            pl.BlockSpec((1, _R, _F), lambda b, t: (b, t, 0)),
            pl.BlockSpec((1, _R, 128), lambda b, t: (b, t, 0)),
            pl.BlockSpec((1, _R, 32), lambda b, t: (b, t, 0)),
            _full((32, 32)), _full((1, 32)),
            _full((32, 32)), _full((1, 32)),
            _full((68, 128)), _full((1, 128)),
            _full((128, 64)), _full((1, 64)),
            _full((64, 32)), _full((1, 32)),
            _full((1, 32)), _full((1, 32)), _full((1, 32)), _full((1, 32)),
            _full((32, 1)), _full((1, 1)),
        ],
        out_specs=pl.BlockSpec((1, _R, 1), lambda b, t: (b, t, 0)),
        out_shape=jax.ShapeDtypeStruct((_B, _N, 1), f32),
    )(xb, upd1, aggsum,
      g2_w1, g2_b1.reshape(1, 32), g2_w2, g2_b2.reshape(1, 32),
      d1_w, d1_b.reshape(1, 128),
      d2_w, d2_b.reshape(1, 64), d3_w, d3_b.reshape(1, 32),
      *bn2r,
      out_w, out_b.reshape(1, 1))
    return out

# --- scband reference (transcript-rebuilt; emitter-appended) ---
"""Pipeline reference for scband-shower-gnn-41016937677351 (READ-ONLY COPY).

The authoritative reference and input builder live on the scoring server;
editing this copy changes nothing except your own understanding.
"""

import jax, jax.numpy as jnp
import numpy as np

B, N, F = 4, 2048, 6
K = 8


def _bn(x, gamma, beta, mean, var, eps=1e-3):
    return gamma * (x - mean) / jnp.sqrt(var + eps) + beta


def _gravnet(x, w1, b1, w2, b2, k):
    pos = x[..., :2]
    feat = x[..., 2:]
    diff = pos[:, :, None, :] - pos[:, None, :, :]
    dists = jnp.linalg.norm(diff, axis=-1)
    knn = jax.lax.stop_gradient(jnp.argsort(dists, axis=-1)[..., 1:k + 1])
    neigh = jax.vmap(lambda f, idx: f[idx])(feat, knn)
    agg = jnp.mean(neigh, axis=-2)
    h = jax.nn.relu(agg @ w1 + b1)
    upd = h @ w2 + b2
    return jnp.concatenate([pos, upd], axis=-1)


def setup_inputs(seed: int = 0):
    key = jax.random.key(seed)
    ks = jax.random.split(key, 12)

    def glorot(k, i, o):
        lim = float(np.sqrt(6.0 / (i + o)))
        return jax.random.uniform(k, (i, o), jnp.float32, -lim, lim)

    return {
        "inputs": jax.random.normal(ks[0], (B, N, F), jnp.float32),
        "bn1_gamma": jnp.ones((F,), jnp.float32),
        "bn1_beta": jnp.zeros((F,), jnp.float32),
        "bn1_mean": jnp.zeros((F,), jnp.float32),
        "bn1_var": jnp.ones((F,), jnp.float32),
        "g1_w1": glorot(ks[1], F - 2, 32), "g1_b1": jnp.zeros((32,), jnp.float32),
        "g1_w2": glorot(ks[2], 32, 32), "g1_b2": jnp.zeros((32,), jnp.float32),
        "g2_w1": glorot(ks[3], 32, 32), "g2_b1": jnp.zeros((32,), jnp.float32),
        "g2_w2": glorot(ks[4], 32, 32), "g2_b2": jnp.zeros((32,), jnp.float32),
        "d1_w": glorot(ks[5], 68, 128), "d1_b": jnp.zeros((128,), jnp.float32),
        "d2_w": glorot(ks[6], 128, 64), "d2_b": jnp.zeros((64,), jnp.float32),
        "d3_w": glorot(ks[7], 64, 32), "d3_b": jnp.zeros((32,), jnp.float32),
        "bn2_gamma": jnp.ones((32,), jnp.float32),
        "bn2_beta": jnp.zeros((32,), jnp.float32),
        "bn2_mean": jnp.zeros((32,), jnp.float32),
        "bn2_var": jnp.ones((32,), jnp.float32),
        "out_w": glorot(ks[8], 32, 1), "out_b": jnp.zeros((1,), jnp.float32),
    }


def reference(inputs, bn1_gamma, bn1_beta, bn1_mean, bn1_var,
              g1_w1, g1_b1, g1_w2, g1_b2,
              g2_w1, g2_b1, g2_w2, g2_b2,
              d1_w, d1_b, d2_w, d2_b, d3_w, d3_b,
              bn2_gamma, bn2_beta, bn2_mean, bn2_var,
              out_w, out_b):
    x = _bn(inputs, bn1_gamma, bn1_beta, bn1_mean, bn1_var)
    x1 = _gravnet(x, g1_w1, g1_b1, g1_w2, g1_b2, K)
    x2 = _gravnet(x1, g2_w1, g2_b1, g2_w2, g2_b2, K)
    x = jnp.concatenate([x1, x2], axis=-1)
    x = jax.nn.relu(x @ d1_w + d1_b)
    x = jax.nn.relu(x @ d2_w + d2_b)
    x = jax.nn.relu(x @ d3_w + d3_b)
    x = _bn(x, bn2_gamma, bn2_beta, bn2_mean, bn2_var)
    return x @ out_w + out_b

if __name__ == "__main__":
    import jax
    _d = setup_inputs()
    print(jax.jit(kernel)(*tuple(_d.values())))

</pallas_src>

<mosaic_0001>
#map = affine_map<(d0, d1) -> (0)>
#map1 = affine_map<(d0, d1) -> (0, 0)>
module attributes {stable_mosaic.version = 14 : i64} {
  func.func @_sc_gather_sum(%arg0: i32, %arg1: i32, %arg2: memref<65536xi32, #tpu.memory_space<hbm>>, %arg3: memref<8192x128xf32, #tpu.memory_space<hbm>>, %arg4: memref<8192x32xf32, #tpu.memory_space<hbm>>, %arg5: memref<2048xi32, #tpu.memory_space<vmem>>, %arg6: memref<2x128x128xf32, #tpu.memory_space<vmem>>, %arg7: memref<256x32xf32, #tpu.memory_space<vmem>>, %arg8: memref<!tpu.dma_semaphore, #tpu.memory_space<semaphore_mem>>, %arg9: memref<!tpu.dma_semaphore, #tpu.memory_space<semaphore_mem>>) attributes {dimension_semantics = [#tpu.dimension_semantics<core_parallel>, #tpu.dimension_semantics<subcore_parallel>], iteration_bounds = array<i64: 2, 16>, scalar_prefetch = 0 : i64, scratch_operands = 5 : i64, tpu.core_type = #tpu.core_type<sc_vector_subcore>, window_params = [{transform_indices = #map}, {transform_indices = #map1}, {transform_indices = #map1}]} {
    %mul3A = arith.constant 2 : i32
    %mul3A_0 = arith.muli %arg1, %mul3A : i32
    %add3A = arith.addi %mul3A_0, %arg0 : i32
    %mul3A_1 = arith.constant 256 : i32
    %mul3A_2 = arith.muli %add3A, %mul3A_1 : i32
    %mul3A_3 = arith.constant 8 : i32
    %mul3A_4 = arith.muli %mul3A_2, %mul3A_3 : i32
    "tpu.region"() ({
      %run_scoped3A = tpu.sem_alloc : memref<!tpu.dma_semaphore, #tpu.memory_space<semaphore_mem>>
      %dma_start3A_30 = tpu.memref_slice %arg2[%mul3A_4] : memref<65536xi32, #tpu.memory_space<hbm>> -> memref<2048xi32, #tpu.memory_space<hbm>>
      %dma_start3A_31 = tpu.memref_slice %arg2[%mul3A_4] : memref<65536xi32, #tpu.memory_space<hbm>> -> memref<2048xi32, #tpu.memory_space<hbm>>
      tpu.enqueue_dma source(%dma_start3A_31 : memref<2048xi32, #tpu.memory_space<hbm>>) target(%arg5 : memref<2048xi32, #tpu.memory_space<vmem>>) target_semaphore(%run_scoped3A : memref<!tpu.dma_semaphore, #tpu.memory_space<semaphore_mem>>)
      %dma_wait3A = tpu.memref_slice %arg2[%mul3A_4] : memref<65536xi32, #tpu.memory_space<hbm>> -> memref<2048xi32, #tpu.memory_space<hbm>>
      %dma_wait3A_32 = tpu.memref_slice %arg2[%mul3A_4] : memref<65536xi32, #tpu.memory_space<hbm>> -> memref<2048xi32, #tpu.memory_space<hbm>>
      tpu.wait_dma2 semaphore(%run_scoped3A : memref<!tpu.dma_semaphore, #tpu.memory_space<semaphore_mem>>) src(%dma_wait3A_32 : memref<2048xi32, #tpu.memory_space<hbm>>) dst(%arg5 : memref<2048xi32, #tpu.memory_space<vmem>>)
      tpu.yield
    }) : () -> ()
    %multiple_of3A = arith.constant 0 : i32
    %multiple_of3A_5 = tpu.assume_multiple %multiple_of3A, 128 : i32
    %dma_start3A = arith.constant 0 : i32
    %dma_start3A_6 = arith.constant 0 : i32
    %dma_start3A_7 = arith.constant 0 : i32
    %dma_start3A_8 = tpu.memref_slice %arg6[%dma_start3A, %dma_start3A_6, %dma_start3A_7] : memref<2x128x128xf32, #tpu.memory_space<vmem>> -> memref<1x128x128xf32, #tpu.memory_space<vmem>>
    %dma_start3A_9 = tpu.memref_squeeze %dma_start3A_8 : memref<1x128x128xf32, #tpu.memory_space<vmem>> -> memref<128x128xf32, #tpu.memory_space<vmem>>
    %dma_start3A_10 = tpu.memref_slice %arg5[%multiple_of3A_5] : memref<2048xi32, #tpu.memory_space<vmem>> -> memref<128xi32, #tpu.memory_space<vmem>>
    %dma_start3A_11 = arith.constant 0 : i32
    %dma_start3A_12 = arith.constant 0 : i32
    %dma_start3A_13 = tpu.memref_slice %arg3[%dma_start3A_11, %dma_start3A_12] : memref<8192x128xf32, #tpu.memory_space<hbm>> -> memref<8192x128xf32, #tpu.memory_space<hbm>>
    tpu.enqueue_indirect_dma source(%dma_start3A_13 : memref<8192x128xf32, #tpu.memory_space<hbm>>) target(%dma_start3A_9 : memref<128x128xf32, #tpu.memory_space<vmem>>) offsets(%dma_start3A_10 : memref<128xi32, #tpu.memory_space<vmem>>) semaphore(%arg8 : memref<!tpu.dma_semaphore, #tpu.memory_space<semaphore_mem>>)
    %multiple_of3A_14 = arith.constant 128 : i32
    %multiple_of3A_15 = tpu.assume_multiple %multiple_of3A_14, 128 : i32
    %dma_start3A_16 = arith.constant 1 : i32
    %dma_start3A_17 = arith.constant 0 : i32
    %dma_start3A_18 = arith.constant 0 : i32
    %dma_start3A_19 = tpu.memref_slice %arg6[%dma_start3A_16, %dma_start3A_17, %dma_start3A_18] : memref<2x128x128xf32, #tpu.memory_space<vmem>> -> memref<1x128x128xf32, #tpu.memory_space<vmem>>
    %dma_start3A_20 = tpu.memref_squeeze %dma_start3A_19 : memref<1x128x128xf32, #tpu.memory_space<vmem>> -> memref<128x128xf32, #tpu.memory_space<vmem>>
    %dma_start3A_21 = tpu.memref_slice %arg5[%multiple_of3A_15] : memref<2048xi32, #tpu.memory_space<vmem>> -> memref<128xi32, #tpu.memory_space<vmem>>
    %dma_start3A_22 = arith.constant 0 : i32
    %dma_start3A_23 = arith.constant 0 : i32
    %dma_start3A_24 = tpu.memref_slice %arg3[%dma_start3A_22, %dma_start3A_23] : memref<8192x128xf32, #tpu.memory_space<hbm>> -> memref<8192x128xf32, #tpu.memory_space<hbm>>
    tpu.enqueue_indirect_dma source(%dma_start3A_24 : memref<8192x128xf32, #tpu.memory_space<hbm>>) target(%dma_start3A_20 : memref<128x128xf32, #tpu.memory_space<vmem>>) offsets(%dma_start3A_21 : memref<128xi32, #tpu.memory_space<vmem>>) semaphore(%arg9 : memref<!tpu.dma_semaphore, #tpu.memory_space<semaphore_mem>>)
    %scan3A = arith.constant 0 : i32
    %scan3A_25 = arith.constant 0 : i32
    %scan3A_26 = arith.constant 8 : i32
    %scan3A_27 = arith.addi %scan3A_25, %scan3A_26 : i32
    %scan3A_28 = arith.constant 1 : i32
    scf.for %scan3A_30 = %scan3A_25 to %scan3A_27 step %scan3A_28  : i32 {
      %mul3A_31 = arith.constant 2 : i32
      %mul3A_32 = arith.muli %scan3A_30, %mul3A_31 : i32
      %dma_wait3A = arith.constant 0 : i32
      %dma_wait3A_33 = arith.constant 0 : i32
      %dma_wait3A_34 = arith.constant 0 : i32
      %dma_wait3A_35 = tpu.memref_slice %arg6[%dma_wait3A, %dma_wait3A_33, %dma_wait3A_34] : memref<2x128x128xf32, #tpu.memory_space<vmem>> -> memref<1x128x128xf32, #tpu.memory_space<vmem>>
      %dma_wait3A_36 = tpu.memref_squeeze %dma_wait3A_35 : memref<1x128x128xf32, #tpu.memory_space<vmem>> -> memref<128x128xf32, #tpu.memory_space<vmem>>
      %dma_wait3A_37 = arith.constant 0 : i32
      %dma_wait3A_38 = arith.constant 0 : i32
      %dma_wait3A_39 = tpu.memref_slice %arg3[%dma_wait3A_37, %dma_wait3A_38] : memref<8192x128xf32, #tpu.memory_space<hbm>> -> memref<128x128xf32, #tpu.memory_space<hbm>>
      %dma_wait3A_40 = arith.constant 0 : i32
      %dma_wait3A_41 = arith.constant 0 : i32
      %dma_wait3A_42 = tpu.memref_slice %arg6[%dma_wait3A, %dma_wait3A_40, %dma_wait3A_41] : memref<2x128x128xf32, #tpu.memory_space<vmem>> -> memref<1x128x128xf32, #tpu.memory_space<vmem>>
      %dma_wait3A_43 = tpu.memref_squeeze %dma_wait3A_42 : memref<1x128x128xf32, #tpu.memory_space<vmem>> -> memref<128x128xf32, #tpu.memory_space<vmem>>
      %dma_wait3A_44 = arith.constant 0 : i32
      %dma_wait3A_45 = arith.constant 0 : i32
      %dma_wait3A_46 = tpu.memref_slice %arg3[%dma_wait3A_44, %dma_wait3A_45] : memref<8192x128xf32, #tpu.memory_space<hbm>> -> memref<128x128xf32, #tpu.memory_space<hbm>>
      tpu.wait_dma2 semaphore(%arg8 : memref<!tpu.dma_semaphore, #tpu.memory_space<semaphore_mem>>) src(%dma_wait3A_46 : memref<128x128xf32, #tpu.memory_space<hbm>>) dst(%dma_wait3A_43 : memref<128x128xf32, #tpu.memory_space<vmem>>)
      %get3A = arith.constant 0 : i32
      %get3A_47 = arith.constant 0 : i32
      %get3A_48 = arith.index_cast %get3A : i32 to index
      %get3A_49 = arith.index_cast %get3A_47 : i32 to index
      %get3A_50 = arith.constant 0 : index
      %get3A_51 = tpu.vector_load %arg6[%get3A_48, %get3A_49, %get3A_50] {strides = array<i32>} : memref<2x128x128xf32, #tpu.memory_space<vmem>>, vector<1x1x16xf32>,
      %get3A_52 = vector.shape_cast %get3A_51 : vector<1x1x16xf32> to vector<16xf32>
      %get3A_53 = arith.constant 0 : i32
      %get3A_54 = arith.constant 1 : i32
      %get3A_55 = arith.index_cast %get3A_53 : i32 to index
      %get3A_56 = arith.index_cast %get3A_54 : i32 to index
      %get3A_57 = arith.constant 0 : index
      %get3A_58 = tpu.vector_load %arg6[%get3A_55, %get3A_56, %get3A_57] {strides = array<i32>} : memref<2x128x128xf32, #tpu.memory_space<vmem>>, vector<1x1x16xf32>,
      %get3A_59 = vector.shape_cast %get3A_58 : vector<1x1x16xf32> to vector<16xf32>
      %add3A_60 = arith.addf %get3A_52, %get3A_59 : vector<16xf32>
      %get3A_61 = arith.constant 0 : i32
      %get3A_62 = arith.constant 2 : i32
      %get3A_63 = arith.index_cast %get3A_61 : i32 to index
      %get3A_64 = arith.index_cast %get3A_62 : i32 to index
      %get3A_65 = arith.constant 0 : index
      %get3A_66 = tpu.vector_load %arg6[%get3A_63, %get3A_64, %get3A_65] {strides = array<i32>} : memref<2x128x128xf32, #tpu.memory_space<vmem>>, vector<1x1x16xf32>,
      %get3A_67 = vector.shape_cast %get3A_66 : vector<1x1x16xf32> to vector<16xf32>
      %add3A_68 = arith.addf %add3A_60, %get3A_67 : vector<16xf32>
      %get3A_69 = arith.constant 0 : i32
      %get3A_70 = arith.constant 3 : i32
      %get3A_71 = arith.index_cast %get3A_69 : i32 to index
      %get3A_72 = arith.index_cast %get3A_70 : i32 to index
      %get3A_73 = arith.constant 0 : index
      %get3A_74 = tpu.vector_load %arg6[%get3A_71, %get3A_72, %get3A_73] {strides = array<i32>} : memref<2x128x128xf32, #tpu.memory_space<vmem>>, vector<1x1x16xf32>,
      %get3A_75 = vector.shape_cast %get3A_74 : vector<1x1x16xf32> to vector<16xf32>
      %add3A_76 = arith.addf %add3A_68, %get3A_75 : vector<16xf32>
      %get3A_77 = arith.constant 0 : i32
      %get3A_78 = arith.constant 4 : i32
      %get3A_79 = arith.index_cast %get3A_77 : i32 to index
      %get3A_80 = arith.index_cast %get3A_78 : i32 to index
      %get3A_81 = arith.constant 0 : index
      %get3A_82 = tpu.vector_load %arg6[%get3A_79, %get3A_80, %get3A_81] {strides = array<i32>} : memref<2x128x128xf32, #tpu.memory_space<vmem>>, vector<1x1x16xf32>,
      %get3A_83 = vector.shape_cast %get3A_82 : vector<1x1x16xf32> to vector<16xf32>
      %add3A_84 = arith.addf %add3A_76, %get3A_83 : vector<16xf32>
      %get3A_85 = arith.constant 0 : i32
      %get3A_86 = arith.constant 5 : i32
      %get3A_87 = arith.index_cast %get3A_85 : i32 to index
      %get3A_88 = arith.index_cast %get3A_86 : i32 to index
      %get3A_89 = arith.constant 0 : index
      %get3A_90 = tpu.vector_load %arg6[%get3A_87, %get3A_88, %get3A_89] {strides = array<i32>} : memref<2x128x128xf32, #tpu.memory_space<vmem>>, vector<1x1x16xf32>,
      %get3A_91 = vector.shape_cast %get3A_90 : vector<1x1x16xf32> to vector<16xf32>
      %add3A_92 = arith.addf %add3A_84, %get3A_91 : vector<16xf32>
      %get3A_93 = arith.constant 0 : i32
      %get3A_94 = arith.constant 6 : i32
      %get3A_95 = arith.index_cast %get3A_93 : i32 to index
      %get3A_96 = arith.index_cast %get3A_94 : i32 to index
      %get3A_97 = arith.constant 0 : index
      %get3A_98 = tpu.vector_load %arg6[%get3A_95, %get3A_96, %get3A_97] {strides = array<i32>} : memref<2x128x128xf32, #tpu.memory_space<vmem>>, vector<1x1x16xf32>,
      %get3A_99 = vector.shape_cast %get3A_98 : vector<1x1x16xf32> to vector<16xf32>
      %add3A_100 = arith.addf %add3A_92, %get3A_99 : vector<16xf32>
      %get3A_101 = arith.constant 0 : i32
      %get3A_102 = arith.constant 7 : i32
      %get3A_103 = arith.index_cast %get3A_101 : i32 to index
      %get3A_104 = arith.index_cast %get3A_102 : i32 to index
      %get3A_105 = arith.constant 0 : index
      %get3A_106 = tpu.vector_load %arg6[%get3A_103, %get3A_104, %get3A_105] {strides = array<i32>} : memref<2x128x128xf32, #tpu.memory_space<vmem>>, vector<1x1x16xf32>,
      %get3A_107 = vector.shape_cast %get3A_106 : vector<1x1x16xf32> to vector<16xf32>
      %add3A_108 = arith.addf %add3A_100, %get3A_107 : vector<16xf32>
      %mul3A_109 = arith.constant 16 : i32
      %mul3A_110 = arith.muli %mul3A_32, %mul3A_109 : i32
      %add3A_111 = arith.constant 0 : i32
      %add3A_112 = arith.addi %mul3A_110, %add3A_111 : i32
      %swap3A = arith.index_cast %add3A_112 : i32 to index
      %swap3A_113 = arith.constant 0 : index
      %swap3A_114 = tpu.vector_load %arg7[%swap3A, %swap3A_113] {strides = array<i32>} : memref<256x32xf32, #tpu.memory_space<vmem>>, vector<1x16xf32>,
      %swap3A_115 = vector.shape_cast %swap3A_114 : vector<1x16xf32> to vector<16xf32>
      %swap3A_116 = vector.shape_cast %add3A_108 : vector<16xf32> to vector<1x16xf32>
      tpu.vector_store %arg7[%swap3A, %swap3A_113], %swap3A_116 {strides = array<i32>} : memref<256x32xf32, #tpu.memory_space<vmem>>, vector<1x16xf32>,
      %get3A_117 = arith.constant 0 : i32
      %get3A_118 = arith.constant 0 : i32
      %get3A_119 = arith.index_cast %get3A_117 : i32 to index
      %get3A_120 = arith.index_cast %get3A_118 : i32 to index
      %get3A_121 = arith.constant 16 : index
      %get3A_122 = tpu.vector_load %arg6[%get3A_119, %get3A_120, %get3A_121] {strides = array<i32>} : memref<2x128x128xf32, #tpu.memory_space<vmem>>, vector<1x1x16xf32>,
      %get3A_123 = vector.shape_cast %get3A_122 : vector<1x1x16xf32> to vector<16xf32>
      %get3A_124 = arith.constant 0 : i32
      %get3A_125 = arith.constant 1 : i32
      %get3A_126 = arith.index_cast %get3A_124 : i32 to index
      %get3A_127 = arith.index_cast %get3A_125 : i32 to index
      %get3A_128 = arith.constant 16 : index
      %get3A_129 = tpu.vector_load %arg6[%get3A_126, %get3A_127, %get3A_128] {strides = array<i32>} : memref<2x128x128xf32, #tpu.memory_space<vmem>>, vector<1x1x16xf32>,
      %get3A_130 = vector.shape_cast %get3A_129 : vector<1x1x16xf32> to vector<16xf32>
      %add3A_131 = arith.addf %get3A_123, %get3A_130 : vector<16xf32>
      %get3A_132 = arith.constant 0 : i32
      %get3A_133 = arith.constant 2 : i32
      %get3A_134 = arith.index_cast %get3A_132 : i32 to index
      %get3A_135 = arith.index_cast %get3A_133 : i32 to index
      %get3A_136 = arith.constant 16 : index
      %get3A_137 = tpu.vector_load %arg6[%get3A_134, %get3A_135, %get3A_136] {strides = array<i32>} : memref<2x128x128xf32, #tpu.memory_space<vmem>>, vector<1x1x16xf32>,
      %get3A_138 = vector.shape_cast %get3A_137 : vector<1x1x16xf32> to vector<16xf32>
      %add3A_139 = arith.addf %add3A_131, %get3A_138 : vector<16xf32>
      %get3A_140 = arith.constant 0 : i32
      %get3A_141 = arith.constant 3 : i32
      %get3A_142 = arith.index_cast %get3A_140 : i32 to index
      %get3A_143 = arith.index_cast %get3A_141 : i32 to index
      %get3A_144 = arith.constant 16 : index
      %get3A_145 = tpu.vector_load %arg6[%get3A_142, %get3A_143, %get3A_144] {strides = array<i32>} : memref<2x128x128xf32, #tpu.memory_space<vmem>>, vector<1x1x16xf32>,
      %get3A_146 = vector.shape_cast %get3A_145 : vector<1x1x16xf32> to vector<16xf32>
      %add3A_147 = arith.addf %add3A_139, %get3A_146 : vector<16xf32>
      %get3A_148 = arith.constant 0 : i32
      %get3A_149 = arith.constant 4 : i32
      %get3A_150 = arith.index_cast %get3A_148 : i32 to index
      %get3A_151 = arith.index_cast %get3A_149 : i32 to index
      %get3A_152 = arith.constant 16 : index
      %get3A_153 = tpu.vector_load %arg6[%get3A_150, %get3A_151, %get3A_152] {strides = array<i32>} : memref<2x128x128xf32, #tpu.memory_space<vmem>>, vector<1x1x16xf32>,
      %get3A_154 = vector.shape_cast %get3A_153 : vector<1x1x16xf32> to vector<16xf32>
      %add3A_155 = arith.addf %add3A_147, %get3A_154 : vector<16xf32>
      %get3A_156 = arith.constant 0 : i32
      %get3A_157 = arith.constant 5 : i32
      %get3A_158 = arith.index_cast %get3A_156 : i32 to index
      %get3A_159 = arith.index_cast %get3A_157 : i32 to index
      %get3A_160 = arith.constant 16 : index
      %get3A_161 = tpu.vector_load %arg6[%get3A_158, %get3A_159, %get3A_160] {strides = array<i32>} : memref<2x128x128xf32, #tpu.memory_space<vmem>>, vector<1x1x16xf32>,
      %get3A_162 = vector.shape_cast %get3A_161 : vector<1x1x16xf32> to vector<16xf32>
      %add3A_163 = arith.addf %add3A_155, %get3A_162 : vector<16xf32>
      %get3A_164 = arith.constant 0 : i32
      %get3A_165 = arith.constant 6 : i32
      %get3A_166 = arith.index_cast %get3A_164 : i32 to index
      %get3A_167 = arith.index_cast %get3A_165 : i32 to index
      %get3A_168 = arith.constant 16 : index
      %get3A_169 = tpu.vector_load %arg6[%get3A_166, %get3A_167, %get3A_168] {strides = array<i32>} : memref<2x128x128xf32, #tpu.memory_space<vmem>>, vector<1x1x16xf32>,
      %get3A_170 = vector.shape_cast %get3A_169 : vector<1x1x16xf32> to vector<16xf32>
      %add3A_171 = arith.addf %add3A_163, %get3A_170 : vector<16xf32>
      %get3A_172 = arith.constant 0 : i32
      %get3A_173 = arith.constant 7 : i32
      %get3A_174 = arith.index_cast %get3A_172 : i32 to index
      %get3A_175 = arith.index_cast %get3A_173 : i32 to index
      %get3A_176 = arith.constant 16 : index
      %get3A_177 = tpu.vector_load %arg6[%get3A_174, %get3A_175, %get3A_176] {strides = array<i32>} : memref<2x128x128xf32, #tpu.memory_space<vmem>>, vector<1x1x16xf32>,
      %get3A_178 = vector.shape_cast %get3A_177 : vector<1x1x16xf32> to vector<16xf32>
      %add3A_179 = arith.addf %add3A_171, %get3A_178 : vector<16xf32>
      %mul3A_180 = arith.constant 16 : i32
      %mul3A_181 = arith.muli %mul3A_32, %mul3A_180 : i32
      %add3A_182 = arith.constant 0 : i32
      %add3A_183 = arith.addi %mul3A_181, %add3A_182 : i32
      %swap3A_184 = arith.index_cast %add3A_183 : i32 to index
      %swap3A_185 = arith.constant 16 : index
      %swap3A_186 = tpu.vector_load %arg7[%swap3A_184, %swap3A_185] {strides = array<i32>} : memref<256x32xf32, #tpu.memory_space<vmem>>, vector<1x16xf32>,
      %swap3A_187 = vector.shape_cast %swap3A_186 : vector<1x16xf32> to vector<16xf32>
      %swap3A_188 = vector.shape_cast %add3A_179 : vector<16xf32> to vector<1x16xf32>
      tpu.vector_store %arg7[%swap3A_184, %swap3A_185], %swap3A_188 {strides = array<i32>} : memref<256x32xf32, #tpu.memory_space<vmem>>, vector<1x16xf32>,
      %get3A_189 = arith.constant 0 : i32
      %get3A_190 = arith.constant 8 : i32
      %get3A_191 = arith.index_cast %get3A_189 : i32 to index
      %get3A_192 = arith.index_cast %get3A_190 : i32 to index
      %get3A_193 = arith.constant 0 : index
      %get3A_194 = tpu.vector_load %arg6[%get3A_191, %get3A_192, %get3A_193] {strides = array<i32>} : memref<2x128x128xf32, #tpu.memory_space<vmem>>, vector<1x1x16xf32>,
      %get3A_195 = vector.shape_cast %get3A_194 : vector<1x1x16xf32> to vector<16xf32>
      %get3A_196 = arith.constant 0 : i32
      %get3A_197 = arith.constant 9 : i32
      %get3A_198 = arith.index_cast %get3A_196 : i32 to index
      %get3A_199 = arith.index_cast %get3A_197 : i32 to index
      %get3A_200 = arith.constant 0 : index
      %get3A_201 = tpu.vector_load %arg6[%get3A_198, %get3A_199, %get3A_200] {strides = array<i32>} : memref<2x128x128xf32, #tpu.memory_space<vmem>>, vector<1x1x16xf32>,
      %get3A_202 = vector.shape_cast %get3A_201 : vector<1x1x16xf32> to vector<16xf32>
      %add3A_203 = arith.addf %get3A_195, %get3A_202 : vector<16xf32>
      %get3A_204 = arith.constant 0 : i32
      %get3A_205 = arith.constant 10 : i32
      %get3A_206 = arith.index_cast %get3A_204 : i32 to index
      %get3A_207 = arith.index_cast %get3A_205 : i32 to index
      %get3A_208 = arith.constant 0 : index
      %get3A_209 = tpu.vector_load %arg6[%get3A_206, %get3A_207, %get3A_208] {strides = array<i32>} : memref<2x128x128xf32, #tpu.memory_space<vmem>>, vector<1x1x16xf32>,
      %get3A_210 = vector.shape_cast %get3A_209 : vector<1x1x16xf32> to vector<16xf32>
      %add3A_211 = arith.addf %add3A_203, %get3A_210 : vector<16xf32>
      %get3A_212 = arith.constant 0 : i32
      %get3A_213 = arith.constant 11 : i32
      %get3A_214 = arith.index_cast %get3A_212 : i32 to index
      %get3A_215 = arith.index_cast %get3A_213 : i32 to index
      %get3A_216 = arith.constant 0 : index
      %get3A_217 = tpu.vector_load %arg6[%get3A_214, %get3A_215, %get3A_216] {strides = array<i32>} : memref<2x128x128xf32, #tpu.memory_space<vmem>>, vector<1x1x16xf32>,
      %get3A_218 = vector.shape_cast %get3A_217 : vector<1x1x16xf32> to vector<16xf32>
      %add3A_219 = arith.addf %add3A_211, %get3A_218 : vector<16xf32>
      %get3A_220 = arith.constant 0 : i32
      %get3A_221 = arith.constant 12 : i32
      %get3A_222 = arith.index_cast %get3A_220 : i32 to index
      %get3A_223 = arith.index_cast %get3A_221 : i32 to index
      %get3A_224 = arith.constant 0 : index
      %get3A_225 = tpu.vector_load %arg6[%get3A_222, %get3A_223, %get3A_224] {strides = array<i32>} : memref<2x128x128xf32, #tpu.memory_space<vmem>>, vector<1x1x16xf32>,
      %get3A_226 = vector.shape_cast %get3A_225 : vector<1x1x16xf32> to vector<16xf32>
      %add3A_227 = arith.addf %add3A_219, %get3A_226 : vector<16xf32>
      %get3A_228 = arith.constant 0 : i32
      %get3A_229 = arith.constant 13 : i32
      %get3A_230 = arith.index_cast %get3A_228 : i32 to index
      %get3A_231 = arith.index_cast %get3A_229 : i32 to index
      %get3A_232 = arith.constant 0 : index
      %get3A_233 = tpu.vector_load %arg6[%get3A_230, %get3A_231, %get3A_232] {strides = array<i32>} : memref<2x128x128xf32, #tpu.memory_space<vmem>>, vector<1x1x16xf32>,
      %get3A_234 = vector.shape_cast %get3A_233 : vector<1x1x16xf32> to vector<16xf32>
      %add3A_235 = arith.addf %add3A_227, %get3A_234 : vector<16xf32>
      %get3A_236 = arith.constant 0 : i32
      %get3A_237 = arith.constant 14 : i32
      %get3A_238 = arith.index_cast %get3A_236 : i32 to index
      %get3A_239 = arith.index_cast %get3A_237 : i32 to index
      %get3A_240 = arith.constant 0 : index
      %get3A_241 = tpu.vector_load %arg6[%get3A_238, %get3A_239, %get3A_240] {strides = array<i32>} : memref<2x128x128xf32, #tpu.memory_space<vmem>>, vector<1x1x16xf32>,
      %get3A_242 = vector.shape_cast %get3A_241 : vector<1x1x16xf32> to vector<16xf32>
      %add3A_243 = arith.addf %add3A_235, %get3A_242 : vector<16xf32>
      %get3A_244 = arith.constant 0 : i32
      %get3A_245 = arith.constant 15 : i32
      %get3A_246 = arith.index_cast %get3A_244 : i32 to index
      %get3A_247 = arith.index_cast %get3A_245 : i32 to index
      %get3A_248 = arith.constant 0 : index
      %get3A_249 = tpu.vector_load %arg6[%get3A_246, %get3A_247, %get3A_248] {strides = array<i32>} : memref<2x128x128xf32, #tpu.memory_space<vmem>>, vector<1x1x16xf32>,
      %get3A_250 = vector.shape_cast %get3A_249 : vector<1x1x16xf32> to vector<16xf32>
      %add3A_251 = arith.addf %add3A_243, %get3A_250 : vector<16xf32>
      %mul3A_252 = arith.constant 16 : i32
      %mul3A_253 = arith.muli %mul3A_32, %mul3A_252 : i32
      %add3A_254 = arith.constant 1 : i32
      %add3A_255 = arith.addi %mul3A_253, %add3A_254 : i32
      %swap3A_256 = arith.index_cast %add3A_255 : i32 to index
      %swap3A_257 = arith.constant 0 : index
      %swap3A_258 = tpu.vector_load %arg7[%swap3A_256, %swap3A_257] {strides = array<i32>} : memref<256x32xf32, #tpu.memory_space<vmem>>, vector<1x16xf32>,
      %swap3A_259 = vector.shape_cast %swap3A_258 : vector<1x16xf32> to vector<16xf32>
      %swap3A_260 = vector.shape_cast %add3A_251 : vector<16xf32> to vector<1x16xf32>
      tpu.vector_store %arg7[%swap3A_256, %swap3A_257], %swap3A_260 {strides = array<i32>} : memref<256x32xf32, #tpu.memory_space<vmem>>, vector<1x16xf32>,
      %get3A_261 = arith.constant 0 : i32
      %get3A_262 = arith.constant 8 : i32
      %get3A_263 = arith.index_cast %get3A_261 : i32 to index
      %get3A_264 = arith.index_cast %get3A_262 : i32 to index
      %get3A_265 = arith.constant 16 : index
      %get3A_266 = tpu.vector_load %arg6[%get3A_263, %get3A_264, %get3A_265] {strides = array<i32>} : memref<2x128x128xf32, #tpu.memory_space<vmem>>, vector<1x1x16xf32>,
      %get3A_267 = vector.shape_cast %get3A_266 : vector<1x1x16xf32> to vector<16xf32>
      %get3A_268 = arith.constant 0 : i32
      %get3A_269 = arith.constant 9 : i32
      %get3A_270 = arith.index_cast %get3A_268 : i32 to index
      %get3A_271 = arith.index_cast %get3A_269 : i32 to index
      %get3A_272 = arith.constant 16 : index
      %get3A_273 = tpu.vector_load %arg6[%get3A_270, %get3A_271, %get3A_272] {strides = array<i32>} : memref<2x128x128xf32, #tpu.memory_space<vmem>>, vector<1x1x16xf32>,
      %get3A_274 = vector.shape_cast %get3A_273 : vector<1x1x16xf32> to vector<16xf32>
      %add3A_275 = arith.addf %get3A_267, %get3A_274 : vector<16xf32>
      %get3A_276 = arith.constant 0 : i32
      %get3A_277 = arith.constant 10 : i32
      %get3A_278 = arith.index_cast %get3A_276 : i32 to index
      %get3A_279 = arith.index_cast %get3A_277 : i32 to index
      %get3A_280 = arith.constant 16 : index
      %get3A_281 = tpu.vector_load %arg6[%get3A_278, %get3A_279, %get3A_280] {strides = array<i32>} : memref<2x128x128xf32, #tpu.memory_space<vmem>>, vector<1x1x16xf32>,
      %get3A_282 = vector.shape_cast %get3A_281 : vector<1x1x16xf32> to vector<16xf32>
      %add3A_283 = arith.addf %add3A_275, %get3A_282 : vector<16xf32>
      %get3A_284 = arith.constant 0 : i32
      %get3A_285 = arith.constant 11 : i32
      %get3A_286 = arith.index_cast %get3A_284 : i32 to index
      %get3A_287 = arith.index_cast %get3A_285 : i32 to index
      %get3A_288 = arith.constant 16 : index
      %get3A_289 = tpu.vector_load %arg6[%get3A_286, %get3A_287, %get3A_288] {strides = array<i32>} : memref<2x128x128xf32, #tpu.memory_space<vmem>>, vector<1x1x16xf32>,
      %get3A_290 = vector.shape_cast %get3A_289 : vector<1x1x16xf32> to vector<16xf32>
      %add3A_291 = arith.addf %add3A_283, %get3A_290 : vector<16xf32>
      %get3A_292 = arith.constant 0 : i32
      %get3A_293 = arith.constant 12 : i32
      %get3A_294 = arith.index_cast %get3A_292 : i32 to index
      %get3A_295 = arith.index_cast %get3A_293 : i32 to index
      %get3A_296 = arith.constant 16 : index
      %get3A_297 = tpu.vector_load %arg6[%get3A_294, %get3A_295, %get3A_296] {strides = array<i32>} : memref<2x128x128xf32, #tpu.memory_space<vmem>>, vector<1x1x16xf32>,
      %get3A_298 = vector.shape_cast %get3A_297 : vector<1x1x16xf32> to vector<16xf32>
      %add3A_299 = arith.addf %add3A_291, %get3A_298 : vector<16xf32>
      %get3A_300 = arith.constant 0 : i32
      %get3A_301 = arith.constant 13 : i32
      %get3A_302 = arith.index_cast %get3A_300 : i32 to index
      %get3A_303 = arith.index_cast %get3A_301 : i32 to index
      %get3A_304 = arith.constant 16 : index
      %get3A_305 = tpu.vector_load %arg6[%get3A_302, %get3A_303, %get3A_304] {strides = array<i32>} : memref<2x128x128xf32, #tpu.memory_space<vmem>>, vector<1x1x16xf32>,
      %get3A_306 = vector.shape_cast %get3A_305 : vector<1x1x16xf32> to vector<16xf32>
      %add3A_307 = arith.addf %add3A_299, %get3A_306 : vector<16xf32>
      %get3A_308 = arith.constant 0 : i32
      %get3A_309 = arith.constant 14 : i32
      %get3A_310 = arith.index_cast %get3A_308 : i32 to index
      %get3A_311 = arith.index_cast %get3A_309 : i32 to index
      %get3A_312 = arith.constant 16 : index
      %get3A_313 = tpu.vector_load %arg6[%get3A_310, %get3A_311, %get3A_312] {strides = array<i32>} : memref<2x128x128xf32, #tpu.memory_space<vmem>>, vector<1x1x16xf32>,
      %get3A_314 = vector.shape_cast %get3A_313 : vector<1x1x16xf32> to vector<16xf32>
      %add3A_315 = arith.addf %add3A_307, %get3A_314 : vector<16xf32>
      %get3A_316 = arith.constant 0 : i32
      %get3A_317 = arith.constant 15 : i32
      %get3A_318 = arith.index_cast %get3A_316 : i32 to index
      %get3A_319 = arith.index_cast %get3A_317 : i32 to index
      %get3A_320 = arith.constant 16 : index
      %get3A_321 = tpu.vector_load %arg6[%get3A_318, %get3A_319, %get3A_320] {strides = array<i32>} : memref<2x128x128xf32, #tpu.memory_space<vmem>>, vector<1x1x16xf32>,
      %get3A_322 = vector.shape_cast %get3A_321 : vector<1x1x16xf32> to vector<16xf32>
      %add3A_323 = arith.addf %add3A_315, %get3A_322 : vector<16xf32>
      %mul3A_324 = arith.constant 16 : i32
      %mul3A_325 = arith.muli %mul3A_32, %mul3A_324 : i32
      %add3A_326 = arith.constant 1 : i32
      %add3A_327 = arith.addi %mul3A_325, %add3A_326 : i32
      %swap3A_328 = arith.index_cast %add3A_327 : i32 to index
      %swap3A_329 = arith.constant 16 : index
      %swap3A_330 = tpu.vector_load %arg7[%swap3A_328, %swap3A_329] {strides = array<i32>} : memref<256x32xf32, #tpu.memory_space<vmem>>, vector<1x16xf32>,
      %swap3A_331 = vector.shape_cast %swap3A_330 : vector<1x16xf32> to vector<16xf32>
      %swap3A_332 = vector.shape_cast %add3A_323 : vector<16xf32> to vector<1x16xf32>
      tpu.vector_store %arg7[%swap3A_328, %swap3A_329], %swap3A_332 {strides = array<i32>} : memref<256x32xf32, #tpu.memory_space<vmem>>, vector<1x16xf32>,
      %get3A_333 = arith.constant 0 : i32
      %get3A_334 = arith.constant 16 : i32
      %get3A_335 = arith.index_cast %get3A_333 : i32 to index
      %get3A_336 = arith.index_cast %get3A_334 : i32 to index
      %get3A_337 = arith.constant 0 : index
      %get3A_338 = tpu.vector_load %arg6[%get3A_335, %get3A_336, %get3A_337] {strides = array<i32>} : memref<2x128x128xf32, #tpu.memory_space<vmem>>, vector<1x1x16xf32>,
      %get3A_339 = vector.shape_cast %get3A_338 : vector<1x1x16xf32> to vector<16xf32>
      %get3A_340 = arith.constant 0 : i32
      %get3A_341 = arith.constant 17 : i32
      %get3A_342 = arith.index_cast %get3A_340 : i32 to index
      %get3A_343 = arith.index_cast %get3A_341 : i32 to index
      %get3A_344 = arith.constant 0 : index
      %get3A_345 = tpu.vector_load %arg6[%get3A_342, %get3A_343, %get3A_344] {strides = array<i32>} : memref<2x128x128xf32, #tpu.memory_space<vmem>>, vector<1x1x16xf32>,
      %get3A_346 = vector.shape_cast %get3A_345 : vector<1x1x16xf32> to vector<16xf32>
      %add3A_347 = arith.addf %get3A_339, %get3A_346 : vector<16xf32>
      %get3A_348 = arith.constant 0 : i32
      %get3A_349 = arith.constant 18 : i32
      %get3A_350 = arith.index_cast %get3A_348 : i32 to index
      %get3A_351 = arith.index_cast %get3A_349 : i32 to index
      %get3A_352 = arith.constant 0 : index
      %get3A_353 = tpu.vector_load %arg6[%get3A_350, %get3A_351, %get3A_352] {strides = array<i32>} : memref<2x128x128xf32, #tpu.memory_space<vmem>>, vector<1x1x16xf32>,
      %get3A_354 = vector.shape_cast %get3A_353 : vector<1x1x16xf32> to vector<16xf32>
      %add3A_355 = arith.addf %add3A_347, %get3A_354 : vector<16xf32>
      %get3A_356 = arith.constant 0 : i32
      %get3A_357 = arith.constant 19 : i32
      %get3A_358 = arith.index_cast %get3A_356 : i32 to index
      %get3A_359 = arith.index_cast %get3A_357 : i32 to index
      %get3A_360 = arith.constant 0 : index
      %get3A_361 = tpu.vector_load %arg6[%get3A_358, %get3A_359, %get3A_360] {strides = array<i32>} : memref<2x128x128xf32, #tpu.memory_space<vmem>>, vector<1x1x16xf32>,
      %get3A_362 = vector.shape_cast %get3A_361 : vector<1x1x16xf32> to vector<16xf32>
      %add3A_363 = arith.addf %add3A_355, %get3A_362 : vector<16xf32>
      %get3A_364 = arith.constant 0 : i32
      %get3A_365 = arith.constant 20 : i32
      %get3A_366 = arith.index_cast %get3A_364 : i32 to index
      %get3A_367 = arith.index_cast %get3A_365 : i32 to index
      %get3A_368 = arith.constant 0 : index
      %get3A_369 = tpu.vector_load %arg6[%get3A_366, %get3A_367, %get3A_368] {strides = array<i32>} : memref<2x128x128xf32, #tpu.memory_space<vmem>>, vector<1x1x16xf32>,
      %get3A_370 = vector.shape_cast %get3A_369 : vector<1x1x16xf32> to vector<16xf32>
      %add3A_371 = arith.addf %add3A_363, %get3A_370 : vector<16xf32>
      %get3A_372 = arith.constant 0 : i32
      %get3A_373 = arith.constant 21 : i32
      %get3A_374 = arith.index_cast %get3A_372 : i32 to index
      %get3A_375 = arith.index_cast %get3A_373 : i32 to index
      %get3A_376 = arith.constant 0 : index
      %get3A_377 = tpu.vector_load %arg6[%get3A_374, %get3A_375, %get3A_376] {strides = array<i32>} : memref<2x128x128xf32, #tpu.memory_space<vmem>>, vector<1x1x16xf32>,
      %get3A_378 = vector.shape_cast %get3A_377 : vector<1x1x16xf32> to vector<16xf32>
      %add3A_379 = arith.addf %add3A_371, %get3A_378 : vector<16xf32>
      %get3A_380 = arith.constant 0 : i32
      %get3A_381 = arith.constant 22 : i32
      %get3A_382 = arith.index_cast %get3A_380 : i32 to index
      %get3A_383 = arith.index_cast %get3A_381 : i32 to index
      %get3A_384 = arith.constant 0 : index
      %get3A_385 = tpu.vector_load %arg6[%get3A_382, %get3A_383, %get3A_384] {strides = array<i32>} : memref<2x128x128xf32, #tpu.memory_space<vmem>>, vector<1x1x16xf32>,
      %get3A_386 = vector.shape_cast %get3A_385 : vector<1x1x16xf32> to vector<16xf32>
      %add3A_387 = arith.addf %add3A_379, %get3A_386 : vector<16xf32>
      %get3A_388 = arith.constant 0 : i32
      %get3A_389 = arith.constant 23 : i32
      %get3A_390 = arith.index_cast %get3A_388 : i32 to index
      %get3A_391 = arith.index_cast %get3A_389 : i32 to index
      %get3A_392 = arith.constant 0 : index
      %get3A_393 = tpu.vector_load %arg6[%get3A_390, %get3A_391, %get3A_392] {strides = array<i32>} : memref<2x128x128xf32, #tpu.memory_space<vmem>>, vector<1x1x16xf32>,
      %get3A_394 = vector.shape_cast %get3A_393 : vector<1x1x16xf32> to vector<16xf32>
      %add3A_395 = arith.addf %add3A_387, %get3A_394 : vector<16xf32>
      %mul3A_396 = arith.constant 16 : i32
      %mul3A_397 = arith.muli %mul3A_32, %mul3A_396 : i32
      %add3A_398 = arith.constant 2 : i32
      %add3A_399 = arith.addi %mul3A_397, %add3A_398 : i32
      %swap3A_400 = arith.index_cast %add3A_399 : i32 to index
      %swap3A_401 = arith.constant 0 : index
      %swap3A_402 = tpu.vector_load %arg7[%swap3A_400, %swap3A_401] {strides = array<i32>} : memref<256x32xf32, #tpu.memory_space<vmem>>, vector<1x16xf32>,
      %swap3A_403 = vector.shape_cast %swap3A_402 : vector<1x16xf32> to vector<16xf32>
      %swap3A_404 = vector.shape_cast %add3A_395 : vector<16xf32> to vector<1x16xf32>
      tpu.vector_store %arg7[%swap3A_400, %swap3A_401], %swap3A_404 {strides = array<i32>} : memref<256x32xf32, #tpu.memory_space<vmem>>, vector<1x16xf32>,
      %get3A_405 = arith.constant 0 : i32
      %get3A_406 = arith.constant 16 : i32
      %get3A_407 = arith.index_cast %get3A_405 : i32 to index
      %get3A_408 = arith.index_cast %get3A_406 : i32 to index
      %get3A_409 = arith.constant 16 : index
      %get3A_410 = tpu.vector_load %arg6[%get3A_407, %get3A_408, %get3A_409] {strides = array<i32>} : memref<2x128x128xf32, #tpu.memory_space<vmem>>, vector<1x1x16xf32>,
      %get3A_411 = vector.shape_cast %get3A_410 : vector<1x1x16xf32> to vector<16xf32>
      %get3A_412 = arith.constant 0 : i32
      %get3A_413 = arith.constant 17 : i32
      %get3A_414 = arith.index_cast %get3A_412 : i32 to index
      %get3A_415 = arith.index_cast %get3A_413 : i32 to index
      %get3A_416 = arith.constant 16 : index
      %get3A_417 = tpu.vector_load %arg6[%get3A_414, %get3A_415, %get3A_416] {strides = array<i32>} : memref<2x128x128xf32, #tpu.memory_space<vmem>>, vector<1x1x16xf32>,
      %get3A_418 = vector.shape_cast %get3A_417 : vector<1x1x16xf32> to vector<16xf32>
      %add3A_419 = arith.addf %get3A_411, %get3A_418 : vector<16xf32>
      %get3A_420 = arith.constant 0 : i32
      %get3A_421 = arith.constant 18 : i32
      %get3A_422 = arith.index_cast %get3A_420 : i32 to index
      %get3A_423 = arith.index_cast %get3A_421 : i32 to index
      %get3A_424 = arith.constant 16 : index
      %get3A_425 = tpu.vector_load %arg6[%get3A_422, %get3A_423, %get3A_424] {strides = array<i32>} : memref<2x128x128xf32, #tpu.memory_space<vmem>>, vector<1x1x16xf32>,
      %get3A_426 = vector.shape_cast %get3A_425 : vector<1x1x16xf32> to vector<16xf32>
      %add3A_427 = arith.addf %add3A_419, %get3A_426 : vector<16xf32>
      %get3A_428 = arith.constant 0 : i32
      %get3A_429 = arith.constant 19 : i32
      %get3A_430 = arith.index_cast %get3A_428 : i32 to index
      %get3A_431 = arith.index_cast %get3A_429 : i32 to index
      %get3A_432 = arith.constant 16 : index
      %get3A_433 = tpu.vector_load %arg6[%get3A_430, %get3A_431, %get3A_432] {strides = array<i32>} : memref<2x128x128xf32, #tpu.memory_space<vmem>>, vector<1x1x16xf32>,
      %get3A_434 = vector.shape_cast %get3A_433 : vector<1x1x16xf32> to vector<16xf32>
      %add3A_435 = arith.addf %add3A_427, %get3A_434 : vector<16xf32>
      %get3A_436 = arith.constant 0 : i32
      %get3A_437 = arith.constant 20 : i32
      %get3A_438 = arith.index_cast %get3A_436 : i32 to index
      %get3A_439 = arith.index_cast %get3A_437 : i32 to index
      %get3A_440 = arith.constant 16 : index
      %get3A_441 = tpu.vector_load %arg6[%get3A_438, %get3A_439, %get3A_440] {strides = array<i32>} : memref<2x128x128xf32, #tpu.memory_space<vmem>>, vector<1x1x16xf32>,
      %get3A_442 = vector.shape_cast %get3A_441 : vector<1x1x16xf32> to vector<16xf32>
      %add3A_443 = arith.addf %add3A_435, %get3A_442 : vector<16xf32>
      %get3A_444 = arith.constant 0 : i32
      %get3A_445 = arith.constant 21 : i32
      %get3A_446 = arith.index_cast %get3A_444 : i32 to index
      %get3A_447 = arith.index_cast %get3A_445 : i32 to index
      %get3A_448 = arith.constant 16 : index
      %get3A_449 = tpu.vector_load %arg6[%get3A_446, %get3A_447, %get3A_448] {strides = array<i32>} : memref<2x128x128xf32, #tpu.memory_space<vmem>>, vector<1x1x16xf32>,
      %get3A_450 = vector.shape_cast %get3A_449 : vector<1x1x16xf32> to vector<16xf32>
      %add3A_451 = arith.addf %add3A_443, %get3A_450 : vector<16xf32>
      %get3A_452 = arith.constant 0 : i32
      %get3A_453 = arith.constant 22 : i32
      %get3A_454 = arith.index_cast %get3A_452 : i32 to index
      %get3A_455 = arith.index_cast %get3A_453 : i32 to index
      %get3A_456 = arith.constant 16 : index
      %get3A_457 = tpu.vector_load %arg6[%get3A_454, %get3A_455, %get3A_456] {strides = array<i32>} : memref<2x128x128xf32, #tpu.memory_space<vmem>>, vector<1x1x16xf32>,
      %get3A_458 = vector.shape_cast %get3A_457 : vector<1x1x16xf32> to vector<16xf32>
      %add3A_459 = arith.addf %add3A_451, %get3A_458 : vector<16xf32>
      %get3A_460 = arith.constant 0 : i32
      %get3A_461 = arith.constant 23 : i32
      %get3A_462 = arith.index_cast %get3A_460 : i32 to index
      %get3A_463 = arith.index_cast %get3A_461 : i32 to index
      %get3A_464 = arith.constant 16 : index
      %get3A_465 = tpu.vector_load %arg6[%get3A_462, %get3A_463, %get3A_464] {strides = array<i32>} : memref<2x128x128xf32, #tpu.memory_space<vmem>>, vector<1x1x16xf32>,
      %get3A_466 = vector.shape_cast %get3A_465 : vector<1x1x16xf32> to vector<16xf32>
      %add3A_467 = arith.addf %add3A_459, %get3A_466 : vector<16xf32>
      %mul3A_468 = arith.constant 16 : i32
      %mul3A_469 = arith.muli %mul3A_32, %mul3A_468 : i32
      %add3A_470 = arith.constant 2 : i32
      %add3A_471 = arith.addi %mul3A_469, %add3A_470 : i32
      %swap3A_472 = arith.index_cast %add3A_471 : i32 to index
      %swap3A_473 = arith.constant 16 : index
      %swap3A_474 = tpu.vector_load %arg7[%swap3A_472, %swap3A_473] {strides = array<i32>} : memref<256x32xf32, #tpu.memory_space<vmem>>, vector<1x16xf32>,
      %swap3A_475 = vector.shape_cast %swap3A_474 : vector<1x16xf32> to vector<16xf32>
      %swap3A_476 = vector.shape_cast %add3A_467 : vector<16xf32> to vector<1x16xf32>
      tpu.vector_store %arg7[%swap3A_472, %swap3A_473], %swap3A_476 {strides = array<i32>} : memref<256x32xf32, #tpu.memory_space<vmem>>, vector<1x16xf32>,
      %get3A_477 = arith.constant 0 : i32
      %get3A_478 = arith.constant 24 : i32
      %get3A_479 = arith.index_cast %get3A_477 : i32 to index
      %get3A_480 = arith.index_cast %get3A_478 : i32 to index
      %get3A_481 = arith.constant 0 : index
      %get3A_482 = tpu.vector_load %arg6[%get3A_479, %get3A_480, %get3A_481] {strides = array<i32>} : memref<2x128x128xf32, #tpu.memory_space<vmem>>, vector<1x1x16xf32>,
      %get3A_483 = vector.shape_cast %get3A_482 : vector<1x1x16xf32> to vector<16xf32>
      %get3A_484 = arith.constant 0 : i32
      %get3A_485 = arith.constant 25 : i32
      %get3A_486 = arith.index_cast %get3A_484 : i32 to index
      %get3A_487 = arith.index_cast %get3A_485 : i32 to index
      %get3A_488 = arith.constant 0 : index
      %get3A_489 = tpu.vector_load %arg6[%get3A_486, %get3A_487, %get3A_488] {strides = array<i32>} : memref<2x128x128xf32, #tpu.memory_space<vmem>>, vector<1x1x16xf32>,
      %get3A_490 = vector.shape_cast %get3A_489 : vector<1x1x16xf32> to vector<16xf32>
      %add3A_491 = arith.addf %get3A_483, %get3A_490 : vector<16xf32>
      %get3A_492 = arith.constant 0 : i32
      %get3A_493 = arith.constant 26 : i32
      %get3A_494 = arith.index_cast %get3A_492 : i32 to index
      %get3A_495 = arith.index_cast %get3A_493 : i32 to index
      %get3A_496 = arith.constant 0 : index
      %get3A_497 = tpu.vector_load %arg6[%get3A_494, %get3A_495, %get3A_496] {strides = array<i32>} : memref<2x128x128xf32, #tpu.memory_space<vmem>>, vector<1x1x16xf32>,
      %get3A_498 = vector.shape_cast %get3A_497 : vector<1x1x16xf32> to vector<16xf32>
      %add3A_499 = arith.addf %add3A_491, %get3A_498 : vector<16xf32>
      %get3A_500 = arith.constant 0 : i32
      %get3A_501 = arith.constant 27 : i32
      %get3A_502 = arith.index_cast %get3A_500 : i32 to index
      %get3A_503 = arith.index_cast %get3A_501 : i32 to index
      %get3A_504 = arith.constant 0 : index
      %get3A_505 = tpu.vector_load %arg6[%get3A_502, %get3A_503, %get3A_504] {strides = array<i32>} : memref<2x128x128xf32, #tpu.memory_space<vmem>>, vector<1x1x16xf32>,
      %get3A_506 = vector.shape_cast %get3A_505 : vector<1x1x16xf32> to vector<16xf32>
      %add3A_507 = arith.addf %add3A_499, %get3A_506 : vector<16xf32>
      %get3A_508 = arith.constant 0 : i32
      %get3A_509 = arith.constant 28 : i32
      %get3A_510 = arith.index_cast %get3A_508 : i32 to index
      %get3A_511 = arith.index_cast %get3A_509 : i32 to index
      %get3A_512 = arith.constant 0 : index
      %get3A_513 = tpu.vector_load %arg6[%get3A_510, %get3A_511, %get3A_512] {strides = array<i32>} : memref<2x128x128xf32, #tpu.memory_space<vmem>>, vector<1x1x16xf32>,
      %get3A_514 = vector.shape_cast %get3A_513 : vector<1x1x16xf32> to vector<16xf32>
      %add3A_515 = arith.addf %add3A_507, %get3A_514 : vector<16xf32>
      %get3A_516 = arith.constant 0 : i32
      %get3A_517 = arith.constant 29 : i32
      %get3A_518 = arith.index_cast %get3A_516 : i32 to index
      %get3A_519 = arith.index_cast %get3A_517 : i32 to index
      %get3A_520 = arith.constant 0 : index
      %get3A_521 = tpu.vector_load %arg6[%get3A_518, %get3A_519, %get3A_520] {strides = array<i32>} : memref<2x128x128xf32, #tpu.memory_space<vmem>>, vector<1x1x16xf32>,
      %get3A_522 = vector.shape_cast %get3A_521 : vector<1x1x16xf32> to vector<16xf32>
      %add3A_523 = arith.addf %add3A_515, %get3A_522 : vector<16xf32>
      %get3A_524 = arith.constant 0 : i32
      %get3A_525 = arith.constant 30 : i32
      %get3A_526 = arith.index_cast %get3A_524 : i32 to index
      %get3A_527 = arith.index_cast %get3A_525 : i32 to index
      %get3A_528 = arith.constant 0 : index
      %get3A_529 = tpu.vector_load %arg6[%get3A_526, %get3A_527, %get3A_528] {strides = array<i32>} : memref<2x128x128xf32, #tpu.memory_space<vmem>>, vector<1x1x16xf32>,
      %get3A_530 = vector.shape_cast %get3A_529 : vector<1x1x16xf32> to vector<16xf32>
      %add3A_531 = arith.addf %add3A_523, %get3A_530 : vector<16xf32>
      %get3A_532 = arith.constant 0 : i32
      %get3A_533 = arith.constant 31 : i32
      %get3A_534 = arith.index_cast %get3A_532 : i32 to index
      %get3A_535 = arith.index_cast %get3A_533 : i32 to index
      %get3A_536 = arith.constant 0 : index
      %get3A_537 = tpu.vector_load %arg6[%get3A_534, %get3A_535, %get3A_536] {strides = array<i32>} : memref<2x128x128xf32, #tpu.memory_space<vmem>>, vector<1x1x16xf32>,
      %get3A_538 = vector.shape_cast %get3A_537 : vector<1x1x16xf32> to vector<16xf32>
      %add3A_539 = arith.addf %add3A_531, %get3A_538 : vector<16xf32>
      %mul3A_540 = arith.constant 16 : i32
      %mul3A_541 = arith.muli %mul3A_32, %mul3A_540 : i32
      %add3A_542 = arith.constant 3 : i32
      %add3A_543 = arith.addi %mul3A_541, %add3A_542 : i32
      %swap3A_544 = arith.index_cast %add3A_543 : i32 to index
      %swap3A_545 = arith.constant 0 : index
      %swap3A_546 = tpu.vector_load %arg7[%swap3A_544, %swap3A_545] {strides = array<i32>} : memref<256x32xf32, #tpu.memory_space<vmem>>, vector<1x16xf32>,
      %swap3A_547 = vector.shape_cast %swap3A_546 : vector<1x16xf32> to vector<16xf32>
      %swap3A_548 = vector.shape_cast %add3A_539 : vector<16xf32> to vector<1x16xf32>
      tpu.vector_store %arg7[%swap3A_544, %swap3A_545], %swap3A_548 {strides = array<i32>} : memref<256x32xf32, #tpu.memory_space<vmem>>, vector<1x16xf32>,
      %get3A_549 = arith.constant 0 : i32
      %get3A_550 = arith.constant 24 : i32
      %get3A_551 = arith.index_cast %get3A_549 : i32 to index
      %get3A_552 = arith.index_cast %get3A_550 : i32 to index
      %get3A_553 = arith.constant 16 : index
      %get3A_554 = tpu.vector_load %arg6[%get3A_551, %get3A_552, %get3A_553] {strides = array<i32>} : memref<2x128x128xf32, #tpu.memory_space<vmem>>, vector<1x1x16xf32>,
      %get3A_555 = vector.shape_cast %get3A_554 : vector<1x1x16xf32> to vector<16xf32>
      %get3A_556 = arith.constant 0 : i32
      %get3A_557 = arith.constant 25 : i32
      %get3A_558 = arith.index_cast %get3A_556 : i32 to index
      %get3A_559 = arith.index_cast %get3A_557 : i32 to index
      %get3A_560 = arith.constant 16 : index
      %get3A_561 = tpu.vector_load %arg6[%get3A_558, %get3A_559, %get3A_560] {strides = array<i32>} : memref<2x128x128xf32, #tpu.memory_space<vmem>>, vector<1x1x16xf32>,
      %get3A_562 = vector.shape_cast %get3A_561 : vector<1x1x16xf32> to vector<16xf32>
      %add3A_563 = arith.addf %get3A_555, %get3A_562 : vector<16xf32>
      %get3A_564 = arith.constant 0 : i32
      %get3A_565 = arith.constant 26 : i32
      %get3A_566 = arith.index_cast %get3A_564 : i32 to index
      %get3A_567 = arith.index_cast %get3A_565 : i32 to index
      %get3A_568 = arith.constant 16 : index
      %get3A_569 = tpu.vector_load %arg6[%get3A_566, %get3A_567, %get3A_568] {strides = array<i32>} : memref<2x128x128xf32, #tpu.memory_space<vmem>>, vector<1x1x16xf32>,
      %get3A_570 = vector.shape_cast %get3A_569 : vector<1x1x16xf32> to vector<16xf32>
      %add3A_571 = arith.addf %add3A_563, %get3A_570 : vector<16xf32>
      %get3A_572 = arith.constant 0 : i32
      %get3A_573 = arith.constant 27 : i32
      %get3A_574 = arith.index_cast %get3A_572 : i32 to index
      %get3A_575 = arith.index_cast %get3A_573 : i32 to index
      %get3A_576 = arith.constant 16 : index
      %get3A_577 = tpu.vector_load %arg6[%get3A_574, %get3A_575, %get3A_576] {strides = array<i32>} : memref<2x128x128xf32, #tpu.memory_space<vmem>>, vector<1x1x16xf32>,
      %get3A_578 = vector.shape_cast %get3A_577 : vector<1x1x16xf32> to vector<16xf32>
      %add3A_579 = arith.addf %add3A_571, %get3A_578 : vector<16xf32>
      %get3A_580 = arith.constant 0 : i32
      %get3A_581 = arith.constant 28 : i32
      %get3A_582 = arith.index_cast %get3A_580 : i32 to index
      %get3A_583 = arith.index_cast %get3A_581 : i32 to index
      %get3A_584 = arith.constant 16 : index
      %get3A_585 = tpu.vector_load %arg6[%get3A_582, %get3A_583, %get3A_584] {strides = array<i32>} : memref<2x128x128xf32, #tpu.memory_space<vmem>>, vector<1x1x16xf32>,
      %get3A_586 = vector.shape_cast %get3A_585 : vector<1x1x16xf32> to vector<16xf32>
      %add3A_587 = arith.addf %add3A_579, %get3A_586 : vector<16xf32>
      %get3A_588 = arith.constant 0 : i32
      %get3A_589 = arith.constant 29 : i32
      %get3A_590 = arith.index_cast %get3A_588 : i32 to index
      %get3A_591 = arith.index_cast %get3A_589 : i32 to index
      %get3A_592 = arith.constant 16 : index
      %get3A_593 = tpu.vector_load %arg6[%get3A_590, %get3A_591, %get3A_592] {strides = array<i32>} : memref<2x128x128xf32, #tpu.memory_space<vmem>>, vector<1x1x16xf32>,
      %get3A_594 = vector.shape_cast %get3A_593 : vector<1x1x16xf32> to vector<16xf32>
      %add3A_595 = arith.addf %add3A_587, %get3A_594 : vector<16xf32>
      %get3A_596 = arith.constant 0 : i32
      %get3A_597 = arith.constant 30 : i32
      %get3A_598 = arith.index_cast %get3A_596 : i32 to index
      %get3A_599 = arith.index_cast %get3A_597 : i32 to index
      %get3A_600 = arith.constant 16 : index
      %get3A_601 = tpu.vector_load %arg6[%get3A_598, %get3A_599, %get3A_600] {strides = array<i32>} : memref<2x128x128xf32, #tpu.memory_space<vmem>>, vector<1x1x16xf32>,
      %get3A_602 = vector.shape_cast %get3A_601 : vector<1x1x16xf32> to vector<16xf32>
      %add3A_603 = arith.addf %add3A_595, %get3A_602 : vector<16xf32>
      %get3A_604 = arith.constant 0 : i32
      %get3A_605 = arith.constant 31 : i32
      %get3A_606 = arith.index_cast %get3A_604 : i32 to index
      %get3A_607 = arith.index_cast %get3A_605 : i32 to index
      %get3A_608 = arith.constant 16 : index
      %get3A_609 = tpu.vector_load %arg6[%get3A_606, %get3A_607, %get3A_608] {strides = array<i32>} : memref<2x128x128xf32, #tpu.memory_space<vmem>>, vector<1x1x16xf32>,
      %get3A_610 = vector.shape_cast %get3A_609 : vector<1x1x16xf32> to vector<16xf32>
      %add3A_611 = arith.addf %add3A_603, %get3A_610 : vector<16xf32>
      %mul3A_612 = arith.constant 16 : i32
      %mul3A_613 = arith.muli %mul3A_32, %mul3A_612 : i32
      %add3A_614 = arith.constant 3 : i32
      %add3A_615 = arith.addi %mul3A_613, %add3A_614 : i32
      %swap3A_616 = arith.index_cast %add3A_615 : i32 to index
      %swap3A_617 = arith.constant 16 : index
      %swap3A_618 = tpu.vector_load %arg7[%swap3A_616, %swap3A_617] {strides = array<i32>} : memref<256x32xf32, #tpu.memory_space<vmem>>, vector<1x16xf32>,
      %swap3A_619 = vector.shape_cast %swap3A_618 : vector<1x16xf32> to vector<16xf32>
      %swap3A_620 = vector.shape_cast %add3A_611 : vector<16xf32> to vector<1x16xf32>
      tpu.vector_store %arg7[%swap3A_616, %swap3A_617], %swap3A_620 {strides = array<i32>} : memref<256x32xf32, #tpu.memory_space<vmem>>, vector<1x16xf32>,
      %get3A_621 = arith.constant 0 : i32
      %get3A_622 = arith.constant 32 : i32
      %get3A_623 = arith.index_cast %get3A_621 : i32 to index
      %get3A_624 = arith.index_cast %get3A_622 : i32 to index
      %get3A_625 = arith.constant 0 : index
      %get3A_626 = tpu.vector_load %arg6[%get3A_623, %get3A_624, %get3A_625] {strides = array<i32>} : memref<2x128x128xf32, #tpu.memory_space<vmem>>, vector<1x1x16xf32>,
      %get3A_627 = vector.shape_cast %get3A_626 : vector<1x1x16xf32> to vector<16xf32>
      %get3A_628 = arith.constant 0 : i32
      %get3A_629 = arith.constant 33 : i32
      %get3A_630 = arith.index_cast %get3A_628 : i32 to index
      %get3A_631 = arith.index_cast %get3A_629 : i32 to index
      %get3A_632 = arith.constant 0 : index
      %get3A_633 = tpu.vector_load %arg6[%get3A_630, %get3A_631, %get3A_632] {strides = array<i32>} : memref<2x128x128xf32, #tpu.memory_space<vmem>>, vector<1x1x16xf32>,
      %get3A_634 = vector.shape_cast %get3A_633 : vector<1x1x16xf32> to vector<16xf32>
      %add3A_635 = arith.addf %get3A_627, %get3A_634 : vector<16xf32>
      %get3A_636 = arith.constant 0 : i32
      %get3A_637 = arith.constant 34 : i32
      %get3A_638 = arith.index_cast %get3A_636 : i32 to index
      %get3A_639 = arith.index_cast %get3A_637 : i32 to index
      %get3A_640 = arith.constant 0 : index
      %get3A_641 = tpu.vector_load %arg6[%get3A_638, %get3A_639, %get3A_640] {strides = array<i32>} : memref<2x128x128xf32, #tpu.memory_space<vmem>>, vector<1x1x16xf32>,
      %get3A_642 = vector.shape_cast %get3A_641 : vector<1x1x16xf32> to vector<16xf32>
      %add3A_643 = arith.addf %add3A_635, %get3A_642 : vector<16xf32>
      %get3A_644 = arith.constant 0 : i32
      %get3A_645 = arith.constant 35 : i32
      %get3A_646 = arith.index_cast %get3A_644 : i32 to index
      %get3A_647 = arith.index_cast %get3A_645 : i32 to index
      %get3A_648 = arith.constant 0 : index
      %get3A_649 = tpu.vector_load %arg6[%get3A_646, %get3A_647, %get3A_648] {strides = array<i32>} : memref<2x128x128xf32, #tpu.memory_space<vmem>>, vector<1x1x16xf32>,
      %get3A_650 = vector.shape_cast %get3A_649 : vector<1x1x16xf32> to vector<16xf32>
      %add3A_651 = arith.addf %add3A_643, %get3A_650 : vector<16xf32>
      %get3A_652 = arith.constant 0 : i32
      %get3A_653 = arith.constant 36 : i32
      %get3A_654 = arith.index_cast %get3A_652 : i32 to index
      %get3A_655 = arith.index_cast %get3A_653 : i32 to index
      %get3A_656 = arith.constant 0 : index
      %get3A_657 = tpu.vector_load %arg6[%get3A_654, %get3A_655, %get3A_656] {strides = array<i32>} : memref<2x128x128xf32, #tpu.memory_space<vmem>>, vector<1x1x16xf32>,
      %get3A_658 = vector.shape_cast %get3A_657 : vector<1x1x16xf32> to vector<16xf32>
      %add3A_659 = arith.addf %add3A_651, %get3A_658 : vector<16xf32>
      %get3A_660 = arith.constant 0 : i32
      %get3A_661 = arith.constant 37 : i32
      %get3A_662 = arith.index_cast %get3A_660 : i32 to index
      %get3A_663 = arith.index_cast %get3A_661 : i32 to index
      %get3A_664 = arith.constant 0 : index
      %get3A_665 = tpu.vector_load %arg6[%get3A_662, %get3A_663, %get3A_664] {strides = array<i32>} : memref<2x128x128xf32, #tpu.memory_space<vmem>>, vector<1x1x16xf32>,
      %get3A_666 = vector.shape_cast %get3A_665 : vector<1x1x16xf32> to vector<16xf32>
      %add3A_667 = arith.addf %add3A_659, %get3A_666 : vector<16xf32>
      %get3A_668 = arith.constant 0 : i32
      %get3A_669 = arith.constant 38 : i32
      %get3A_670 = arith.index_cast %get3A_668 : i32 to index
      %get3A_671 = arith.index_cast %get3A_669 : i32 to index
      %get3A_672 = arith.constant 0 : index
      %get3A_673 = tpu.vector_load %arg6[%get3A_670, %get3A_671, %get3A_672] {strides = array<i32>} : memref<2x128x128xf32, #tpu.memory_space<vmem>>, vector<1x1x16xf32>,
      %get3A_674 = vector.shape_cast %get3A_673 : vector<1x1x16xf32> to vector<16xf32>
      %add3A_675 = arith.addf %add3A_667, %get3A_674 : vector<16xf32>
      %get3A_676 = arith.constant 0 : i32
      %get3A_677 = arith.constant 39 : i32
      %get3A_678 = arith.index_cast %get3A_676 : i32 to index
      %get3A_679 = arith.index_cast %get3A_677 : i32 to index
      %get3A_680 = arith.constant 0 : index
      %get3A_681 = tpu.vector_load %arg6[%get3A_678, %get3A_679, %get3A_680] {strides = array<i32>} : memref<2x128x128xf32, #tpu.memory_space<vmem>>, vector<1x1x16xf32>,
      %get3A_682 = vector.shape_cast %get3A_681 : vector<1x1x16xf32> to vector<16xf32>
      %add3A_683 = arith.addf %add3A_675, %get3A_682 : vector<16xf32>
      %mul3A_684 = arith.constant 16 : i32
      %mul3A_685 = arith.muli %mul3A_32, %mul3A_684 : i32
      %add3A_686 = arith.constant 4 : i32
      %add3A_687 = arith.addi %mul3A_685, %add3A_686 : i32
      %swap3A_688 = arith.index_cast %add3A_687 : i32 to index
      %swap3A_689 = arith.constant 0 : index
      %swap3A_690 = tpu.vector_load %arg7[%swap3A_688, %swap3A_689] {strides = array<i32>} : memref<256x32xf32, #tpu.memory_space<vmem>>, vector<1x16xf32>,
      %swap3A_691 = vector.shape_cast %swap3A_690 : vector<1x16xf32> to vector<16xf32>
      %swap3A_692 = vector.shape_cast %add3A_683 : vector<16xf32> to vector<1x16xf32>
      tpu.vector_store %arg7[%swap3A_688, %swap3A_689], %swap3A_692 {strides = array<i32>} : memref<256x32xf32, #tpu.memory_space<vmem>>, vector<1x16xf32>,
      %get3A_693 = arith.constant 0 : i32
      %get3A_694 = arith.constant 32 : i32
      %get3A_695 = arith.index_cast %get3A_693 : i32 to index
      %get3A_696 = arith.index_cast %get3A_694 : i32 to index
      %get3A_697 = arith.constant 16 : index
      %get3A_698 = tpu.vector_load %arg6[%get3A_695, %get3A_696, %get3A_697] {strides = array<i32>} : memref<2x128x128xf32, #tpu.memory_space<vmem>>, vector<1x1x16xf32>,
      %get3A_699 = vector.shape_cast %get3A_698 : vector<1x1x16xf32> to vector<16xf32>
      %get3A_700 = arith.constant 0 : i32
      %get3A_701 = arith.constant 33 : i32
      %get3A_702 = arith.index_cast %get3A_700 : i32 to index
      %get3A_703 = arith.index_cast %get3A_701 : i32 to index
      %get3A_704 = arith.constant 16 : index
      %get3A_705 = tpu.vector_load %arg6[%get3A_702, %get3A_703, %get3A_704] {strides = array<i32>} : memref<2x128x128xf32, #tpu.memory_space<vmem>>, vector<1x1x16xf32>,
      %get3A_706 = vector.shape_cast %get3A_705 : vector<1x1x16xf32> to vector<16xf32>
      %add3A_707 = arith.addf %get3A_699, %get3A_706 : vector<16xf32>
      %get3A_708 = arith.constant 0 : i32
      %get3A_709 = arith.constant 34 : i32
      %get3A_710 = arith.index_cast %get3A_708 : i32 to index
      %get3A_711 = arith.index_cast %get3A_709 : i32 to index
      %get3A_712 = arith.constant 16 : index
      %get3A_713 = tpu.vector_load %arg6[%get3A_710, %get3A_711, %get3A_712] {strides = array<i32>} : memref<2x128x128xf32, #tpu.memory_space<vmem>>, vector<1x1x16xf32>,
      %get3A_714 = vector.shape_cast %get3A_713 : vector<1x1x16xf32> to vector<16xf32>
      %add3A_715 = arith.addf %add3A_707, %get3A_714 : vector<16xf32>
      %get3A_716 = arith.constant 0 : i32
      %get3A_717 = arith.constant 35 : i32
      %get3A_718 = arith.index_cast %get3A_716 : i32 to index
      %get3A_719 = arith.index_cast %get3A_717 : i32 to index
      %get3A_720 = arith.constant 16 : index
      %get3A_721 = tpu.vector_load %arg6[%get3A_718, %get3A_719, %get3A_720] {strides = array<i32>} : memref<2x128x128xf32, #tpu.memory_space<vmem>>, vector<1x1x16xf32>,
      %get3A_722 = vector.shape_cast %get3A_721 : vector<1x1x16xf32> to vector<16xf32>
      %add3A_723 = arith.addf %add3A_715, %get3A_722 : vector<16xf32>
      %get3A_724 = arith.constant 0 : i32
      %get3A_725 = arith.constant 36 : i32
      %get3A_726 = arith.index_cast %get3A_724 : i32 to index
      %get3A_727 = arith.index_cast %get3A_725 : i32 to index
      %get3A_728 = arith.constant 16 : index
      %get3A_729 = tpu.vector_load %arg6[%get3A_726, %get3A_727, %get3A_728] {strides = array<i32>} : memref<2x128x128xf32, #tpu.memory_space<vmem>>, vector<1x1x16xf32>,
      %get3A_730 = vector.shape_cast %get3A_729 : vector<1x1x16xf32> to vector<16xf32>
      %add3A_731 = arith.addf %add3A_723, %get3A_730 : vector<16xf32>
      %get3A_732 = arith.constant 0 : i32
      %get3A_733 = arith.constant 37 : i32
      %get3A_734 = arith.index_cast %get3A_732 : i32 to index
      %get3A_735 = arith.index_cast %get3A_733 : i32 to index
      %get3A_736 = arith.constant 16 : index
      %get3A_737 = tpu.vector_load %arg6[%get3A_734, %get3A_735, %get3A_736] {strides = array<i32>} : memref<2x128x128xf32, #tpu.memory_space<vmem>>, vector<1x1x16xf32>,
      %get3A_738 = vector.shape_cast %get3A_737 : vector<1x1x16xf32> to vector<16xf32>
      %add3A_739 = arith.addf %add3A_731, %get3A_738 : vector<16xf32>
      %get3A_740 = arith.constant 0 : i32
      %get3A_741 = arith.constant 38 : i32
      %get3A_742 = arith.index_cast %get3A_740 : i32 to index
      %get3A_743 = arith.index_cast %get3A_741 : i32 to index
      %get3A_744 = arith.constant 16 : index
      %get3A_745 = tpu.vector_load %arg6[%get3A_742, %get3A_743, %get3A_744] {strides = array<i32>} : memref<2x128x128xf32, #tpu.memory_space<vmem>>, vector<1x1x16xf32>,
      %get3A_746 = vector.shape_cast %get3A_745 : vector<1x1x16xf32> to vector<16xf32>
      %add3A_747 = arith.addf %add3A_739, %get3A_746 : vector<16xf32>
      %get3A_748 = arith.constant 0 : i32
      %get3A_749 = arith.constant 39 : i32
      %get3A_750 = arith.index_cast %get3A_748 : i32 to index
      %get3A_751 = arith.index_cast %get3A_749 : i32 to index
      %get3A_752 = arith.constant 16 : index
      %get3A_753 = tpu.vector_load %arg6[%get3A_750, %get3A_751, %get3A_752] {strides = array<i32>} : memref<2x128x128xf32, #tpu.memory_space<vmem>>, vector<1x1x16xf32>,
      %get3A_754 = vector.shape_cast %get3A_753 : vector<1x1x16xf32> to vector<16xf32>
      %add3A_755 = arith.addf %add3A_747, %get3A_754 : vector<16xf32>
      %mul3A_756 = arith.constant 16 : i32
      %mul3A_757 = arith.muli %mul3A_32, %mul3A_756 : i32
      %add3A_758 = arith.constant 4 : i32
      %add3A_759 = arith.addi %mul3A_757, %add3A_758 : i32
      %swap3A_760 = arith.index_cast %add3A_759 : i32 to index
      %swap3A_761 = arith.constant 16 : index
      %swap3A_762 = tpu.vector_load %arg7[%swap3A_760, %swap3A_761] {strides = array<i32>} : memref<256x32xf32, #tpu.memory_space<vmem>>, vector<1x16xf32>,
      %swap3A_763 = vector.shape_cast %swap3A_762 : vector<1x16xf32> to vector<16xf32>
      %swap3A_764 = vector.shape_cast %add3A_755 : vector<16xf32> to vector<1x16xf32>
      tpu.vector_store %arg7[%swap3A_760, %swap3A_761], %swap3A_764 {strides = array<i32>} : memref<256x32xf32, #tpu.memory_space<vmem>>, vector<1x16xf32>,
      %get3A_765 = arith.constant 0 : i32
      %get3A_766 = arith.constant 40 : i32
      %get3A_767 = arith.index_cast %get3A_765 : i32 to index
      %get3A_768 = arith.index_cast %get3A_766 : i32 to index
      %get3A_769 = arith.constant 0 : index
      %get3A_770 = tpu.vector_load %arg6[%get3A_767, %get3A_768, %get3A_769] {strides = array<i32>} : memref<2x128x128xf32, #tpu.memory_space<vmem>>, vector<1x1x16xf32>,
      %get3A_771 = vector.shape_cast %get3A_770 : vector<1x1x16xf32> to vector<16xf32>
      %get3A_772 = arith.constant 0 : i32
      %get3A_773 = arith.constant 41 : i32
      %get3A_774 = arith.index_cast %get3A_772 : i32 to index
      %get3A_775 = arith.index_cast %get3A_773 : i32 to index
      %get3A_776 = arith.constant 0 : index
      %get3A_777 = tpu.vector_load %arg6[%get3A_774, %get3A_775, %get3A_776] {strides = array<i32>} : memref<2x128x128xf32, #tpu.memory_space<vmem>>, vector<1x1x16xf32>,
      %get3A_778 = vector.shape_cast %get3A_777 : vector<1x1x16xf32> to vector<16xf32>
      %add3A_779 = arith.addf %get3A_771, %get3A_778 : vector<16xf32>
      %get3A_780 = arith.constant 0 : i32
      %get3A_781 = arith.constant 42 : i32
      %get3A_782 = arith.index_cast %get3A_780 : i32 to index
      %get3A_783 = arith.index_cast %get3A_781 : i32 to index
      %get3A_784 = arith.constant 0 : index
      %get3A_785 = tpu.vector_load %arg6[%get3A_782, %get3A_783, %get3A_784] {strides = array<i32>} : memref<2x128x128xf32, #tpu.memory_space<vmem>>, vector<1x1x16xf32>,
      %get3A_786 = vector.shape_cast %get3A_785 : vector<1x1x16xf32> to vector<16xf32>
      %add3A_787 = arith.addf %add3A_779, %get3A_786 : vector<16xf32>
      %get3A_788 = arith.constant 0 : i32
      %get3A_789 = arith.constant 43 : i32
      %get3A_790 = arith.index_cast %get3A_788 : i32 to index
      %get3A_791 = arith.index_cast %get3A_789 : i32 to index
      %get3A_792 = arith.constant 0 : index
      %get3A_793 = tpu.vector_load %arg6[%get3A_790, %get3A_791, %get3A_792] {strides = array<i32>} : memref<2x128x128xf32, #tpu.memory_space<vmem>>, vector<1x1x16xf32>,
      %get3A_794 = vector.shape_cast %get3A_793 : vector<1x1x16xf32> to vector<16xf32>
      %add3A_795 = arith.addf %add3A_787, %get3A_794 : vector<16xf32>
      %get3A_796 = arith.constant 0 : i32
      %get3A_797 = arith.constant 44 : i32
      %get3A_798 = arith.index_cast %get3A_796 : i32 to index
      %get3A_799 = arith.index_cast %get3A_797 : i32 to index
      %get3A_800 = arith.constant 0 : index
      %get3A_801 = tpu.vector_load %arg6[%get3A_798, %get3A_799, %get3A_800] {strides = array<i32>} : memref<2x128x128xf32, #tpu.memory_space<vmem>>, vector<1x1x16xf32>,
      %get3A_802 = vector.shape_cast %get3A_801 : vector<1x1x16xf32> to vector<16xf32>
      %add3A_803 = arith.addf %add3A_795, %get3A_802 : vector<16xf32>
      %get3A_804 = arith.constant 0 : i32
      %get3A_805 = arith.constant 45 : i32
      %get3A_806 = arith.index_cast %get3A_804 : i32 to index
      %get3A_807 = arith.index_cast %get3A_805 : i32 to index
      %get3A_808 = arith.constant 0 : index
      %get3A_809 = tpu.vector_load %arg6[%get3A_806, %get3A_807, %get3A_808] {strides = array<i32>} : memref<2x128x128xf32, #tpu.memory_space<vmem>>, vector<1x1x16xf32>,
      %get3A_810 = vector.shape_cast %get3A_809 : vector<1x1x16xf32> to vector<16xf32>
      %add3A_811 = arith.addf %add3A_803, %get3A_810 : vector<16xf32>
      %get3A_812 = arith.constant 0 : i32
      %get3A_813 = arith.constant 46 : i32
      %get3A_814 = arith.index_cast %get3A_812 : i32 to index
      %get3A_815 = arith.index_cast %get3A_813 : i32 to index
      %get3A_816 = arith.constant 0 : index
      %get3A_817 = tpu.vector_load %arg6[%get3A_814, %get3A_815, %get3A_816] {strides = array<i32>} : memref<2x128x128xf32, #tpu.memory_space<vmem>>, vector<1x1x16xf32>,
      %get3A_818 = vector.shape_cast %get3A_817 : vector<1x1x16xf32> to vector<16xf32>
      %add3A_819 = arith.addf %add3A_811, %get3A_818 : vector<16xf32>
      %get3A_820 = arith.constant 0 : i32
      %get3A_821 = arith.constant 47 : i32
      %get3A_822 = arith.index_cast %get3A_820 : i32 to index
      %get3A_823 = arith.index_cast %get3A_821 : i32 to index
      %get3A_824 = arith.constant 0 : index
      %get3A_825 = tpu.vector_load %arg6[%get3A_822, %get3A_823, %get3A_824] {strides = array<i32>} : memref<2x128x128xf32, #tpu.memory_space<vmem>>, vector<1x1x16xf32>,
      %get3A_826 = vector.shape_cast %get3A_825 : vector<1x1x16xf32> to vector<16xf32>
      %add3A_827 = arith.addf %add3A_819, %get3A_826 : vector<16xf32>
      %mul3A_828 = arith.constant 16 : i32
      %mul3A_829 = arith.muli %mul3A_32, %mul3A_828 : i32
      %add3A_830 = arith.constant 5 : i32
      %add3A_831 = arith.addi %mul3A_829, %add3A_830 : i32
      %swap3A_832 = arith.index_cast %add3A_831 : i32 to index
      %swap3A_833 = arith.constant 0 : index
      %swap3A_834 = tpu.vector_load %arg7[%swap3A_832, %swap3A_833] {strides = array<i32>} : memref<256x32xf32, #tpu.memory_space<vmem>>, vector<1x16xf32>,
      %swap3A_835 = vector.shape_cast %swap3A_834 : vector<1x16xf32> to vector<16xf32>
      %swap3A_836 = vector.shape_cast %add3A_827 : vector<16xf32> to vector<1x16xf32>
      tpu.vector_store %arg7[%swap3A_832, %swap3A_833], %swap3A_836 {strides = array<i32>} : memref<256x32xf32, #tpu.memory_space<vmem>>, vector<1x16xf32>,
      %get3A_837 = arith.constant 0 : i32
      %get3A_838 = arith.constant 40 : i32
      %get3A_839 = arith.index_cast %get3A_837 : i32 to index
      %get3A_840 = arith.index_cast %get3A_838 : i32 to index
      %get3A_841 = arith.constant 16 : index
      %get3A_842 = tpu.vector_load %arg6[%get3A_839, %get3A_840, %get3A_841] {strides = array<i32>} : memref<2x128x128xf32, #tpu.memory_space<vmem>>, vector<1x1x16xf32>,
      %get3A_843 = vector.shape_cast %get3A_842 : vector<1x1x16xf32> to vector<16xf32>
      %get3A_844 = arith.constant 0 : i32
      %get3A_845 = arith.constant 41 : i32
      %get3A_846 = arith.index_cast %get3A_844 : i32 to index
      %get3A_847 = arith.index_cast %get3A_845 : i32 to index
      %get3A_848 = arith.constant 16 : index
      %get3A_849 = tpu.vector_load %arg6[%get3A_846, %get3A_847, %get3A_848] {strides = array<i32>} : memref<2x128x128xf32, #tpu.memory_space<vmem>>, vector<1x1x16xf32>,
      %get3A_850 = vector.shape_cast %get3A_849 : vector<1x1x16xf32> to vector<16xf32>
      %add3A_851 = arith.addf %get3A_843, %get3A_850 : vector<16xf32>
      %get3A_852 = arith.constant 0 : i32
      %get3A_853 = arith.constant 42 : i32
      %get3A_854 = arith.index_cast %get3A_852 : i32 to index
      %get3A_855 = arith.index_cast %get3A_853 : i32 to index
      %get3A_856 = arith.constant 16 : index
      %get3A_857 = tpu.vector_load %arg6[%get3A_854, %get3A_855, %get3A_856] {strides = array<i32>} : memref<2x128x128xf32, #tpu.memory_space<vmem>>, vector<1x1x16xf32>,
      %get3A_858 = vector.shape_cast %get3A_857 : vector<1x1x16xf32> to vector<16xf32>
      %add3A_859 = arith.addf %add3A_851, %get3A_858 : vector<16xf32>
      %get3A_860 = arith.constant 0 : i32
      %get3A_861 = arith.constant 43 : i32
      %get3A_862 = arith.index_cast %get3A_860 : i32 to index
      %get3A_863 = arith.index_cast %get3A_861 : i32 to index
      %get3A_864 = arith.constant 16 : index
      %get3A_865 = tpu.vector_load %arg6[%get3A_862, %get3A_863, %get3A_864] {strides = array<i32>} : memref<2x128x128xf32, #tpu.memory_space<vmem>>, vector<1x1x16xf32>,
      %get3A_866 = vector.shape_cast %get3A_865 : vector<1x1x16xf32> to vector<16xf32>
      %add3A_867 = arith.addf %add3A_859, %get3A_866 : vector<16xf32>
      %get3A_868 = arith.constant 0 : i32
      %get3A_869 = arith.constant 44 : i32
      %get3A_870 = arith.index_cast %get3A_868 : i32 to index
      %get3A_871 = arith.index_cast %get3A_869 : i32 to index
      %get3A_872 = arith.constant 16 : index
      %get3A_873 = tpu.vector_load %arg6[%get3A_870, %get3A_871, %get3A_872] {strides = array<i32>} : memref<2x128x128xf32, #tpu.memory_space<vmem>>, vector<1x1x16xf32>,
      %get3A_874 = vector.shape_cast %get3A_873 : vector<1x1x16xf32> to vector<16xf32>
      %add3A_875 = arith.addf %add3A_867, %get3A_874 : vector<16xf32>
      %get3A_876 = arith.constant 0 : i32
      %get3A_877 = arith.constant 45 : i32
      %get3A_878 = arith.index_cast %get3A_876 : i32 to index
      %get3A_879 = arith.index_cast %get3A_877 : i32 to index
      %get3A_880 = arith.constant 16 : index
      %get3A_881 = tpu.vector_load %arg6[%get3A_878, %get3A_879, %get3A_880] {strides = array<i32>} : memref<2x128x128xf32, #tpu.memory_space<vmem>>, vector<1x1x16xf32>,
      %get3A_882 = vector.shape_cast %get3A_881 : vector<1x1x16xf32> to vector<16xf32>
      %add3A_883 = arith.addf %add3A_875, %get3A_882 : vector<16xf32>
      %get3A_884 = arith.constant 0 : i32
      %get3A_885 = arith.constant 46 : i32
      %get3A_886 = arith.index_cast %get3A_884 : i32 to index
      %get3A_887 = arith.index_cast %get3A_885 : i32 to index
      %get3A_888 = arith.constant 16 : index
      %get3A_889 = tpu.vector_load %arg6[%get3A_886, %get3A_887, %get3A_888] {strides = array<i32>} : memref<2x128x128xf32, #tpu.memory_space<vmem>>, vector<1x1x16xf32>,
      %get3A_890 = vector.shape_cast %get3A_889 : vector<1x1x16xf32> to vector<16xf32>
      %add3A_891 = arith.addf %add3A_883, %get3A_890 : vector<16xf32>
      %get3A_892 = arith.constant 0 : i32
      %get3A_893 = arith.constant 47 : i32
      %get3A_894 = arith.index_cast %get3A_892 : i32 to index
      %get3A_895 = arith.index_cast %get3A_893 : i32 to index
      %get3A_896 = arith.constant 16 : index
      %get3A_897 = tpu.vector_load %arg6[%get3A_894, %get3A_895, %get3A_896] {strides = array<i32>} : memref<2x128x128xf32, #tpu.memory_space<vmem>>, vector<1x1x16xf32>,
      %get3A_898 = vector.shape_cast %get3A_897 : vector<1x1x16xf32> to vector<16xf32>
      %add3A_899 = arith.addf %add3A_891, %get3A_898 : vector<16xf32>
      %mul3A_900 = arith.constant 16 : i32
      %mul3A_901 = arith.muli %mul3A_32, %mul3A_900 : i32
      %add3A_902 = arith.constant 5 : i32
      %add3A_903 = arith.addi %mul3A_901, %add3A_902 : i32
      %swap3A_904 = arith.index_cast %add3A_903 : i32 to index
      %swap3A_905 = arith.constant 16 : index
      %swap3A_906 = tpu.vector_load %arg7[%swap3A_904, %swap3A_905] {strides = array<i32>} : memref<256x32xf32, #tpu.memory_space<vmem>>, vector<1x16xf32>,
      %swap3A_907 = vector.shape_cast %swap3A_906 : vector<1x16xf32> to vector<16xf32>
      %swap3A_908 = vector.shape_cast %add3A_899 : vector<16xf32> to vector<1x16xf32>
      tpu.vector_store %arg7[%swap3A_904, %swap3A_905], %swap3A_908 {strides = array<i32>} : memref<256x32xf32, #tpu.memory_space<vmem>>, vector<1x16xf32>,
      %get3A_909 = arith.constant 0 : i32
      %get3A_910 = arith.constant 48 : i32
      %get3A_911 = arith.index_cast %get3A_909 : i32 to index
      %get3A_912 = arith.index_cast %get3A_910 : i32 to index
      %get3A_913 = arith.constant 0 : index
      %get3A_914 = tpu.vector_load %arg6[%get3A_911, %get3A_912, %get3A_913] {strides = array<i32>} : memref<2x128x128xf32, #tpu.memory_space<vmem>>, vector<1x1x16xf32>,
      %get3A_915 = vector.shape_cast %get3A_914 : vector<1x1x16xf32> to vector<16xf32>
      %get3A_916 = arith.constant 0 : i32
      %get3A_917 = arith.constant 49 : i32
      %get3A_918 = arith.index_cast %get3A_916 : i32 to index
      %get3A_919 = arith.index_cast %get3A_917 : i32 to index
      %get3A_920 = arith.constant 0 : index
      %get3A_921 = tpu.vector_load %arg6[%get3A_918, %get3A_919, %get3A_920] {strides = array<i32>} : memref<2x128x128xf32, #tpu.memory_space<vmem>>, vector<1x1x16xf32>,
      %get3A_922 = vector.shape_cast %get3A_921 : vector<1x1x16xf32> to vector<16xf32>
      %add3A_923 = arith.addf %get3A_915, %get3A_922 : vector<16xf32>
      %get3A_924 = arith.constant 0 : i32
      %get3A_925 = arith.constant 50 : i32
      %get3A_926 = arith.index_cast %get3A_924 : i32 to index
      %get3A_927 = arith.index_cast %get3A_925 : i32 to index
      %get3A_928 = arith.constant 0 : index
      %get3A_929 = tpu.vector_load %arg6[%get3A_926, %get3A_927, %get3A_928] {strides = array<i32>} : memref<2x128x128xf32, #tpu.memory_space<vmem>>, vector<1x1x16xf32>,
      %get3A_930 = vector.shape_cast %get3A_929 : vector<1x1x16xf32> to vector<16xf32>
      %add3A_931 = arith.addf %add3A_923, %get3A_930 : vector<16xf32>
      %get3A_932 = arith.constant 0 : i32
      %get3A_933 = arith.constant 51 : i32
      %get3A_934 = arith.index_cast %get3A_932 : i32 to index
      %get3A_935 = arith.index_cast %get3A_933 : i32 to index
      %get3A_936 = arith.constant 0 : index
      %get3A_937 = tpu.vector_load %arg6[%get3A_934, %get3A_935, %get3A_936] {strides = array<i32>} : memref<2x128x128xf32, #tpu.memory_space<vmem>>, vector<1x1x16xf32>,
      %get3A_938 = vector.shape_cast %get3A_937 : vector<1x1x16xf32> to vector<16xf32>
      %add3A_939 = arith.addf %add3A_931, %get3A_938 : vector<16xf32>
      %get3A_940 = arith.constant 0 : i32
      %get3A_941 = arith.constant 52 : i32
      %get3A_942 = arith.index_cast %get3A_940 : i32 to index
      %get3A_943 = arith.index_cast %get3A_941 : i32 to index
      %get3A_944 = arith.constant 0 : index
      %get3A_945 = tpu.vector_load %arg6[%get3A_942, %get3A_943, %get3A_944] {strides = array<i32>} : memref<2x128x128xf32, #tpu.memory_space<vmem>>, vector<1x1x16xf32>,
      %get3A_946 = vector.shape_cast %get3A_945 : vector<1x1x16xf32> to vector<16xf32>
      %add3A_947 = arith.addf %add3A_939, %get3A_946 : vector<16xf32>
      %get3A_948 = arith.constant 0 : i32
      %get3A_949 = arith.constant 53 : i32
      %get3A_950 = arith.index_cast %get3A_948 : i32 to index
      %get3A_951 = arith.index_cast %get3A_949 : i32 to index
      %get3A_952 = arith.constant 0 : index
      %get3A_953 = tpu.vector_load %arg6[%get3A_950, %get3A_951, %get3A_952] {strides = array<i32>} : memref<2x128x128xf32, #tpu.memory_space<vmem>>, vector<1x1x16xf32>,
      %get3A_954 = vector.shape_cast %get3A_953 : vector<1x1x16xf32> to vector<16xf32>
      %add3A_955 = arith.addf %add3A_947, %get3A_954 : vector<16xf32>
      %get3A_956 = arith.constant 0 : i32
      %get3A_957 = arith.constant 54 : i32
      %get3A_958 = arith.index_cast %get3A_956 : i32 to index
      %get3A_959 = arith.index_cast %get3A_957 : i32 to index
      %get3A_960 = arith.constant 0 : index
      %get3A_961 = tpu.vector_load %arg6[%get3A_958, %get3A_959, %get3A_960] {strides = array<i32>} : memref<2x128x128xf32, #tpu.memory_space<vmem>>, vector<1x1x16xf32>,
      %get3A_962 = vector.shape_cast %get3A_961 : vector<1x1x16xf32> to vector<16xf32>
      %add3A_963 = arith.addf %add3A_955, %get3A_962 : vector<16xf32>
      %get3A_964 = arith.constant 0 : i32
      %get3A_965 = arith.constant 55 : i32
      %get3A_966 = arith.index_cast %get3A_964 : i32 to index
      %get3A_967 = arith.index_cast %get3A_965 : i32 to index
      %get3A_968 = arith.constant 0 : index
      %get3A_969 = tpu.vector_load %arg6[%get3A_966, %get3A_967, %get3A_968] {strides = array<i32>} : memref<2x128x128xf32, #tpu.memory_space<vmem>>, vector<1x1x16xf32>,
      %get3A_970 = vector.shape_cast %get3A_969 : vector<1x1x16xf32> to vector<16xf32>
      %add3A_971 = arith.addf %add3A_963, %get3A_970 : vector<16xf32>
      %mul3A_972 = arith.constant 16 : i32
      %mul3A_973 = arith.muli %mul3A_32, %mul3A_972 : i32
      %add3A_974 = arith.constant 6 : i32
      %add3A_975 = arith.addi %mul3A_973, %add3A_974 : i32
      %swap3A_976 = arith.index_cast %add3A_975 : i32 to index
      %swap3A_977 = arith.constant 0 : index
      %swap3A_978 = tpu.vector_load %arg7[%swap3A_976, %swap3A_977] {strides = array<i32>} : memref<256x32xf32, #tpu.memory_space<vmem>>, vector<1x16xf32>,
      %swap3A_979 = vector.shape_cast %swap3A_978 : vector<1x16xf32> to vector<16xf32>
      %swap3A_980 = vector.shape_cast %add3A_971 : vector<16xf32> to vector<1x16xf32>
      tpu.vector_store %arg7[%swap3A_976, %swap3A_977], %swap3A_980 {strides = array<i32>} : memref<256x32xf32, #tpu.memory_space<vmem>>, vector<1x16xf32>,
      %get3A_981 = arith.constant 0 : i32
      %get3A_982 = arith.constant 48 : i32
      %get3A_983 = arith.index_cast %get3A_981 : i32 to index
      %get3A_984 = arith.index_cast %get3A_982 : i32 to index
      %get3A_985 = arith.constant 16 : index
      %get3A_986 = tpu.vector_load %arg6[%get3A_983, %get3A_984, %get3A_985] {strides = array<i32>} : memref<2x128x128xf32, #tpu.memory_space<vmem>>, vector<1x1x16xf32>,
      %get3A_987 = vector.shape_cast %get3A_986 : vector<1x1x16xf32> to vector<16xf32>
      %get3A_988 = arith.constant 0 : i32
      %get3A_989 = arith.constant 49 : i32
      %get3A_990 = arith.index_cast %get3A_988 : i32 to index
      %get3A_991 = arith.index_cast %get3A_989 : i32 to index
      %get3A_992 = arith.constant 16 : index
      %get3A_993 = tpu.vector_load %arg6[%get3A_990, %get3A_991, %get3A_992] {strides = array<i32>} : memref<2x128x128xf32, #tpu.memory_space<vmem>>, vector<1x1x16xf32>,
      %get3A_994 = vector.shape_cast %get3A_993 : vector<1x1x16xf32> to vector<16xf32>
      %add3A_995 = arith.addf %get3A_987, %get3A_994 : vector<16xf32>
      %get3A_996 = arith.constant 0 : i32
      %get3A_997 = arith.constant 50 : i32
      %get3A_998 = arith.index_cast %get3A_996 : i32 to index
      %get3A_999 = arith.index_cast %get3A_997 : i32 to index
      %get3A_1000 = arith.constant 16 : index
      %get3A_1001 = tpu.vector_load %arg6[%get3A_998, %get3A_999, %get3A_1000] {strides = array<i32>} : memref<2x128x128xf32, #tpu.memory_space<vmem>>, vector<1x1x16xf32>,
      %get3A_1002 = vector.shape_cast %get3A_1001 : vector<1x1x16xf32> to vector<16xf32>
      %add3A_1003 = arith.addf %add3A_995, %get3A_1002 : vector<16xf32>
      %get3A_1004 = arith.constant 0 : i32
      %get3A_1005 = arith.constant 51 : i32
      %get3A_1006 = arith.index_cast %get3A_1004 : i32 to index
      %get3A_1007 = arith.index_cast %get3A_1005 : i32 to index
      %get3A_1008 = arith.constant 16 : index
      %get3A_1009 = tpu.vector_load %arg6[%get3A_1006, %get3A_1007, %get3A_1008] {strides = array<i32>} : memref<2x128x128xf32, #tpu.memory_space<vmem>>, vector<1x1x16xf32>,
      %get3A_1010 = vector.shape_cast %get3A_1009 : vector<1x1x16xf32> to vector<16xf32>
      %add3A_1011 = arith.addf %add3A_1003, %get3A_1010 : vector<16xf32>
      %get3A_1012 = arith.constant 0 : i32
      %get3A_1013 = arith.constant 52 : i32
      %get3A_1014 = arith.index_cast %get3A_1012 : i32 to index
      %get3A_1015 = arith.index_cast %get3A_1013 : i32 to index
      %get3A_1016 = arith.constant 16 : index
      %get3A_1017 = tpu.vector_load %arg6[%get3A_1014, %get3A_1015, %get3A_1016] {strides = array<i32>} : memref<2x128x128xf32, #tpu.memory_space<vmem>>, vector<1x1x16xf32>,
      %get3A_1018 = vector.shape_cast %get3A_1017 : vector<1x1x16xf32> to vector<16xf32>
      %add3A_1019 = arith.addf %add3A_1011, %get3A_1018 : vector<16xf32>
      %get3A_1020 = arith.constant 0 : i32
      %get3A_1021 = arith.constant 53 : i32
      %get3A_1022 = arith.index_cast %get3A_1020 : i32 to index
      %get3A_1023 = arith.index_cast %get3A_1021 : i32 to index
      %get3A_1024 = arith.constant 16 : index
      %get3A_1025 = tpu.vector_load %arg6[%get3A_1022, %get3A_1023, %get3A_1024] {strides = array<i32>} : memref<2x128x128xf32, #tpu.memory_space<vmem>>, vector<1x1x16xf32>,
      %get3A_1026 = vector.shape_cast %get3A_1025 : vector<1x1x16xf32> to vector<16xf32>
      %add3A_1027 = arith.addf %add3A_1019, %get3A_1026 : vector<16xf32>
      %get3A_1028 = arith.constant 0 : i32
      %get3A_1029 = arith.constant 54 : i32
      %get3A_1030 = arith.index_cast %get3A_1028 : i32 to index
      %get3A_1031 = arith.index_cast %get3A_1029 : i32 to index
      %get3A_1032 = arith.constant 16 : index
      %get3A_1033 = tpu.vector_load %arg6[%get3A_1030, %get3A_1031, %get3A_1032] {strides = array<i32>} : memref<2x128x128xf32, #tpu.memory_space<vmem>>, vector<1x1x16xf32>,
      %get3A_1034 = vector.shape_cast %get3A_1033 : vector<1x1x16xf32> to vector<16xf32>
      %add3A_1035 = arith.addf %add3A_1027, %get3A_1034 : vector<16xf32>
      %get3A_1036 = arith.constant 0 : i32
      %get3A_1037 = arith.constant 55 : i32
      %get3A_1038 = arith.index_cast %get3A_1036 : i32 to index
      %get3A_1039 = arith.index_cast %get3A_1037 : i32 to index
      %get3A_1040 = arith.constant 16 : index
      %get3A_1041 = tpu.vector_load %arg6[%get3A_1038, %get3A_1039, %get3A_1040] {strides = array<i32>} : memref<2x128x128xf32, #tpu.memory_space<vmem>>, vector<1x1x16xf32>,
      %get3A_1042 = vector.shape_cast %get3A_1041 : vector<1x1x16xf32> to vector<16xf32>
      %add3A_1043 = arith.addf %add3A_1035, %get3A_1042 : vector<16xf32>
      %mul3A_1044 = arith.constant 16 : i32
      %mul3A_1045 = arith.muli %mul3A_32, %mul3A_1044 : i32
      %add3A_1046 = arith.constant 6 : i32
      %add3A_1047 = arith.addi %mul3A_1045, %add3A_1046 : i32
      %swap3A_1048 = arith.index_cast %add3A_1047 : i32 to index
      %swap3A_1049 = arith.constant 16 : index
      %swap3A_1050 = tpu.vector_load %arg7[%swap3A_1048, %swap3A_1049] {strides = array<i32>} : memref<256x32xf32, #tpu.memory_space<vmem>>, vector<1x16xf32>,
      %swap3A_1051 = vector.shape_cast %swap3A_1050 : vector<1x16xf32> to vector<16xf32>
      %swap3A_1052 = vector.shape_cast %add3A_1043 : vector<16xf32> to vector<1x16xf32>
      tpu.vector_store %arg7[%swap3A_1048, %swap3A_1049], %swap3A_1052 {strides = array<i32>} : memref<256x32xf32, #tpu.memory_space<vmem>>, vector<1x16xf32>,
      %get3A_1053 = arith.constant 0 : i32
      %get3A_1054 = arith.constant 56 : i32
      %get3A_1055 = arith.index_cast %get3A_1053 : i32 to index
      %get3A_1056 = arith.index_cast %get3A_1054 : i32 to index
      %get3A_1057 = arith.constant 0 : index
      %get3A_1058 = tpu.vector_load %arg6[%get3A_1055, %get3A_1056, %get3A_1057] {strides = array<i32>} : memref<2x128x128xf32, #tpu.memory_space<vmem>>, vector<1x1x16xf32>,
      %get3A_1059 = vector.shape_cast %get3A_1058 : vector<1x1x16xf32> to vector<16xf32>
      %get3A_1060 = arith.constant 0 : i32
      %get3A_1061 = arith.constant 57 : i32
      %get3A_1062 = arith.index_cast %get3A_1060 : i32 to index
      %get3A_1063 = arith.index_cast %get3A_1061 : i32 to index
      %get3A_1064 = arith.constant 0 : index
      %get3A_1065 = tpu.vector_load %arg6[%get3A_1062, %get3A_1063, %get3A_1064] {strides = array<i32>} : memref<2x128x128xf32, #tpu.memory_space<vmem>>, vector<1x1x16xf32>,
      %get3A_1066 = vector.shape_cast %get3A_1065 : vector<1x1x16xf32> to vector<16xf32>
      %add3A_1067 = arith.addf %get3A_1059, %get3A_1066 : vector<16xf32>
      %get3A_1068 = arith.constant 0 : i32
      %get3A_1069 = arith.constant 58 : i32
      %get3A_1070 = arith.index_cast %get3A_1068 : i32 to index
      %get3A_1071 = arith.index_cast %get3A_1069 : i32 to index
      %get3A_1072 = arith.constant 0 : index
      %get3A_1073 = tpu.vector_load %arg6[%get3A_1070, %get3A_1071, %get3A_1072] {strides = array<i32>} : memref<2x128x128xf32, #tpu.memory_space<vmem>>, vector<1x1x16xf32>,
      %get3A_1074 = vector.shape_cast %get3A_1073 : vector<1x1x16xf32> to vector<16xf32>
      %add3A_1075 = arith.addf %add3A_1067, %get3A_1074 : vector<16xf32>
      %get3A_1076 = arith.constant 0 : i32
      %get3A_1077 = arith.constant 59 : i32
      %get3A_1078 = arith.index_cast %get3A_1076 : i32 to index
      %get3A_1079 = arith.index_cast %get3A_1077 : i32 to index
      %get3A_1080 = arith.constant 0 : index
      %get3A_1081 = tpu.vector_load %arg6[%get3A_1078, %get3A_1079, %get3A_1080] {strides = array<i32>} : memref<2x128x128xf32, #tpu.memory_space<vmem>>, vector<1x1x16xf32>,
      %get3A_1082 = vector.shape_cast %get3A_1081 : vector<1x1x16xf32> to vector<16xf32>
      %add3A_1083 = arith.addf %add3A_1075, %get3A_1082 : vector<16xf32>
      %get3A_1084 = arith.constant 0 : i32
      %get3A_1085 = arith.constant 60 : i32
      %get3A_1086 = arith.index_cast %get3A_1084 : i32 to index
      %get3A_1087 = arith.index_cast %get3A_1085 : i32 to index
      %get3A_1088 = arith.constant 0 : index
      %get3A_1089 = tpu.vector_load %arg6[%get3A_1086, %get3A_1087, %get3A_1088] {strides = array<i32>} : memref<2x128x128xf32, #tpu.memory_space<vmem>>, vector<1x1x16xf32>,
      %get3A_1090 = vector.shape_cast %get3A_1089 : vector<1x1x16xf32> to vector<16xf32>
      %add3A_1091 = arith.addf %add3A_1083, %get3A_1090 : vector<16xf32>
      %get3A_1092 = arith.constant 0 : i32
      %get3A_1093 = arith.constant 61 : i32
      %get3A_1094 = arith.index_cast %get3A_1092 : i32 to index
      %get3A_1095 = arith.index_cast %get3A_1093 : i32 to index
      %get3A_1096 = arith.constant 0 : index
      %get3A_1097 = tpu.vector_load %arg6[%get3A_1094, %get3A_1095, %get3A_1096] {strides = array<i32>} : memref<2x128x128xf32, #tpu.memory_space<vmem>>, vector<1x1x16xf32>,
      %get3A_1098 = vector.shape_cast %get3A_1097 : vector<1x1x16xf32> to vector<16xf32>
      %add3A_1099 = arith.addf %add3A_1091, %get3A_1098 : vector<16xf32>
      %get3A_1100 = arith.constant 0 : i32
      %get3A_1101 = arith.constant 62 : i32
      %get3A_1102 = arith.index_cast %get3A_1100 : i32 to index
      %get3A_1103 = arith.index_cast %get3A_1101 : i32 to index
      %get3A_1104 = arith.constant 0 : index
      %get3A_1105 = tpu.vector_load %arg6[%get3A_1102, %get3A_1103, %get3A_1104] {strides = array<i32>} : memref<2x128x128xf32, #tpu.memory_space<vmem>>, vector<1x1x16xf32>,
      %get3A_1106 = vector.shape_cast %get3A_1105 : vector<1x1x16xf32> to vector<16xf32>
      %add3A_1107 = arith.addf %add3A_1099, %get3A_1106 : vector<16xf32>
      %get3A_1108 = arith.constant 0 : i32
      %get3A_1109 = arith.constant 63 : i32
      %get3A_1110 = arith.index_cast %get3A_1108 : i32 to index
      %get3A_1111 = arith.index_cast %get3A_1109 : i32 to index
      %get3A_1112 = arith.constant 0 : index
      %get3A_1113 = tpu.vector_load %arg6[%get3A_1110, %get3A_1111, %get3A_1112] {strides = array<i32>} : memref<2x128x128xf32, #tpu.memory_space<vmem>>, vector<1x1x16xf32>,
      %get3A_1114 = vector.shape_cast %get3A_1113 : vector<1x1x16xf32> to vector<16xf32>
      %add3A_1115 = arith.addf %add3A_1107, %get3A_1114 : vector<16xf32>
      %mul3A_1116 = arith.constant 16 : i32
      %mul3A_1117 = arith.muli %mul3A_32, %mul3A_1116 : i32
      %add3A_1118 = arith.constant 7 : i32
      %add3A_1119 = arith.addi %mul3A_1117, %add3A_1118 : i32
      %swap3A_1120 = arith.index_cast %add3A_1119 : i32 to index
      %swap3A_1121 = arith.constant 0 : index
      %swap3A_1122 = tpu.vector_load %arg7[%swap3A_1120, %swap3A_1121] {strides = array<i32>} : memref<256x32xf32, #tpu.memory_space<vmem>>, vector<1x16xf32>,
      %swap3A_1123 = vector.shape_cast %swap3A_1122 : vector<1x16xf32> to vector<16xf32>
      %swap3A_1124 = vector.shape_cast %add3A_1115 : vector<16xf32> to vector<1x16xf32>
      tpu.vector_store %arg7[%swap3A_1120, %swap3A_1121], %swap3A_1124 {strides = array<i32>} : memref<256x32xf32, #tpu.memory_space<vmem>>, vector<1x16xf32>,
      %get3A_1125 = arith.constant 0 : i32
      %get3A_1126 = arith.constant 56 : i32
      %get3A_1127 = arith.index_cast %get3A_1125 : i32 to index
      %get3A_1128 = arith.index_cast %get3A_1126 : i32 to index
      %get3A_1129 = arith.constant 16 : index
      %get3A_1130 = tpu.vector_load %arg6[%get3A_1127, %get3A_1128, %get3A_1129] {strides = array<i32>} : memref<2x128x128xf32, #tpu.memory_space<vmem>>, vector<1x1x16xf32>,
      %get3A_1131 = vector.shape_cast %get3A_1130 : vector<1x1x16xf32> to vector<16xf32>
      %get3A_1132 = arith.constant 0 : i32
      %get3A_1133 = arith.constant 57 : i32
      %get3A_1134 = arith.index_cast %get3A_1132 : i32 to index
      %get3A_1135 = arith.index_cast %get3A_1133 : i32 to index
      %get3A_1136 = arith.constant 16 : index
      %get3A_1137 = tpu.vector_load %arg6[%get3A_1134, %get3A_1135, %get3A_1136] {strides = array<i32>} : memref<2x128x128xf32, #tpu.memory_space<vmem>>, vector<1x1x16xf32>,
      %get3A_1138 = vector.shape_cast %get3A_1137 : vector<1x1x16xf32> to vector<16xf32>
      %add3A_1139 = arith.addf %get3A_1131, %get3A_1138 : vector<16xf32>
      %get3A_1140 = arith.constant 0 : i32
      %get3A_1141 = arith.constant 58 : i32
      %get3A_1142 = arith.index_cast %get3A_1140 : i32 to index
      %get3A_1143 = arith.index_cast %get3A_1141 : i32 to index
      %get3A_1144 = arith.constant 16 : index
      %get3A_1145 = tpu.vector_load %arg6[%get3A_1142, %get3A_1143, %get3A_1144] {strides = array<i32>} : memref<2x128x128xf32, #tpu.memory_space<vmem>>, vector<1x1x16xf32>,
      %get3A_1146 = vector.shape_cast %get3A_1145 : vector<1x1x16xf32> to vector<16xf32>
      %add3A_1147 = arith.addf %add3A_1139, %get3A_1146 : vector<16xf32>
      %get3A_1148 = arith.constant 0 : i32
      %get3A_1149 = arith.constant 59 : i32
      %get3A_1150 = arith.index_cast %get3A_1148 : i32 to index
      %get3A_1151 = arith.index_cast %get3A_1149 : i32 to index
      %get3A_1152 = arith.constant 16 : index
      %get3A_1153 = tpu.vector_load %arg6[%get3A_1150, %get3A_1151, %get3A_1152] {strides = array<i32>} : memref<2x128x128xf32, #tpu.memory_space<vmem>>, vector<1x1x16xf32>,
      %get3A_1154 = vector.shape_cast %get3A_1153 : vector<1x1x16xf32> to vector<16xf32>
      %add3A_1155 = arith.addf %add3A_1147, %get3A_1154 : vector<16xf32>
      %get3A_1156 = arith.constant 0 : i32
      %get3A_1157 = arith.constant 60 : i32
      %get3A_1158 = arith.index_cast %get3A_1156 : i32 to index
      %get3A_1159 = arith.index_cast %get3A_1157 : i32 to index
      %get3A_1160 = arith.constant 16 : index
      %get3A_1161 = tpu.vector_load %arg6[%get3A_1158, %get3A_1159, %get3A_1160] {strides = array<i32>} : memref<2x128x128xf32, #tpu.memory_space<vmem>>, vector<1x1x16xf32>,
      %get3A_1162 = vector.shape_cast %get3A_1161 : vector<1x1x16xf32> to vector<16xf32>
      %add3A_1163 = arith.addf %add3A_1155, %get3A_1162 : vector<16xf32>
      %get3A_1164 = arith.constant 0 : i32
      %get3A_1165 = arith.constant 61 : i32
      %get3A_1166 = arith.index_cast %get3A_1164 : i32 to index
      %get3A_1167 = arith.index_cast %get3A_1165 : i32 to index
      %get3A_1168 = arith.constant 16 : index
      %get3A_1169 = tpu.vector_load %arg6[%get3A_1166, %get3A_1167, %get3A_1168] {strides = array<i32>} : memref<2x128x128xf32, #tpu.memory_space<vmem>>, vector<1x1x16xf32>,
      %get3A_1170 = vector.shape_cast %get3A_1169 : vector<1x1x16xf32> to vector<16xf32>
      %add3A_1171 = arith.addf %add3A_1163, %get3A_1170 : vector<16xf32>
      %get3A_1172 = arith.constant 0 : i32
      %get3A_1173 = arith.constant 62 : i32
      %get3A_1174 = arith.index_cast %get3A_1172 : i32 to index
      %get3A_1175 = arith.index_cast %get3A_1173 : i32 to index
      %get3A_1176 = arith.constant 16 : index
      %get3A_1177 = tpu.vector_load %arg6[%get3A_1174, %get3A_1175, %get3A_1176] {strides = array<i32>} : memref<2x128x128xf32, #tpu.memory_space<vmem>>, vector<1x1x16xf32>,
      %get3A_1178 = vector.shape_cast %get3A_1177 : vector<1x1x16xf32> to vector<16xf32>
      %add3A_1179 = arith.addf %add3A_1171, %get3A_1178 : vector<16xf32>
      %get3A_1180 = arith.constant 0 : i32
      %get3A_1181 = arith.constant 63 : i32
      %get3A_1182 = arith.index_cast %get3A_1180 : i32 to index
      %get3A_1183 = arith.index_cast %get3A_1181 : i32 to index
      %get3A_1184 = arith.constant 16 : index
      %get3A_1185 = tpu.vector_load %arg6[%get3A_1182, %get3A_1183, %get3A_1184] {strides = array<i32>} : memref<2x128x128xf32, #tpu.memory_space<vmem>>, vector<1x1x16xf32>,
      %get3A_1186 = vector.shape_cast %get3A_1185 : vector<1x1x16xf32> to vector<16xf32>
      %add3A_1187 = arith.addf %add3A_1179, %get3A_1186 : vector<16xf32>
      %mul3A_1188 = arith.constant 16 : i32
      %mul3A_1189 = arith.muli %mul3A_32, %mul3A_1188 : i32
      %add3A_1190 = arith.constant 7 : i32
      %add3A_1191 = arith.addi %mul3A_1189, %add3A_1190 : i32
      %swap3A_1192 = arith.index_cast %add3A_1191 : i32 to index
      %swap3A_1193 = arith.constant 16 : index
      %swap3A_1194 = tpu.vector_load %arg7[%swap3A_1192, %swap3A_1193] {strides = array<i32>} : memref<256x32xf32, #tpu.memory_space<vmem>>, vector<1x16xf32>,
      %swap3A_1195 = vector.shape_cast %swap3A_1194 : vector<1x16xf32> to vector<16xf32>
      %swap3A_1196 = vector.shape_cast %add3A_1187 : vector<16xf32> to vector<1x16xf32>
      tpu.vector_store %arg7[%swap3A_1192, %swap3A_1193], %swap3A_1196 {strides = array<i32>} : memref<256x32xf32, #tpu.memory_space<vmem>>, vector<1x16xf32>,
      %get3A_1197 = arith.constant 0 : i32
      %get3A_1198 = arith.constant 64 : i32
      %get3A_1199 = arith.index_cast %get3A_1197 : i32 to index
      %get3A_1200 = arith.index_cast %get3A_1198 : i32 to index
      %get3A_1201 = arith.constant 0 : index
      %get3A_1202 = tpu.vector_load %arg6[%get3A_1199, %get3A_1200, %get3A_1201] {strides = array<i32>} : memref<2x128x128xf32, #tpu.memory_space<vmem>>, vector<1x1x16xf32>,
      %get3A_1203 = vector.shape_cast %get3A_1202 : vector<1x1x16xf32> to vector<16xf32>
      %get3A_1204 = arith.constant 0 : i32
      %get3A_1205 = arith.constant 65 : i32
      %get3A_1206 = arith.index_cast %get3A_1204 : i32 to index
      %get3A_1207 = arith.index_cast %get3A_1205 : i32 to index
      %get3A_1208 = arith.constant 0 : index
      %get3A_1209 = tpu.vector_load %arg6[%get3A_1206, %get3A_1207, %get3A_1208] {strides = array<i32>} : memref<2x128x128xf32, #tpu.memory_space<vmem>>, vector<1x1x16xf32>,
      %get3A_1210 = vector.shape_cast %get3A_1209 : vector<1x1x16xf32> to vector<16xf32>
      %add3A_1211 = arith.addf %get3A_1203, %get3A_1210 : vector<16xf32>
      %get3A_1212 = arith.constant 0 : i32
      %get3A_1213 = arith.constant 66 : i32
      %get3A_1214 = arith.index_cast %get3A_1212 : i32 to index
      %get3A_1215 = arith.index_cast %get3A_1213 : i32 to index
      %get3A_1216 = arith.constant 0 : index
      %get3A_1217 = tpu.vector_load %arg6[%get3A_1214, %get3A_1215, %get3A_1216] {strides = array<i32>} : memref<2x128x128xf32, #tpu.memory_space<vmem>>, vector<1x1x16xf32>,
      %get3A_1218 = vector.shape_cast %get3A_1217 : vector<1x1x16xf32> to vector<16xf32>
      %add3A_1219 = arith.addf %add3A_1211, %get3A_1218 : vector<16xf32>
      %get3A_1220 = arith.constant 0 : i32
      %get3A_1221 = arith.constant 67 : i32
      %get3A_1222 = arith.index_cast %get3A_1220 : i32 to index
      %get3A_1223 = arith.index_cast %get3A_1221 : i32 to index
      %get3A_1224 = arith.constant 0 : index
      %get3A_1225 = tpu.vector_load %arg6[%get3A_1222, %get3A_1223, %get3A_1224] {strides = array<i32>} : memref<2x128x128xf32, #tpu.memory_space<vmem>>, vector<1x1x16xf32>,
      %get3A_1226 = vector.shape_cast %get3A_1225 : vector<1x1x16xf32> to vector<16xf32>
      %add3A_1227 = arith.addf %add3A_1219, %get3A_1226 : vector<16xf32>
      %get3A_1228 = arith.constant 0 : i32
      %get3A_1229 = arith.constant 68 : i32
      %get3A_1230 = arith.index_cast %get3A_1228 : i32 to index
      %get3A_1231 = arith.index_cast %get3A_1229 : i32 to index
      %get3A_1232 = arith.constant 0 : index
      %get3A_1233 = tpu.vector_load %arg6[%get3A_1230, %get3A_1231, %get3A_1232] {strides = array<i32>} : memref<2x128x128xf32, #tpu.memory_space<vmem>>, vector<1x1x16xf32>,
      %get3A_1234 = vector.shape_cast %get3A_1233 : vector<1x1x16xf32> to vector<16xf32>
      %add3A_1235 = arith.addf %add3A_1227, %get3A_1234 : vector<16xf32>
      %get3A_1236 = arith.constant 0 : i32
      %get3A_1237 = arith.constant 69 : i32
      %get3A_1238 = arith.index_cast %get3A_1236 : i32 to index
      %get3A_1239 = arith.index_cast %get3A_1237 : i32 to index
      %get3A_1240 = arith.constant 0 : index
      %get3A_1241 = tpu.vector_load %arg6[%get3A_1238, %get3A_1239, %get3A_1240] {strides = array<i32>} : memref<2x128x128xf32, #tpu.memory_space<vmem>>, vector<1x1x16xf32>,
      %get3A_1242 = vector.shape_cast %get3A_1241 : vector<1x1x16xf32> to vector<16xf32>
      %add3A_1243 = arith.addf %add3A_1235, %get3A_1242 : vector<16xf32>
      %get3A_1244 = arith.constant 0 : i32
      %get3A_1245 = arith.constant 70 : i32
      %get3A_1246 = arith.index_cast %get3A_1244 : i32 to index
      %get3A_1247 = arith.index_cast %get3A_1245 : i32 to index
      %get3A_1248 = arith.constant 0 : index
      %get3A_1249 = tpu.vector_load %arg6[%get3A_1246, %get3A_1247, %get3A_1248] {strides = array<i32>} : memref<2x128x128xf32, #tpu.memory_space<vmem>>, vector<1x1x16xf32>,
      %get3A_1250 = vector.shape_cast %get3A_1249 : vector<1x1x16xf32> to vector<16xf32>
      %add3A_1251 = arith.addf %add3A_1243, %get3A_1250 : vector<16xf32>
      %get3A_1252 = arith.constant 0 : i32
      %get3A_1253 = arith.constant 71 : i32
      %get3A_1254 = arith.index_cast %get3A_1252 : i32 to index
      %get3A_1255 = arith.index_cast %get3A_1253 : i32 to index
      %get3A_1256 = arith.constant 0 : index
      %get3A_1257 = tpu.vector_load %arg6[%get3A_1254, %get3A_1255, %get3A_1256] {strides = array<i32>} : memref<2x128x128xf32, #tpu.memory_space<vmem>>, vector<1x1x16xf32>,
      %get3A_1258 = vector.shape_cast %get3A_1257 : vector<1x1x16xf32> to vector<16xf32>
      %add3A_1259 = arith.addf %add3A_1251, %get3A_1258 : vector<16xf32>
      %mul3A_1260 = arith.constant 16 : i32
      %mul3A_1261 = arith.muli %mul3A_32, %mul3A_1260 : i32
      %add3A_1262 = arith.constant 8 : i32
      %add3A_1263 = arith.addi %mul3A_1261, %add3A_1262 : i32
      %swap3A_1264 = arith.index_cast %add3A_1263 : i32 to index
      %swap3A_1265 = arith.constant 0 : index
      %swap3A_1266 = tpu.vector_load %arg7[%swap3A_1264, %swap3A_1265] {strides = array<i32>} : memref<256x32xf32, #tpu.memory_space<vmem>>, vector<1x16xf32>,
      %swap3A_1267 = vector.shape_cast %swap3A_1266 : vector<1x16xf32> to vector<16xf32>
      %swap3A_1268 = vector.shape_cast %add3A_1259 : vector<16xf32> to vector<1x16xf32>
      tpu.vector_store %arg7[%swap3A_1264, %swap3A_1265], %swap3A_1268 {strides = array<i32>} : memref<256x32xf32, #tpu.memory_space<vmem>>, vector<1x16xf32>,
      %get3A_1269 = arith.constant 0 : i32
      %get3A_1270 = arith.constant 64 : i32
      %get3A_1271 = arith.index_cast %get3A_1269 : i32 to index
      %get3A_1272 = arith.index_cast %get3A_1270 : i32 to index
      %get3A_1273 = arith.constant 16 : index
      %get3A_1274 = tpu.vector_load %arg6[%get3A_1271, %get3A_1272, %get3A_1273] {strides = array<i32>} : memref<2x128x128xf32, #tpu.memory_space<vmem>>, vector<1x1x16xf32>,
      %get3A_1275 = vector.shape_cast %get3A_1274 : vector<1x1x16xf32> to vector<16xf32>
      %get3A_1276 = arith.constant 0 : i32
      %get3A_1277 = arith.constant 65 : i32
      %get3A_1278 = arith.index_cast %get3A_1276 : i32 to index
      %get3A_1279 = arith.index_cast %get3A_1277 : i32 to index
      %get3A_1280 = arith.constant 16 : index
      %get3A_1281 = tpu.vector_load %arg6[%get3A_1278, %get3A_1279, %get3A_1280] {strides = array<i32>} : memref<2x128x128xf32, #tpu.memory_space<vmem>>, vector<1x1x16xf32>,
      %get3A_1282 = vector.shape_cast %get3A_1281 : vector<1x1x16xf32> to vector<16xf32>
      %add3A_1283 = arith.addf %get3A_1275, %get3A_1282 : vector<16xf32>
      %get3A_1284 = arith.constant 0 : i32
      %get3A_1285 = arith.constant 66 : i32
      %get3A_1286 = arith.index_cast %get3A_1284 : i32 to index
      %get3A_1287 = arith.index_cast %get3A_1285 : i32 to index
      %get3A_1288 = arith.constant 16 : index
      %get3A_1289 = tpu.vector_load %arg6[%get3A_1286, %get3A_1287, %get3A_1288] {strides = array<i32>} : memref<2x128x128xf32, #tpu.memory_space<vmem>>, vector<1x1x16xf32>,
      %get3A_1290 = vector.shape_cast %get3A_1289 : vector<1x1x16xf32> to vector<16xf32>
      %add3A_1291 = arith.addf %add3A_1283, %get3A_1290 : vector<16xf32>
      %get3A_1292 = arith.constant 0 : i32
      %get3A_1293 = arith.constant 67 : i32
      %get3A_1294 = arith.index_cast %get3A_1292 : i32 to index
      %get3A_1295 = arith.index_cast %get3A_1293 : i32 to index
      %get3A_1296 = arith.constant 16 : index
      %get3A_1297 = tpu.vector_load %arg6[%get3A_1294, %get3A_1295, %get3A_1296] {strides = array<i32>} : memref<2x128x128xf32, #tpu.memory_space<vmem>>, vector<1x1x16xf32>,
      %get3A_1298 = vector.shape_cast %get3A_1297 : vector<1x1x16xf32> to vector<16xf32>
      %add3A_1299 = arith.addf %add3A_1291, %get3A_1298 : vector<16xf32>
      %get3A_1300 = arith.constant 0 : i32
      %get3A_1301 = arith.constant 68 : i32
      %get3A_1302 = arith.index_cast %get3A_1300 : i32 to index
      %get3A_1303 = arith.index_cast %get3A_1301 : i32 to index
      %get3A_1304 = arith.constant 16 : index
      %get3A_1305 = tpu.vector_load %arg6[%get3A_1302, %get3A_1303, %get3A_1304] {strides = array<i32>} : memref<2x128x128xf32, #tpu.memory_space<vmem>>, vector<1x1x16xf32>,
      %get3A_1306 = vector.shape_cast %get3A_1305 : vector<1x1x16xf32> to vector<16xf32>
      %add3A_1307 = arith.addf %add3A_1299, %get3A_1306 : vector<16xf32>
      %get3A_1308 = arith.constant 0 : i32
      %get3A_1309 = arith.constant 69 : i32
      %get3A_1310 = arith.index_cast %get3A_1308 : i32 to index
      %get3A_1311 = arith.index_cast %get3A_1309 : i32 to index
      %get3A_1312 = arith.constant 16 : index
      %get3A_1313 = tpu.vector_load %arg6[%get3A_1310, %get3A_1311, %get3A_1312] {strides = array<i32>} : memref<2x128x128xf32, #tpu.memory_space<vmem>>, vector<1x1x16xf32>,
      %get3A_1314 = vector.shape_cast %get3A_1313 : vector<1x1x16xf32> to vector<16xf32>
      %add3A_1315 = arith.addf %add3A_1307, %get3A_1314 : vector<16xf32>
      %get3A_1316 = arith.constant 0 : i32
      %get3A_1317 = arith.constant 70 : i32
      %get3A_1318 = arith.index_cast %get3A_1316 : i32 to index
      %get3A_1319 = arith.index_cast %get3A_1317 : i32 to index
      %get3A_1320 = arith.constant 16 : index
      %get3A_1321 = tpu.vector_load %arg6[%get3A_1318, %get3A_1319, %get3A_1320] {strides = array<i32>} : memref<2x128x128xf32, #tpu.memory_space<vmem>>, vector<1x1x16xf32>,
      %get3A_1322 = vector.shape_cast %get3A_1321 : vector<1x1x16xf32> to vector<16xf32>
      %add3A_1323 = arith.addf %add3A_1315, %get3A_1322 : vector<16xf32>
      %get3A_1324 = arith.constant 0 : i32
      %get3A_1325 = arith.constant 71 : i32
      %get3A_1326 = arith.index_cast %get3A_1324 : i32 to index
      %get3A_1327 = arith.index_cast %get3A_1325 : i32 to index
      %get3A_1328 = arith.constant 16 : index
      %get3A_1329 = tpu.vector_load %arg6[%get3A_1326, %get3A_1327, %get3A_1328] {strides = array<i32>} : memref<2x128x128xf32, #tpu.memory_space<vmem>>, vector<1x1x16xf32>,
      %get3A_1330 = vector.shape_cast %get3A_1329 : vector<1x1x16xf32> to vector<16xf32>
      %add3A_1331 = arith.addf %add3A_1323, %get3A_1330 : vector<16xf32>
      %mul3A_1332 = arith.constant 16 : i32
      %mul3A_1333 = arith.muli %mul3A_32, %mul3A_1332 : i32
      %add3A_1334 = arith.constant 8 : i32
      %add3A_1335 = arith.addi %mul3A_1333, %add3A_1334 : i32
      %swap3A_1336 = arith.index_cast %add3A_1335 : i32 to index
      %swap3A_1337 = arith.constant 16 : index
      %swap3A_1338 = tpu.vector_load %arg7[%swap3A_1336, %swap3A_1337] {strides = array<i32>} : memref<256x32xf32, #tpu.memory_space<vmem>>, vector<1x16xf32>,
      %swap3A_1339 = vector.shape_cast %swap3A_1338 : vector<1x16xf32> to vector<16xf32>
      %swap3A_1340 = vector.shape_cast %add3A_1331 : vector<16xf32> to vector<1x16xf32>
      tpu.vector_store %arg7[%swap3A_1336, %swap3A_1337], %swap3A_1340 {strides = array<i32>} : memref<256x32xf32, #tpu.memory_space<vmem>>, vector<1x16xf32>,
      %get3A_1341 = arith.constant 0 : i32
      %get3A_1342 = arith.constant 72 : i32
      %get3A_1343 = arith.index_cast %get3A_1341 : i32 to index
      %get3A_1344 = arith.index_cast %get3A_1342 : i32 to index
      %get3A_1345 = arith.constant 0 : index
      %get3A_1346 = tpu.vector_load %arg6[%get3A_1343, %get3A_1344, %get3A_1345] {strides = array<i32>} : memref<2x128x128xf32, #tpu.memory_space<vmem>>, vector<1x1x16xf32>,
      %get3A_1347 = vector.shape_cast %get3A_1346 : vector<1x1x16xf32> to vector<16xf32>
      %get3A_1348 = arith.constant 0 : i32
      %get3A_1349 = arith.constant 73 : i32
      %get3A_1350 = arith.index_cast %get3A_1348 : i32 to index
      %get3A_1351 = arith.index_cast %get3A_1349 : i32 to index
      %get3A_1352 = arith.constant 0 : index
      %get3A_1353 = tpu.vector_load %arg6[%get3A_1350, %get3A_1351, %get3A_1352] {strides = array<i32>} : memref<2x128x128xf32, #tpu.memory_space<vmem>>, vector<1x1x16xf32>,
      %get3A_1354 = vector.shape_cast %get3A_1353 : vector<1x1x16xf32> to vector<16xf32>
      %add3A_1355 = arith.addf %get3A_1347, %get3A_1354 : vector<16xf32>
      %get3A_1356 = arith.constant 0 : i32
      %get3A_1357 = arith.constant 74 : i32
      %get3A_1358 = arith.index_cast %get3A_1356 : i32 to index
      %get3A_1359 = arith.index_cast %get3A_1357 : i32 to index
      %get3A_1360 = arith.constant 0 : index
      %get3A_1361 = tpu.vector_load %arg6[%get3A_1358, %get3A_1359, %get3A_1360] {strides = array<i32>} : memref<2x128x128xf32, #tpu.memory_space<vmem>>, vector<1x1x16xf32>,
      %get3A_1362 = vector.shape_cast %get3A_1361 : vector<1x1x16xf32> to vector<16xf32>
      %add3A_1363 = arith.addf %add3A_1355, %get3A_1362 : vector<16xf32>
      %get3A_1364 = arith.constant 0 : i32
      %get3A_1365 = arith.constant 75 : i32
      %get3A_1366 = arith.index_cast %get3A_1364 : i32 to index
      %get3A_1367 = arith.index_cast %get3A_1365 : i32 to index
      %get3A_1368 = arith.constant 0 : index
      %get3A_1369 = tpu.vector_load %arg6[%get3A_1366, %get3A_1367, %get3A_1368] {strides = array<i32>} : memref<2x128x128xf32, #tpu.memory_space<vmem>>, vector<1x1x16xf32>,
      %get3A_1370 = vector.shape_cast %get3A_1369 : vector<1x1x16xf32> to vector<16xf32>
      %add3A_1371 = arith.addf %add3A_1363, %get3A_1370 : vector<16xf32>
      %get3A_1372 = arith.constant 0 : i32
      %get3A_1373 = arith.constant 76 : i32
      %get3A_1374 = arith.index_cast %get3A_1372 : i32 to index
      %get3A_1375 = arith.index_cast %get3A_1373 : i32 to index
      %get3A_1376 = arith.constant 0 : index
      %get3A_1377 = tpu.vector_load %arg6[%get3A_1374, %get3A_1375, %get3A_1376] {strides = array<i32>} : memref<2x128x128xf32, #tpu.memory_space<vmem>>, vector<1x1x16xf32>,
      %get3A_1378 = vector.shape_cast %get3A_1377 : vector<1x1x16xf32> to vector<16xf32>
      %add3A_1379 = arith.addf %add3A_1371, %get3A_1378 : vector<16xf32>
      %get3A_1380 = arith.constant 0 : i32
      %get3A_1381 = arith.constant 77 : i32
      %get3A_1382 = arith.index_cast %get3A_1380 : i32 to index
      %get3A_1383 = arith.index_cast %get3A_1381 : i32 to index
      %get3A_1384 = arith.constant 0 : index
      %get3A_1385 = tpu.vector_load %arg6[%get3A_1382, %get3A_1383, %get3A_1384] {strides = array<i32>} : memref<2x128x128xf32, #tpu.memory_space<vmem>>, vector<1x1x16xf32>,
      %get3A_1386 = vector.shape_cast %get3A_1385 : vector<1x1x16xf32> to vector<16xf32>
      %add3A_1387 = arith.addf %add3A_1379, %get3A_1386 : vector<16xf32>
      %get3A_1388 = arith.constant 0 : i32
      %get3A_1389 = arith.constant 78 : i32
      %get3A_1390 = arith.index_cast %get3A_1388 : i32 to index
      %get3A_1391 = arith.index_cast %get3A_1389 : i32 to index
      %get3A_1392 = arith.constant 0 : index
      %get3A_1393 = tpu.vector_load %arg6[%get3A_1390, %get3A_1391, %get3A_1392] {strides = array<i32>} : memref<2x128x128xf32, #tpu.memory_space<vmem>>, vector<1x1x16xf32>,
      %get3A_1394 = vector.shape_cast %get3A_1393 : vector<1x1x16xf32> to vector<16xf32>
      %add3A_1395 = arith.addf %add3A_1387, %get3A_1394 : vector<16xf32>
      %get3A_1396 = arith.constant 0 : i32
      %get3A_1397 = arith.constant 79 : i32
      %get3A_1398 = arith.index_cast %get3A_1396 : i32 to index
      %get3A_1399 = arith.index_cast %get3A_1397 : i32 to index
      %get3A_1400 = arith.constant 0 : index
      %get3A_1401 = tpu.vector_load %arg6[%get3A_1398, %get3A_1399, %get3A_1400] {strides = array<i32>} : memref<2x128x128xf32, #tpu.memory_space<vmem>>, vector<1x1x16xf32>,
      %get3A_1402 = vector.shape_cast %get3A_1401 : vector<1x1x16xf32> to vector<16xf32>
      %add3A_1403 = arith.addf %add3A_1395, %get3A_1402 : vector<16xf32>
      %mul3A_1404 = arith.constant 16 : i32
      %mul3A_1405 = arith.muli %mul3A_32, %mul3A_1404 : i32
      %add3A_1406 = arith.constant 9 : i32
      %add3A_1407 = arith.addi %mul3A_1405, %add3A_1406 : i32
      %swap3A_1408 = arith.index_cast %add3A_1407 : i32 to index
      %swap3A_1409 = arith.constant 0 : index
      %swap3A_1410 = tpu.vector_load %arg7[%swap3A_1408, %swap3A_1409] {strides = array<i32>} : memref<256x32xf32, #tpu.memory_space<vmem>>, vector<1x16xf32>,
      %swap3A_1411 = vector.shape_cast %swap3A_1410 : vector<1x16xf32> to vector<16xf32>
      %swap3A_1412 = vector.shape_cast %add3A_1403 : vector<16xf32> to vector<1x16xf32>
      tpu.vector_store %arg7[%swap3A_1408, %swap3A_1409], %swap3A_1412 {strides = array<i32>} : memref<256x32xf32, #tpu.memory_space<vmem>>, vector<1x16xf32>,
      %get3A_1413 = arith.constant 0 : i32
      %get3A_1414 = arith.constant 72 : i32
      %get3A_1415 = arith.index_cast %get3A_1413 : i32 to index
      %get3A_1416 = arith.index_cast %get3A_1414 : i32 to index
      %get3A_1417 = arith.constant 16 : index
      %get3A_1418 = tpu.vector_load %arg6[%get3A_1415, %get3A_1416, %get3A_1417] {strides = array<i32>} : memref<2x128x128xf32, #tpu.memory_space<vmem>>, vector<1x1x16xf32>,
      %get3A_1419 = vector.shape_cast %get3A_1418 : vector<1x1x16xf32> to vector<16xf32>
      %get3A_1420 = arith.constant 0 : i32
      %get3A_1421 = arith.constant 73 : i32
      %get3A_1422 = arith.index_cast %get3A_1420 : i32 to index
      %get3A_1423 = arith.index_cast %get3A_1421 : i32 to index
      %get3A_1424 = arith.constant 16 : index
      %get3A_1425 = tpu.vector_load %arg6[%get3A_1422, %get3A_1423, %get3A_1424] {strides = array<i32>} : memref<2x128x128xf32, #tpu.memory_space<vmem>>, vector<1x1x16xf32>,
      %get3A_1426 = vector.shape_cast %get3A_1425 : vector<1x1x16xf32> to vector<16xf32>
      %add3A_1427 = arith.addf %get3A_1419, %get3A_1426 : vector<16xf32>
      %get3A_1428 = arith.constant 0 : i32
      %get3A_1429 = arith.constant 74 : i32
      %get3A_1430 = arith.index_cast %get3A_1428 : i32 to index
      %get3A_1431 = arith.index_cast %get3A_1429 : i32 to index
      %get3A_1432 = arith.constant 16 : index
      %get3A_1433 = tpu.vector_load %arg6[%get3A_1430, %get3A_1431, %get3A_1432] {strides = array<i32>} : memref<2x128x128xf32, #tpu.memory_space<vmem>>, vector<1x1x16xf32>,
      %get3A_1434 = vector.shape_cast %get3A_1433 : vector<1x1x16xf32> to vector<16xf32>
      %add3A_1435 = arith.addf %add3A_1427, %get3A_1434 : vector<16xf32>
      %get3A_1436 = arith.constant 0 : i32
      %get3A_1437 = arith.constant 75 : i32
      %get3A_1438 = arith.index_cast %get3A_1436 : i32 to index
      %get3A_1439 = arith.index_cast %get3A_1437 : i32 to index
      %get3A_1440 = arith.constant 16 : index
      %get3A_1441 = tpu.vector_load %arg6[%get3A_1438, %get3A_1439, %get3A_1440] {strides = array<i32>} : memref<2x128x128xf32, #tpu.memory_space<vmem>>, vector<1x1x16xf32>,
      %get3A_1442 = vector.shape_cast %get3A_1441 : vector<1x1x16xf32> to vector<16xf32>
      %add3A_1443 = arith.addf %add3A_1435, %get3A_1442 : vector<16xf32>
      %get3A_1444 = arith.constant 0 : i32
      %get3A_1445 = arith.constant 76 : i32
      %get3A_1446 = arith.index_cast %get3A_1444 : i32 to index
      %get3A_1447 = arith.index_cast %get3A_1445 : i32 to index
      %get3A_1448 = arith.constant 16 : index
      %get3A_1449 = tpu.vector_load %arg6[%get3A_1446, %get3A_1447, %get3A_1448] {strides = array<i32>} : memref<2x128x128xf32, #tpu.memory_space<vmem>>, vector<1x1x16xf32>,
      %get3A_1450 = vector.shape_cast %get3A_1449 : vector<1x1x16xf32> to vector<16xf32>
      %add3A_1451 = arith.addf %add3A_1443, %get3A_1450 : vector<16xf32>
      %get3A_1452 = arith.constant 0 : i32
      %get3A_1453 = arith.constant 77 : i32
      %get3A_1454 = arith.index_cast %get3A_1452 : i32 to index
      %get3A_1455 = arith.index_cast %get3A_1453 : i32 to index
      %get3A_1456 = arith.constant 16 : index
      %get3A_1457 = tpu.vector_load %arg6[%get3A_1454, %get3A_1455, %get3A_1456] {strides = array<i32>} : memref<2x128x128xf32, #tpu.memory_space<vmem>>, vector<1x1x16xf32>,
      %get3A_1458 = vector.shape_cast %get3A_1457 : vector<1x1x16xf32> to vector<16xf32>
      %add3A_1459 = arith.addf %add3A_1451, %get3A_1458 : vector<16xf32>
      %get3A_1460 = arith.constant 0 : i32
      %get3A_1461 = arith.constant 78 : i32
      %get3A_1462 = arith.index_cast %get3A_1460 : i32 to index
      %get3A_1463 = arith.index_cast %get3A_1461 : i32 to index
      %get3A_1464 = arith.constant 16 : index
      %get3A_1465 = tpu.vector_load %arg6[%get3A_1462, %get3A_1463, %get3A_1464] {strides = array<i32>} : memref<2x128x128xf32, #tpu.memory_space<vmem>>, vector<1x1x16xf32>,
      %get3A_1466 = vector.shape_cast %get3A_1465 : vector<1x1x16xf32> to vector<16xf32>
      %add3A_1467 = arith.addf %add3A_1459, %get3A_1466 : vector<16xf32>
      %get3A_1468 = arith.constant 0 : i32
      %get3A_1469 = arith.constant 79 : i32
      %get3A_1470 = arith.index_cast %get3A_1468 : i32 to index
      %get3A_1471 = arith.index_cast %get3A_1469 : i32 to index
      %get3A_1472 = arith.constant 16 : index
      %get3A_1473 = tpu.vector_load %arg6[%get3A_1470, %get3A_1471, %get3A_1472] {strides = array<i32>} : memref<2x128x128xf32, #tpu.memory_space<vmem>>, vector<1x1x16xf32>,
      %get3A_1474 = vector.shape_cast %get3A_1473 : vector<1x1x16xf32> to vector<16xf32>
      %add3A_1475 = arith.addf %add3A_1467, %get3A_1474 : vector<16xf32>
      %mul3A_1476 = arith.constant 16 : i32
      %mul3A_1477 = arith.muli %mul3A_32, %mul3A_1476 : i32
      %add3A_1478 = arith.constant 9 : i32
      %add3A_1479 = arith.addi %mul3A_1477, %add3A_1478 : i32
      %swap3A_1480 = arith.index_cast %add3A_1479 : i32 to index
      %swap3A_1481 = arith.constant 16 : index
      %swap3A_1482 = tpu.vector_load %arg7[%swap3A_1480, %swap3A_1481] {strides = array<i32>} : memref<256x32xf32, #tpu.memory_space<vmem>>, vector<1x16xf32>,
      %swap3A_1483 = vector.shape_cast %swap3A_1482 : vector<1x16xf32> to vector<16xf32>
      %swap3A_1484 = vector.shape_cast %add3A_1475 : vector<16xf32> to vector<1x16xf32>
      tpu.vector_store %arg7[%swap3A_1480, %swap3A_1481], %swap3A_1484 {strides = array<i32>} : memref<256x32xf32, #tpu.memory_space<vmem>>, vector<1x16xf32>,
      %get3A_1485 = arith.constant 0 : i32
      %get3A_1486 = arith.constant 80 : i32
      %get3A_1487 = arith.index_cast %get3A_1485 : i32 to index
      %get3A_1488 = arith.index_cast %get3A_1486 : i32 to index
      %get3A_1489 = arith.constant 0 : index
      %get3A_1490 = tpu.vector_load %arg6[%get3A_1487, %get3A_1488, %get3A_1489] {strides = array<i32>} : memref<2x128x128xf32, #tpu.memory_space<vmem>>, vector<1x1x16xf32>,
      %get3A_1491 = vector.shape_cast %get3A_1490 : vector<1x1x16xf32> to vector<16xf32>
      %get3A_1492 = arith.constant 0 : i32
      %get3A_1493 = arith.constant 81 : i32
      %get3A_1494 = arith.index_cast %get3A_1492 : i32 to index
      %get3A_1495 = arith.index_cast %get3A_1493 : i32 to index
      %get3A_1496 = arith.constant 0 : index
      %get3A_1497 = tpu.vector_load %arg6[%get3A_1494, %get3A_1495, %get3A_1496] {strides = array<i32>} : memref<2x128x128xf32, #tpu.memory_space<vmem>>, vector<1x1x16xf32>,
      %get3A_1498 = vector.shape_cast %get3A_1497 : vector<1x1x16xf32> to vector<16xf32>
      %add3A_1499 = arith.addf %get3A_1491, %get3A_1498 : vector<16xf32>
      %get3A_1500 = arith.constant 0 : i32
      %get3A_1501 = arith.constant 82 : i32
      %get3A_1502 = arith.index_cast %get3A_1500 : i32 to index
      %get3A_1503 = arith.index_cast %get3A_1501 : i32 to index
      %get3A_1504 = arith.constant 0 : index
      %get3A_1505 = tpu.vector_load %arg6[%get3A_1502, %get3A_1503, %get3A_1504] {strides = array<i32>} : memref<2x128x128xf32, #tpu.memory_space<vmem>>, vector<1x1x16xf32>,
      %get3A_1506 = vector.shape_cast %get3A_1505 : vector<1x1x16xf32> to vector<16xf32>
      %add3A_1507 = arith.addf %add3A_1499, %get3A_1506 : vector<16xf32>
      %get3A_1508 = arith.constant 0 : i32
      %get3A_1509 = arith.constant 83 : i32
      %get3A_1510 = arith.index_cast %get3A_1508 : i32 to index
      %get3A_1511 = arith.index_cast %get3A_1509 : i32 to index
      %get3A_1512 = arith.constant 0 : index
      %get3A_1513 = tpu.vector_load %arg6[%get3A_1510, %get3A_1511, %get3A_1512] {strides = array<i32>} : memref<2x128x128xf32, #tpu.memory_space<vmem>>, vector<1x1x16xf32>,
      %get3A_1514 = vector.shape_cast %get3A_1513 : vector<1x1x16xf32> to vector<16xf32>
      %add3A_1515 = arith.addf %add3A_1507, %get3A_1514 : vector<16xf32>
      %get3A_1516 = arith.constant 0 : i32
      %get3A_1517 = arith.constant 84 : i32
      %get3A_1518 = arith.index_cast %get3A_1516 : i32 to index
      %get3A_1519 = arith.index_cast %get3A_1517 : i32 to index
      %get3A_1520 = arith.constant 0 : index
      %get3A_1521 = tpu.vector_load %arg6[%get3A_1518, %get3A_1519, %get3A_1520] {strides = array<i32>} : memref<2x128x128xf32, #tpu.memory_space<vmem>>, vector<1x1x16xf32>,
      %get3A_1522 = vector.shape_cast %get3A_1521 : vector<1x1x16xf32> to vector<16xf32>
      %add3A_1523 = arith.addf %add3A_1515, %get3A_1522 : vector<16xf32>
      %get3A_1524 = arith.constant 0 : i32
      %get3A_1525 = arith.constant 85 : i32
      %get3A_1526 = arith.index_cast %get3A_1524 : i32 to index
      %get3A_1527 = arith.index_cast %get3A_1525 : i32 to index
      %get3A_1528 = arith.constant 0 : index
      %get3A_1529 = tpu.vector_load %arg6[%get3A_1526, %get3A_1527, %get3A_1528] {strides = array<i32>} : memref<2x128x128xf32, #tpu.memory_space<vmem>>, vector<1x1x16xf32>,
      %get3A_1530 = vector.shape_cast %get3A_1529 : vector<1x1x16xf32> to vector<16xf32>
      %add3A_1531 = arith.addf %add3A_1523, %get3A_1530 : vector<16xf32>
      %get3A_1532 = arith.constant 0 : i32
      %get3A_1533 = arith.constant 86 : i32
      %get3A_1534 = arith.index_cast %get3A_1532 : i32 to index
      %get3A_1535 = arith.index_cast %get3A_1533 : i32 to index
      %get3A_1536 = arith.constant 0 : index
      %get3A_1537 = tpu.vector_load %arg6[%get3A_1534, %get3A_1535, %get3A_1536] {strides = array<i32>} : memref<2x128x128xf32, #tpu.memory_space<vmem>>, vector<1x1x16xf32>,
      %get3A_1538 = vector.shape_cast %get3A_1537 : vector<1x1x16xf32> to vector<16xf32>
      %add3A_1539 = arith.addf %add3A_1531, %get3A_1538 : vector<16xf32>
      %get3A_1540 = arith.constant 0 : i32
      %get3A_1541 = arith.constant 87 : i32
      %get3A_1542 = arith.index_cast %get3A_1540 : i32 to index
      %get3A_1543 = arith.index_cast %get3A_1541 : i32 to index
      %get3A_1544 = arith.constant 0 : index
      %get3A_1545 = tpu.vector_load %arg6[%get3A_1542, %get3A_1543, %get3A_1544] {strides = array<i32>} : memref<2x128x128xf32, #tpu.memory_space<vmem>>, vector<1x1x16xf32>,
      %get3A_1546 = vector.shape_cast %get3A_1545 : vector<1x1x16xf32> to vector<16xf32>
      %add3A_1547 = arith.addf %add3A_1539, %get3A_1546 : vector<16xf32>
      %mul3A_1548 = arith.constant 16 : i32
      %mul3A_1549 = arith.muli %mul3A_32, %mul3A_1548 : i32
      %add3A_1550 = arith.constant 10 : i32
      %add3A_1551 = arith.addi %mul3A_1549, %add3A_1550 : i32
      %swap3A_1552 = arith.index_cast %add3A_1551 : i32 to index
      %swap3A_1553 = arith.constant 0 : index
      %swap3A_1554 = tpu.vector_load %arg7[%swap3A_1552, %swap3A_1553] {strides = array<i32>} : memref<256x32xf32, #tpu.memory_space<vmem>>, vector<1x16xf32>,
      %swap3A_1555 = vector.shape_cast %swap3A_1554 : vector<1x16xf32> to vector<16xf32>
      %swap3A_1556 = vector.shape_cast %add3A_1547 : vector<16xf32> to vector<1x16xf32>
      tpu.vector_store %arg7[%swap3A_1552, %swap3A_1553], %swap3A_1556 {strides = array<i32>} : memref<256x32xf32, #tpu.memory_space<vmem>>, vector<1x16xf32>,
      %get3A_1557 = arith.constant 0 : i32
      %get3A_1558 = arith.constant 80 : i32
      %get3A_1559 = arith.index_cast %get3A_1557 : i32 to index
      %get3A_1560 = arith.index_cast %get3A_1558 : i32 to index
      %get3A_1561 = arith.constant 16 : index
      %get3A_1562 = tpu.vector_load %arg6[%get3A_1559, %get3A_1560, %get3A_1561] {strides = array<i32>} : memref<2x128x128xf32, #tpu.memory_space<vmem>>, vector<1x1x16xf32>,
      %get3A_1563 = vector.shape_cast %get3A_1562 : vector<1x1x16xf32> to vector<16xf32>
      %get3A_1564 = arith.constant 0 : i32
      %get3A_1565 = arith.constant 81 : i32
      %get3A_1566 = arith.index_cast %get3A_1564 : i32 to index
      %get3A_1567 = arith.index_cast %get3A_1565 : i32 to index
      %get3A_1568 = arith.constant 16 : index
      %get3A_1569 = tpu.vector_load %arg6[%get3A_1566, %get3A_1567, %get3A_1568] {strides = array<i32>} : memref<2x128x128xf32, #tpu.memory_space<vmem>>, vector<1x1x16xf32>,
      %get3A_1570 = vector.shape_cast %get3A_1569 : vector<1x1x16xf32> to vector<16xf32>
      %add3A_1571 = arith.addf %get3A_1563, %get3A_1570 : vector<16xf32>
      %get3A_1572 = arith.constant 0 : i32
      %get3A_1573 = arith.constant 82 : i32
      %get3A_1574 = arith.index_cast %get3A_1572 : i32 to index
      %get3A_1575 = arith.index_cast %get3A_1573 : i32 to index
      %get3A_1576 = arith.constant 16 : index
      %get3A_1577 = tpu.vector_load %arg6[%get3A_1574, %get3A_1575, %get3A_1576] {strides = array<i32>} : memref<2x128x128xf32, #tpu.memory_space<vmem>>, vector<1x1x16xf32>,
      %get3A_1578 = vector.shape_cast %get3A_1577 : vector<1x1x16xf32> to vector<16xf32>
      %add3A_1579 = arith.addf %add3A_1571, %get3A_1578 : vector<16xf32>
      %get3A_1580 = arith.constant 0 : i32
      %get3A_1581 = arith.constant 83 : i32
      %get3A_1582 = arith.index_cast %get3A_1580 : i32 to index
      %get3A_1583 = arith.index_cast %get3A_1581 : i32 to index
      %get3A_1584 = arith.constant 16 : index
      %get3A_1585 = tpu.vector_load %arg6[%get3A_1582, %get3A_1583, %get3A_1584] {strides = array<i32>} : memref<2x128x128xf32, #tpu.memory_space<vmem>>, vector<1x1x16xf32>,
      %get3A_1586 = vector.shape_cast %get3A_1585 : vector<1x1x16xf32> to vector<16xf32>
      %add3A_1587 = arith.addf %add3A_1579, %get3A_1586 : vector<16xf32>
      %get3A_1588 = arith.constant 0 : i32
      %get3A_1589 = arith.constant 84 : i32
      %get3A_1590 = arith.index_cast %get3A_1588 : i32 to index
      %get3A_1591 = arith.index_cast %get3A_1589 : i32 to index
      %get3A_1592 = arith.constant 16 : index
      %get3A_1593 = tpu.vector_load %arg6[%get3A_1590, %get3A_1591, %get3A_1592] {strides = array<i32>} : memref<2x128x128xf32, #tpu.memory_space<vmem>>, vector<1x1x16xf32>,
      %get3A_1594 = vector.shape_cast %get3A_1593 : vector<1x1x16xf32> to vector<16xf32>
      %add3A_1595 = arith.addf %add3A_1587, %get3A_1594 : vector<16xf32>
      %get3A_1596 = arith.constant 0 : i32
      %get3A_1597 = arith.constant 85 : i32
      %get3A_1598 = arith.index_cast %get3A_1596 : i32 to index
      %get3A_1599 = arith.index_cast %get3A_1597 : i32 to index
      %get3A_1600 = arith.constant 16 : index
      %get3A_1601 = tpu.vector_load %arg6[%get3A_1598, %get3A_1599, %get3A_1600] {strides = array<i32>} : memref<2x128x128xf32, #tpu.memory_space<vmem>>, vector<1x1x16xf32>,
      %get3A_1602 = vector.shape_cast %get3A_1601 : vector<1x1x16xf32> to vector<16xf32>
      %add3A_1603 = arith.addf %add3A_1595, %get3A_1602 : vector<16xf32>
      %get3A_1604 = arith.constant 0 : i32
      %get3A_1605 = arith.constant 86 : i32
      %get3A_1606 = arith.index_cast %get3A_1604 : i32 to index
      %get3A_1607 = arith.index_cast %get3A_1605 : i32 to index
      %get3A_1608 = arith.constant 16 : index
      %get3A_1609 = tpu.vector_load %arg6[%get3A_1606, %get3A_1607, %get3A_1608] {strides = array<i32>} : memref<2x128x128xf32, #tpu.memory_space<vmem>>, vector<1x1x16xf32>,
      %get3A_1610 = vector.shape_cast %get3A_1609 : vector<1x1x16xf32> to vector<16xf32>
      %add3A_1611 = arith.addf %add3A_1603, %get3A_1610 : vector<16xf32>
      %get3A_1612 = arith.constant 0 : i32
      %get3A_1613 = arith.constant 87 : i32
      %get3A_1614 = arith.index_cast %get3A_1612 : i32 to index
      %get3A_1615 = arith.index_cast %get3A_1613 : i32 to index
      %get3A_1616 = arith.constant 16 : index
      %get3A_1617 = tpu.vector_load %arg6[%get3A_1614, %get3A_1615, %get3A_1616] {strides = array<i32>} : memref<2x128x128xf32, #tpu.memory_space<vmem>>, vector<1x1x16xf32>,
      %get3A_1618 = vector.shape_cast %get3A_1617 : vector<1x1x16xf32> to vector<16xf32>
      %add3A_1619 = arith.addf %add3A_1611, %get3A_1618 : vector<16xf32>
      %mul3A_1620 = arith.constant 16 : i32
      %mul3A_1621 = arith.muli %mul3A_32, %mul3A_1620 : i32
      %add3A_1622 = arith.constant 10 : i32
      %add3A_1623 = arith.addi %mul3A_1621, %add3A_1622 : i32
      %swap3A_1624 = arith.index_cast %add3A_1623 : i32 to index
      %swap3A_1625 = arith.constant 16 : index
      %swap3A_1626 = tpu.vector_load %arg7[%swap3A_1624, %swap3A_1625] {strides = array<i32>} : memref<256x32xf32, #tpu.memory_space<vmem>>, vector<1x16xf32>,
      %swap3A_1627 = vector.shape_cast %swap3A_1626 : vector<1x16xf32> to vector<16xf32>
      %swap3A_1628 = vector.shape_cast %add3A_1619 : vector<16xf32> to vector<1x16xf32>
      tpu.vector_store %arg7[%swap3A_1624, %swap3A_1625], %swap3A_1628 {strides = array<i32>} : memref<256x32xf32, #tpu.memory_space<vmem>>, vector<1x16xf32>,
      %get3A_1629 = arith.constant 0 : i32
      %get3A_1630 = arith.constant 88 : i32
      %get3A_1631 = arith.index_cast %get3A_1629 : i32 to index
      %get3A_1632 = arith.index_cast %get3A_1630 : i32 to index
      %get3A_1633 = arith.constant 0 : index
      %get3A_1634 = tpu.vector_load %arg6[%get3A_1631, %get3A_1632, %get3A_1633] {strides = array<i32>} : memref<2x128x128xf32, #tpu.memory_space<vmem>>, vector<1x1x16xf32>,
      %get3A_1635 = vector.shape_cast %get3A_1634 : vector<1x1x16xf32> to vector<16xf32>
      %get3A_1636 = arith.constant 0 : i32
      %get3A_1637 = arith.constant 89 : i32
      %get3A_1638 = arith.index_cast %get3A_1636 : i32 to index
      %get3A_1639 = arith.index_cast %get3A_1637 : i32 to index
      %get3A_1640 = arith.constant 0 : index
      %get3A_1641 = tpu.vector_load %arg6[%get3A_1638, %get3A_1639, %get3A_1640] {strides = array<i32>} : memref<2x128x128xf32, #tpu.memory_space<vmem>>, vector<1x1x16xf32>,
      %get3A_1642 = vector.shape_cast %get3A_1641 : vector<1x1x16xf32> to vector<16xf32>
      %add3A_1643 = arith.addf %get3A_1635, %get3A_1642 : vector<16xf32>
      %get3A_1644 = arith.constant 0 : i32
      %get3A_1645 = arith.constant 90 : i32
      %get3A_1646 = arith.index_cast %get3A_1644 : i32 to index
      %get3A_1647 = arith.index_cast %get3A_1645 : i32 to index
      %get3A_1648 = arith.constant 0 : index
      %get3A_1649 = tpu.vector_load %arg6[%get3A_1646, %get3A_1647, %get3A_1648] {strides = array<i32>} : memref<2x128x128xf32, #tpu.memory_space<vmem>>, vector<1x1x16xf32>,
      %get3A_1650 = vector.shape_cast %get3A_1649 : vector<1x1x16xf32> to vector<16xf32>
      %add3A_1651 = arith.addf %add3A_1643, %get3A_1650 : vector<16xf32>
      %get3A_1652 = arith.constant 0 : i32
      %get3A_1653 = arith.constant 91 : i32
      %get3A_1654 = arith.index_cast %get3A_1652 : i32 to index
      %get3A_1655 = arith.index_cast %get3A_1653 : i32 to index
      %get3A_1656 = arith.constant 0 : index
      %get3A_1657 = tpu.vector_load %arg6[%get3A_1654, %get3A_1655, %get3A_1656] {strides = array<i32>} : memref<2x128x128xf32, #tpu.memory_space<vmem>>, vector<1x1x16xf32>,
      %get3A_1658 = vector.shape_cast %get3A_1657 : vector<1x1x16xf32> to vector<16xf32>
      %add3A_1659 = arith.addf %add3A_1651, %get3A_1658 : vector<16xf32>
      %get3A_1660 = arith.constant 0 : i32
      %get3A_1661 = arith.constant 92 : i32
      %get3A_1662 = arith.index_cast %get3A_1660 : i32 to index
      %get3A_1663 = arith.index_cast %get3A_1661 : i32 to index
      %get3A_1664 = arith.constant 0 : index
      %get3A_1665 = tpu.vector_load %arg6[%get3A_1662, %get3A_1663, %get3A_1664] {strides = array<i32>} : memref<2x128x128xf32, #tpu.memory_space<vmem>>, vector<1x1x16xf32>,
      %get3A_1666 = vector.shape_cast %get3A_1665 : vector<1x1x16xf32> to vector<16xf32>
      %add3A_1667 = arith.addf %add3A_1659, %get3A_1666 : vector<16xf32>
      %get3A_1668 = arith.constant 0 : i32
      %get3A_1669 = arith.constant 93 : i32
      %get3A_1670 = arith.index_cast %get3A_1668 : i32 to index
      %get3A_1671 = arith.index_cast %get3A_1669 : i32 to index
      %get3A_1672 = arith.constant 0 : index
      %get3A_1673 = tpu.vector_load %arg6[%get3A_1670, %get3A_1671, %get3A_1672] {strides = array<i32>} : memref<2x128x128xf32, #tpu.memory_space<vmem>>, vector<1x1x16xf32>,
      %get3A_1674 = vector.shape_cast %get3A_1673 : vector<1x1x16xf32> to vector<16xf32>
      %add3A_1675 = arith.addf %add3A_1667, %get3A_1674 : vector<16xf32>
      %get3A_1676 = arith.constant 0 : i32
      %get3A_1677 = arith.constant 94 : i32
      %get3A_1678 = arith.index_cast %get3A_1676 : i32 to index
      %get3A_1679 = arith.index_cast %get3A_1677 : i32 to index
      %get3A_1680 = arith.constant 0 : index
      %get3A_1681 = tpu.vector_load %arg6[%get3A_1678, %get3A_1679, %get3A_1680] {strides = array<i32>} : memref<2x128x128xf32, #tpu.memory_space<vmem>>, vector<1x1x16xf32>,
      %get3A_1682 = vector.shape_cast %get3A_1681 : vector<1x1x16xf32> to vector<16xf32>
      %add3A_1683 = arith.addf %add3A_1675, %get3A_1682 : vector<16xf32>
      %get3A_1684 = arith.constant 0 : i32
      %get3A_1685 = arith.constant 95 : i32
      %get3A_1686 = arith.index_cast %get3A_1684 : i32 to index
      %get3A_1687 = arith.index_cast %get3A_1685 : i32 to index
      %get3A_1688 = arith.constant 0 : index
      %get3A_1689 = tpu.vector_load %arg6[%get3A_1686, %get3A_1687, %get3A_1688] {strides = array<i32>} : memref<2x128x128xf32, #tpu.memory_space<vmem>>, vector<1x1x16xf32>,
      %get3A_1690 = vector.shape_cast %get3A_1689 : vector<1x1x16xf32> to vector<16xf32>
      %add3A_1691 = arith.addf %add3A_1683, %get3A_1690 : vector<16xf32>
      %mul3A_1692 = arith.constant 16 : i32
      %mul3A_1693 = arith.muli %mul3A_32, %mul3A_1692 : i32
      %add3A_1694 = arith.constant 11 : i32
      %add3A_1695 = arith.addi %mul3A_1693, %add3A_1694 : i32
      %swap3A_1696 = arith.index_cast %add3A_1695 : i32 to index
      %swap3A_1697 = arith.constant 0 : index
      %swap3A_1698 = tpu.vector_load %arg7[%swap3A_1696, %swap3A_1697] {strides = array<i32>} : memref<256x32xf32, #tpu.memory_space<vmem>>, vector<1x16xf32>,
      %swap3A_1699 = vector.shape_cast %swap3A_1698 : vector<1x16xf32> to vector<16xf32>
      %swap3A_1700 = vector.shape_cast %add3A_1691 : vector<16xf32> to vector<1x16xf32>
      tpu.vector_store %arg7[%swap3A_1696, %swap3A_1697], %swap3A_1700 {strides = array<i32>} : memref<256x32xf32, #tpu.memory_space<vmem>>, vector<1x16xf32>,
      %get3A_1701 = arith.constant 0 : i32
      %get3A_1702 = arith.constant 88 : i32
      %get3A_1703 = arith.index_cast %get3A_1701 : i32 to index
      %get3A_1704 = arith.index_cast %get3A_1702 : i32 to index
      %get3A_1705 = arith.constant 16 : index
      %get3A_1706 = tpu.vector_load %arg6[%get3A_1703, %get3A_1704, %get3A_1705] {strides = array<i32>} : memref<2x128x128xf32, #tpu.memory_space<vmem>>, vector<1x1x16xf32>,
      %get3A_1707 = vector.shape_cast %get3A_1706 : vector<1x1x16xf32> to vector<16xf32>
      %get3A_1708 = arith.constant 0 : i32
      %get3A_1709 = arith.constant 89 : i32
      %get3A_1710 = arith.index_cast %get3A_1708 : i32 to index
      %get3A_1711 = arith.index_cast %get3A_1709 : i32 to index
      %get3A_1712 = arith.constant 16 : index
      %get3A_1713 = tpu.vector_load %arg6[%get3A_1710, %get3A_1711, %get3A_1712] {strides = array<i32>} : memref<2x128x128xf32, #tpu.memory_space<vmem>>, vector<1x1x16xf32>,
      %get3A_1714 = vector.shape_cast %get3A_1713 : vector<1x1x16xf32> to vector<16xf32>
      %add3A_1715 = arith.addf %get3A_1707, %get3A_1714 : vector<16xf32>
      %get3A_1716 = arith.constant 0 : i32
      %get3A_1717 = arith.constant 90 : i32
      %get3A_1718 = arith.index_cast %get3A_1716 : i32 to index
      %get3A_1719 = arith.index_cast %get3A_1717 : i32 to index
      %get3A_1720 = arith.constant 16 : index
      %get3A_1721 = tpu.vector_load %arg6[%get3A_1718, %get3A_1719, %get3A_1720] {strides = array<i32>} : memref<2x128x128xf32, #tpu.memory_space<vmem>>, vector<1x1x16xf32>,
      %get3A_1722 = vector.shape_cast %get3A_1721 : vector<1x1x16xf32> to vector<16xf32>
      %add3A_1723 = arith.addf %add3A_1715, %get3A_1722 : vector<16xf32>
      %get3A_1724 = arith.constant 0 : i32
      %get3A_1725 = arith.constant 91 : i32
      %get3A_1726 = arith.index_cast %get3A_1724 : i32 to index
      %get3A_1727 = arith.index_cast %get3A_1725 : i32 to index
      %get3A_1728 = arith.constant 16 : index
      %get3A_1729 = tpu.vector_load %arg6[%get3A_1726, %get3A_1727, %get3A_1728] {strides = array<i32>} : memref<2x128x128xf32, #tpu.memory_space<vmem>>, vector<1x1x16xf32>,
      %get3A_1730 = vector.shape_cast %get3A_1729 : vector<1x1x16xf32> to vector<16xf32>
      %add3A_1731 = arith.addf %add3A_1723, %get3A_1730 : vector<16xf32>
      %get3A_1732 = arith.constant 0 : i32
      %get3A_1733 = arith.constant 92 : i32
      %get3A_1734 = arith.index_cast %get3A_1732 : i32 to index
      %get3A_1735 = arith.index_cast %get3A_1733 : i32 to index
      %get3A_1736 = arith.constant 16 : index
      %get3A_1737 = tpu.vector_load %arg6[%get3A_1734, %get3A_1735, %get3A_1736] {strides = array<i32>} : memref<2x128x128xf32, #tpu.memory_space<vmem>>, vector<1x1x16xf32>,
      %get3A_1738 = vector.shape_cast %get3A_1737 : vector<1x1x16xf32> to vector<16xf32>
      %add3A_1739 = arith.addf %add3A_1731, %get3A_1738 : vector<16xf32>
      %get3A_1740 = arith.constant 0 : i32
      %get3A_1741 = arith.constant 93 : i32
      %get3A_1742 = arith.index_cast %get3A_1740 : i32 to index
      %get3A_1743 = arith.index_cast %get3A_1741 : i32 to index
      %get3A_1744 = arith.constant 16 : index
      %get3A_1745 = tpu.vector_load %arg6[%get3A_1742, %get3A_1743, %get3A_1744] {strides = array<i32>} : memref<2x128x128xf32, #tpu.memory_space<vmem>>, vector<1x1x16xf32>,
      %get3A_1746 = vector.shape_cast %get3A_1745 : vector<1x1x16xf32> to vector<16xf32>
      %add3A_1747 = arith.addf %add3A_1739, %get3A_1746 : vector<16xf32>
      %get3A_1748 = arith.constant 0 : i32
      %get3A_1749 = arith.constant 94 : i32
      %get3A_1750 = arith.index_cast %get3A_1748 : i32 to index
      %get3A_1751 = arith.index_cast %get3A_1749 : i32 to index
      %get3A_1752 = arith.constant 16 : index
      %get3A_1753 = tpu.vector_load %arg6[%get3A_1750, %get3A_1751, %get3A_1752] {strides = array<i32>} : memref<2x128x128xf32, #tpu.memory_space<vmem>>, vector<1x1x16xf32>,
      %get3A_1754 = vector.shape_cast %get3A_1753 : vector<1x1x16xf32> to vector<16xf32>
      %add3A_1755 = arith.addf %add3A_1747, %get3A_1754 : vector<16xf32>
      %get3A_1756 = arith.constant 0 : i32
      %get3A_1757 = arith.constant 95 : i32
      %get3A_1758 = arith.index_cast %get3A_1756 : i32 to index
      %get3A_1759 = arith.index_cast %get3A_1757 : i32 to index
      %get3A_1760 = arith.constant 16 : index
      %get3A_1761 = tpu.vector_load %arg6[%get3A_1758, %get3A_1759, %get3A_1760] {strides = array<i32>} : memref<2x128x128xf32, #tpu.memory_space<vmem>>, vector<1x1x16xf32>,
      %get3A_1762 = vector.shape_cast %get3A_1761 : vector<1x1x16xf32> to vector<16xf32>
      %add3A_1763 = arith.addf %add3A_1755, %get3A_1762 : vector<16xf32>
      %mul3A_1764 = arith.constant 16 : i32
      %mul3A_1765 = arith.muli %mul3A_32, %mul3A_1764 : i32
      %add3A_1766 = arith.constant 11 : i32
      %add3A_1767 = arith.addi %mul3A_1765, %add3A_1766 : i32
      %swap3A_1768 = arith.index_cast %add3A_1767 : i32 to index
      %swap3A_1769 = arith.constant 16 : index
      %swap3A_1770 = tpu.vector_load %arg7[%swap3A_1768, %swap3A_1769] {strides = array<i32>} : memref<256x32xf32, #tpu.memory_space<vmem>>, vector<1x16xf32>,
      %swap3A_1771 = vector.shape_cast %swap3A_1770 : vector<1x16xf32> to vector<16xf32>
      %swap3A_1772 = vector.shape_cast %add3A_1763 : vector<16xf32> to vector<1x16xf32>
      tpu.vector_store %arg7[%swap3A_1768, %swap3A_1769], %swap3A_1772 {strides = array<i32>} : memref<256x32xf32, #tpu.memory_space<vmem>>, vector<1x16xf32>,
      %get3A_1773 = arith.constant 0 : i32
      %get3A_1774 = arith.constant 96 : i32
      %get3A_1775 = arith.index_cast %get3A_1773 : i32 to index
      %get3A_1776 = arith.index_cast %get3A_1774 : i32 to index
      %get3A_1777 = arith.constant 0 : index
      %get3A_1778 = tpu.vector_load %arg6[%get3A_1775, %get3A_1776, %get3A_1777] {strides = array<i32>} : memref<2x128x128xf32, #tpu.memory_space<vmem>>, vector<1x1x16xf32>,
      %get3A_1779 = vector.shape_cast %get3A_1778 : vector<1x1x16xf32> to vector<16xf32>
      %get3A_1780 = arith.constant 0 : i32
      %get3A_1781 = arith.constant 97 : i32
      %get3A_1782 = arith.index_cast %get3A_1780 : i32 to index
      %get3A_1783 = arith.index_cast %get3A_1781 : i32 to index
      %get3A_1784 = arith.constant 0 : index
      %get3A_1785 = tpu.vector_load %arg6[%get3A_1782, %get3A_1783, %get3A_1784] {strides = array<i32>} : memref<2x128x128xf32, #tpu.memory_space<vmem>>, vector<1x1x16xf32>,
      %get3A_1786 = vector.shape_cast %get3A_1785 : vector<1x1x16xf32> to vector<16xf32>
      %add3A_1787 = arith.addf %get3A_1779, %get3A_1786 : vector<16xf32>
      %get3A_1788 = arith.constant 0 : i32
      %get3A_1789 = arith.constant 98 : i32
      %get3A_1790 = arith.index_cast %get3A_1788 : i32 to index
      %get3A_1791 = arith.index_cast %get3A_1789 : i32 to index
      %get3A_1792 = arith.constant 0 : index
      %get3A_1793 = tpu.vector_load %arg6[%get3A_1790, %get3A_1791, %get3A_1792] {strides = array<i32>} : memref<2x128x128xf32, #tpu.memory_space<vmem>>, vector<1x1x16xf32>,
      %get3A_1794 = vector.shape_cast %get3A_1793 : vector<1x1x16xf32> to vector<16xf32>
      %add3A_1795 = arith.addf %add3A_1787, %get3A_1794 : vector<16xf32>
      %get3A_1796 = arith.constant 0 : i32
      %get3A_1797 = arith.constant 99 : i32
      %get3A_1798 = arith.index_cast %get3A_1796 : i32 to index
      %get3A_1799 = arith.index_cast %get3A_1797 : i32 to index
      %get3A_1800 = arith.constant 0 : index
      %get3A_1801 = tpu.vector_load %arg6[%get3A_1798, %get3A_1799, %get3A_1800] {strides = array<i32>} : memref<2x128x128xf32, #tpu.memory_space<vmem>>, vector<1x1x16xf32>,
      %get3A_1802 = vector.shape_cast %get3A_1801 : vector<1x1x16xf32> to vector<16xf32>
      %add3A_1803 = arith.addf %add3A_1795, %get3A_1802 : vector<16xf32>
      %get3A_1804 = arith.constant 0 : i32
      %get3A_1805 = arith.constant 100 : i32
      %get3A_1806 = arith.index_cast %get3A_1804 : i32 to index
      %get3A_1807 = arith.index_cast %get3A_1805 : i32 to index
      %get3A_1808 = arith.constant 0 : index
      %get3A_1809 = tpu.vector_load %arg6[%get3A_1806, %get3A_1807, %get3A_1808] {strides = array<i32>} : memref<2x128x128xf32, #tpu.memory_space<vmem>>, vector<1x1x16xf32>,
      %get3A_1810 = vector.shape_cast %get3A_1809 : vector<1x1x16xf32> to vector<16xf32>
      %add3A_1811 = arith.addf %add3A_1803, %get3A_1810 : vector<16xf32>
      %get3A_1812 = arith.constant 0 : i32
      %get3A_1813 = arith.constant 101 : i32
      %get3A_1814 = arith.index_cast %get3A_1812 : i32 to index
      %get3A_1815 = arith.index_cast %get3A_1813 : i32 to index
      %get3A_1816 = arith.constant 0 : index
      %get3A_1817 = tpu.vector_load %arg6[%get3A_1814, %get3A_1815, %get3A_1816] {strides = array<i32>} : memref<2x128x128xf32, #tpu.memory_space<vmem>>, vector<1x1x16xf32>,
      %get3A_1818 = vector.shape_cast %get3A_1817 : vector<1x1x16xf32> to vector<16xf32>
      %add3A_1819 = arith.addf %add3A_1811, %get3A_1818 : vector<16xf32>
      %get3A_1820 = arith.constant 0 : i32
      %get3A_1821 = arith.constant 102 : i32
      %get3A_1822 = arith.index_cast %get3A_1820 : i32 to index
      %get3A_1823 = arith.index_cast %get3A_1821 : i32 to index
      %get3A_1824 = arith.constant 0 : index
      %get3A_1825 = tpu.vector_load %arg6[%get3A_1822, %get3A_1823, %get3A_1824] {strides = array<i32>} : memref<2x128x128xf32, #tpu.memory_space<vmem>>, vector<1x1x16xf32>,
      %get3A_1826 = vector.shape_cast %get3A_1825 : vector<1x1x16xf32> to vector<16xf32>
      %add3A_1827 = arith.addf %add3A_1819, %get3A_1826 : vector<16xf32>
      %get3A_1828 = arith.constant 0 : i32
      %get3A_1829 = arith.constant 103 : i32
      %get3A_1830 = arith.index_cast %get3A_1828 : i32 to index
      %get3A_1831 = arith.index_cast %get3A_1829 : i32 to index
      %get3A_1832 = arith.constant 0 : index
      %get3A_1833 = tpu.vector_load %arg6[%get3A_1830, %get3A_1831, %get3A_1832] {strides = array<i32>} : memref<2x128x128xf32, #tpu.memory_space<vmem>>, vector<1x1x16xf32>,
      %get3A_1834 = vector.shape_cast %get3A_1833 : vector<1x1x16xf32> to vector<16xf32>
      %add3A_1835 = arith.addf %add3A_1827, %get3A_1834 : vector<16xf32>
      %mul3A_1836 = arith.constant 16 : i32
      %mul3A_1837 = arith.muli %mul3A_32, %mul3A_1836 : i32
      %add3A_1838 = arith.constant 12 : i32
      %add3A_1839 = arith.addi %mul3A_1837, %add3A_1838 : i32
      %swap3A_1840 = arith.index_cast %add3A_1839 : i32 to index
      %swap3A_1841 = arith.constant 0 : index
      %swap3A_1842 = tpu.vector_load %arg7[%swap3A_1840, %swap3A_1841] {strides = array<i32>} : memref<256x32xf32, #tpu.memory_space<vmem>>, vector<1x16xf32>,
      %swap3A_1843 = vector.shape_cast %swap3A_1842 : vector<1x16xf32> to vector<16xf32>
      %swap3A_1844 = vector.shape_cast %add3A_1835 : vector<16xf32> to vector<1x16xf32>
      tpu.vector_store %arg7[%swap3A_1840, %swap3A_1841], %swap3A_1844 {strides = array<i32>} : memref<256x32xf32, #tpu.memory_space<vmem>>, vector<1x16xf32>,
      %get3A_1845 = arith.constant 0 : i32
      %get3A_1846 = arith.constant 96 : i32
      %get3A_1847 = arith.index_cast %get3A_1845 : i32 to index
      %get3A_1848 = arith.index_cast %get3A_1846 : i32 to index
      %get3A_1849 = arith.constant 16 : index
      %get3A_1850 = tpu.vector_load %arg6[%get3A_1847, %get3A_1848, %get3A_1849] {strides = array<i32>} : memref<2x128x128xf32, #tpu.memory_space<vmem>>, vector<1x1x16xf32>,
      %get3A_1851 = vector.shape_cast %get3A_1850 : vector<1x1x16xf32> to vector<16xf32>
      %get3A_1852 = arith.constant 0 : i32
      %get3A_1853 = arith.constant 97 : i32
      %get3A_1854 = arith.index_cast %get3A_1852 : i32 to index
      %get3A_1855 = arith.index_cast %get3A_1853 : i32 to index
      %get3A_1856 = arith.constant 16 : index
      %get3A_1857 = tpu.vector_load %arg6[%get3A_1854, %get3A_1855, %get3A_1856] {strides = array<i32>} : memref<2x128x128xf32, #tpu.memory_space<vmem>>, vector<1x1x16xf32>,
      %get3A_1858 = vector.shape_cast %get3A_1857 : vector<1x1x16xf32> to vector<16xf32>
      %add3A_1859 = arith.addf %get3A_1851, %get3A_1858 : vector<16xf32>
      %get3A_1860 = arith.constant 0 : i32
      %get3A_1861 = arith.constant 98 : i32
      %get3A_1862 = arith.index_cast %get3A_1860 : i32 to index
      %get3A_1863 = arith.index_cast %get3A_1861 : i32 to index
      %get3A_1864 = arith.constant 16 : index
      %get3A_1865 = tpu.vector_load %arg6[%get3A_1862, %get3A_1863, %get3A_1864] {strides = array<i32>} : memref<2x128x128xf32, #tpu.memory_space<vmem>>, vector<1x1x16xf32>,
      %get3A_1866 = vector.shape_cast %get3A_1865 : vector<1x1x16xf32> to vector<16xf32>
      %add3A_1867 = arith.addf %add3A_1859, %get3A_1866 : vector<16xf32>
      %get3A_1868 = arith.constant 0 : i32
      %get3A_1869 = arith.constant 99 : i32
      %get3A_1870 = arith.index_cast %get3A_1868 : i32 to index
      %get3A_1871 = arith.index_cast %get3A_1869 : i32 to index
      %get3A_1872 = arith.constant 16 : index
      %get3A_1873 = tpu.vector_load %arg6[%get3A_1870, %get3A_1871, %get3A_1872] {strides = array<i32>} : memref<2x128x128xf32, #tpu.memory_space<vmem>>, vector<1x1x16xf32>,
      %get3A_1874 = vector.shape_cast %get3A_1873 : vector<1x1x16xf32> to vector<16xf32>
      %add3A_1875 = arith.addf %add3A_1867, %get3A_1874 : vector<16xf32>
      %get3A_1876 = arith.constant 0 : i32
      %get3A_1877 = arith.constant 100 : i32
      %get3A_1878 = arith.index_cast %get3A_1876 : i32 to index
      %get3A_1879 = arith.index_cast %get3A_1877 : i32 to index
      %get3A_1880 = arith.constant 16 : index
      %get3A_1881 = tpu.vector_load %arg6[%get3A_1878, %get3A_1879, %get3A_1880] {strides = array<i32>} : memref<2x128x128xf32, #tpu.memory_space<vmem>>, vector<1x1x16xf32>,
      %get3A_1882 = vector.shape_cast %get3A_1881 : vector<1x1x16xf32> to vector<16xf32>
      %add3A_1883 = arith.addf %add3A_1875, %get3A_1882 : vector<16xf32>
      %get3A_1884 = arith.constant 0 : i32
      %get3A_1885 = arith.constant 101 : i32
      %get3A_1886 = arith.index_cast %get3A_1884 : i32 to index
      %get3A_1887 = arith.index_cast %get3A_1885 : i32 to index
      %get3A_1888 = arith.constant 16 : index
      %get3A_1889 = tpu.vector_load %arg6[%get3A_1886, %get3A_1887, %get3A_1888] {strides = array<i32>} : memref<2x128x128xf32, #tpu.memory_space<vmem>>, vector<1x1x16xf32>,
      %get3A_1890 = vector.shape_cast %get3A_1889 : vector<1x1x16xf32> to vector<16xf32>
      %add3A_1891 = arith.addf %add3A_1883, %get3A_1890 : vector<16xf32>
      %get3A_1892 = arith.constant 0 : i32
      %get3A_1893 = arith.constant 102 : i32
      %get3A_1894 = arith.index_cast %get3A_1892 : i32 to index
      %get3A_1895 = arith.index_cast %get3A_1893 : i32 to index
      %get3A_1896 = arith.constant 16 : index
      %get3A_1897 = tpu.vector_load %arg6[%get3A_1894, %get3A_1895, %get3A_1896] {strides = array<i32>} : memref<2x128x128xf32, #tpu.memory_space<vmem>>, vector<1x1x16xf32>,
      %get3A_1898 = vector.shape_cast %get3A_1897 : vector<1x1x16xf32> to vector<16xf32>
      %add3A_1899 = arith.addf %add3A_1891, %get3A_1898 : vector<16xf32>
      %get3A_1900 = arith.constant 0 : i32
      %get3A_1901 = arith.constant 103 : i32
      %get3A_1902 = arith.index_cast %get3A_1900 : i32 to index
      %get3A_1903 = arith.index_cast %get3A_1901 : i32 to index
      %get3A_1904 = arith.constant 16 : index
      %get3A_1905 = tpu.vector_load %arg6[%get3A_1902, %get3A_1903, %get3A_1904] {strides = array<i32>} : memref<2x128x128xf32, #tpu.memory_space<vmem>>, vector<1x1x16xf32>,
      %get3A_1906 = vector.shape_cast %get3A_1905 : vector<1x1x16xf32> to vector<16xf32>
      %add3A_1907 = arith.addf %add3A_1899, %get3A_1906 : vector<16xf32>
      %mul3A_1908 = arith.constant 16 : i32
      %mul3A_1909 = arith.muli %mul3A_32, %mul3A_1908 : i32
      %add3A_1910 = arith.constant 12 : i32
      %add3A_1911 = arith.addi %mul3A_1909, %add3A_1910 : i32
      %swap3A_1912 = arith.index_cast %add3A_1911 : i32 to index
      %swap3A_1913 = arith.constant 16 : index
      %swap3A_1914 = tpu.vector_load %arg7[%swap3A_1912, %swap3A_1913] {strides = array<i32>} : memref<256x32xf32, #tpu.memory_space<vmem>>, vector<1x16xf32>,
      %swap3A_1915 = vector.shape_cast %swap3A_1914 : vector<1x16xf32> to vector<16xf32>
      %swap3A_1916 = vector.shape_cast %add3A_1907 : vector<16xf32> to vector<1x16xf32>
      tpu.vector_store %arg7[%swap3A_1912, %swap3A_1913], %swap3A_1916 {strides = array<i32>} : memref<256x32xf32, #tpu.memory_space<vmem>>, vector<1x16xf32>,
      %get3A_1917 = arith.constant 0 : i32
      %get3A_1918 = arith.constant 104 : i32
      %get3A_1919 = arith.index_cast %get3A_1917 : i32 to index
      %get3A_1920 = arith.index_cast %get3A_1918 : i32 to index
      %get3A_1921 = arith.constant 0 : index
      %get3A_1922 = tpu.vector_load %arg6[%get3A_1919, %get3A_1920, %get3A_1921] {strides = array<i32>} : memref<2x128x128xf32, #tpu.memory_space<vmem>>, vector<1x1x16xf32>,
      %get3A_1923 = vector.shape_cast %get3A_1922 : vector<1x1x16xf32> to vector<16xf32>
      %get3A_1924 = arith.constant 0 : i32
      %get3A_1925 = arith.constant 105 : i32
      %get3A_1926 = arith.index_cast %get3A_1924 : i32 to index
      %get3A_1927 = arith.index_cast %get3A_1925 : i32 to index
      %get3A_1928 = arith.constant 0 : index
      %get3A_1929 = tpu.vector_load %arg6[%get3A_1926, %get3A_1927, %get3A_1928] {strides = array<i32>} : memref<2x128x128xf32, #tpu.memory_space<vmem>>, vector<1x1x16xf32>,
      %get3A_1930 = vector.shape_cast %get3A_1929 : vector<1x1x16xf32> to vector<16xf32>
      %add3A_1931 = arith.addf %get3A_1923, %get3A_1930 : vector<16xf32>
      %get3A_1932 = arith.constant 0 : i32
      %get3A_1933 = arith.constant 106 : i32
      %get3A_1934 = arith.index_cast %get3A_1932 : i32 to index
      %get3A_1935 = arith.index_cast %get3A_1933 : i32 to index
      %get3A_1936 = arith.constant 0 : index
      %get3A_1937 = tpu.vector_load %arg6[%get3A_1934, %get3A_1935, %get3A_1936] {strides = array<i32>} : memref<2x128x128xf32, #tpu.memory_space<vmem>>, vector<1x1x16xf32>,
      %get3A_1938 = vector.shape_cast %get3A_1937 : vector<1x1x16xf32> to vector<16xf32>
      %add3A_1939 = arith.addf %add3A_1931, %get3A_1938 : vector<16xf32>
      %get3A_1940 = arith.constant 0 : i32
      %get3A_1941 = arith.constant 107 : i32
      %get3A_1942 = arith.index_cast %get3A_1940 : i32 to index
      %get3A_1943 = arith.index_cast %get3A_1941 : i32 to index
      %get3A_1944 = arith.constant 0 : index
      %get3A_1945 = tpu.vector_load %arg6[%get3A_1942, %get3A_1943, %get3A_1944] {strides = array<i32>} : memref<2x128x128xf32, #tpu.memory_space<vmem>>, vector<1x1x16xf32>,
      %get3A_1946 = vector.shape_cast %get3A_1945 : vector<1x1x16xf32> to vector<16xf32>
      %add3A_1947 = arith.addf %add3A_1939, %get3A_1946 : vector<16xf32>
      %get3A_1948 = arith.constant 0 : i32
      %get3A_1949 = arith.constant 108 : i32
      %get3A_1950 = arith.index_cast %get3A_1948 : i32 to index
      %get3A_1951 = arith.index_cast %get3A_1949 : i32 to index
      %get3A_1952 = arith.constant 0 : index
      %get3A_1953 = tpu.vector_load %arg6[%get3A_1950, %get3A_1951, %get3A_1952] {strides = array<i32>} : memref<2x128x128xf32, #tpu.memory_space<vmem>>, vector<1x1x16xf32>,
      %get3A_1954 = vector.shape_cast %get3A_1953 : vector<1x1x16xf32> to vector<16xf32>
      %add3A_1955 = arith.addf %add3A_1947, %get3A_1954 : vector<16xf32>
      %get3A_1956 = arith.constant 0 : i32
      %get3A_1957 = arith.constant 109 : i32
      %get3A_1958 = arith.index_cast %get3A_1956 : i32 to index
      %get3A_1959 = arith.index_cast %get3A_1957 : i32 to index
      %get3A_1960 = arith.constant 0 : index
      %get3A_1961 = tpu.vector_load %arg6[%get3A_1958, %get3A_1959, %get3A_1960] {strides = array<i32>} : memref<2x128x128xf32, #tpu.memory_space<vmem>>, vector<1x1x16xf32>,
      %get3A_1962 = vector.shape_cast %get3A_1961 : vector<1x1x16xf32> to vector<16xf32>
      %add3A_1963 = arith.addf %add3A_1955, %get3A_1962 : vector<16xf32>
      %get3A_1964 = arith.constant 0 : i32
      %get3A_1965 = arith.constant 110 : i32
      %get3A_1966 = arith.index_cast %get3A_1964 : i32 to index
      %get3A_1967 = arith.index_cast %get3A_1965 : i32 to index
      %get3A_1968 = arith.constant 0 : index
      %get3A_1969 = tpu.vector_load %arg6[%get3A_1966, %get3A_1967, %get3A_1968] {strides = array<i32>} : memref<2x128x128xf32, #tpu.memory_space<vmem>>, vector<1x1x16xf32>,
      %get3A_1970 = vector.shape_cast %get3A_1969 : vector<1x1x16xf32> to vector<16xf32>
      %add3A_1971 = arith.addf %add3A_1963, %get3A_1970 : vector<16xf32>
      %get3A_1972 = arith.constant 0 : i32
      %get3A_1973 = arith.constant 111 : i32
      %get3A_1974 = arith.index_cast %get3A_1972 : i32 to index
      %get3A_1975 = arith.index_cast %get3A_1973 : i32 to index
      %get3A_1976 = arith.constant 0 : index
      %get3A_1977 = tpu.vector_load %arg6[%get3A_1974, %get3A_1975, %get3A_1976] {strides = array<i32>} : memref<2x128x128xf32, #tpu.memory_space<vmem>>, vector<1x1x16xf32>,
      %get3A_1978 = vector.shape_cast %get3A_1977 : vector<1x1x16xf32> to vector<16xf32>
      %add3A_1979 = arith.addf %add3A_1971, %get3A_1978 : vector<16xf32>
      %mul3A_1980 = arith.constant 16 : i32
      %mul3A_1981 = arith.muli %mul3A_32, %mul3A_1980 : i32
      %add3A_1982 = arith.constant 13 : i32
      %add3A_1983 = arith.addi %mul3A_1981, %add3A_1982 : i32
      %swap3A_1984 = arith.index_cast %add3A_1983 : i32 to index
      %swap3A_1985 = arith.constant 0 : index
      %swap3A_1986 = tpu.vector_load %arg7[%swap3A_1984, %swap3A_1985] {strides = array<i32>} : memref<256x32xf32, #tpu.memory_space<vmem>>, vector<1x16xf32>,
      %swap3A_1987 = vector.shape_cast %swap3A_1986 : vector<1x16xf32> to vector<16xf32>
      %swap3A_1988 = vector.shape_cast %add3A_1979 : vector<16xf32> to vector<1x16xf32>
      tpu.vector_store %arg7[%swap3A_1984, %swap3A_1985], %swap3A_1988 {strides = array<i32>} : memref<256x32xf32, #tpu.memory_space<vmem>>, vector<1x16xf32>,
      %get3A_1989 = arith.constant 0 : i32
      %get3A_1990 = arith.constant 104 : i32
      %get3A_1991 = arith.index_cast %get3A_1989 : i32 to index
      %get3A_1992 = arith.index_cast %get3A_1990 : i32 to index
      %get3A_1993 = arith.constant 16 : index
      %get3A_1994 = tpu.vector_load %arg6[%get3A_1991, %get3A_1992, %get3A_1993] {strides = array<i32>} : memref<2x128x128xf32, #tpu.memory_space<vmem>>, vector<1x1x16xf32>,
      %get3A_1995 = vector.shape_cast %get3A_1994 : vector<1x1x16xf32> to vector<16xf32>
      %get3A_1996 = arith.constant 0 : i32
      %get3A_1997 = arith.constant 105 : i32
      %get3A_1998 = arith.index_cast %get3A_1996 : i32 to index
      %get3A_1999 = arith.index_cast %get3A_1997 : i32 to index
      %get3A_2000 = arith.constant 16 : index
      %get3A_2001 = tpu.vector_load %arg6[%get3A_1998, %get3A_1999, %get3A_2000] {strides = array<i32>} : memref<2x128x128xf32, #tpu.memory_space<vmem>>, vector<1x1x16xf32>,
      %get3A_2002 = vector.shape_cast %get3A_2001 : vector<1x1x16xf32> to vector<16xf32>
      %add3A_2003 = arith.addf %get3A_1995, %get3A_2002 : vector<16xf32>
      %get3A_2004 = arith.constant 0 : i32
      %get3A_2005 = arith.constant 106 : i32
      %get3A_2006 = arith.index_cast %get3A_2004 : i32 to index
      %get3A_2007 = arith.index_cast %get3A_2005 : i32 to index
      %get3A_2008 = arith.constant 16 : index
      %get3A_2009 = tpu.vector_load %arg6[%get3A_2006, %get3A_2007, %get3A_2008] {strides = array<i32>} : memref<2x128x128xf32, #tpu.memory_space<vmem>>, vector<1x1x16xf32>,
      %get3A_2010 = vector.shape_cast %get3A_2009 : vector<1x1x16xf32> to vector<16xf32>
      %add3A_2011 = arith.addf %add3A_2003, %get3A_2010 : vector<16xf32>
      %get3A_2012 = arith.constant 0 : i32
      %get3A_2013 = arith.constant 107 : i32
      %get3A_2014 = arith.index_cast %get3A_2012 : i32 to index
      %get3A_2015 = arith.index_cast %get3A_2013 : i32 to index
      %get3A_2016 = arith.constant 16 : index
      %get3A_2017 = tpu.vector_load %arg6[%get3A_2014, %get3A_2015, %get3A_2016] {strides = array<i32>} : memref<2x128x128xf32, #tpu.memory_space<vmem>>, vector<1x1x16xf32>,
      %get3A_2018 = vector.shape_cast %get3A_2017 : vector<1x1x16xf32> to vector<16xf32>
      %add3A_2019 = arith.addf %add3A_2011, %get3A_2018 : vector<16xf32>
      %get3A_2020 = arith.constant 0 : i32
      %get3A_2021 = arith.constant 108 : i32
      %get3A_2022 = arith.index_cast %get3A_2020 : i32 to index
      %get3A_2023 = arith.index_cast %get3A_2021 : i32 to index
      %get3A_2024 = arith.constant 16 : index
      %get3A_2025 = tpu.vector_load %arg6[%get3A_2022, %get3A_2023, %get3A_2024] {strides = array<i32>} : memref<2x128x128xf32, #tpu.memory_space<vmem>>, vector<1x1x16xf32>,
      %get3A_2026 = vector.shape_cast %get3A_2025 : vector<1x1x16xf32> to vector<16xf32>
      %add3A_2027 = arith.addf %add3A_2019, %get3A_2026 : vector<16xf32>
      %get3A_2028 = arith.constant 0 : i32
      %get3A_2029 = arith.constant 109 : i32
      %get3A_2030 = arith.index_cast %get3A_2028 : i32 to index
      %get3A_2031 = arith.index_cast %get3A_2029 : i32 to index
      %get3A_2032 = arith.constant 16 : index
      %get3A_2033 = tpu.vector_load %arg6[%get3A_2030, %get3A_2031, %get3A_2032] {strides = array<i32>} : memref<2x128x128xf32, #tpu.memory_space<vmem>>, vector<1x1x16xf32>,
      %get3A_2034 = vector.shape_cast %get3A_2033 : vector<1x1x16xf32> to vector<16xf32>
      %add3A_2035 = arith.addf %add3A_2027, %get3A_2034 : vector<16xf32>
      %get3A_2036 = arith.constant 0 : i32
      %get3A_2037 = arith.constant 110 : i32
      %get3A_2038 = arith.index_cast %get3A_2036 : i32 to index
      %get3A_2039 = arith.index_cast %get3A_2037 : i32 to index
      %get3A_2040 = arith.constant 16 : index
      %get3A_2041 = tpu.vector_load %arg6[%get3A_2038, %get3A_2039, %get3A_2040] {strides = array<i32>} : memref<2x128x128xf32, #tpu.memory_space<vmem>>, vector<1x1x16xf32>,
      %get3A_2042 = vector.shape_cast %get3A_2041 : vector<1x1x16xf32> to vector<16xf32>
      %add3A_2043 = arith.addf %add3A_2035, %get3A_2042 : vector<16xf32>
      %get3A_2044 = arith.constant 0 : i32
      %get3A_2045 = arith.constant 111 : i32
      %get3A_2046 = arith.index_cast %get3A_2044 : i32 to index
      %get3A_2047 = arith.index_cast %get3A_2045 : i32 to index
      %get3A_2048 = arith.constant 16 : index
      %get3A_2049 = tpu.vector_load %arg6[%get3A_2046, %get3A_2047, %get3A_2048] {strides = array<i32>} : memref<2x128x128xf32, #tpu.memory_space<vmem>>, vector<1x1x16xf32>,
      %get3A_2050 = vector.shape_cast %get3A_2049 : vector<1x1x16xf32> to vector<16xf32>
      %add3A_2051 = arith.addf %add3A_2043, %get3A_2050 : vector<16xf32>
      %mul3A_2052 = arith.constant 16 : i32
      %mul3A_2053 = arith.muli %mul3A_32, %mul3A_2052 : i32
      %add3A_2054 = arith.constant 13 : i32
      %add3A_2055 = arith.addi %mul3A_2053, %add3A_2054 : i32
      %swap3A_2056 = arith.index_cast %add3A_2055 : i32 to index
      %swap3A_2057 = arith.constant 16 : index
      %swap3A_2058 = tpu.vector_load %arg7[%swap3A_2056, %swap3A_2057] {strides = array<i32>} : memref<256x32xf32, #tpu.memory_space<vmem>>, vector<1x16xf32>,
      %swap3A_2059 = vector.shape_cast %swap3A_2058 : vector<1x16xf32> to vector<16xf32>
      %swap3A_2060 = vector.shape_cast %add3A_2051 : vector<16xf32> to vector<1x16xf32>
      tpu.vector_store %arg7[%swap3A_2056, %swap3A_2057], %swap3A_2060 {strides = array<i32>} : memref<256x32xf32, #tpu.memory_space<vmem>>, vector<1x16xf32>,
      %get3A_2061 = arith.constant 0 : i32
      %get3A_2062 = arith.constant 112 : i32
      %get3A_2063 = arith.index_cast %get3A_2061 : i32 to index
      %get3A_2064 = arith.index_cast %get3A_2062 : i32 to index
      %get3A_2065 = arith.constant 0 : index
      %get3A_2066 = tpu.vector_load %arg6[%get3A_2063, %get3A_2064, %get3A_2065] {strides = array<i32>} : memref<2x128x128xf32, #tpu.memory_space<vmem>>, vector<1x1x16xf32>,
      %get3A_2067 = vector.shape_cast %get3A_2066 : vector<1x1x16xf32> to vector<16xf32>
      %get3A_2068 = arith.constant 0 : i32
      %get3A_2069 = arith.constant 113 : i32
      %get3A_2070 = arith.index_cast %get3A_2068 : i32 to index
      %get3A_2071 = arith.index_cast %get3A_2069 : i32 to index
      %get3A_2072 = arith.constant 0 : index
      %get3A_2073 = tpu.vector_load %arg6[%get3A_2070, %get3A_2071, %get3A_2072] {strides = array<i32>} : memref<2x128x128xf32, #tpu.memory_space<vmem>>, vector<1x1x16xf32>,
      %get3A_2074 = vector.shape_cast %get3A_2073 : vector<1x1x16xf32> to vector<16xf32>
      %add3A_2075 = arith.addf %get3A_2067, %get3A_2074 : vector<16xf32>
      %get3A_2076 = arith.constant 0 : i32
      %get3A_2077 = arith.constant 114 : i32
      %get3A_2078 = arith.index_cast %get3A_2076 : i32 to index
      %get3A_2079 = arith.index_cast %get3A_2077 : i32 to index
      %get3A_2080 = arith.constant 0 : index
      %get3A_2081 = tpu.vector_load %arg6[%get3A_2078, %get3A_2079, %get3A_2080] {strides = array<i32>} : memref<2x128x128xf32, #tpu.memory_space<vmem>>, vector<1x1x16xf32>,
      %get3A_2082 = vector.shape_cast %get3A_2081 : vector<1x1x16xf32> to vector<16xf32>
      %add3A_2083 = arith.addf %add3A_2075, %get3A_2082 : vector<16xf32>
      %get3A_2084 = arith.constant 0 : i32
      %get3A_2085 = arith.constant 115 : i32
      %get3A_2086 = arith.index_cast %get3A_2084 : i32 to index
      %get3A_2087 = arith.index_cast %get3A_2085 : i32 to index
      %get3A_2088 = arith.constant 0 : index
      %get3A_2089 = tpu.vector_load %arg6[%get3A_2086, %get3A_2087, %get3A_2088] {strides = array<i32>} : memref<2x128x128xf32, #tpu.memory_space<vmem>>, vector<1x1x16xf32>,
      %get3A_2090 = vector.shape_cast %get3A_2089 : vector<1x1x16xf32> to vector<16xf32>
      %add3A_2091 = arith.addf %add3A_2083, %get3A_2090 : vector<16xf32>
      %get3A_2092 = arith.constant 0 : i32
      %get3A_2093 = arith.constant 116 : i32
      %get3A_2094 = arith.index_cast %get3A_2092 : i32 to index
      %get3A_2095 = arith.index_cast %get3A_2093 : i32 to index
      %get3A_2096 = arith.constant 0 : index
      %get3A_2097 = tpu.vector_load %arg6[%get3A_2094, %get3A_2095, %get3A_2096] {strides = array<i32>} : memref<2x128x128xf32, #tpu.memory_space<vmem>>, vector<1x1x16xf32>,
      %get3A_2098 = vector.shape_cast %get3A_2097 : vector<1x1x16xf32> to vector<16xf32>
      %add3A_2099 = arith.addf %add3A_2091, %get3A_2098 : vector<16xf32>
      %get3A_2100 = arith.constant 0 : i32
      %get3A_2101 = arith.constant 117 : i32
      %get3A_2102 = arith.index_cast %get3A_2100 : i32 to index
      %get3A_2103 = arith.index_cast %get3A_2101 : i32 to index
      %get3A_2104 = arith.constant 0 : index
      %get3A_2105 = tpu.vector_load %arg6[%get3A_2102, %get3A_2103, %get3A_2104] {strides = array<i32>} : memref<2x128x128xf32, #tpu.memory_space<vmem>>, vector<1x1x16xf32>,
      %get3A_2106 = vector.shape_cast %get3A_2105 : vector<1x1x16xf32> to vector<16xf32>
      %add3A_2107 = arith.addf %add3A_2099, %get3A_2106 : vector<16xf32>
      %get3A_2108 = arith.constant 0 : i32
      %get3A_2109 = arith.constant 118 : i32
      %get3A_2110 = arith.index_cast %get3A_2108 : i32 to index
      %get3A_2111 = arith.index_cast %get3A_2109 : i32 to index
      %get3A_2112 = arith.constant 0 : index
      %get3A_2113 = tpu.vector_load %arg6[%get3A_2110, %get3A_2111, %get3A_2112] {strides = array<i32>} : memref<2x128x128xf32, #tpu.memory_space<vmem>>, vector<1x1x16xf32>,
      %get3A_2114 = vector.shape_cast %get3A_2113 : vector<1x1x16xf32> to vector<16xf32>
      %add3A_2115 = arith.addf %add3A_2107, %get3A_2114 : vector<16xf32>
      %get3A_2116 = arith.constant 0 : i32
      %get3A_2117 = arith.constant 119 : i32
      %get3A_2118 = arith.index_cast %get3A_2116 : i32 to index
      %get3A_2119 = arith.index_cast %get3A_2117 : i32 to index
      %get3A_2120 = arith.constant 0 : index
      %get3A_2121 = tpu.vector_load %arg6[%get3A_2118, %get3A_2119, %get3A_2120] {strides = array<i32>} : memref<2x128x128xf32, #tpu.memory_space<vmem>>, vector<1x1x16xf32>,
      %get3A_2122 = vector.shape_cast %get3A_2121 : vector<1x1x16xf32> to vector<16xf32>
      %add3A_2123 = arith.addf %add3A_2115, %get3A_2122 : vector<16xf32>
      %mul3A_2124 = arith.constant 16 : i32
      %mul3A_2125 = arith.muli %mul3A_32, %mul3A_2124 : i32
      %add3A_2126 = arith.constant 14 : i32
      %add3A_2127 = arith.addi %mul3A_2125, %add3A_2126 : i32
      %swap3A_2128 = arith.index_cast %add3A_2127 : i32 to index
      %swap3A_2129 = arith.constant 0 : index
      %swap3A_2130 = tpu.vector_load %arg7[%swap3A_2128, %swap3A_2129] {strides = array<i32>} : memref<256x32xf32, #tpu.memory_space<vmem>>, vector<1x16xf32>,
      %swap3A_2131 = vector.shape_cast %swap3A_2130 : vector<1x16xf32> to vector<16xf32>
      %swap3A_2132 = vector.shape_cast %add3A_2123 : vector<16xf32> to vector<1x16xf32>
      tpu.vector_store %arg7[%swap3A_2128, %swap3A_2129], %swap3A_2132 {strides = array<i32>} : memref<256x32xf32, #tpu.memory_space<vmem>>, vector<1x16xf32>,
      %get3A_2133 = arith.constant 0 : i32
      %get3A_2134 = arith.constant 112 : i32
      %get3A_2135 = arith.index_cast %get3A_2133 : i32 to index
      %get3A_2136 = arith.index_cast %get3A_2134 : i32 to index
      %get3A_2137 = arith.constant 16 : index
      %get3A_2138 = tpu.vector_load %arg6[%get3A_2135, %get3A_2136, %get3A_2137] {strides = array<i32>} : memref<2x128x128xf32, #tpu.memory_space<vmem>>, vector<1x1x16xf32>,
      %get3A_2139 = vector.shape_cast %get3A_2138 : vector<1x1x16xf32> to vector<16xf32>
      %get3A_2140 = arith.constant 0 : i32
      %get3A_2141 = arith.constant 113 : i32
      %get3A_2142 = arith.index_cast %get3A_2140 : i32 to index
      %get3A_2143 = arith.index_cast %get3A_2141 : i32 to index
      %get3A_2144 = arith.constant 16 : index
      %get3A_2145 = tpu.vector_load %arg6[%get3A_2142, %get3A_2143, %get3A_2144] {strides = array<i32>} : memref<2x128x128xf32, #tpu.memory_space<vmem>>, vector<1x1x16xf32>,
      %get3A_2146 = vector.shape_cast %get3A_2145 : vector<1x1x16xf32> to vector<16xf32>
      %add3A_2147 = arith.addf %get3A_2139, %get3A_2146 : vector<16xf32>
      %get3A_2148 = arith.constant 0 : i32
      %get3A_2149 = arith.constant 114 : i32
      %get3A_2150 = arith.index_cast %get3A_2148 : i32 to index
      %get3A_2151 = arith.index_cast %get3A_2149 : i32 to index
      %get3A_2152 = arith.constant 16 : index
      %get3A_2153 = tpu.vector_load %arg6[%get3A_2150, %get3A_2151, %get3A_2152] {strides = array<i32>} : memref<2x128x128xf32, #tpu.memory_space<vmem>>, vector<1x1x16xf32>,
      %get3A_2154 = vector.shape_cast %get3A_2153 : vector<1x1x16xf32> to vector<16xf32>
      %add3A_2155 = arith.addf %add3A_2147, %get3A_2154 : vector<16xf32>
      %get3A_2156 = arith.constant 0 : i32
      %get3A_2157 = arith.constant 115 : i32
      %get3A_2158 = arith.index_cast %get3A_2156 : i32 to index
      %get3A_2159 = arith.index_cast %get3A_2157 : i32 to index
      %get3A_2160 = arith.constant 16 : index
      %get3A_2161 = tpu.vector_load %arg6[%get3A_2158, %get3A_2159, %get3A_2160] {strides = array<i32>} : memref<2x128x128xf32, #tpu.memory_space<vmem>>, vector<1x1x16xf32>,
      %get3A_2162 = vector.shape_cast %get3A_2161 : vector<1x1x16xf32> to vector<16xf32>
      %add3A_2163 = arith.addf %add3A_2155, %get3A_2162 : vector<16xf32>
      %get3A_2164 = arith.constant 0 : i32
      %get3A_2165 = arith.constant 116 : i32
      %get3A_2166 = arith.index_cast %get3A_2164 : i32 to index
      %get3A_2167 = arith.index_cast %get3A_2165 : i32 to index
      %get3A_2168 = arith.constant 16 : index
      %get3A_2169 = tpu.vector_load %arg6[%get3A_2166, %get3A_2167, %get3A_2168] {strides = array<i32>} : memref<2x128x128xf32, #tpu.memory_space<vmem>>, vector<1x1x16xf32>,
      %get3A_2170 = vector.shape_cast %get3A_2169 : vector<1x1x16xf32> to vector<16xf32>
      %add3A_2171 = arith.addf %add3A_2163, %get3A_2170 : vector<16xf32>
      %get3A_2172 = arith.constant 0 : i32
      %get3A_2173 = arith.constant 117 : i32
      %get3A_2174 = arith.index_cast %get3A_2172 : i32 to index
      %get3A_2175 = arith.index_cast %get3A_2173 : i32 to index
      %get3A_2176 = arith.constant 16 : index
      %get3A_2177 = tpu.vector_load %arg6[%get3A_2174, %get3A_2175, %get3A_2176] {strides = array<i32>} : memref<2x128x128xf32, #tpu.memory_space<vmem>>, vector<1x1x16xf32>,
      %get3A_2178 = vector.shape_cast %get3A_2177 : vector<1x1x16xf32> to vector<16xf32>
      %add3A_2179 = arith.addf %add3A_2171, %get3A_2178 : vector<16xf32>
      %get3A_2180 = arith.constant 0 : i32
      %get3A_2181 = arith.constant 118 : i32
      %get3A_2182 = arith.index_cast %get3A_2180 : i32 to index
      %get3A_2183 = arith.index_cast %get3A_2181 : i32 to index
      %get3A_2184 = arith.constant 16 : index
      %get3A_2185 = tpu.vector_load %arg6[%get3A_2182, %get3A_2183, %get3A_2184] {strides = array<i32>} : memref<2x128x128xf32, #tpu.memory_space<vmem>>, vector<1x1x16xf32>,
      %get3A_2186 = vector.shape_cast %get3A_2185 : vector<1x1x16xf32> to vector<16xf32>
      %add3A_2187 = arith.addf %add3A_2179, %get3A_2186 : vector<16xf32>
      %get3A_2188 = arith.constant 0 : i32
      %get3A_2189 = arith.constant 119 : i32
      %get3A_2190 = arith.index_cast %get3A_2188 : i32 to index
      %get3A_2191 = arith.index_cast %get3A_2189 : i32 to index
      %get3A_2192 = arith.constant 16 : index
      %get3A_2193 = tpu.vector_load %arg6[%get3A_2190, %get3A_2191, %get3A_2192] {strides = array<i32>} : memref<2x128x128xf32, #tpu.memory_space<vmem>>, vector<1x1x16xf32>,
      %get3A_2194 = vector.shape_cast %get3A_2193 : vector<1x1x16xf32> to vector<16xf32>
      %add3A_2195 = arith.addf %add3A_2187, %get3A_2194 : vector<16xf32>
      %mul3A_2196 = arith.constant 16 : i32
      %mul3A_2197 = arith.muli %mul3A_32, %mul3A_2196 : i32
      %add3A_2198 = arith.constant 14 : i32
      %add3A_2199 = arith.addi %mul3A_2197, %add3A_2198 : i32
      %swap3A_2200 = arith.index_cast %add3A_2199 : i32 to index
      %swap3A_2201 = arith.constant 16 : index
      %swap3A_2202 = tpu.vector_load %arg7[%swap3A_2200, %swap3A_2201] {strides = array<i32>} : memref<256x32xf32, #tpu.memory_space<vmem>>, vector<1x16xf32>,
      %swap3A_2203 = vector.shape_cast %swap3A_2202 : vector<1x16xf32> to vector<16xf32>
      %swap3A_2204 = vector.shape_cast %add3A_2195 : vector<16xf32> to vector<1x16xf32>
      tpu.vector_store %arg7[%swap3A_2200, %swap3A_2201], %swap3A_2204 {strides = array<i32>} : memref<256x32xf32, #tpu.memory_space<vmem>>, vector<1x16xf32>,
      %get3A_2205 = arith.constant 0 : i32
      %get3A_2206 = arith.constant 120 : i32
      %get3A_2207 = arith.index_cast %get3A_2205 : i32 to index
      %get3A_2208 = arith.index_cast %get3A_2206 : i32 to index
      %get3A_2209 = arith.constant 0 : index
      %get3A_2210 = tpu.vector_load %arg6[%get3A_2207, %get3A_2208, %get3A_2209] {strides = array<i32>} : memref<2x128x128xf32, #tpu.memory_space<vmem>>, vector<1x1x16xf32>,
      %get3A_2211 = vector.shape_cast %get3A_2210 : vector<1x1x16xf32> to vector<16xf32>
      %get3A_2212 = arith.constant 0 : i32
      %get3A_2213 = arith.constant 121 : i32
      %get3A_2214 = arith.index_cast %get3A_2212 : i32 to index
      %get3A_2215 = arith.index_cast %get3A_2213 : i32 to index
      %get3A_2216 = arith.constant 0 : index
      %get3A_2217 = tpu.vector_load %arg6[%get3A_2214, %get3A_2215, %get3A_2216] {strides = array<i32>} : memref<2x128x128xf32, #tpu.memory_space<vmem>>, vector<1x1x16xf32>,
      %get3A_2218 = vector.shape_cast %get3A_2217 : vector<1x1x16xf32> to vector<16xf32>
      %add3A_2219 = arith.addf %get3A_2211, %get3A_2218 : vector<16xf32>
      %get3A_2220 = arith.constant 0 : i32
      %get3A_2221 = arith.constant 122 : i32
      %get3A_2222 = arith.index_cast %get3A_2220 : i32 to index
      %get3A_2223 = arith.index_cast %get3A_2221 : i32 to index
      %get3A_2224 = arith.constant 0 : index
      %get3A_2225 = tpu.vector_load %arg6[%get3A_2222, %get3A_2223, %get3A_2224] {strides = array<i32>} : memref<2x128x128xf32, #tpu.memory_space<vmem>>, vector<1x1x16xf32>,
      %get3A_2226 = vector.shape_cast %get3A_2225 : vector<1x1x16xf32> to vector<16xf32>
      %add3A_2227 = arith.addf %add3A_2219, %get3A_2226 : vector<16xf32>
      %get3A_2228 = arith.constant 0 : i32
      %get3A_2229 = arith.constant 123 : i32
      %get3A_2230 = arith.index_cast %get3A_2228 : i32 to index
      %get3A_2231 = arith.index_cast %get3A_2229 : i32 to index
      %get3A_2232 = arith.constant 0 : index
      %get3A_2233 = tpu.vector_load %arg6[%get3A_2230, %get3A_2231, %get3A_2232] {strides = array<i32>} : memref<2x128x128xf32, #tpu.memory_space<vmem>>, vector<1x1x16xf32>,
      %get3A_2234 = vector.shape_cast %get3A_2233 : vector<1x1x16xf32> to vector<16xf32>
      %add3A_2235 = arith.addf %add3A_2227, %get3A_2234 : vector<16xf32>
      %get3A_2236 = arith.constant 0 : i32
      %get3A_2237 = arith.constant 124 : i32
      %get3A_2238 = arith.index_cast %get3A_2236 : i32 to index
      %get3A_2239 = arith.index_cast %get3A_2237 : i32 to index
      %get3A_2240 = arith.constant 0 : index
      %get3A_2241 = tpu.vector_load %arg6[%get3A_2238, %get3A_2239, %get3A_2240] {strides = array<i32>} : memref<2x128x128xf32, #tpu.memory_space<vmem>>, vector<1x1x16xf32>,
      %get3A_2242 = vector.shape_cast %get3A_2241 : vector<1x1x16xf32> to vector<16xf32>
      %add3A_2243 = arith.addf %add3A_2235, %get3A_2242 : vector<16xf32>
      %get3A_2244 = arith.constant 0 : i32
      %get3A_2245 = arith.constant 125 : i32
      %get3A_2246 = arith.index_cast %get3A_2244 : i32 to index
      %get3A_2247 = arith.index_cast %get3A_2245 : i32 to index
      %get3A_2248 = arith.constant 0 : index
      %get3A_2249 = tpu.vector_load %arg6[%get3A_2246, %get3A_2247, %get3A_2248] {strides = array<i32>} : memref<2x128x128xf32, #tpu.memory_space<vmem>>, vector<1x1x16xf32>,
      %get3A_2250 = vector.shape_cast %get3A_2249 : vector<1x1x16xf32> to vector<16xf32>
      %add3A_2251 = arith.addf %add3A_2243, %get3A_2250 : vector<16xf32>
      %get3A_2252 = arith.constant 0 : i32
      %get3A_2253 = arith.constant 126 : i32
      %get3A_2254 = arith.index_cast %get3A_2252 : i32 to index
      %get3A_2255 = arith.index_cast %get3A_2253 : i32 to index
      %get3A_2256 = arith.constant 0 : index
      %get3A_2257 = tpu.vector_load %arg6[%get3A_2254, %get3A_2255, %get3A_2256] {strides = array<i32>} : memref<2x128x128xf32, #tpu.memory_space<vmem>>, vector<1x1x16xf32>,
      %get3A_2258 = vector.shape_cast %get3A_2257 : vector<1x1x16xf32> to vector<16xf32>
      %add3A_2259 = arith.addf %add3A_2251, %get3A_2258 : vector<16xf32>
      %get3A_2260 = arith.constant 0 : i32
      %get3A_2261 = arith.constant 127 : i32
      %get3A_2262 = arith.index_cast %get3A_2260 : i32 to index
      %get3A_2263 = arith.index_cast %get3A_2261 : i32 to index
      %get3A_2264 = arith.constant 0 : index
      %get3A_2265 = tpu.vector_load %arg6[%get3A_2262, %get3A_2263, %get3A_2264] {strides = array<i32>} : memref<2x128x128xf32, #tpu.memory_space<vmem>>, vector<1x1x16xf32>,
      %get3A_2266 = vector.shape_cast %get3A_2265 : vector<1x1x16xf32> to vector<16xf32>
      %add3A_2267 = arith.addf %add3A_2259, %get3A_2266 : vector<16xf32>
      %mul3A_2268 = arith.constant 16 : i32
      %mul3A_2269 = arith.muli %mul3A_32, %mul3A_2268 : i32
      %add3A_2270 = arith.constant 15 : i32
      %add3A_2271 = arith.addi %mul3A_2269, %add3A_2270 : i32
      %swap3A_2272 = arith.index_cast %add3A_2271 : i32 to index
      %swap3A_2273 = arith.constant 0 : index
      %swap3A_2274 = tpu.vector_load %arg7[%swap3A_2272, %swap3A_2273] {strides = array<i32>} : memref<256x32xf32, #tpu.memory_space<vmem>>, vector<1x16xf32>,
      %swap3A_2275 = vector.shape_cast %swap3A_2274 : vector<1x16xf32> to vector<16xf32>
      %swap3A_2276 = vector.shape_cast %add3A_2267 : vector<16xf32> to vector<1x16xf32>
      tpu.vector_store %arg7[%swap3A_2272, %swap3A_2273], %swap3A_2276 {strides = array<i32>} : memref<256x32xf32, #tpu.memory_space<vmem>>, vector<1x16xf32>,
      %get3A_2277 = arith.constant 0 : i32
      %get3A_2278 = arith.constant 120 : i32
      %get3A_2279 = arith.index_cast %get3A_2277 : i32 to index
      %get3A_2280 = arith.index_cast %get3A_2278 : i32 to index
      %get3A_2281 = arith.constant 16 : index
      %get3A_2282 = tpu.vector_load %arg6[%get3A_2279, %get3A_2280, %get3A_2281] {strides = array<i32>} : memref<2x128x128xf32, #tpu.memory_space<vmem>>, vector<1x1x16xf32>,
      %get3A_2283 = vector.shape_cast %get3A_2282 : vector<1x1x16xf32> to vector<16xf32>
      %get3A_2284 = arith.constant 0 : i32
      %get3A_2285 = arith.constant 121 : i32
      %get3A_2286 = arith.index_cast %get3A_2284 : i32 to index
      %get3A_2287 = arith.index_cast %get3A_2285 : i32 to index
      %get3A_2288 = arith.constant 16 : index
      %get3A_2289 = tpu.vector_load %arg6[%get3A_2286, %get3A_2287, %get3A_2288] {strides = array<i32>} : memref<2x128x128xf32, #tpu.memory_space<vmem>>, vector<1x1x16xf32>,
      %get3A_2290 = vector.shape_cast %get3A_2289 : vector<1x1x16xf32> to vector<16xf32>
      %add3A_2291 = arith.addf %get3A_2283, %get3A_2290 : vector<16xf32>
      %get3A_2292 = arith.constant 0 : i32
      %get3A_2293 = arith.constant 122 : i32
      %get3A_2294 = arith.index_cast %get3A_2292 : i32 to index
      %get3A_2295 = arith.index_cast %get3A_2293 : i32 to index
      %get3A_2296 = arith.constant 16 : index
      %get3A_2297 = tpu.vector_load %arg6[%get3A_2294, %get3A_2295, %get3A_2296] {strides = array<i32>} : memref<2x128x128xf32, #tpu.memory_space<vmem>>, vector<1x1x16xf32>,
      %get3A_2298 = vector.shape_cast %get3A_2297 : vector<1x1x16xf32> to vector<16xf32>
      %add3A_2299 = arith.addf %add3A_2291, %get3A_2298 : vector<16xf32>
      %get3A_2300 = arith.constant 0 : i32
      %get3A_2301 = arith.constant 123 : i32
      %get3A_2302 = arith.index_cast %get3A_2300 : i32 to index
      %get3A_2303 = arith.index_cast %get3A_2301 : i32 to index
      %get3A_2304 = arith.constant 16 : index
      %get3A_2305 = tpu.vector_load %arg6[%get3A_2302, %get3A_2303, %get3A_2304] {strides = array<i32>} : memref<2x128x128xf32, #tpu.memory_space<vmem>>, vector<1x1x16xf32>,
      %get3A_2306 = vector.shape_cast %get3A_2305 : vector<1x1x16xf32> to vector<16xf32>
      %add3A_2307 = arith.addf %add3A_2299, %get3A_2306 : vector<16xf32>
      %get3A_2308 = arith.constant 0 : i32
      %get3A_2309 = arith.constant 124 : i32
      %get3A_2310 = arith.index_cast %get3A_2308 : i32 to index
      %get3A_2311 = arith.index_cast %get3A_2309 : i32 to index
      %get3A_2312 = arith.constant 16 : index
      %get3A_2313 = tpu.vector_load %arg6[%get3A_2310, %get3A_2311, %get3A_2312] {strides = array<i32>} : memref<2x128x128xf32, #tpu.memory_space<vmem>>, vector<1x1x16xf32>,
      %get3A_2314 = vector.shape_cast %get3A_2313 : vector<1x1x16xf32> to vector<16xf32>
      %add3A_2315 = arith.addf %add3A_2307, %get3A_2314 : vector<16xf32>
      %get3A_2316 = arith.constant 0 : i32
      %get3A_2317 = arith.constant 125 : i32
      %get3A_2318 = arith.index_cast %get3A_2316 : i32 to index
      %get3A_2319 = arith.index_cast %get3A_2317 : i32 to index
      %get3A_2320 = arith.constant 16 : index
      %get3A_2321 = tpu.vector_load %arg6[%get3A_2318, %get3A_2319, %get3A_2320] {strides = array<i32>} : memref<2x128x128xf32, #tpu.memory_space<vmem>>, vector<1x1x16xf32>,
      %get3A_2322 = vector.shape_cast %get3A_2321 : vector<1x1x16xf32> to vector<16xf32>
      %add3A_2323 = arith.addf %add3A_2315, %get3A_2322 : vector<16xf32>
      %get3A_2324 = arith.constant 0 : i32
      %get3A_2325 = arith.constant 126 : i32
      %get3A_2326 = arith.index_cast %get3A_2324 : i32 to index
      %get3A_2327 = arith.index_cast %get3A_2325 : i32 to index
      %get3A_2328 = arith.constant 16 : index
      %get3A_2329 = tpu.vector_load %arg6[%get3A_2326, %get3A_2327, %get3A_2328] {strides = array<i32>} : memref<2x128x128xf32, #tpu.memory_space<vmem>>, vector<1x1x16xf32>,
      %get3A_2330 = vector.shape_cast %get3A_2329 : vector<1x1x16xf32> to vector<16xf32>
      %add3A_2331 = arith.addf %add3A_2323, %get3A_2330 : vector<16xf32>
      %get3A_2332 = arith.constant 0 : i32
      %get3A_2333 = arith.constant 127 : i32
      %get3A_2334 = arith.index_cast %get3A_2332 : i32 to index
      %get3A_2335 = arith.index_cast %get3A_2333 : i32 to index
      %get3A_2336 = arith.constant 16 : index
      %get3A_2337 = tpu.vector_load %arg6[%get3A_2334, %get3A_2335, %get3A_2336] {strides = array<i32>} : memref<2x128x128xf32, #tpu.memory_space<vmem>>, vector<1x1x16xf32>,
      %get3A_2338 = vector.shape_cast %get3A_2337 : vector<1x1x16xf32> to vector<16xf32>
      %add3A_2339 = arith.addf %add3A_2331, %get3A_2338 : vector<16xf32>
      %mul3A_2340 = arith.constant 16 : i32
      %mul3A_2341 = arith.muli %mul3A_32, %mul3A_2340 : i32
      %add3A_2342 = arith.constant 15 : i32
      %add3A_2343 = arith.addi %mul3A_2341, %add3A_2342 : i32
      %swap3A_2344 = arith.index_cast %add3A_2343 : i32 to index
      %swap3A_2345 = arith.constant 16 : index
      %swap3A_2346 = tpu.vector_load %arg7[%swap3A_2344, %swap3A_2345] {strides = array<i32>} : memref<256x32xf32, #tpu.memory_space<vmem>>, vector<1x16xf32>,
      %swap3A_2347 = vector.shape_cast %swap3A_2346 : vector<1x16xf32> to vector<16xf32>
      %swap3A_2348 = vector.shape_cast %add3A_2339 : vector<16xf32> to vector<1x16xf32>
      tpu.vector_store %arg7[%swap3A_2344, %swap3A_2345], %swap3A_2348 {strides = array<i32>} : memref<256x32xf32, #tpu.memory_space<vmem>>, vector<1x16xf32>,
      %lt3A = arith.constant 7 : i32
      %lt3A_2349 = arith.cmpi slt, %scan3A_30, %lt3A : i32
      %convert_element_type3A = arith.extui %lt3A_2349 : i1 to i32
      %cond3A = arith.constant 0 : i32
      %cond3A_2350 = arith.cmpi ne, %convert_element_type3A, %cond3A : i32
      scf.if %cond3A_2350 {
        %add3A_4677 = arith.constant 2 : i32
        %add3A_4678 = arith.addi %mul3A_32, %add3A_4677 : i32
        %mul3A_4679 = arith.constant 128 : i32
        %mul3A_4680 = arith.muli %add3A_4678, %mul3A_4679 : i32
        %multiple_of3A_4681 = tpu.assume_multiple %mul3A_4680, 128 : i32
        %dma_start3A_4682 = arith.constant 0 : i32
        %dma_start3A_4683 = arith.constant 0 : i32
        %dma_start3A_4684 = arith.constant 0 : i32
        %dma_start3A_4685 = tpu.memref_slice %arg6[%dma_start3A_4682, %dma_start3A_4683, %dma_start3A_4684] : memref<2x128x128xf32, #tpu.memory_space<vmem>> -> memref<1x128x128xf32, #tpu.memory_space<vmem>>
        %dma_start3A_4686 = tpu.memref_squeeze %dma_start3A_4685 : memref<1x128x128xf32, #tpu.memory_space<vmem>> -> memref<128x128xf32, #tpu.memory_space<vmem>>
        %dma_start3A_4687 = tpu.memref_slice %arg5[%multiple_of3A_4681] : memref<2048xi32, #tpu.memory_space<vmem>> -> memref<128xi32, #tpu.memory_space<vmem>>
        %dma_start3A_4688 = arith.constant 0 : i32
        %dma_start3A_4689 = arith.constant 0 : i32
        %dma_start3A_4690 = tpu.memref_slice %arg3[%dma_start3A_4688, %dma_start3A_4689] : memref<8192x128xf32, #tpu.memory_space<hbm>> -> memref<8192x128xf32, #tpu.memory_space<hbm>>
        tpu.enqueue_indirect_dma source(%dma_start3A_4690 : memref<8192x128xf32, #tpu.memory_space<hbm>>) target(%dma_start3A_4686 : memref<128x128xf32, #tpu.memory_space<vmem>>) offsets(%dma_start3A_4687 : memref<128xi32, #tpu.memory_space<vmem>>) semaphore(%arg8 : memref<!tpu.dma_semaphore, #tpu.memory_space<semaphore_mem>>)
      } else {
      }
      %dma_wait3A_2351 = arith.constant 1 : i32
      %dma_wait3A_2352 = arith.constant 0 : i32
      %dma_wait3A_2353 = arith.constant 0 : i32
      %dma_wait3A_2354 = tpu.memref_slice %arg6[%dma_wait3A_2351, %dma_wait3A_2352, %dma_wait3A_2353] : memref<2x128x128xf32, #tpu.memory_space<vmem>> -> memref<1x128x128xf32, #tpu.memory_space<vmem>>
      %dma_wait3A_2355 = tpu.memref_squeeze %dma_wait3A_2354 : memref<1x128x128xf32, #tpu.memory_space<vmem>> -> memref<128x128xf32, #tpu.memory_space<vmem>>
      %dma_wait3A_2356 = arith.constant 0 : i32
      %dma_wait3A_2357 = arith.constant 0 : i32
      %dma_wait3A_2358 = tpu.memref_slice %arg3[%dma_wait3A_2356, %dma_wait3A_2357] : memref<8192x128xf32, #tpu.memory_space<hbm>> -> memref<128x128xf32, #tpu.memory_space<hbm>>
      %dma_wait3A_2359 = arith.constant 0 : i32
      %dma_wait3A_2360 = arith.constant 0 : i32
      %dma_wait3A_2361 = tpu.memref_slice %arg6[%dma_wait3A_2351, %dma_wait3A_2359, %dma_wait3A_2360] : memref<2x128x128xf32, #tpu.memory_space<vmem>> -> memref<1x128x128xf32, #tpu.memory_space<vmem>>
      %dma_wait3A_2362 = tpu.memref_squeeze %dma_wait3A_2361 : memref<1x128x128xf32, #tpu.memory_space<vmem>> -> memref<128x128xf32, #tpu.memory_space<vmem>>
      %dma_wait3A_2363 = arith.constant 0 : i32
      %dma_wait3A_2364 = arith.constant 0 : i32
      %dma_wait3A_2365 = tpu.memref_slice %arg3[%dma_wait3A_2363, %dma_wait3A_2364] : memref<8192x128xf32, #tpu.memory_space<hbm>> -> memref<128x128xf32, #tpu.memory_space<hbm>>
      tpu.wait_dma2 semaphore(%arg9 : memref<!tpu.dma_semaphore, #tpu.memory_space<semaphore_mem>>) src(%dma_wait3A_2365 : memref<128x128xf32, #tpu.memory_space<hbm>>) dst(%dma_wait3A_2362 : memref<128x128xf32, #tpu.memory_space<vmem>>)
      %add3A_2366 = arith.constant 1 : i32
      %add3A_2367 = arith.addi %mul3A_32, %add3A_2366 : i32
      %get3A_2368 = arith.constant 1 : i32
      %get3A_2369 = arith.constant 0 : i32
      %get3A_2370 = arith.index_cast %get3A_2368 : i32 to index
      %get3A_2371 = arith.index_cast %get3A_2369 : i32 to index
      %get3A_2372 = arith.constant 0 : index
      %get3A_2373 = tpu.vector_load %arg6[%get3A_2370, %get3A_2371, %get3A_2372] {strides = array<i32>} : memref<2x128x128xf32, #tpu.memory_space<vmem>>, vector<1x1x16xf32>,
      %get3A_2374 = vector.shape_cast %get3A_2373 : vector<1x1x16xf32> to vector<16xf32>
      %get3A_2375 = arith.constant 1 : i32
      %get3A_2376 = arith.constant 1 : i32
      %get3A_2377 = arith.index_cast %get3A_2375 : i32 to index
      %get3A_2378 = arith.index_cast %get3A_2376 : i32 to index
      %get3A_2379 = arith.constant 0 : index
      %get3A_2380 = tpu.vector_load %arg6[%get3A_2377, %get3A_2378, %get3A_2379] {strides = array<i32>} : memref<2x128x128xf32, #tpu.memory_space<vmem>>, vector<1x1x16xf32>,
      %get3A_2381 = vector.shape_cast %get3A_2380 : vector<1x1x16xf32> to vector<16xf32>
      %add3A_2382 = arith.addf %get3A_2374, %get3A_2381 : vector<16xf32>
      %get3A_2383 = arith.constant 1 : i32
      %get3A_2384 = arith.constant 2 : i32
      %get3A_2385 = arith.index_cast %get3A_2383 : i32 to index
      %get3A_2386 = arith.index_cast %get3A_2384 : i32 to index
      %get3A_2387 = arith.constant 0 : index
      %get3A_2388 = tpu.vector_load %arg6[%get3A_2385, %get3A_2386, %get3A_2387] {strides = array<i32>} : memref<2x128x128xf32, #tpu.memory_space<vmem>>, vector<1x1x16xf32>,
      %get3A_2389 = vector.shape_cast %get3A_2388 : vector<1x1x16xf32> to vector<16xf32>
      %add3A_2390 = arith.addf %add3A_2382, %get3A_2389 : vector<16xf32>
      %get3A_2391 = arith.constant 1 : i32
      %get3A_2392 = arith.constant 3 : i32
      %get3A_2393 = arith.index_cast %get3A_2391 : i32 to index
      %get3A_2394 = arith.index_cast %get3A_2392 : i32 to index
      %get3A_2395 = arith.constant 0 : index
      %get3A_2396 = tpu.vector_load %arg6[%get3A_2393, %get3A_2394, %get3A_2395] {strides = array<i32>} : memref<2x128x128xf32, #tpu.memory_space<vmem>>, vector<1x1x16xf32>,
      %get3A_2397 = vector.shape_cast %get3A_2396 : vector<1x1x16xf32> to vector<16xf32>
      %add3A_2398 = arith.addf %add3A_2390, %get3A_2397 : vector<16xf32>
      %get3A_2399 = arith.constant 1 : i32
      %get3A_2400 = arith.constant 4 : i32
      %get3A_2401 = arith.index_cast %get3A_2399 : i32 to index
      %get3A_2402 = arith.index_cast %get3A_2400 : i32 to index
      %get3A_2403 = arith.constant 0 : index
      %get3A_2404 = tpu.vector_load %arg6[%get3A_2401, %get3A_2402, %get3A_2403] {strides = array<i32>} : memref<2x128x128xf32, #tpu.memory_space<vmem>>, vector<1x1x16xf32>,
      %get3A_2405 = vector.shape_cast %get3A_2404 : vector<1x1x16xf32> to vector<16xf32>
      %add3A_2406 = arith.addf %add3A_2398, %get3A_2405 : vector<16xf32>
      %get3A_2407 = arith.constant 1 : i32
      %get3A_2408 = arith.constant 5 : i32
      %get3A_2409 = arith.index_cast %get3A_2407 : i32 to index
      %get3A_2410 = arith.index_cast %get3A_2408 : i32 to index
      %get3A_2411 = arith.constant 0 : index
      %get3A_2412 = tpu.vector_load %arg6[%get3A_2409, %get3A_2410, %get3A_2411] {strides = array<i32>} : memref<2x128x128xf32, #tpu.memory_space<vmem>>, vector<1x1x16xf32>,
      %get3A_2413 = vector.shape_cast %get3A_2412 : vector<1x1x16xf32> to vector<16xf32>
      %add3A_2414 = arith.addf %add3A_2406, %get3A_2413 : vector<16xf32>
      %get3A_2415 = arith.constant 1 : i32
      %get3A_2416 = arith.constant 6 : i32
      %get3A_2417 = arith.index_cast %get3A_2415 : i32 to index
      %get3A_2418 = arith.index_cast %get3A_2416 : i32 to index
      %get3A_2419 = arith.constant 0 : index
      %get3A_2420 = tpu.vector_load %arg6[%get3A_2417, %get3A_2418, %get3A_2419] {strides = array<i32>} : memref<2x128x128xf32, #tpu.memory_space<vmem>>, vector<1x1x16xf32>,
      %get3A_2421 = vector.shape_cast %get3A_2420 : vector<1x1x16xf32> to vector<16xf32>
      %add3A_2422 = arith.addf %add3A_2414, %get3A_2421 : vector<16xf32>
      %get3A_2423 = arith.constant 1 : i32
      %get3A_2424 = arith.constant 7 : i32
      %get3A_2425 = arith.index_cast %get3A_2423 : i32 to index
      %get3A_2426 = arith.index_cast %get3A_2424 : i32 to index
      %get3A_2427 = arith.constant 0 : index
      %get3A_2428 = tpu.vector_load %arg6[%get3A_2425, %get3A_2426, %get3A_2427] {strides = array<i32>} : memref<2x128x128xf32, #tpu.memory_space<vmem>>, vector<1x1x16xf32>,
      %get3A_2429 = vector.shape_cast %get3A_2428 : vector<1x1x16xf32> to vector<16xf32>
      %add3A_2430 = arith.addf %add3A_2422, %get3A_2429 : vector<16xf32>
      %mul3A_2431 = arith.constant 16 : i32
      %mul3A_2432 = arith.muli %add3A_2367, %mul3A_2431 : i32
      %add3A_2433 = arith.constant 0 : i32
      %add3A_2434 = arith.addi %mul3A_2432, %add3A_2433 : i32
      %swap3A_2435 = arith.index_cast %add3A_2434 : i32 to index
      %swap3A_2436 = arith.constant 0 : index
      %swap3A_2437 = tpu.vector_load %arg7[%swap3A_2435, %swap3A_2436] {strides = array<i32>} : memref<256x32xf32, #tpu.memory_space<vmem>>, vector<1x16xf32>,
      %swap3A_2438 = vector.shape_cast %swap3A_2437 : vector<1x16xf32> to vector<16xf32>
      %swap3A_2439 = vector.shape_cast %add3A_2430 : vector<16xf32> to vector<1x16xf32>
      tpu.vector_store %arg7[%swap3A_2435, %swap3A_2436], %swap3A_2439 {strides = array<i32>} : memref<256x32xf32, #tpu.memory_space<vmem>>, vector<1x16xf32>,
      %get3A_2440 = arith.constant 1 : i32
      %get3A_2441 = arith.constant 0 : i32
      %get3A_2442 = arith.index_cast %get3A_2440 : i32 to index
      %get3A_2443 = arith.index_cast %get3A_2441 : i32 to index
      %get3A_2444 = arith.constant 16 : index
      %get3A_2445 = tpu.vector_load %arg6[%get3A_2442, %get3A_2443, %get3A_2444] {strides = array<i32>} : memref<2x128x128xf32, #tpu.memory_space<vmem>>, vector<1x1x16xf32>,
      %get3A_2446 = vector.shape_cast %get3A_2445 : vector<1x1x16xf32> to vector<16xf32>
      %get3A_2447 = arith.constant 1 : i32
      %get3A_2448 = arith.constant 1 : i32
      %get3A_2449 = arith.index_cast %get3A_2447 : i32 to index
      %get3A_2450 = arith.index_cast %get3A_2448 : i32 to index
      %get3A_2451 = arith.constant 16 : index
      %get3A_2452 = tpu.vector_load %arg6[%get3A_2449, %get3A_2450, %get3A_2451] {strides = array<i32>} : memref<2x128x128xf32, #tpu.memory_space<vmem>>, vector<1x1x16xf32>,
      %get3A_2453 = vector.shape_cast %get3A_2452 : vector<1x1x16xf32> to vector<16xf32>
      %add3A_2454 = arith.addf %get3A_2446, %get3A_2453 : vector<16xf32>
      %get3A_2455 = arith.constant 1 : i32
      %get3A_2456 = arith.constant 2 : i32
      %get3A_2457 = arith.index_cast %get3A_2455 : i32 to index
      %get3A_2458 = arith.index_cast %get3A_2456 : i32 to index
      %get3A_2459 = arith.constant 16 : index
      %get3A_2460 = tpu.vector_load %arg6[%get3A_2457, %get3A_2458, %get3A_2459] {strides = array<i32>} : memref<2x128x128xf32, #tpu.memory_space<vmem>>, vector<1x1x16xf32>,
      %get3A_2461 = vector.shape_cast %get3A_2460 : vector<1x1x16xf32> to vector<16xf32>
      %add3A_2462 = arith.addf %add3A_2454, %get3A_2461 : vector<16xf32>
      %get3A_2463 = arith.constant 1 : i32
      %get3A_2464 = arith.constant 3 : i32
      %get3A_2465 = arith.index_cast %get3A_2463 : i32 to index
      %get3A_2466 = arith.index_cast %get3A_2464 : i32 to index
      %get3A_2467 = arith.constant 16 : index
      %get3A_2468 = tpu.vector_load %arg6[%get3A_2465, %get3A_2466, %get3A_2467] {strides = array<i32>} : memref<2x128x128xf32, #tpu.memory_space<vmem>>, vector<1x1x16xf32>,
      %get3A_2469 = vector.shape_cast %get3A_2468 : vector<1x1x16xf32> to vector<16xf32>
      %add3A_2470 = arith.addf %add3A_2462, %get3A_2469 : vector<16xf32>
      %get3A_2471 = arith.constant 1 : i32
      %get3A_2472 = arith.constant 4 : i32
      %get3A_2473 = arith.index_cast %get3A_2471 : i32 to index
      %get3A_2474 = arith.index_cast %get3A_2472 : i32 to index
      %get3A_2475 = arith.constant 16 : index
      %get3A_2476 = tpu.vector_load %arg6[%get3A_2473, %get3A_2474, %get3A_2475] {strides = array<i32>} : memref<2x128x128xf32, #tpu.memory_space<vmem>>, vector<1x1x16xf32>,
      %get3A_2477 = vector.shape_cast %get3A_2476 : vector<1x1x16xf32> to vector<16xf32>
      %add3A_2478 = arith.addf %add3A_2470, %get3A_2477 : vector<16xf32>
      %get3A_2479 = arith.constant 1 : i32
      %get3A_2480 = arith.constant 5 : i32
      %get3A_2481 = arith.index_cast %get3A_2479 : i32 to index
      %get3A_2482 = arith.index_cast %get3A_2480 : i32 to index
      %get3A_2483 = arith.constant 16 : index
      %get3A_2484 = tpu.vector_load %arg6[%get3A_2481, %get3A_2482, %get3A_2483] {strides = array<i32>} : memref<2x128x128xf32, #tpu.memory_space<vmem>>, vector<1x1x16xf32>,
      %get3A_2485 = vector.shape_cast %get3A_2484 : vector<1x1x16xf32> to vector<16xf32>
      %add3A_2486 = arith.addf %add3A_2478, %get3A_2485 : vector<16xf32>
      %get3A_2487 = arith.constant 1 : i32
      %get3A_2488 = arith.constant 6 : i32
      %get3A_2489 = arith.index_cast %get3A_2487 : i32 to index
      %get3A_2490 = arith.index_cast %get3A_2488 : i32 to index
      %get3A_2491 = arith.constant 16 : index
      %get3A_2492 = tpu.vector_load %arg6[%get3A_2489, %get3A_2490, %get3A_2491] {strides = array<i32>} : memref<2x128x128xf32, #tpu.memory_space<vmem>>, vector<1x1x16xf32>,
      %get3A_2493 = vector.shape_cast %get3A_2492 : vector<1x1x16xf32> to vector<16xf32>
      %add3A_2494 = arith.addf %add3A_2486, %get3A_2493 : vector<16xf32>
      %get3A_2495 = arith.constant 1 : i32
      %get3A_2496 = arith.constant 7 : i32
      %get3A_2497 = arith.index_cast %get3A_2495 : i32 to index
      %get3A_2498 = arith.index_cast %get3A_2496 : i32 to index
      %get3A_2499 = arith.constant 16 : index
      %get3A_2500 = tpu.vector_load %arg6[%get3A_2497, %get3A_2498, %get3A_2499] {strides = array<i32>} : memref<2x128x128xf32, #tpu.memory_space<vmem>>, vector<1x1x16xf32>,
      %get3A_2501 = vector.shape_cast %get3A_2500 : vector<1x1x16xf32> to vector<16xf32>
      %add3A_2502 = arith.addf %add3A_2494, %get3A_2501 : vector<16xf32>
      %mul3A_2503 = arith.constant 16 : i32
      %mul3A_2504 = arith.muli %add3A_2367, %mul3A_2503 : i32
      %add3A_2505 = arith.constant 0 : i32
      %add3A_2506 = arith.addi %mul3A_2504, %add3A_2505 : i32
      %swap3A_2507 = arith.index_cast %add3A_2506 : i32 to index
      %swap3A_2508 = arith.constant 16 : index
      %swap3A_2509 = tpu.vector_load %arg7[%swap3A_2507, %swap3A_2508] {strides = array<i32>} : memref<256x32xf32, #tpu.memory_space<vmem>>, vector<1x16xf32>,
      %swap3A_2510 = vector.shape_cast %swap3A_2509 : vector<1x16xf32> to vector<16xf32>
      %swap3A_2511 = vector.shape_cast %add3A_2502 : vector<16xf32> to vector<1x16xf32>
      tpu.vector_store %arg7[%swap3A_2507, %swap3A_2508], %swap3A_2511 {strides = array<i32>} : memref<256x32xf32, #tpu.memory_space<vmem>>, vector<1x16xf32>,
      %get3A_2512 = arith.constant 1 : i32
      %get3A_2513 = arith.constant 8 : i32
      %get3A_2514 = arith.index_cast %get3A_2512 : i32 to index
      %get3A_2515 = arith.index_cast %get3A_2513 : i32 to index
      %get3A_2516 = arith.constant 0 : index
      %get3A_2517 = tpu.vector_load %arg6[%get3A_2514, %get3A_2515, %get3A_2516] {strides = array<i32>} : memref<2x128x128xf32, #tpu.memory_space<vmem>>, vector<1x1x16xf32>,
      %get3A_2518 = vector.shape_cast %get3A_2517 : vector<1x1x16xf32> to vector<16xf32>
      %get3A_2519 = arith.constant 1 : i32
      %get3A_2520 = arith.constant 9 : i32
      %get3A_2521 = arith.index_cast %get3A_2519 : i32 to index
      %get3A_2522 = arith.index_cast %get3A_2520 : i32 to index
      %get3A_2523 = arith.constant 0 : index
      %get3A_2524 = tpu.vector_load %arg6[%get3A_2521, %get3A_2522, %get3A_2523] {strides = array<i32>} : memref<2x128x128xf32, #tpu.memory_space<vmem>>, vector<1x1x16xf32>,
      %get3A_2525 = vector.shape_cast %get3A_2524 : vector<1x1x16xf32> to vector<16xf32>
      %add3A_2526 = arith.addf %get3A_2518, %get3A_2525 : vector<16xf32>
      %get3A_2527 = arith.constant 1 : i32
      %get3A_2528 = arith.constant 10 : i32
      %get3A_2529 = arith.index_cast %get3A_2527 : i32 to index
      %get3A_2530 = arith.index_cast %get3A_2528 : i32 to index
      %get3A_2531 = arith.constant 0 : index
      %get3A_2532 = tpu.vector_load %arg6[%get3A_2529, %get3A_2530, %get3A_2531] {strides = array<i32>} : memref<2x128x128xf32, #tpu.memory_space<vmem>>, vector<1x1x16xf32>,
      %get3A_2533 = vector.shape_cast %get3A_2532 : vector<1x1x16xf32> to vector<16xf32>
      %add3A_2534 = arith.addf %add3A_2526, %get3A_2533 : vector<16xf32>
      %get3A_2535 = arith.constant 1 : i32
      %get3A_2536 = arith.constant 11 : i32
      %get3A_2537 = arith.index_cast %get3A_2535 : i32 to index
      %get3A_2538 = arith.index_cast %get3A_2536 : i32 to index
      %get3A_2539 = arith.constant 0 : index
      %get3A_2540 = tpu.vector_load %arg6[%get3A_2537, %get3A_2538, %get3A_2539] {strides = array<i32>} : memref<2x128x128xf32, #tpu.memory_space<vmem>>, vector<1x1x16xf32>,
      %get3A_2541 = vector.shape_cast %get3A_2540 : vector<1x1x16xf32> to vector<16xf32>
      %add3A_2542 = arith.addf %add3A_2534, %get3A_2541 : vector<16xf32>
      %get3A_2543 = arith.constant 1 : i32
      %get3A_2544 = arith.constant 12 : i32
      %get3A_2545 = arith.index_cast %get3A_2543 : i32 to index
      %get3A_2546 = arith.index_cast %get3A_2544 : i32 to index
      %get3A_2547 = arith.constant 0 : index
      %get3A_2548 = tpu.vector_load %arg6[%get3A_2545, %get3A_2546, %get3A_2547] {strides = array<i32>} : memref<2x128x128xf32, #tpu.memory_space<vmem>>, vector<1x1x16xf32>,
      %get3A_2549 = vector.shape_cast %get3A_2548 : vector<1x1x16xf32> to vector<16xf32>
      %add3A_2550 = arith.addf %add3A_2542, %get3A_2549 : vector<16xf32>
      %get3A_2551 = arith.constant 1 : i32
      %get3A_2552 = arith.constant 13 : i32
      %get3A_2553 = arith.index_cast %get3A_2551 : i32 to index
      %get3A_2554 = arith.index_cast %get3A_2552 : i32 to index
      %get3A_2555 = arith.constant 0 : index
      %get3A_2556 = tpu.vector_load %arg6[%get3A_2553, %get3A_2554, %get3A_2555] {strides = array<i32>} : memref<2x128x128xf32, #tpu.memory_space<vmem>>, vector<1x1x16xf32>,
      %get3A_2557 = vector.shape_cast %get3A_2556 : vector<1x1x16xf32> to vector<16xf32>
      %add3A_2558 = arith.addf %add3A_2550, %get3A_2557 : vector<16xf32>
      %get3A_2559 = arith.constant 1 : i32
      %get3A_2560 = arith.constant 14 : i32
      %get3A_2561 = arith.index_cast %get3A_2559 : i32 to index
      %get3A_2562 = arith.index_cast %get3A_2560 : i32 to index
      %get3A_2563 = arith.constant 0 : index
      %get3A_2564 = tpu.vector_load %arg6[%get3A_2561, %get3A_2562, %get3A_2563] {strides = array<i32>} : memref<2x128x128xf32, #tpu.memory_space<vmem>>, vector<1x1x16xf32>,
      %get3A_2565 = vector.shape_cast %get3A_2564 : vector<1x1x16xf32> to vector<16xf32>
      %add3A_2566 = arith.addf %add3A_2558, %get3A_2565 : vector<16xf32>
      %get3A_2567 = arith.constant 1 : i32
      %get3A_2568 = arith.constant 15 : i32
      %get3A_2569 = arith.index_cast %get3A_2567 : i32 to index
      %get3A_2570 = arith.index_cast %get3A_2568 : i32 to index
      %get3A_2571 = arith.constant 0 : index
      %get3A_2572 = tpu.vector_load %arg6[%get3A_2569, %get3A_2570, %get3A_2571] {strides = array<i32>} : memref<2x128x128xf32, #tpu.memory_space<vmem>>, vector<1x1x16xf32>,
      %get3A_2573 = vector.shape_cast %get3A_2572 : vector<1x1x16xf32> to vector<16xf32>
      %add3A_2574 = arith.addf %add3A_2566, %get3A_2573 : vector<16xf32>
      %mul3A_2575 = arith.constant 16 : i32
      %mul3A_2576 = arith.muli %add3A_2367, %mul3A_2575 : i32
      %add3A_2577 = arith.constant 1 : i32
      %add3A_2578 = arith.addi %mul3A_2576, %add3A_2577 : i32
      %swap3A_2579 = arith.index_cast %add3A_2578 : i32 to index
      %swap3A_2580 = arith.constant 0 : index
      %swap3A_2581 = tpu.vector_load %arg7[%swap3A_2579, %swap3A_2580] {strides = array<i32>} : memref<256x32xf32, #tpu.memory_space<vmem>>, vector<1x16xf32>,
      %swap3A_2582 = vector.shape_cast %swap3A_2581 : vector<1x16xf32> to vector<16xf32>
      %swap3A_2583 = vector.shape_cast %add3A_2574 : vector<16xf32> to vector<1x16xf32>
      tpu.vector_store %arg7[%swap3A_2579, %swap3A_2580], %swap3A_2583 {strides = array<i32>} : memref<256x32xf32, #tpu.memory_space<vmem>>, vector<1x16xf32>,
      %get3A_2584 = arith.constant 1 : i32
      %get3A_2585 = arith.constant 8 : i32
      %get3A_2586 = arith.index_cast %get3A_2584 : i32 to index
      %get3A_2587 = arith.index_cast %get3A_2585 : i32 to index
      %get3A_2588 = arith.constant 16 : index
      %get3A_2589 = tpu.vector_load %arg6[%get3A_2586, %get3A_2587, %get3A_2588] {strides = array<i32>} : memref<2x128x128xf32, #tpu.memory_space<vmem>>, vector<1x1x16xf32>,
      %get3A_2590 = vector.shape_cast %get3A_2589 : vector<1x1x16xf32> to vector<16xf32>
      %get3A_2591 = arith.constant 1 : i32
      %get3A_2592 = arith.constant 9 : i32
      %get3A_2593 = arith.index_cast %get3A_2591 : i32 to index
      %get3A_2594 = arith.index_cast %get3A_2592 : i32 to index
      %get3A_2595 = arith.constant 16 : index
      %get3A_2596 = tpu.vector_load %arg6[%get3A_2593, %get3A_2594, %get3A_2595] {strides = array<i32>} : memref<2x128x128xf32, #tpu.memory_space<vmem>>, vector<1x1x16xf32>,
      %get3A_2597 = vector.shape_cast %get3A_2596 : vector<1x1x16xf32> to vector<16xf32>
      %add3A_2598 = arith.addf %get3A_2590, %get3A_2597 : vector<16xf32>
      %get3A_2599 = arith.constant 1 : i32
      %get3A_2600 = arith.constant 10 : i32
      %get3A_2601 = arith.index_cast %get3A_2599 : i32 to index
      %get3A_2602 = arith.index_cast %get3A_2600 : i32 to index
      %get3A_2603 = arith.constant 16 : index
      %get3A_2604 = tpu.vector_load %arg6[%get3A_2601, %get3A_2602, %get3A_2603] {strides = array<i32>} : memref<2x128x128xf32, #tpu.memory_space<vmem>>, vector<1x1x16xf32>,
      %get3A_2605 = vector.shape_cast %get3A_2604 : vector<1x1x16xf32> to vector<16xf32>
      %add3A_2606 = arith.addf %add3A_2598, %get3A_2605 : vector<16xf32>
      %get3A_2607 = arith.constant 1 : i32
      %get3A_2608 = arith.constant 11 : i32
      %get3A_2609 = arith.index_cast %get3A_2607 : i32 to index
      %get3A_2610 = arith.index_cast %get3A_2608 : i32 to index
      %get3A_2611 = arith.constant 16 : index
      %get3A_2612 = tpu.vector_load %arg6[%get3A_2609, %get3A_2610, %get3A_2611] {strides = array<i32>} : memref<2x128x128xf32, #tpu.memory_space<vmem>>, vector<1x1x16xf32>,
      %get3A_2613 = vector.shape_cast %get3A_2612 : vector<1x1x16xf32> to vector<16xf32>
      %add3A_2614 = arith.addf %add3A_2606, %get3A_2613 : vector<16xf32>
      %get3A_2615 = arith.constant 1 : i32
      %get3A_2616 = arith.constant 12 : i32
      %get3A_2617 = arith.index_cast %get3A_2615 : i32 to index
      %get3A_2618 = arith.index_cast %get3A_2616 : i32 to index
      %get3A_2619 = arith.constant 16 : index
      %get3A_2620 = tpu.vector_load %arg6[%get3A_2617, %get3A_2618, %get3A_2619] {strides = array<i32>} : memref<2x128x128xf32, #tpu.memory_space<vmem>>, vector<1x1x16xf32>,
      %get3A_2621 = vector.shape_cast %get3A_2620 : vector<1x1x16xf32> to vector<16xf32>
      %add3A_2622 = arith.addf %add3A_2614, %get3A_2621 : vector<16xf32>
      %get3A_2623 = arith.constant 1 : i32
      %get3A_2624 = arith.constant 13 : i32
      %get3A_2625 = arith.index_cast %get3A_2623 : i32 to index
      %get3A_2626 = arith.index_cast %get3A_2624 : i32 to index
      %get3A_2627 = arith.constant 16 : index
      %get3A_2628 = tpu.vector_load %arg6[%get3A_2625, %get3A_2626, %get3A_2627] {strides = array<i32>} : memref<2x128x128xf32, #tpu.memory_space<vmem>>, vector<1x1x16xf32>,
      %get3A_2629 = vector.shape_cast %get3A_2628 : vector<1x1x16xf32> to vector<16xf32>
      %add3A_2630 = arith.addf %add3A_2622, %get3A_2629 : vector<16xf32>
      %get3A_2631 = arith.constant 1 : i32
      %get3A_2632 = arith.constant 14 : i32
      %get3A_2633 = arith.index_cast %get3A_2631 : i32 to index
      %get3A_2634 = arith.index_cast %get3A_2632 : i32 to index
      %get3A_2635 = arith.constant 16 : index
      %get3A_2636 = tpu.vector_load %arg6[%get3A_2633, %get3A_2634, %get3A_2635] {strides = array<i32>} : memref<2x128x128xf32, #tpu.memory_space<vmem>>, vector<1x1x16xf32>,
      %get3A_2637 = vector.shape_cast %get3A_2636 : vector<1x1x16xf32> to vector<16xf32>
      %add3A_2638 = arith.addf %add3A_2630, %get3A_2637 : vector<16xf32>
      %get3A_2639 = arith.constant 1 : i32
      %get3A_2640 = arith.constant 15 : i32
      %get3A_2641 = arith.index_cast %get3A_2639 : i32 to index
      %get3A_2642 = arith.index_cast %get3A_2640 : i32 to index
      %get3A_2643 = arith.constant 16 : index
      %get3A_2644 = tpu.vector_load %arg6[%get3A_2641, %get3A_2642, %get3A_2643] {strides = array<i32>} : memref<2x128x128xf32, #tpu.memory_space<vmem>>, vector<1x1x16xf32>,
      %get3A_2645 = vector.shape_cast %get3A_2644 : vector<1x1x16xf32> to vector<16xf32>
      %add3A_2646 = arith.addf %add3A_2638, %get3A_2645 : vector<16xf32>
      %mul3A_2647 = arith.constant 16 : i32
      %mul3A_2648 = arith.muli %add3A_2367, %mul3A_2647 : i32
      %add3A_2649 = arith.constant 1 : i32
      %add3A_2650 = arith.addi %mul3A_2648, %add3A_2649 : i32
      %swap3A_2651 = arith.index_cast %add3A_2650 : i32 to index
      %swap3A_2652 = arith.constant 16 : index
      %swap3A_2653 = tpu.vector_load %arg7[%swap3A_2651, %swap3A_2652] {strides = array<i32>} : memref<256x32xf32, #tpu.memory_space<vmem>>, vector<1x16xf32>,
      %swap3A_2654 = vector.shape_cast %swap3A_2653 : vector<1x16xf32> to vector<16xf32>
      %swap3A_2655 = vector.shape_cast %add3A_2646 : vector<16xf32> to vector<1x16xf32>
      tpu.vector_store %arg7[%swap3A_2651, %swap3A_2652], %swap3A_2655 {strides = array<i32>} : memref<256x32xf32, #tpu.memory_space<vmem>>, vector<1x16xf32>,
      %get3A_2656 = arith.constant 1 : i32
      %get3A_2657 = arith.constant 16 : i32
      %get3A_2658 = arith.index_cast %get3A_2656 : i32 to index
      %get3A_2659 = arith.index_cast %get3A_2657 : i32 to index
      %get3A_2660 = arith.constant 0 : index
      %get3A_2661 = tpu.vector_load %arg6[%get3A_2658, %get3A_2659, %get3A_2660] {strides = array<i32>} : memref<2x128x128xf32, #tpu.memory_space<vmem>>, vector<1x1x16xf32>,
      %get3A_2662 = vector.shape_cast %get3A_2661 : vector<1x1x16xf32> to vector<16xf32>
      %get3A_2663 = arith.constant 1 : i32
      %get3A_2664 = arith.constant 17 : i32
      %get3A_2665 = arith.index_cast %get3A_2663 : i32 to index
      %get3A_2666 = arith.index_cast %get3A_2664 : i32 to index
      %get3A_2667 = arith.constant 0 : index
      %get3A_2668 = tpu.vector_load %arg6[%get3A_2665, %get3A_2666, %get3A_2667] {strides = array<i32>} : memref<2x128x128xf32, #tpu.memory_space<vmem>>, vector<1x1x16xf32>,
      %get3A_2669 = vector.shape_cast %get3A_2668 : vector<1x1x16xf32> to vector<16xf32>
      %add3A_2670 = arith.addf %get3A_2662, %get3A_2669 : vector<16xf32>
      %get3A_2671 = arith.constant 1 : i32
      %get3A_2672 = arith.constant 18 : i32
      %get3A_2673 = arith.index_cast %get3A_2671 : i32 to index
      %get3A_2674 = arith.index_cast %get3A_2672 : i32 to index
      %get3A_2675 = arith.constant 0 : index
      %get3A_2676 = tpu.vector_load %arg6[%get3A_2673, %get3A_2674, %get3A_2675] {strides = array<i32>} : memref<2x128x128xf32, #tpu.memory_space<vmem>>, vector<1x1x16xf32>,
      %get3A_2677 = vector.shape_cast %get3A_2676 : vector<1x1x16xf32> to vector<16xf32>
      %add3A_2678 = arith.addf %add3A_2670, %get3A_2677 : vector<16xf32>
      %get3A_2679 = arith.constant 1 : i32
      %get3A_2680 = arith.constant 19 : i32
      %get3A_2681 = arith.index_cast %get3A_2679 : i32 to index
      %get3A_2682 = arith.index_cast %get3A_2680 : i32 to index
      %get3A_2683 = arith.constant 0 : index
      %get3A_2684 = tpu.vector_load %arg6[%get3A_2681, %get3A_2682, %get3A_2683] {strides = array<i32>} : memref<2x128x128xf32, #tpu.memory_space<vmem>>, vector<1x1x16xf32>,
      %get3A_2685 = vector.shape_cast %get3A_2684 : vector<1x1x16xf32> to vector<16xf32>
      %add3A_2686 = arith.addf %add3A_2678, %get3A_2685 : vector<16xf32>
      %get3A_2687 = arith.constant 1 : i32
      %get3A_2688 = arith.constant 20 : i32
      %get3A_2689 = arith.index_cast %get3A_2687 : i32 to index
      %get3A_2690 = arith.index_cast %get3A_2688 : i32 to index
      %get3A_2691 = arith.constant 0 : index
      %get3A_2692 = tpu.vector_load %arg6[%get3A_2689, %get3A_2690, %get3A_2691] {strides = array<i32>} : memref<2x128x128xf32, #tpu.memory_space<vmem>>, vector<1x1x16xf32>,
      %get3A_2693 = vector.shape_cast %get3A_2692 : vector<1x1x16xf32> to vector<16xf32>
      %add3A_2694 = arith.addf %add3A_2686, %get3A_2693 : vector<16xf32>
      %get3A_2695 = arith.constant 1 : i32
      %get3A_2696 = arith.constant 21 : i32
      %get3A_2697 = arith.index_cast %get3A_2695 : i32 to index
      %get3A_2698 = arith.index_cast %get3A_2696 : i32 to index
      %get3A_2699 = arith.constant 0 : index
      %get3A_2700 = tpu.vector_load %arg6[%get3A_2697, %get3A_2698, %get3A_2699] {strides = array<i32>} : memref<2x128x128xf32, #tpu.memory_space<vmem>>, vector<1x1x16xf32>,
      %get3A_2701 = vector.shape_cast %get3A_2700 : vector<1x1x16xf32> to vector<16xf32>
      %add3A_2702 = arith.addf %add3A_2694, %get3A_2701 : vector<16xf32>
      %get3A_2703 = arith.constant 1 : i32
      %get3A_2704 = arith.constant 22 : i32
      %get3A_2705 = arith.index_cast %get3A_2703 : i32 to index
      %get3A_2706 = arith.index_cast %get3A_2704 : i32 to index
      %get3A_2707 = arith.constant 0 : index
      %get3A_2708 = tpu.vector_load %arg6[%get3A_2705, %get3A_2706, %get3A_2707] {strides = array<i32>} : memref<2x128x128xf32, #tpu.memory_space<vmem>>, vector<1x1x16xf32>,
      %get3A_2709 = vector.shape_cast %get3A_2708 : vector<1x1x16xf32> to vector<16xf32>
      %add3A_2710 = arith.addf %add3A_2702, %get3A_2709 : vector<16xf32>
      %get3A_2711 = arith.constant 1 : i32
      %get3A_2712 = arith.constant 23 : i32
      %get3A_2713 = arith.index_cast %get3A_2711 : i32 to index
      %get3A_2714 = arith.index_cast %get3A_2712 : i32 to index
      %get3A_2715 = arith.constant 0 : index
      %get3A_2716 = tpu.vector_load %arg6[%get3A_2713, %get3A_2714, %get3A_2715] {strides = array<i32>} : memref<2x128x128xf32, #tpu.memory_space<vmem>>, vector<1x1x16xf32>,
      %get3A_2717 = vector.shape_cast %get3A_2716 : vector<1x1x16xf32> to vector<16xf32>
      %add3A_2718 = arith.addf %add3A_2710, %get3A_2717 : vector<16xf32>
      %mul3A_2719 = arith.constant 16 : i32
      %mul3A_2720 = arith.muli %add3A_2367, %mul3A_2719 : i32
      %add3A_2721 = arith.constant 2 : i32
      %add3A_2722 = arith.addi %mul3A_2720, %add3A_2721 : i32
      %swap3A_2723 = arith.index_cast %add3A_2722 : i32 to index
      %swap3A_2724 = arith.constant 0 : index
      %swap3A_2725 = tpu.vector_load %arg7[%swap3A_2723, %swap3A_2724] {strides = array<i32>} : memref<256x32xf32, #tpu.memory_space<vmem>>, vector<1x16xf32>,
      %swap3A_2726 = vector.shape_cast %swap3A_2725 : vector<1x16xf32> to vector<16xf32>
      %swap3A_2727 = vector.shape_cast %add3A_2718 : vector<16xf32> to vector<1x16xf32>
      tpu.vector_store %arg7[%swap3A_2723, %swap3A_2724], %swap3A_2727 {strides = array<i32>} : memref<256x32xf32, #tpu.memory_space<vmem>>, vector<1x16xf32>,
      %get3A_2728 = arith.constant 1 : i32
      %get3A_2729 = arith.constant 16 : i32
      %get3A_2730 = arith.index_cast %get3A_2728 : i32 to index
      %get3A_2731 = arith.index_cast %get3A_2729 : i32 to index
      %get3A_2732 = arith.constant 16 : index
      %get3A_2733 = tpu.vector_load %arg6[%get3A_2730, %get3A_2731, %get3A_2732] {strides = array<i32>} : memref<2x128x128xf32, #tpu.memory_space<vmem>>, vector<1x1x16xf32>,
      %get3A_2734 = vector.shape_cast %get3A_2733 : vector<1x1x16xf32> to vector<16xf32>
      %get3A_2735 = arith.constant 1 : i32
      %get3A_2736 = arith.constant 17 : i32
      %get3A_2737 = arith.index_cast %get3A_2735 : i32 to index
      %get3A_2738 = arith.index_cast %get3A_2736 : i32 to index
      %get3A_2739 = arith.constant 16 : index
      %get3A_2740 = tpu.vector_load %arg6[%get3A_2737, %get3A_2738, %get3A_2739] {strides = array<i32>} : memref<2x128x128xf32, #tpu.memory_space<vmem>>, vector<1x1x16xf32>,
      %get3A_2741 = vector.shape_cast %get3A_2740 : vector<1x1x16xf32> to vector<16xf32>
      %add3A_2742 = arith.addf %get3A_2734, %get3A_2741 : vector<16xf32>
      %get3A_2743 = arith.constant 1 : i32
      %get3A_2744 = arith.constant 18 : i32
      %get3A_2745 = arith.index_cast %get3A_2743 : i32 to index
      %get3A_2746 = arith.index_cast %get3A_2744 : i32 to index
      %get3A_2747 = arith.constant 16 : index
      %get3A_2748 = tpu.vector_load %arg6[%get3A_2745, %get3A_2746, %get3A_2747] {strides = array<i32>} : memref<2x128x128xf32, #tpu.memory_space<vmem>>, vector<1x1x16xf32>,
      %get3A_2749 = vector.shape_cast %get3A_2748 : vector<1x1x16xf32> to vector<16xf32>
      %add3A_2750 = arith.addf %add3A_2742, %get3A_2749 : vector<16xf32>
      %get3A_2751 = arith.constant 1 : i32
      %get3A_2752 = arith.constant 19 : i32
      %get3A_2753 = arith.index_cast %get3A_2751 : i32 to index
      %get3A_2754 = arith.index_cast %get3A_2752 : i32 to index
      %get3A_2755 = arith.constant 16 : index
      %get3A_2756 = tpu.vector_load %arg6[%get3A_2753, %get3A_2754, %get3A_2755] {strides = array<i32>} : memref<2x128x128xf32, #tpu.memory_space<vmem>>, vector<1x1x16xf32>,
      %get3A_2757 = vector.shape_cast %get3A_2756 : vector<1x1x16xf32> to vector<16xf32>
      %add3A_2758 = arith.addf %add3A_2750, %get3A_2757 : vector<16xf32>
      %get3A_2759 = arith.constant 1 : i32
      %get3A_2760 = arith.constant 20 : i32
      %get3A_2761 = arith.index_cast %get3A_2759 : i32 to index
      %get3A_2762 = arith.index_cast %get3A_2760 : i32 to index
      %get3A_2763 = arith.constant 16 : index
      %get3A_2764 = tpu.vector_load %arg6[%get3A_2761, %get3A_2762, %get3A_2763] {strides = array<i32>} : memref<2x128x128xf32, #tpu.memory_space<vmem>>, vector<1x1x16xf32>,
      %get3A_2765 = vector.shape_cast %get3A_2764 : vector<1x1x16xf32> to vector<16xf32>
      %add3A_2766 = arith.addf %add3A_2758, %get3A_2765 : vector<16xf32>
      %get3A_2767 = arith.constant 1 : i32
      %get3A_2768 = arith.constant 21 : i32
      %get3A_2769 = arith.index_cast %get3A_2767 : i32 to index
      %get3A_2770 = arith.index_cast %get3A_2768 : i32 to index
      %get3A_2771 = arith.constant 16 : index
      %get3A_2772 = tpu.vector_load %arg6[%get3A_2769, %get3A_2770, %get3A_2771] {strides = array<i32>} : memref<2x128x128xf32, #tpu.memory_space<vmem>>, vector<1x1x16xf32>,
      %get3A_2773 = vector.shape_cast %get3A_2772 : vector<1x1x16xf32> to vector<16xf32>
      %add3A_2774 = arith.addf %add3A_2766, %get3A_2773 : vector<16xf32>
      %get3A_2775 = arith.constant 1 : i32
      %get3A_2776 = arith.constant 22 : i32
      %get3A_2777 = arith.index_cast %get3A_2775 : i32 to index
      %get3A_2778 = arith.index_cast %get3A_2776 : i32 to index
      %get3A_2779 = arith.constant 16 : index
      %get3A_2780 = tpu.vector_load %arg6[%get3A_2777, %get3A_2778, %get3A_2779] {strides = array<i32>} : memref<2x128x128xf32, #tpu.memory_space<vmem>>, vector<1x1x16xf32>,
      %get3A_2781 = vector.shape_cast %get3A_2780 : vector<1x1x16xf32> to vector<16xf32>
      %add3A_2782 = arith.addf %add3A_2774, %get3A_2781 : vector<16xf32>
      %get3A_2783 = arith.constant 1 : i32
      %get3A_2784 = arith.constant 23 : i32
      %get3A_2785 = arith.index_cast %get3A_2783 : i32 to index
      %get3A_2786 = arith.index_cast %get3A_2784 : i32 to index
      %get3A_2787 = arith.constant 16 : index
      %get3A_2788 = tpu.vector_load %arg6[%get3A_2785, %get3A_2786, %get3A_2787] {strides = array<i32>} : memref<2x128x128xf32, #tpu.memory_space<vmem>>, vector<1x1x16xf32>,
      %get3A_2789 = vector.shape_cast %get3A_2788 : vector<1x1x16xf32> to vector<16xf32>
      %add3A_2790 = arith.addf %add3A_2782, %get3A_2789 : vector<16xf32>
      %mul3A_2791 = arith.constant 16 : i32
      %mul3A_2792 = arith.muli %add3A_2367, %mul3A_2791 : i32
      %add3A_2793 = arith.constant 2 : i32
      %add3A_2794 = arith.addi %mul3A_2792, %add3A_2793 : i32
      %swap3A_2795 = arith.index_cast %add3A_2794 : i32 to index
      %swap3A_2796 = arith.constant 16 : index
      %swap3A_2797 = tpu.vector_load %arg7[%swap3A_2795, %swap3A_2796] {strides = array<i32>} : memref<256x32xf32, #tpu.memory_space<vmem>>, vector<1x16xf32>,
      %swap3A_2798 = vector.shape_cast %swap3A_2797 : vector<1x16xf32> to vector<16xf32>
      %swap3A_2799 = vector.shape_cast %add3A_2790 : vector<16xf32> to vector<1x16xf32>
      tpu.vector_store %arg7[%swap3A_2795, %swap3A_2796], %swap3A_2799 {strides = array<i32>} : memref<256x32xf32, #tpu.memory_space<vmem>>, vector<1x16xf32>,
      %get3A_2800 = arith.constant 1 : i32
      %get3A_2801 = arith.constant 24 : i32
      %get3A_2802 = arith.index_cast %get3A_2800 : i32 to index
      %get3A_2803 = arith.index_cast %get3A_2801 : i32 to index
      %get3A_2804 = arith.constant 0 : index
      %get3A_2805 = tpu.vector_load %arg6[%get3A_2802, %get3A_2803, %get3A_2804] {strides = array<i32>} : memref<2x128x128xf32, #tpu.memory_space<vmem>>, vector<1x1x16xf32>,
      %get3A_2806 = vector.shape_cast %get3A_2805 : vector<1x1x16xf32> to vector<16xf32>
      %get3A_2807 = arith.constant 1 : i32
      %get3A_2808 = arith.constant 25 : i32
      %get3A_2809 = arith.index_cast %get3A_2807 : i32 to index
      %get3A_2810 = arith.index_cast %get3A_2808 : i32 to index
      %get3A_2811 = arith.constant 0 : index
      %get3A_2812 = tpu.vector_load %arg6[%get3A_2809, %get3A_2810, %get3A_2811] {strides = array<i32>} : memref<2x128x128xf32, #tpu.memory_space<vmem>>, vector<1x1x16xf32>,
      %get3A_2813 = vector.shape_cast %get3A_2812 : vector<1x1x16xf32> to vector<16xf32>
      %add3A_2814 = arith.addf %get3A_2806, %get3A_2813 : vector<16xf32>
      %get3A_2815 = arith.constant 1 : i32
      %get3A_2816 = arith.constant 26 : i32
      %get3A_2817 = arith.index_cast %get3A_2815 : i32 to index
      %get3A_2818 = arith.index_cast %get3A_2816 : i32 to index
      %get3A_2819 = arith.constant 0 : index
      %get3A_2820 = tpu.vector_load %arg6[%get3A_2817, %get3A_2818, %get3A_2819] {strides = array<i32>} : memref<2x128x128xf32, #tpu.memory_space<vmem>>, vector<1x1x16xf32>,
      %get3A_2821 = vector.shape_cast %get3A_2820 : vector<1x1x16xf32> to vector<16xf32>
      %add3A_2822 = arith.addf %add3A_2814, %get3A_2821 : vector<16xf32>
      %get3A_2823 = arith.constant 1 : i32
      %get3A_2824 = arith.constant 27 : i32
      %get3A_2825 = arith.index_cast %get3A_2823 : i32 to index
      %get3A_2826 = arith.index_cast %get3A_2824 : i32 to index
      %get3A_2827 = arith.constant 0 : index
      %get3A_2828 = tpu.vector_load %arg6[%get3A_2825, %get3A_2826, %get3A_2827] {strides = array<i32>} : memref<2x128x128xf32, #tpu.memory_space<vmem>>, vector<1x1x16xf32>,
      %get3A_2829 = vector.shape_cast %get3A_2828 : vector<1x1x16xf32> to vector<16xf32>
      %add3A_2830 = arith.addf %add3A_2822, %get3A_2829 : vector<16xf32>
      %get3A_2831 = arith.constant 1 : i32
      %get3A_2832 = arith.constant 28 : i32
      %get3A_2833 = arith.index_cast %get3A_2831 : i32 to index
      %get3A_2834 = arith.index_cast %get3A_2832 : i32 to index
      %get3A_2835 = arith.constant 0 : index
      %get3A_2836 = tpu.vector_load %arg6[%get3A_2833, %get3A_2834, %get3A_2835] {strides = array<i32>} : memref<2x128x128xf32, #tpu.memory_space<vmem>>, vector<1x1x16xf32>,
      %get3A_2837 = vector.shape_cast %get3A_2836 : vector<1x1x16xf32> to vector<16xf32>
      %add3A_2838 = arith.addf %add3A_2830, %get3A_2837 : vector<16xf32>
      %get3A_2839 = arith.constant 1 : i32
      %get3A_2840 = arith.constant 29 : i32
      %get3A_2841 = arith.index_cast %get3A_2839 : i32 to index
      %get3A_2842 = arith.index_cast %get3A_2840 : i32 to index
      %get3A_2843 = arith.constant 0 : index
      %get3A_2844 = tpu.vector_load %arg6[%get3A_2841, %get3A_2842, %get3A_2843] {strides = array<i32>} : memref<2x128x128xf32, #tpu.memory_space<vmem>>, vector<1x1x16xf32>,
      %get3A_2845 = vector.shape_cast %get3A_2844 : vector<1x1x16xf32> to vector<16xf32>
      %add3A_2846 = arith.addf %add3A_2838, %get3A_2845 : vector<16xf32>
      %get3A_2847 = arith.constant 1 : i32
      %get3A_2848 = arith.constant 30 : i32
      %get3A_2849 = arith.index_cast %get3A_2847 : i32 to index
      %get3A_2850 = arith.index_cast %get3A_2848 : i32 to index
      %get3A_2851 = arith.constant 0 : index
      %get3A_2852 = tpu.vector_load %arg6[%get3A_2849, %get3A_2850, %get3A_2851] {strides = array<i32>} : memref<2x128x128xf32, #tpu.memory_space<vmem>>, vector<1x1x16xf32>,
      %get3A_2853 = vector.shape_cast %get3A_2852 : vector<1x1x16xf32> to vector<16xf32>
      %add3A_2854 = arith.addf %add3A_2846, %get3A_2853 : vector<16xf32>
      %get3A_2855 = arith.constant 1 : i32
      %get3A_2856 = arith.constant 31 : i32
      %get3A_2857 = arith.index_cast %get3A_2855 : i32 to index
      %get3A_2858 = arith.index_cast %get3A_2856 : i32 to index
      %get3A_2859 = arith.constant 0 : index
      %get3A_2860 = tpu.vector_load %arg6[%get3A_2857, %get3A_2858, %get3A_2859] {strides = array<i32>} : memref<2x128x128xf32, #tpu.memory_space<vmem>>, vector<1x1x16xf32>,
      %get3A_2861 = vector.shape_cast %get3A_2860 : vector<1x1x16xf32> to vector<16xf32>
      %add3A_2862 = arith.addf %add3A_2854, %get3A_2861 : vector<16xf32>
      %mul3A_2863 = arith.constant 16 : i32
      %mul3A_2864 = arith.muli %add3A_2367, %mul3A_2863 : i32
      %add3A_2865 = arith.constant 3 : i32
      %add3A_2866 = arith.addi %mul3A_2864, %add3A_2865 : i32
      %swap3A_2867 = arith.index_cast %add3A_2866 : i32 to index
      %swap3A_2868 = arith.constant 0 : index
      %swap3A_2869 = tpu.vector_load %arg7[%swap3A_2867, %swap3A_2868] {strides = array<i32>} : memref<256x32xf32, #tpu.memory_space<vmem>>, vector<1x16xf32>,
      %swap3A_2870 = vector.shape_cast %swap3A_2869 : vector<1x16xf32> to vector<16xf32>
      %swap3A_2871 = vector.shape_cast %add3A_2862 : vector<16xf32> to vector<1x16xf32>
      tpu.vector_store %arg7[%swap3A_2867, %swap3A_2868], %swap3A_2871 {strides = array<i32>} : memref<256x32xf32, #tpu.memory_space<vmem>>, vector<1x16xf32>,
      %get3A_2872 = arith.constant 1 : i32
      %get3A_2873 = arith.constant 24 : i32
      %get3A_2874 = arith.index_cast %get3A_2872 : i32 to index
      %get3A_2875 = arith.index_cast %get3A_2873 : i32 to index
      %get3A_2876 = arith.constant 16 : index
      %get3A_2877 = tpu.vector_load %arg6[%get3A_2874, %get3A_2875, %get3A_2876] {strides = array<i32>} : memref<2x128x128xf32, #tpu.memory_space<vmem>>, vector<1x1x16xf32>,
      %get3A_2878 = vector.shape_cast %get3A_2877 : vector<1x1x16xf32> to vector<16xf32>
      %get3A_2879 = arith.constant 1 : i32
      %get3A_2880 = arith.constant 25 : i32
      %get3A_2881 = arith.index_cast %get3A_2879 : i32 to index
      %get3A_2882 = arith.index_cast %get3A_2880 : i32 to index
      %get3A_2883 = arith.constant 16 : index
      %get3A_2884 = tpu.vector_load %arg6[%get3A_2881, %get3A_2882, %get3A_2883] {strides = array<i32>} : memref<2x128x128xf32, #tpu.memory_space<vmem>>, vector<1x1x16xf32>,
      %get3A_2885 = vector.shape_cast %get3A_2884 : vector<1x1x16xf32> to vector<16xf32>
      %add3A_2886 = arith.addf %get3A_2878, %get3A_2885 : vector<16xf32>
      %get3A_2887 = arith.constant 1 : i32
      %get3A_2888 = arith.constant 26 : i32
      %get3A_2889 = arith.index_cast %get3A_2887 : i32 to index
      %get3A_2890 = arith.index_cast %get3A_2888 : i32 to index
      %get3A_2891 = arith.constant 16 : index
      %get3A_2892 = tpu.vector_load %arg6[%get3A_2889, %get3A_2890, %get3A_2891] {strides = array<i32>} : memref<2x128x128xf32, #tpu.memory_space<vmem>>, vector<1x1x16xf32>,
      %get3A_2893 = vector.shape_cast %get3A_2892 : vector<1x1x16xf32> to vector<16xf32>
      %add3A_2894 = arith.addf %add3A_2886, %get3A_2893 : vector<16xf32>
      %get3A_2895 = arith.constant 1 : i32
      %get3A_2896 = arith.constant 27 : i32
      %get3A_2897 = arith.index_cast %get3A_2895 : i32 to index
      %get3A_2898 = arith.index_cast %get3A_2896 : i32 to index
      %get3A_2899 = arith.constant 16 : index
      %get3A_2900 = tpu.vector_load %arg6[%get3A_2897, %get3A_2898, %get3A_2899] {strides = array<i32>} : memref<2x128x128xf32, #tpu.memory_space<vmem>>, vector<1x1x16xf32>,
      %get3A_2901 = vector.shape_cast %get3A_2900 : vector<1x1x16xf32> to vector<16xf32>
      %add3A_2902 = arith.addf %add3A_2894, %get3A_2901 : vector<16xf32>
      %get3A_2903 = arith.constant 1 : i32
      %get3A_2904 = arith.constant 28 : i32
      %get3A_2905 = arith.index_cast %get3A_2903 : i32 to index
      %get3A_2906 = arith.index_cast %get3A_2904 : i32 to index
      %get3A_2907 = arith.constant 16 : index
      %get3A_2908 = tpu.vector_load %arg6[%get3A_2905, %get3A_2906, %get3A_2907] {strides = array<i32>} : memref<2x128x128xf32, #tpu.memory_space<vmem>>, vector<1x1x16xf32>,
      %get3A_2909 = vector.shape_cast %get3A_2908 : vector<1x1x16xf32> to vector<16xf32>
      %add3A_2910 = arith.addf %add3A_2902, %get3A_2909 : vector<16xf32>
      %get3A_2911 = arith.constant 1 : i32
      %get3A_2912 = arith.constant 29 : i32
      %get3A_2913 = arith.index_cast %get3A_2911 : i32 to index
      %get3A_2914 = arith.index_cast %get3A_2912 : i32 to index
      %get3A_2915 = arith.constant 16 : index
      %get3A_2916 = tpu.vector_load %arg6[%get3A_2913, %get3A_2914, %get3A_2915] {strides = array<i32>} : memref<2x128x128xf32, #tpu.memory_space<vmem>>, vector<1x1x16xf32>,
      %get3A_2917 = vector.shape_cast %get3A_2916 : vector<1x1x16xf32> to vector<16xf32>
      %add3A_2918 = arith.addf %add3A_2910, %get3A_2917 : vector<16xf32>
      %get3A_2919 = arith.constant 1 : i32
      %get3A_2920 = arith.constant 30 : i32
      %get3A_2921 = arith.index_cast %get3A_2919 : i32 to index
      %get3A_2922 = arith.index_cast %get3A_2920 : i32 to index
      %get3A_2923 = arith.constant 16 : index
      %get3A_2924 = tpu.vector_load %arg6[%get3A_2921, %get3A_2922, %get3A_2923] {strides = array<i32>} : memref<2x128x128xf32, #tpu.memory_space<vmem>>, vector<1x1x16xf32>,
      %get3A_2925 = vector.shape_cast %get3A_2924 : vector<1x1x16xf32> to vector<16xf32>
      %add3A_2926 = arith.addf %add3A_2918, %get3A_2925 : vector<16xf32>
      %get3A_2927 = arith.constant 1 : i32
      %get3A_2928 = arith.constant 31 : i32
      %get3A_2929 = arith.index_cast %get3A_2927 : i32 to index
      %get3A_2930 = arith.index_cast %get3A_2928 : i32 to index
      %get3A_2931 = arith.constant 16 : index
      %get3A_2932 = tpu.vector_load %arg6[%get3A_2929, %get3A_2930, %get3A_2931] {strides = array<i32>} : memref<2x128x128xf32, #tpu.memory_space<vmem>>, vector<1x1x16xf32>,
      %get3A_2933 = vector.shape_cast %get3A_2932 : vector<1x1x16xf32> to vector<16xf32>
      %add3A_2934 = arith.addf %add3A_2926, %get3A_2933 : vector<16xf32>
      %mul3A_2935 = arith.constant 16 : i32
      %mul3A_2936 = arith.muli %add3A_2367, %mul3A_2935 : i32
      %add3A_2937 = arith.constant 3 : i32
      %add3A_2938 = arith.addi %mul3A_2936, %add3A_2937 : i32
      %swap3A_2939 = arith.index_cast %add3A_2938 : i32 to index
      %swap3A_2940 = arith.constant 16 : index
      %swap3A_2941 = tpu.vector_load %arg7[%swap3A_2939, %swap3A_2940] {strides = array<i32>} : memref<256x32xf32, #tpu.memory_space<vmem>>, vector<1x16xf32>,
      %swap3A_2942 = vector.shape_cast %swap3A_2941 : vector<1x16xf32> to vector<16xf32>
      %swap3A_2943 = vector.shape_cast %add3A_2934 : vector<16xf32> to vector<1x16xf32>
      tpu.vector_store %arg7[%swap3A_2939, %swap3A_2940], %swap3A_2943 {strides = array<i32>} : memref<256x32xf32, #tpu.memory_space<vmem>>, vector<1x16xf32>,
      %get3A_2944 = arith.constant 1 : i32
      %get3A_2945 = arith.constant 32 : i32
      %get3A_2946 = arith.index_cast %get3A_2944 : i32 to index
      %get3A_2947 = arith.index_cast %get3A_2945 : i32 to index
      %get3A_2948 = arith.constant 0 : index
      %get3A_2949 = tpu.vector_load %arg6[%get3A_2946, %get3A_2947, %get3A_2948] {strides = array<i32>} : memref<2x128x128xf32, #tpu.memory_space<vmem>>, vector<1x1x16xf32>,
      %get3A_2950 = vector.shape_cast %get3A_2949 : vector<1x1x16xf32> to vector<16xf32>
      %get3A_2951 = arith.constant 1 : i32
      %get3A_2952 = arith.constant 33 : i32
      %get3A_2953 = arith.index_cast %get3A_2951 : i32 to index
      %get3A_2954 = arith.index_cast %get3A_2952 : i32 to index
      %get3A_2955 = arith.constant 0 : index
      %get3A_2956 = tpu.vector_load %arg6[%get3A_2953, %get3A_2954, %get3A_2955] {strides = array<i32>} : memref<2x128x128xf32, #tpu.memory_space<vmem>>, vector<1x1x16xf32>,
      %get3A_2957 = vector.shape_cast %get3A_2956 : vector<1x1x16xf32> to vector<16xf32>
      %add3A_2958 = arith.addf %get3A_2950, %get3A_2957 : vector<16xf32>
      %get3A_2959 = arith.constant 1 : i32
      %get3A_2960 = arith.constant 34 : i32
      %get3A_2961 = arith.index_cast %get3A_2959 : i32 to index
      %get3A_2962 = arith.index_cast %get3A_2960 : i32 to index
      %get3A_2963 = arith.constant 0 : index
      %get3A_2964 = tpu.vector_load %arg6[%get3A_2961, %get3A_2962, %get3A_2963] {strides = array<i32>} : memref<2x128x128xf32, #tpu.memory_space<vmem>>, vector<1x1x16xf32>,
      %get3A_2965 = vector.shape_cast %get3A_2964 : vector<1x1x16xf32> to vector<16xf32>
      %add3A_2966 = arith.addf %add3A_2958, %get3A_2965 : vector<16xf32>
      %get3A_2967 = arith.constant 1 : i32
      %get3A_2968 = arith.constant 35 : i32
      %get3A_2969 = arith.index_cast %get3A_2967 : i32 to index
      %get3A_2970 = arith.index_cast %get3A_2968 : i32 to index
      %get3A_2971 = arith.constant 0 : index
      %get3A_2972 = tpu.vector_load %arg6[%get3A_2969, %get3A_2970, %get3A_2971] {strides = array<i32>} : memref<2x128x128xf32, #tpu.memory_space<vmem>>, vector<1x1x16xf32>,
      %get3A_2973 = vector.shape_cast %get3A_2972 : vector<1x1x16xf32> to vector<16xf32>
      %add3A_2974 = arith.addf %add3A_2966, %get3A_2973 : vector<16xf32>
      %get3A_2975 = arith.constant 1 : i32
      %get3A_2976 = arith.constant 36 : i32
      %get3A_2977 = arith.index_cast %get3A_2975 : i32 to index
      %get3A_2978 = arith.index_cast %get3A_2976 : i32 to index
      %get3A_2979 = arith.constant 0 : index
      %get3A_2980 = tpu.vector_load %arg6[%get3A_2977, %get3A_2978, %get3A_2979] {strides = array<i32>} : memref<2x128x128xf32, #tpu.memory_space<vmem>>, vector<1x1x16xf32>,
      %get3A_2981 = vector.shape_cast %get3A_2980 : vector<1x1x16xf32> to vector<16xf32>
      %add3A_2982 = arith.addf %add3A_2974, %get3A_2981 : vector<16xf32>
      %get3A_2983 = arith.constant 1 : i32
      %get3A_2984 = arith.constant 37 : i32
      %get3A_2985 = arith.index_cast %get3A_2983 : i32 to index
      %get3A_2986 = arith.index_cast %get3A_2984 : i32 to index
      %get3A_2987 = arith.constant 0 : index
      %get3A_2988 = tpu.vector_load %arg6[%get3A_2985, %get3A_2986, %get3A_2987] {strides = array<i32>} : memref<2x128x128xf32, #tpu.memory_space<vmem>>, vector<1x1x16xf32>,
      %get3A_2989 = vector.shape_cast %get3A_2988 : vector<1x1x16xf32> to vector<16xf32>
      %add3A_2990 = arith.addf %add3A_2982, %get3A_2989 : vector<16xf32>
      %get3A_2991 = arith.constant 1 : i32
      %get3A_2992 = arith.constant 38 : i32
      %get3A_2993 = arith.index_cast %get3A_2991 : i32 to index
      %get3A_2994 = arith.index_cast %get3A_2992 : i32 to index
      %get3A_2995 = arith.constant 0 : index
      %get3A_2996 = tpu.vector_load %arg6[%get3A_2993, %get3A_2994, %get3A_2995] {strides = array<i32>} : memref<2x128x128xf32, #tpu.memory_space<vmem>>, vector<1x1x16xf32>,
      %get3A_2997 = vector.shape_cast %get3A_2996 : vector<1x1x16xf32> to vector<16xf32>
      %add3A_2998 = arith.addf %add3A_2990, %get3A_2997 : vector<16xf32>
      %get3A_2999 = arith.constant 1 : i32
      %get3A_3000 = arith.constant 39 : i32
      %get3A_3001 = arith.index_cast %get3A_2999 : i32 to index
      %get3A_3002 = arith.index_cast %get3A_3000 : i32 to index
      %get3A_3003 = arith.constant 0 : index
      %get3A_3004 = tpu.vector_load %arg6[%get3A_3001, %get3A_3002, %get3A_3003] {strides = array<i32>} : memref<2x128x128xf32, #tpu.memory_space<vmem>>, vector<1x1x16xf32>,
      %get3A_3005 = vector.shape_cast %get3A_3004 : vector<1x1x16xf32> to vector<16xf32>
      %add3A_3006 = arith.addf %add3A_2998, %get3A_3005 : vector<16xf32>
      %mul3A_3007 = arith.constant 16 : i32
      %mul3A_3008 = arith.muli %add3A_2367, %mul3A_3007 : i32
      %add3A_3009 = arith.constant 4 : i32
      %add3A_3010 = arith.addi %mul3A_3008, %add3A_3009 : i32
      %swap3A_3011 = arith.index_cast %add3A_3010 : i32 to index
      %swap3A_3012 = arith.constant 0 : index
      %swap3A_3013 = tpu.vector_load %arg7[%swap3A_3011, %swap3A_3012] {strides = array<i32>} : memref<256x32xf32, #tpu.memory_space<vmem>>, vector<1x16xf32>,
      %swap3A_3014 = vector.shape_cast %swap3A_3013 : vector<1x16xf32> to vector<16xf32>
      %swap3A_3015 = vector.shape_cast %add3A_3006 : vector<16xf32> to vector<1x16xf32>
      tpu.vector_store %arg7[%swap3A_3011, %swap3A_3012], %swap3A_3015 {strides = array<i32>} : memref<256x32xf32, #tpu.memory_space<vmem>>, vector<1x16xf32>,
      %get3A_3016 = arith.constant 1 : i32
      %get3A_3017 = arith.constant 32 : i32
      %get3A_3018 = arith.index_cast %get3A_3016 : i32 to index
      %get3A_3019 = arith.index_cast %get3A_3017 : i32 to index
      %get3A_3020 = arith.constant 16 : index
      %get3A_3021 = tpu.vector_load %arg6[%get3A_3018, %get3A_3019, %get3A_3020] {strides = array<i32>} : memref<2x128x128xf32, #tpu.memory_space<vmem>>, vector<1x1x16xf32>,
      %get3A_3022 = vector.shape_cast %get3A_3021 : vector<1x1x16xf32> to vector<16xf32>
      %get3A_3023 = arith.constant 1 : i32
      %get3A_3024 = arith.constant 33 : i32
      %get3A_3025 = arith.index_cast %get3A_3023 : i32 to index
      %get3A_3026 = arith.index_cast %get3A_3024 : i32 to index
      %get3A_3027 = arith.constant 16 : index
      %get3A_3028 = tpu.vector_load %arg6[%get3A_3025, %get3A_3026, %get3A_3027] {strides = array<i32>} : memref<2x128x128xf32, #tpu.memory_space<vmem>>, vector<1x1x16xf32>,
      %get3A_3029 = vector.shape_cast %get3A_3028 : vector<1x1x16xf32> to vector<16xf32>
      %add3A_3030 = arith.addf %get3A_3022, %get3A_3029 : vector<16xf32>
      %get3A_3031 = arith.constant 1 : i32
      %get3A_3032 = arith.constant 34 : i32
      %get3A_3033 = arith.index_cast %get3A_3031 : i32 to index
      %get3A_3034 = arith.index_cast %get3A_3032 : i32 to index
      %get3A_3035 = arith.constant 16 : index
      %get3A_3036 = tpu.vector_load %arg6[%get3A_3033, %get3A_3034, %get3A_3035] {strides = array<i32>} : memref<2x128x128xf32, #tpu.memory_space<vmem>>, vector<1x1x16xf32>,
      %get3A_3037 = vector.shape_cast %get3A_3036 : vector<1x1x16xf32> to vector<16xf32>
      %add3A_3038 = arith.addf %add3A_3030, %get3A_3037 : vector<16xf32>
      %get3A_3039 = arith.constant 1 : i32
      %get3A_3040 = arith.constant 35 : i32
      %get3A_3041 = arith.index_cast %get3A_3039 : i32 to index
      %get3A_3042 = arith.index_cast %get3A_3040 : i32 to index
      %get3A_3043 = arith.constant 16 : index
      %get3A_3044 = tpu.vector_load %arg6[%get3A_3041, %get3A_3042, %get3A_3043] {strides = array<i32>} : memref<2x128x128xf32, #tpu.memory_space<vmem>>, vector<1x1x16xf32>,
      %get3A_3045 = vector.shape_cast %get3A_3044 : vector<1x1x16xf32> to vector<16xf32>
      %add3A_3046 = arith.addf %add3A_3038, %get3A_3045 : vector<16xf32>
      %get3A_3047 = arith.constant 1 : i32
      %get3A_3048 = arith.constant 36 : i32
      %get3A_3049 = arith.index_cast %get3A_3047 : i32 to index
      %get3A_3050 = arith.index_cast %get3A_3048 : i32 to index
      %get3A_3051 = arith.constant 16 : index
      %get3A_3052 = tpu.vector_load %arg6[%get3A_3049, %get3A_3050, %get3A_3051] {strides = array<i32>} : memref<2x128x128xf32, #tpu.memory_space<vmem>>, vector<1x1x16xf32>,
      %get3A_3053 = vector.shape_cast %get3A_3052 : vector<1x1x16xf32> to vector<16xf32>
      %add3A_3054 = arith.addf %add3A_3046, %get3A_3053 : vector<16xf32>
      %get3A_3055 = arith.constant 1 : i32
      %get3A_3056 = arith.constant 37 : i32
      %get3A_3057 = arith.index_cast %get3A_3055 : i32 to index
      %get3A_3058 = arith.index_cast %get3A_3056 : i32 to index
      %get3A_3059 = arith.constant 16 : index
      %get3A_3060 = tpu.vector_load %arg6[%get3A_3057, %get3A_3058, %get3A_3059] {strides = array<i32>} : memref<2x128x128xf32, #tpu.memory_space<vmem>>, vector<1x1x16xf32>,
      %get3A_3061 = vector.shape_cast %get3A_3060 : vector<1x1x16xf32> to vector<16xf32>
      %add3A_3062 = arith.addf %add3A_3054, %get3A_3061 : vector<16xf32>
      %get3A_3063 = arith.constant 1 : i32
      %get3A_3064 = arith.constant 38 : i32
      %get3A_3065 = arith.index_cast %get3A_3063 : i32 to index
      %get3A_3066 = arith.index_cast %get3A_3064 : i32 to index
      %get3A_3067 = arith.constant 16 : index
      %get3A_3068 = tpu.vector_load %arg6[%get3A_3065, %get3A_3066, %get3A_3067] {strides = array<i32>} : memref<2x128x128xf32, #tpu.memory_space<vmem>>, vector<1x1x16xf32>,
      %get3A_3069 = vector.shape_cast %get3A_3068 : vector<1x1x16xf32> to vector<16xf32>
      %add3A_3070 = arith.addf %add3A_3062, %get3A_3069 : vector<16xf32>
      %get3A_3071 = arith.constant 1 : i32
      %get3A_3072 = arith.constant 39 : i32
      %get3A_3073 = arith.index_cast %get3A_3071 : i32 to index
      %get3A_3074 = arith.index_cast %get3A_3072 : i32 to index
      %get3A_3075 = arith.constant 16 : index
      %get3A_3076 = tpu.vector_load %arg6[%get3A_3073, %get3A_3074, %get3A_3075] {strides = array<i32>} : memref<2x128x128xf32, #tpu.memory_space<vmem>>, vector<1x1x16xf32>,
      %get3A_3077 = vector.shape_cast %get3A_3076 : vector<1x1x16xf32> to vector<16xf32>
      %add3A_3078 = arith.addf %add3A_3070, %get3A_3077 : vector<16xf32>
      %mul3A_3079 = arith.constant 16 : i32
      %mul3A_3080 = arith.muli %add3A_2367, %mul3A_3079 : i32
      %add3A_3081 = arith.constant 4 : i32
      %add3A_3082 = arith.addi %mul3A_3080, %add3A_3081 : i32
      %swap3A_3083 = arith.index_cast %add3A_3082 : i32 to index
      %swap3A_3084 = arith.constant 16 : index
      %swap3A_3085 = tpu.vector_load %arg7[%swap3A_3083, %swap3A_3084] {strides = array<i32>} : memref<256x32xf32, #tpu.memory_space<vmem>>, vector<1x16xf32>,
      %swap3A_3086 = vector.shape_cast %swap3A_3085 : vector<1x16xf32> to vector<16xf32>
      %swap3A_3087 = vector.shape_cast %add3A_3078 : vector<16xf32> to vector<1x16xf32>
      tpu.vector_store %arg7[%swap3A_3083, %swap3A_3084], %swap3A_3087 {strides = array<i32>} : memref<256x32xf32, #tpu.memory_space<vmem>>, vector<1x16xf32>,
      %get3A_3088 = arith.constant 1 : i32
      %get3A_3089 = arith.constant 40 : i32
      %get3A_3090 = arith.index_cast %get3A_3088 : i32 to index
      %get3A_3091 = arith.index_cast %get3A_3089 : i32 to index
      %get3A_3092 = arith.constant 0 : index
      %get3A_3093 = tpu.vector_load %arg6[%get3A_3090, %get3A_3091, %get3A_3092] {strides = array<i32>} : memref<2x128x128xf32, #tpu.memory_space<vmem>>, vector<1x1x16xf32>,
      %get3A_3094 = vector.shape_cast %get3A_3093 : vector<1x1x16xf32> to vector<16xf32>
      %get3A_3095 = arith.constant 1 : i32
      %get3A_3096 = arith.constant 41 : i32
      %get3A_3097 = arith.index_cast %get3A_3095 : i32 to index
      %get3A_3098 = arith.index_cast %get3A_3096 : i32 to index
      %get3A_3099 = arith.constant 0 : index
      %get3A_3100 = tpu.vector_load %arg6[%get3A_3097, %get3A_3098, %get3A_3099] {strides = array<i32>} : memref<2x128x128xf32, #tpu.memory_space<vmem>>, vector<1x1x16xf32>,
      %get3A_3101 = vector.shape_cast %get3A_3100 : vector<1x1x16xf32> to vector<16xf32>
      %add3A_3102 = arith.addf %get3A_3094, %get3A_3101 : vector<16xf32>
      %get3A_3103 = arith.constant 1 : i32
      %get3A_3104 = arith.constant 42 : i32
      %get3A_3105 = arith.index_cast %get3A_3103 : i32 to index
      %get3A_3106 = arith.index_cast %get3A_3104 : i32 to index
      %get3A_3107 = arith.constant 0 : index
      %get3A_3108 = tpu.vector_load %arg6[%get3A_3105, %get3A_3106, %get3A_3107] {strides = array<i32>} : memref<2x128x128xf32, #tpu.memory_space<vmem>>, vector<1x1x16xf32>,
      %get3A_3109 = vector.shape_cast %get3A_3108 : vector<1x1x16xf32> to vector<16xf32>
      %add3A_3110 = arith.addf %add3A_3102, %get3A_3109 : vector<16xf32>
      %get3A_3111 = arith.constant 1 : i32
      %get3A_3112 = arith.constant 43 : i32
      %get3A_3113 = arith.index_cast %get3A_3111 : i32 to index
      %get3A_3114 = arith.index_cast %get3A_3112 : i32 to index
      %get3A_3115 = arith.constant 0 : index
      %get3A_3116 = tpu.vector_load %arg6[%get3A_3113, %get3A_3114, %get3A_3115] {strides = array<i32>} : memref<2x128x128xf32, #tpu.memory_space<vmem>>, vector<1x1x16xf32>,
      %get3A_3117 = vector.shape_cast %get3A_3116 : vector<1x1x16xf32> to vector<16xf32>
      %add3A_3118 = arith.addf %add3A_3110, %get3A_3117 : vector<16xf32>
      %get3A_3119 = arith.constant 1 : i32
      %get3A_3120 = arith.constant 44 : i32
      %get3A_3121 = arith.index_cast %get3A_3119 : i32 to index
      %get3A_3122 = arith.index_cast %get3A_3120 : i32 to index
      %get3A_3123 = arith.constant 0 : index
      %get3A_3124 = tpu.vector_load %arg6[%get3A_3121, %get3A_3122, %get3A_3123] {strides = array<i32>} : memref<2x128x128xf32, #tpu.memory_space<vmem>>, vector<1x1x16xf32>,
      %get3A_3125 = vector.shape_cast %get3A_3124 : vector<1x1x16xf32> to vector<16xf32>
      %add3A_3126 = arith.addf %add3A_3118, %get3A_3125 : vector<16xf32>
      %get3A_3127 = arith.constant 1 : i32
      %get3A_3128 = arith.constant 45 : i32
      %get3A_3129 = arith.index_cast %get3A_3127 : i32 to index
      %get3A_3130 = arith.index_cast %get3A_3128 : i32 to index
      %get3A_3131 = arith.constant 0 : index
      %get3A_3132 = tpu.vector_load %arg6[%get3A_3129, %get3A_3130, %get3A_3131] {strides = array<i32>} : memref<2x128x128xf32, #tpu.memory_space<vmem>>, vector<1x1x16xf32>,
      %get3A_3133 = vector.shape_cast %get3A_3132 : vector<1x1x16xf32> to vector<16xf32>
      %add3A_3134 = arith.addf %add3A_3126, %get3A_3133 : vector<16xf32>
      %get3A_3135 = arith.constant 1 : i32
      %get3A_3136 = arith.constant 46 : i32
      %get3A_3137 = arith.index_cast %get3A_3135 : i32 to index
      %get3A_3138 = arith.index_cast %get3A_3136 : i32 to index
      %get3A_3139 = arith.constant 0 : index
      %get3A_3140 = tpu.vector_load %arg6[%get3A_3137, %get3A_3138, %get3A_3139] {strides = array<i32>} : memref<2x128x128xf32, #tpu.memory_space<vmem>>, vector<1x1x16xf32>,
      %get3A_3141 = vector.shape_cast %get3A_3140 : vector<1x1x16xf32> to vector<16xf32>
      %add3A_3142 = arith.addf %add3A_3134, %get3A_3141 : vector<16xf32>
      %get3A_3143 = arith.constant 1 : i32
      %get3A_3144 = arith.constant 47 : i32
      %get3A_3145 = arith.index_cast %get3A_3143 : i32 to index
      %get3A_3146 = arith.index_cast %get3A_3144 : i32 to index
      %get3A_3147 = arith.constant 0 : index
      %get3A_3148 = tpu.vector_load %arg6[%get3A_3145, %get3A_3146, %get3A_3147] {strides = array<i32>} : memref<2x128x128xf32, #tpu.memory_space<vmem>>, vector<1x1x16xf32>,
      %get3A_3149 = vector.shape_cast %get3A_3148 : vector<1x1x16xf32> to vector<16xf32>
      %add3A_3150 = arith.addf %add3A_3142, %get3A_3149 : vector<16xf32>
      %mul3A_3151 = arith.constant 16 : i32
      %mul3A_3152 = arith.muli %add3A_2367, %mul3A_3151 : i32
      %add3A_3153 = arith.constant 5 : i32
      %add3A_3154 = arith.addi %mul3A_3152, %add3A_3153 : i32
      %swap3A_3155 = arith.index_cast %add3A_3154 : i32 to index
      %swap3A_3156 = arith.constant 0 : index
      %swap3A_3157 = tpu.vector_load %arg7[%swap3A_3155, %swap3A_3156] {strides = array<i32>} : memref<256x32xf32, #tpu.memory_space<vmem>>, vector<1x16xf32>,
      %swap3A_3158 = vector.shape_cast %swap3A_3157 : vector<1x16xf32> to vector<16xf32>
      %swap3A_3159 = vector.shape_cast %add3A_3150 : vector<16xf32> to vector<1x16xf32>
      tpu.vector_store %arg7[%swap3A_3155, %swap3A_3156], %swap3A_3159 {strides = array<i32>} : memref<256x32xf32, #tpu.memory_space<vmem>>, vector<1x16xf32>,
      %get3A_3160 = arith.constant 1 : i32
      %get3A_3161 = arith.constant 40 : i32
      %get3A_3162 = arith.index_cast %get3A_3160 : i32 to index
      %get3A_3163 = arith.index_cast %get3A_3161 : i32 to index
      %get3A_3164 = arith.constant 16 : index
      %get3A_3165 = tpu.vector_load %arg6[%get3A_3162, %get3A_3163, %get3A_3164] {strides = array<i32>} : memref<2x128x128xf32, #tpu.memory_space<vmem>>, vector<1x1x16xf32>,
      %get3A_3166 = vector.shape_cast %get3A_3165 : vector<1x1x16xf32> to vector<16xf32>
      %get3A_3167 = arith.constant 1 : i32
      %get3A_3168 = arith.constant 41 : i32
      %get3A_3169 = arith.index_cast %get3A_3167 : i32 to index
      %get3A_3170 = arith.index_cast %get3A_3168 : i32 to index
      %get3A_3171 = arith.constant 16 : index
      %get3A_3172 = tpu.vector_load %arg6[%get3A_3169, %get3A_3170, %get3A_3171] {strides = array<i32>} : memref<2x128x128xf32, #tpu.memory_space<vmem>>, vector<1x1x16xf32>,
      %get3A_3173 = vector.shape_cast %get3A_3172 : vector<1x1x16xf32> to vector<16xf32>
      %add3A_3174 = arith.addf %get3A_3166, %get3A_3173 : vector<16xf32>
      %get3A_3175 = arith.constant 1 : i32
      %get3A_3176 = arith.constant 42 : i32
      %get3A_3177 = arith.index_cast %get3A_3175 : i32 to index
      %get3A_3178 = arith.index_cast %get3A_3176 : i32 to index
      %get3A_3179 = arith.constant 16 : index
      %get3A_3180 = tpu.vector_load %arg6[%get3A_3177, %get3A_3178, %get3A_3179] {strides = array<i32>} : memref<2x128x128xf32, #tpu.memory_space<vmem>>, vector<1x1x16xf32>,
      %get3A_3181 = vector.shape_cast %get3A_3180 : vector<1x1x16xf32> to vector<16xf32>
      %add3A_3182 = arith.addf %add3A_3174, %get3A_3181 : vector<16xf32>
      %get3A_3183 = arith.constant 1 : i32
      %get3A_3184 = arith.constant 43 : i32
      %get3A_3185 = arith.index_cast %get3A_3183 : i32 to index
      %get3A_3186 = arith.index_cast %get3A_3184 : i32 to index
      %get3A_3187 = arith.constant 16 : index
      %get3A_3188 = tpu.vector_load %arg6[%get3A_3185, %get3A_3186, %get3A_3187] {strides = array<i32>} : memref<2x128x128xf32, #tpu.memory_space<vmem>>, vector<1x1x16xf32>,
      %get3A_3189 = vector.shape_cast %get3A_3188 : vector<1x1x16xf32> to vector<16xf32>
      %add3A_3190 = arith.addf %add3A_3182, %get3A_3189 : vector<16xf32>
      %get3A_3191 = arith.constant 1 : i32
      %get3A_3192 = arith.constant 44 : i32
      %get3A_3193 = arith.index_cast %get3A_3191 : i32 to index
      %get3A_3194 = arith.index_cast %get3A_3192 : i32 to index
      %get3A_3195 = arith.constant 16 : index
      %get3A_3196 = tpu.vector_load %arg6[%get3A_3193, %get3A_3194, %get3A_3195] {strides = array<i32>} : memref<2x128x128xf32, #tpu.memory_space<vmem>>, vector<1x1x16xf32>,
      %get3A_3197 = vector.shape_cast %get3A_3196 : vector<1x1x16xf32> to vector<16xf32>
      %add3A_3198 = arith.addf %add3A_3190, %get3A_3197 : vector<16xf32>
      %get3A_3199 = arith.constant 1 : i32
      %get3A_3200 = arith.constant 45 : i32
      %get3A_3201 = arith.index_cast %get3A_3199 : i32 to index
      %get3A_3202 = arith.index_cast %get3A_3200 : i32 to index
      %get3A_3203 = arith.constant 16 : index
      %get3A_3204 = tpu.vector_load %arg6[%get3A_3201, %get3A_3202, %get3A_3203] {strides = array<i32>} : memref<2x128x128xf32, #tpu.memory_space<vmem>>, vector<1x1x16xf32>,
      %get3A_3205 = vector.shape_cast %get3A_3204 : vector<1x1x16xf32> to vector<16xf32>
      %add3A_3206 = arith.addf %add3A_3198, %get3A_3205 : vector<16xf32>
      %get3A_3207 = arith.constant 1 : i32
      %get3A_3208 = arith.constant 46 : i32
      %get3A_3209 = arith.index_cast %get3A_3207 : i32 to index
      %get3A_3210 = arith.index_cast %get3A_3208 : i32 to index
      %get3A_3211 = arith.constant 16 : index
      %get3A_3212 = tpu.vector_load %arg6[%get3A_3209, %get3A_3210, %get3A_3211] {strides = array<i32>} : memref<2x128x128xf32, #tpu.memory_space<vmem>>, vector<1x1x16xf32>,
      %get3A_3213 = vector.shape_cast %get3A_3212 : vector<1x1x16xf32> to vector<16xf32>
      %add3A_3214 = arith.addf %add3A_3206, %get3A_3213 : vector<16xf32>
      %get3A_3215 = arith.constant 1 : i32
      %get3A_3216 = arith.constant 47 : i32
      %get3A_3217 = arith.index_cast %get3A_3215 : i32 to index
      %get3A_3218 = arith.index_cast %get3A_3216 : i32 to index
      %get3A_3219 = arith.constant 16 : index
      %get3A_3220 = tpu.vector_load %arg6[%get3A_3217, %get3A_3218, %get3A_3219] {strides = array<i32>} : memref<2x128x128xf32, #tpu.memory_space<vmem>>, vector<1x1x16xf32>,
      %get3A_3221 = vector.shape_cast %get3A_3220 : vector<1x1x16xf32> to vector<16xf32>
      %add3A_3222 = arith.addf %add3A_3214, %get3A_3221 : vector<16xf32>
      %mul3A_3223 = arith.constant 16 : i32
      %mul3A_3224 = arith.muli %add3A_2367, %mul3A_3223 : i32
      %add3A_3225 = arith.constant 5 : i32
      %add3A_3226 = arith.addi %mul3A_3224, %add3A_3225 : i32
      %swap3A_3227 = arith.index_cast %add3A_3226 : i32 to index
      %swap3A_3228 = arith.constant 16 : index
      %swap3A_3229 = tpu.vector_load %arg7[%swap3A_3227, %swap3A_3228] {strides = array<i32>} : memref<256x32xf32, #tpu.memory_space<vmem>>, vector<1x16xf32>,
      %swap3A_3230 = vector.shape_cast %swap3A_3229 : vector<1x16xf32> to vector<16xf32>
      %swap3A_3231 = vector.shape_cast %add3A_3222 : vector<16xf32> to vector<1x16xf32>
      tpu.vector_store %arg7[%swap3A_3227, %swap3A_3228], %swap3A_3231 {strides = array<i32>} : memref<256x32xf32, #tpu.memory_space<vmem>>, vector<1x16xf32>,
      %get3A_3232 = arith.constant 1 : i32
      %get3A_3233 = arith.constant 48 : i32
      %get3A_3234 = arith.index_cast %get3A_3232 : i32 to index
      %get3A_3235 = arith.index_cast %get3A_3233 : i32 to index
      %get3A_3236 = arith.constant 0 : index
      %get3A_3237 = tpu.vector_load %arg6[%get3A_3234, %get3A_3235, %get3A_3236] {strides = array<i32>} : memref<2x128x128xf32, #tpu.memory_space<vmem>>, vector<1x1x16xf32>,
      %get3A_3238 = vector.shape_cast %get3A_3237 : vector<1x1x16xf32> to vector<16xf32>
      %get3A_3239 = arith.constant 1 : i32
      %get3A_3240 = arith.constant 49 : i32
      %get3A_3241 = arith.index_cast %get3A_3239 : i32 to index
      %get3A_3242 = arith.index_cast %get3A_3240 : i32 to index
      %get3A_3243 = arith.constant 0 : index
      %get3A_3244 = tpu.vector_load %arg6[%get3A_3241, %get3A_3242, %get3A_3243] {strides = array<i32>} : memref<2x128x128xf32, #tpu.memory_space<vmem>>, vector<1x1x16xf32>,
      %get3A_3245 = vector.shape_cast %get3A_3244 : vector<1x1x16xf32> to vector<16xf32>
      %add3A_3246 = arith.addf %get3A_3238, %get3A_3245 : vector<16xf32>
      %get3A_3247 = arith.constant 1 : i32
      %get3A_3248 = arith.constant 50 : i32
      %get3A_3249 = arith.index_cast %get3A_3247 : i32 to index
      %get3A_3250 = arith.index_cast %get3A_3248 : i32 to index
      %get3A_3251 = arith.constant 0 : index
      %get3A_3252 = tpu.vector_load %arg6[%get3A_3249, %get3A_3250, %get3A_3251] {strides = array<i32>} : memref<2x128x128xf32, #tpu.memory_space<vmem>>, vector<1x1x16xf32>,
      %get3A_3253 = vector.shape_cast %get3A_3252 : vector<1x1x16xf32> to vector<16xf32>
      %add3A_3254 = arith.addf %add3A_3246, %get3A_3253 : vector<16xf32>
      %get3A_3255 = arith.constant 1 : i32
      %get3A_3256 = arith.constant 51 : i32
      %get3A_3257 = arith.index_cast %get3A_3255 : i32 to index
      %get3A_3258 = arith.index_cast %get3A_3256 : i32 to index
      %get3A_3259 = arith.constant 0 : index
      %get3A_3260 = tpu.vector_load %arg6[%get3A_3257, %get3A_3258, %get3A_3259] {strides = array<i32>} : memref<2x128x128xf32, #tpu.memory_space<vmem>>, vector<1x1x16xf32>,
      %get3A_3261 = vector.shape_cast %get3A_3260 : vector<1x1x16xf32> to vector<16xf32>
      %add3A_3262 = arith.addf %add3A_3254, %get3A_3261 : vector<16xf32>
      %get3A_3263 = arith.constant 1 : i32
      %get3A_3264 = arith.constant 52 : i32
      %get3A_3265 = arith.index_cast %get3A_3263 : i32 to index
      %get3A_3266 = arith.index_cast %get3A_3264 : i32 to index
      %get3A_3267 = arith.constant 0 : index
      %get3A_3268 = tpu.vector_load %arg6[%get3A_3265, %get3A_3266, %get3A_3267] {strides = array<i32>} : memref<2x128x128xf32, #tpu.memory_space<vmem>>, vector<1x1x16xf32>,
      %get3A_3269 = vector.shape_cast %get3A_3268 : vector<1x1x16xf32> to vector<16xf32>
      %add3A_3270 = arith.addf %add3A_3262, %get3A_3269 : vector<16xf32>
      %get3A_3271 = arith.constant 1 : i32
      %get3A_3272 = arith.constant 53 : i32
      %get3A_3273 = arith.index_cast %get3A_3271 : i32 to index
      %get3A_3274 = arith.index_cast %get3A_3272 : i32 to index
      %get3A_3275 = arith.constant 0 : index
      %get3A_3276 = tpu.vector_load %arg6[%get3A_3273, %get3A_3274, %get3A_3275] {strides = array<i32>} : memref<2x128x128xf32, #tpu.memory_space<vmem>>, vector<1x1x16xf32>,
      %get3A_3277 = vector.shape_cast %get3A_3276 : vector<1x1x16xf32> to vector<16xf32>
      %add3A_3278 = arith.addf %add3A_3270, %get3A_3277 : vector<16xf32>
      %get3A_3279 = arith.constant 1 : i32
      %get3A_3280 = arith.constant 54 : i32
      %get3A_3281 = arith.index_cast %get3A_3279 : i32 to index
      %get3A_3282 = arith.index_cast %get3A_3280 : i32 to index
      %get3A_3283 = arith.constant 0 : index
      %get3A_3284 = tpu.vector_load %arg6[%get3A_3281, %get3A_3282, %get3A_3283] {strides = array<i32>} : memref<2x128x128xf32, #tpu.memory_space<vmem>>, vector<1x1x16xf32>,
      %get3A_3285 = vector.shape_cast %get3A_3284 : vector<1x1x16xf32> to vector<16xf32>
      %add3A_3286 = arith.addf %add3A_3278, %get3A_3285 : vector<16xf32>
      %get3A_3287 = arith.constant 1 : i32
      %get3A_3288 = arith.constant 55 : i32
      %get3A_3289 = arith.index_cast %get3A_3287 : i32 to index
      %get3A_3290 = arith.index_cast %get3A_3288 : i32 to index
      %get3A_3291 = arith.constant 0 : index
      %get3A_3292 = tpu.vector_load %arg6[%get3A_3289, %get3A_3290, %get3A_3291] {strides = array<i32>} : memref<2x128x128xf32, #tpu.memory_space<vmem>>, vector<1x1x16xf32>,
      %get3A_3293 = vector.shape_cast %get3A_3292 : vector<1x1x16xf32> to vector<16xf32>
      %add3A_3294 = arith.addf %add3A_3286, %get3A_3293 : vector<16xf32>
      %mul3A_3295 = arith.constant 16 : i32
      %mul3A_3296 = arith.muli %add3A_2367, %mul3A_3295 : i32
      %add3A_3297 = arith.constant 6 : i32
      %add3A_3298 = arith.addi %mul3A_3296, %add3A_3297 : i32
      %swap3A_3299 = arith.index_cast %add3A_3298 : i32 to index
      %swap3A_3300 = arith.constant 0 : index
      %swap3A_3301 = tpu.vector_load %arg7[%swap3A_3299, %swap3A_3300] {strides = array<i32>} : memref<256x32xf32, #tpu.memory_space<vmem>>, vector<1x16xf32>,
      %swap3A_3302 = vector.shape_cast %swap3A_3301 : vector<1x16xf32> to vector<16xf32>
      %swap3A_3303 = vector.shape_cast %add3A_3294 : vector<16xf32> to vector<1x16xf32>
      tpu.vector_store %arg7[%swap3A_3299, %swap3A_3300], %swap3A_3303 {strides = array<i32>} : memref<256x32xf32, #tpu.memory_space<vmem>>, vector<1x16xf32>,
      %get3A_3304 = arith.constant 1 : i32
      %get3A_3305 = arith.constant 48 : i32
      %get3A_3306 = arith.index_cast %get3A_3304 : i32 to index
      %get3A_3307 = arith.index_cast %get3A_3305 : i32 to index
      %get3A_3308 = arith.constant 16 : index
      %get3A_3309 = tpu.vector_load %arg6[%get3A_3306, %get3A_3307, %get3A_3308] {strides = array<i32>} : memref<2x128x128xf32, #tpu.memory_space<vmem>>, vector<1x1x16xf32>,
      %get3A_3310 = vector.shape_cast %get3A_3309 : vector<1x1x16xf32> to vector<16xf32>
      %get3A_3311 = arith.constant 1 : i32
      %get3A_3312 = arith.constant 49 : i32
      %get3A_3313 = arith.index_cast %get3A_3311 : i32 to index
      %get3A_3314 = arith.index_cast %get3A_3312 : i32 to index
      %get3A_3315 = arith.constant 16 : index
      %get3A_3316 = tpu.vector_load %arg6[%get3A_3313, %get3A_3314, %get3A_3315] {strides = array<i32>} : memref<2x128x128xf32, #tpu.memory_space<vmem>>, vector<1x1x16xf32>,
      %get3A_3317 = vector.shape_cast %get3A_3316 : vector<1x1x16xf32> to vector<16xf32>
      %add3A_3318 = arith.addf %get3A_3310, %get3A_3317 : vector<16xf32>
      %get3A_3319 = arith.constant 1 : i32
      %get3A_3320 = arith.constant 50 : i32
      %get3A_3321 = arith.index_cast %get3A_3319 : i32 to index
      %get3A_3322 = arith.index_cast %get3A_3320 : i32 to index
      %get3A_3323 = arith.constant 16 : index
      %get3A_3324 = tpu.vector_load %arg6[%get3A_3321, %get3A_3322, %get3A_3323] {strides = array<i32>} : memref<2x128x128xf32, #tpu.memory_space<vmem>>, vector<1x1x16xf32>,
      %get3A_3325 = vector.shape_cast %get3A_3324 : vector<1x1x16xf32> to vector<16xf32>
      %add3A_3326 = arith.addf %add3A_3318, %get3A_3325 : vector<16xf32>
      %get3A_3327 = arith.constant 1 : i32
      %get3A_3328 = arith.constant 51 : i32
      %get3A_3329 = arith.index_cast %get3A_3327 : i32 to index
      %get3A_3330 = arith.index_cast %get3A_3328 : i32 to index
      %get3A_3331 = arith.constant 16 : index
      %get3A_3332 = tpu.vector_load %arg6[%get3A_3329, %get3A_3330, %get3A_3331] {strides = array<i32>} : memref<2x128x128xf32, #tpu.memory_space<vmem>>, vector<1x1x16xf32>,
      %get3A_3333 = vector.shape_cast %get3A_3332 : vector<1x1x16xf32> to vector<16xf32>
      %add3A_3334 = arith.addf %add3A_3326, %get3A_3333 : vector<16xf32>
      %get3A_3335 = arith.constant 1 : i32
      %get3A_3336 = arith.constant 52 : i32
      %get3A_3337 = arith.index_cast %get3A_3335 : i32 to index
      %get3A_3338 = arith.index_cast %get3A_3336 : i32 to index
      %get3A_3339 = arith.constant 16 : index
      %get3A_3340 = tpu.vector_load %arg6[%get3A_3337, %get3A_3338, %get3A_3339] {strides = array<i32>} : memref<2x128x128xf32, #tpu.memory_space<vmem>>, vector<1x1x16xf32>,
      %get3A_3341 = vector.shape_cast %get3A_3340 : vector<1x1x16xf32> to vector<16xf32>
      %add3A_3342 = arith.addf %add3A_3334, %get3A_3341 : vector<16xf32>
      %get3A_3343 = arith.constant 1 : i32
      %get3A_3344 = arith.constant 53 : i32
      %get3A_3345 = arith.index_cast %get3A_3343 : i32 to index
      %get3A_3346 = arith.index_cast %get3A_3344 : i32 to index
      %get3A_3347 = arith.constant 16 : index
      %get3A_3348 = tpu.vector_load %arg6[%get3A_3345, %get3A_3346, %get3A_3347] {strides = array<i32>} : memref<2x128x128xf32, #tpu.memory_space<vmem>>, vector<1x1x16xf32>,
      %get3A_3349 = vector.shape_cast %get3A_3348 : vector<1x1x16xf32> to vector<16xf32>
      %add3A_3350 = arith.addf %add3A_3342, %get3A_3349 : vector<16xf32>
      %get3A_3351 = arith.constant 1 : i32
      %get3A_3352 = arith.constant 54 : i32
      %get3A_3353 = arith.index_cast %get3A_3351 : i32 to index
      %get3A_3354 = arith.index_cast %get3A_3352 : i32 to index
      %get3A_3355 = arith.constant 16 : index
      %get3A_3356 = tpu.vector_load %arg6[%get3A_3353, %get3A_3354, %get3A_3355] {strides = array<i32>} : memref<2x128x128xf32, #tpu.memory_space<vmem>>, vector<1x1x16xf32>,
      %get3A_3357 = vector.shape_cast %get3A_3356 : vector<1x1x16xf32> to vector<16xf32>
      %add3A_3358 = arith.addf %add3A_3350, %get3A_3357 : vector<16xf32>
      %get3A_3359 = arith.constant 1 : i32
      %get3A_3360 = arith.constant 55 : i32
      %get3A_3361 = arith.index_cast %get3A_3359 : i32 to index
      %get3A_3362 = arith.index_cast %get3A_3360 : i32 to index
      %get3A_3363 = arith.constant 16 : index
      %get3A_3364 = tpu.vector_load %arg6[%get3A_3361, %get3A_3362, %get3A_3363] {strides = array<i32>} : memref<2x128x128xf32, #tpu.memory_space<vmem>>, vector<1x1x16xf32>,
      %get3A_3365 = vector.shape_cast %get3A_3364 : vector<1x1x16xf32> to vector<16xf32>
      %add3A_3366 = arith.addf %add3A_3358, %get3A_3365 : vector<16xf32>
      %mul3A_3367 = arith.constant 16 : i32
      %mul3A_3368 = arith.muli %add3A_2367, %mul3A_3367 : i32
      %add3A_3369 = arith.constant 6 : i32
      %add3A_3370 = arith.addi %mul3A_3368, %add3A_3369 : i32
      %swap3A_3371 = arith.index_cast %add3A_3370 : i32 to index
      %swap3A_3372 = arith.constant 16 : index
      %swap3A_3373 = tpu.vector_load %arg7[%swap3A_3371, %swap3A_3372] {strides = array<i32>} : memref<256x32xf32, #tpu.memory_space<vmem>>, vector<1x16xf32>,
      %swap3A_3374 = vector.shape_cast %swap3A_3373 : vector<1x16xf32> to vector<16xf32>
      %swap3A_3375 = vector.shape_cast %add3A_3366 : vector<16xf32> to vector<1x16xf32>
      tpu.vector_store %arg7[%swap3A_3371, %swap3A_3372], %swap3A_3375 {strides = array<i32>} : memref<256x32xf32, #tpu.memory_space<vmem>>, vector<1x16xf32>,
      %get3A_3376 = arith.constant 1 : i32
      %get3A_3377 = arith.constant 56 : i32
      %get3A_3378 = arith.index_cast %get3A_3376 : i32 to index
      %get3A_3379 = arith.index_cast %get3A_3377 : i32 to index
      %get3A_3380 = arith.constant 0 : index
      %get3A_3381 = tpu.vector_load %arg6[%get3A_3378, %get3A_3379, %get3A_3380] {strides = array<i32>} : memref<2x128x128xf32, #tpu.memory_space<vmem>>, vector<1x1x16xf32>,
      %get3A_3382 = vector.shape_cast %get3A_3381 : vector<1x1x16xf32> to vector<16xf32>
      %get3A_3383 = arith.constant 1 : i32
      %get3A_3384 = arith.constant 57 : i32
      %get3A_3385 = arith.index_cast %get3A_3383 : i32 to index
      %get3A_3386 = arith.index_cast %get3A_3384 : i32 to index
      %get3A_3387 = arith.constant 0 : index
      %get3A_3388 = tpu.vector_load %arg6[%get3A_3385, %get3A_3386, %get3A_3387] {strides = array<i32>} : memref<2x128x128xf32, #tpu.memory_space<vmem>>, vector<1x1x16xf32>,
      %get3A_3389 = vector.shape_cast %get3A_3388 : vector<1x1x16xf32> to vector<16xf32>
      %add3A_3390 = arith.addf %get3A_3382, %get3A_3389 : vector<16xf32>
      %get3A_3391 = arith.constant 1 : i32
      %get3A_3392 = arith.constant 58 : i32
      %get3A_3393 = arith.index_cast %get3A_3391 : i32 to index
      %get3A_3394 = arith.index_cast %get3A_3392 : i32 to index
      %get3A_3395 = arith.constant 0 : index
      %get3A_3396 = tpu.vector_load %arg6[%get3A_3393, %get3A_3394, %get3A_3395] {strides = array<i32>} : memref<2x128x128xf32, #tpu.memory_space<vmem>>, vector<1x1x16xf32>,
      %get3A_3397 = vector.shape_cast %get3A_3396 : vector<1x1x16xf32> to vector<16xf32>
      %add3A_3398 = arith.addf %add3A_3390, %get3A_3397 : vector<16xf32>
      %get3A_3399 = arith.constant 1 : i32
      %get3A_3400 = arith.constant 59 : i32
      %get3A_3401 = arith.index_cast %get3A_3399 : i32 to index
      %get3A_3402 = arith.index_cast %get3A_3400 : i32 to index
      %get3A_3403 = arith.constant 0 : index
      %get3A_3404 = tpu.vector_load %arg6[%get3A_3401, %get3A_3402, %get3A_3403] {strides = array<i32>} : memref<2x128x128xf32, #tpu.memory_space<vmem>>, vector<1x1x16xf32>,
      %get3A_3405 = vector.shape_cast %get3A_3404 : vector<1x1x16xf32> to vector<16xf32>
      %add3A_3406 = arith.addf %add3A_3398, %get3A_3405 : vector<16xf32>
      %get3A_3407 = arith.constant 1 : i32
      %get3A_3408 = arith.constant 60 : i32
      %get3A_3409 = arith.index_cast %get3A_3407 : i32 to index
      %get3A_3410 = arith.index_cast %get3A_3408 : i32 to index
      %get3A_3411 = arith.constant 0 : index
      %get3A_3412 = tpu.vector_load %arg6[%get3A_3409, %get3A_3410, %get3A_3411] {strides = array<i32>} : memref<2x128x128xf32, #tpu.memory_space<vmem>>, vector<1x1x16xf32>,
      %get3A_3413 = vector.shape_cast %get3A_3412 : vector<1x1x16xf32> to vector<16xf32>
      %add3A_3414 = arith.addf %add3A_3406, %get3A_3413 : vector<16xf32>
      %get3A_3415 = arith.constant 1 : i32
      %get3A_3416 = arith.constant 61 : i32
      %get3A_3417 = arith.index_cast %get3A_3415 : i32 to index
      %get3A_3418 = arith.index_cast %get3A_3416 : i32 to index
      %get3A_3419 = arith.constant 0 : index
      %get3A_3420 = tpu.vector_load %arg6[%get3A_3417, %get3A_3418, %get3A_3419] {strides = array<i32>} : memref<2x128x128xf32, #tpu.memory_space<vmem>>, vector<1x1x16xf32>,
      %get3A_3421 = vector.shape_cast %get3A_3420 : vector<1x1x16xf32> to vector<16xf32>
      %add3A_3422 = arith.addf %add3A_3414, %get3A_3421 : vector<16xf32>
      %get3A_3423 = arith.constant 1 : i32
      %get3A_3424 = arith.constant 62 : i32
      %get3A_3425 = arith.index_cast %get3A_3423 : i32 to index
      %get3A_3426 = arith.index_cast %get3A_3424 : i32 to index
      %get3A_3427 = arith.constant 0 : index
      %get3A_3428 = tpu.vector_load %arg6[%get3A_3425, %get3A_3426, %get3A_3427] {strides = array<i32>} : memref<2x128x128xf32, #tpu.memory_space<vmem>>, vector<1x1x16xf32>,
      %get3A_3429 = vector.shape_cast %get3A_3428 : vector<1x1x16xf32> to vector<16xf32>
      %add3A_3430 = arith.addf %add3A_3422, %get3A_3429 : vector<16xf32>
      %get3A_3431 = arith.constant 1 : i32
      %get3A_3432 = arith.constant 63 : i32
      %get3A_3433 = arith.index_cast %get3A_3431 : i32 to index
      %get3A_3434 = arith.index_cast %get3A_3432 : i32 to index
      %get3A_3435 = arith.constant 0 : index
      %get3A_3436 = tpu.vector_load %arg6[%get3A_3433, %get3A_3434, %get3A_3435] {strides = array<i32>} : memref<2x128x128xf32, #tpu.memory_space<vmem>>, vector<1x1x16xf32>,
      %get3A_3437 = vector.shape_cast %get3A_3436 : vector<1x1x16xf32> to vector<16xf32>
      %add3A_3438 = arith.addf %add3A_3430, %get3A_3437 : vector<16xf32>
      %mul3A_3439 = arith.constant 16 : i32
      %mul3A_3440 = arith.muli %add3A_2367, %mul3A_3439 : i32
      %add3A_3441 = arith.constant 7 : i32
      %add3A_3442 = arith.addi %mul3A_3440, %add3A_3441 : i32
      %swap3A_3443 = arith.index_cast %add3A_3442 : i32 to index
      %swap3A_3444 = arith.constant 0 : index
      %swap3A_3445 = tpu.vector_load %arg7[%swap3A_3443, %swap3A_3444] {strides = array<i32>} : memref<256x32xf32, #tpu.memory_space<vmem>>, vector<1x16xf32>,
      %swap3A_3446 = vector.shape_cast %swap3A_3445 : vector<1x16xf32> to vector<16xf32>
      %swap3A_3447 = vector.shape_cast %add3A_3438 : vector<16xf32> to vector<1x16xf32>
      tpu.vector_store %arg7[%swap3A_3443, %swap3A_3444], %swap3A_3447 {strides = array<i32>} : memref<256x32xf32, #tpu.memory_space<vmem>>, vector<1x16xf32>,
      %get3A_3448 = arith.constant 1 : i32
      %get3A_3449 = arith.constant 56 : i32
      %get3A_3450 = arith.index_cast %get3A_3448 : i32 to index
      %get3A_3451 = arith.index_cast %get3A_3449 : i32 to index
      %get3A_3452 = arith.constant 16 : index
      %get3A_3453 = tpu.vector_load %arg6[%get3A_3450, %get3A_3451, %get3A_3452] {strides = array<i32>} : memref<2x128x128xf32, #tpu.memory_space<vmem>>, vector<1x1x16xf32>,
      %get3A_3454 = vector.shape_cast %get3A_3453 : vector<1x1x16xf32> to vector<16xf32>
      %get3A_3455 = arith.constant 1 : i32
      %get3A_3456 = arith.constant 57 : i32
      %get3A_3457 = arith.index_cast %get3A_3455 : i32 to index
      %get3A_3458 = arith.index_cast %get3A_3456 : i32 to index
      %get3A_3459 = arith.constant 16 : index
      %get3A_3460 = tpu.vector_load %arg6[%get3A_3457, %get3A_3458, %get3A_3459] {strides = array<i32>} : memref<2x128x128xf32, #tpu.memory_space<vmem>>, vector<1x1x16xf32>,
      %get3A_3461 = vector.shape_cast %get3A_3460 : vector<1x1x16xf32> to vector<16xf32>
      %add3A_3462 = arith.addf %get3A_3454, %get3A_3461 : vector<16xf32>
      %get3A_3463 = arith.constant 1 : i32
      %get3A_3464 = arith.constant 58 : i32
      %get3A_3465 = arith.index_cast %get3A_3463 : i32 to index
      %get3A_3466 = arith.index_cast %get3A_3464 : i32 to index
      %get3A_3467 = arith.constant 16 : index
      %get3A_3468 = tpu.vector_load %arg6[%get3A_3465, %get3A_3466, %get3A_3467] {strides = array<i32>} : memref<2x128x128xf32, #tpu.memory_space<vmem>>, vector<1x1x16xf32>,
      %get3A_3469 = vector.shape_cast %get3A_3468 : vector<1x1x16xf32> to vector<16xf32>
      %add3A_3470 = arith.addf %add3A_3462, %get3A_3469 : vector<16xf32>
      %get3A_3471 = arith.constant 1 : i32
      %get3A_3472 = arith.constant 59 : i32
      %get3A_3473 = arith.index_cast %get3A_3471 : i32 to index
      %get3A_3474 = arith.index_cast %get3A_3472 : i32 to index
      %get3A_3475 = arith.constant 16 : index
      %get3A_3476 = tpu.vector_load %arg6[%get3A_3473, %get3A_3474, %get3A_3475] {strides = array<i32>} : memref<2x128x128xf32, #tpu.memory_space<vmem>>, vector<1x1x16xf32>,
      %get3A_3477 = vector.shape_cast %get3A_3476 : vector<1x1x16xf32> to vector<16xf32>
      %add3A_3478 = arith.addf %add3A_3470, %get3A_3477 : vector<16xf32>
      %get3A_3479 = arith.constant 1 : i32
      %get3A_3480 = arith.constant 60 : i32
      %get3A_3481 = arith.index_cast %get3A_3479 : i32 to index
      %get3A_3482 = arith.index_cast %get3A_3480 : i32 to index
      %get3A_3483 = arith.constant 16 : index
      %get3A_3484 = tpu.vector_load %arg6[%get3A_3481, %get3A_3482, %get3A_3483] {strides = array<i32>} : memref<2x128x128xf32, #tpu.memory_space<vmem>>, vector<1x1x16xf32>,
      %get3A_3485 = vector.shape_cast %get3A_3484 : vector<1x1x16xf32> to vector<16xf32>
      %add3A_3486 = arith.addf %add3A_3478, %get3A_3485 : vector<16xf32>
      %get3A_3487 = arith.constant 1 : i32
      %get3A_3488 = arith.constant 61 : i32
      %get3A_3489 = arith.index_cast %get3A_3487 : i32 to index
      %get3A_3490 = arith.index_cast %get3A_3488 : i32 to index
      %get3A_3491 = arith.constant 16 : index
      %get3A_3492 = tpu.vector_load %arg6[%get3A_3489, %get3A_3490, %get3A_3491] {strides = array<i32>} : memref<2x128x128xf32, #tpu.memory_space<vmem>>, vector<1x1x16xf32>,
      %get3A_3493 = vector.shape_cast %get3A_3492 : vector<1x1x16xf32> to vector<16xf32>
      %add3A_3494 = arith.addf %add3A_3486, %get3A_3493 : vector<16xf32>
      %get3A_3495 = arith.constant 1 : i32
      %get3A_3496 = arith.constant 62 : i32
      %get3A_3497 = arith.index_cast %get3A_3495 : i32 to index
      %get3A_3498 = arith.index_cast %get3A_3496 : i32 to index
      %get3A_3499 = arith.constant 16 : index
      %get3A_3500 = tpu.vector_load %arg6[%get3A_3497, %get3A_3498, %get3A_3499] {strides = array<i32>} : memref<2x128x128xf32, #tpu.memory_space<vmem>>, vector<1x1x16xf32>,
      %get3A_3501 = vector.shape_cast %get3A_3500 : vector<1x1x16xf32> to vector<16xf32>
      %add3A_3502 = arith.addf %add3A_3494, %get3A_3501 : vector<16xf32>
      %get3A_3503 = arith.constant 1 : i32
      %get3A_3504 = arith.constant 63 : i32
      %get3A_3505 = arith.index_cast %get3A_3503 : i32 to index
      %get3A_3506 = arith.index_cast %get3A_3504 : i32 to index
      %get3A_3507 = arith.constant 16 : index
      %get3A_3508 = tpu.vector_load %arg6[%get3A_3505, %get3A_3506, %get3A_3507] {strides = array<i32>} : memref<2x128x128xf32, #tpu.memory_space<vmem>>, vector<1x1x16xf32>,
      %get3A_3509 = vector.shape_cast %get3A_3508 : vector<1x1x16xf32> to vector<16xf32>
      %add3A_3510 = arith.addf %add3A_3502, %get3A_3509 : vector<16xf32>
      %mul3A_3511 = arith.constant 16 : i32
      %mul3A_3512 = arith.muli %add3A_2367, %mul3A_3511 : i32
      %add3A_3513 = arith.constant 7 : i32
      %add3A_3514 = arith.addi %mul3A_3512, %add3A_3513 : i32
      %swap3A_3515 = arith.index_cast %add3A_3514 : i32 to index
      %swap3A_3516 = arith.constant 16 : index
      %swap3A_3517 = tpu.vector_load %arg7[%swap3A_3515, %swap3A_3516] {strides = array<i32>} : memref<256x32xf32, #tpu.memory_space<vmem>>, vector<1x16xf32>,
      %swap3A_3518 = vector.shape_cast %swap3A_3517 : vector<1x16xf32> to vector<16xf32>
      %swap3A_3519 = vector.shape_cast %add3A_3510 : vector<16xf32> to vector<1x16xf32>
      tpu.vector_store %arg7[%swap3A_3515, %swap3A_3516], %swap3A_3519 {strides = array<i32>} : memref<256x32xf32, #tpu.memory_space<vmem>>, vector<1x16xf32>,
      %get3A_3520 = arith.constant 1 : i32
      %get3A_3521 = arith.constant 64 : i32
      %get3A_3522 = arith.index_cast %get3A_3520 : i32 to index
      %get3A_3523 = arith.index_cast %get3A_3521 : i32 to index
      %get3A_3524 = arith.constant 0 : index
      %get3A_3525 = tpu.vector_load %arg6[%get3A_3522, %get3A_3523, %get3A_3524] {strides = array<i32>} : memref<2x128x128xf32, #tpu.memory_space<vmem>>, vector<1x1x16xf32>,
      %get3A_3526 = vector.shape_cast %get3A_3525 : vector<1x1x16xf32> to vector<16xf32>
      %get3A_3527 = arith.constant 1 : i32
      %get3A_3528 = arith.constant 65 : i32
      %get3A_3529 = arith.index_cast %get3A_3527 : i32 to index
      %get3A_3530 = arith.index_cast %get3A_3528 : i32 to index
      %get3A_3531 = arith.constant 0 : index
      %get3A_3532 = tpu.vector_load %arg6[%get3A_3529, %get3A_3530, %get3A_3531] {strides = array<i32>} : memref<2x128x128xf32, #tpu.memory_space<vmem>>, vector<1x1x16xf32>,
      %get3A_3533 = vector.shape_cast %get3A_3532 : vector<1x1x16xf32> to vector<16xf32>
      %add3A_3534 = arith.addf %get3A_3526, %get3A_3533 : vector<16xf32>
      %get3A_3535 = arith.constant 1 : i32
      %get3A_3536 = arith.constant 66 : i32
      %get3A_3537 = arith.index_cast %get3A_3535 : i32 to index
      %get3A_3538 = arith.index_cast %get3A_3536 : i32 to index
      %get3A_3539 = arith.constant 0 : index
      %get3A_3540 = tpu.vector_load %arg6[%get3A_3537, %get3A_3538, %get3A_3539] {strides = array<i32>} : memref<2x128x128xf32, #tpu.memory_space<vmem>>, vector<1x1x16xf32>,
      %get3A_3541 = vector.shape_cast %get3A_3540 : vector<1x1x16xf32> to vector<16xf32>
      %add3A_3542 = arith.addf %add3A_3534, %get3A_3541 : vector<16xf32>
      %get3A_3543 = arith.constant 1 : i32
      %get3A_3544 = arith.constant 67 : i32
      %get3A_3545 = arith.index_cast %get3A_3543 : i32 to index
      %get3A_3546 = arith.index_cast %get3A_3544 : i32 to index
      %get3A_3547 = arith.constant 0 : index
      %get3A_3548 = tpu.vector_load %arg6[%get3A_3545, %get3A_3546, %get3A_3547] {strides = array<i32>} : memref<2x128x128xf32, #tpu.memory_space<vmem>>, vector<1x1x16xf32>,
      %get3A_3549 = vector.shape_cast %get3A_3548 : vector<1x1x16xf32> to vector<16xf32>
      %add3A_3550 = arith.addf %add3A_3542, %get3A_3549 : vector<16xf32>
      %get3A_3551 = arith.constant 1 : i32
      %get3A_3552 = arith.constant 68 : i32
      %get3A_3553 = arith.index_cast %get3A_3551 : i32 to index
      %get3A_3554 = arith.index_cast %get3A_3552 : i32 to index
      %get3A_3555 = arith.constant 0 : index
      %get3A_3556 = tpu.vector_load %arg6[%get3A_3553, %get3A_3554, %get3A_3555] {strides = array<i32>} : memref<2x128x128xf32, #tpu.memory_space<vmem>>, vector<1x1x16xf32>,
      %get3A_3557 = vector.shape_cast %get3A_3556 : vector<1x1x16xf32> to vector<16xf32>
      %add3A_3558 = arith.addf %add3A_3550, %get3A_3557 : vector<16xf32>
      %get3A_3559 = arith.constant 1 : i32
      %get3A_3560 = arith.constant 69 : i32
      %get3A_3561 = arith.index_cast %get3A_3559 : i32 to index
      %get3A_3562 = arith.index_cast %get3A_3560 : i32 to index
      %get3A_3563 = arith.constant 0 : index
      %get3A_3564 = tpu.vector_load %arg6[%get3A_3561, %get3A_3562, %get3A_3563] {strides = array<i32>} : memref<2x128x128xf32, #tpu.memory_space<vmem>>, vector<1x1x16xf32>,
      %get3A_3565 = vector.shape_cast %get3A_3564 : vector<1x1x16xf32> to vector<16xf32>
      %add3A_3566 = arith.addf %add3A_3558, %get3A_3565 : vector<16xf32>
      %get3A_3567 = arith.constant 1 : i32
      %get3A_3568 = arith.constant 70 : i32
      %get3A_3569 = arith.index_cast %get3A_3567 : i32 to index
      %get3A_3570 = arith.index_cast %get3A_3568 : i32 to index
      %get3A_3571 = arith.constant 0 : index
      %get3A_3572 = tpu.vector_load %arg6[%get3A_3569, %get3A_3570, %get3A_3571] {strides = array<i32>} : memref<2x128x128xf32, #tpu.memory_space<vmem>>, vector<1x1x16xf32>,
      %get3A_3573 = vector.shape_cast %get3A_3572 : vector<1x1x16xf32> to vector<16xf32>
      %add3A_3574 = arith.addf %add3A_3566, %get3A_3573 : vector<16xf32>
      %get3A_3575 = arith.constant 1 : i32
      %get3A_3576 = arith.constant 71 : i32
      %get3A_3577 = arith.index_cast %get3A_3575 : i32 to index
      %get3A_3578 = arith.index_cast %get3A_3576 : i32 to index
      %get3A_3579 = arith.constant 0 : index
      %get3A_3580 = tpu.vector_load %arg6[%get3A_3577, %get3A_3578, %get3A_3579] {strides = array<i32>} : memref<2x128x128xf32, #tpu.memory_space<vmem>>, vector<1x1x16xf32>,
      %get3A_3581 = vector.shape_cast %get3A_3580 : vector<1x1x16xf32> to vector<16xf32>
      %add3A_3582 = arith.addf %add3A_3574, %get3A_3581 : vector<16xf32>
      %mul3A_3583 = arith.constant 16 : i32
      %mul3A_3584 = arith.muli %add3A_2367, %mul3A_3583 : i32
      %add3A_3585 = arith.constant 8 : i32
      %add3A_3586 = arith.addi %mul3A_3584, %add3A_3585 : i32
      %swap3A_3587 = arith.index_cast %add3A_3586 : i32 to index
      %swap3A_3588 = arith.constant 0 : index
      %swap3A_3589 = tpu.vector_load %arg7[%swap3A_3587, %swap3A_3588] {strides = array<i32>} : memref<256x32xf32, #tpu.memory_space<vmem>>, vector<1x16xf32>,
      %swap3A_3590 = vector.shape_cast %swap3A_3589 : vector<1x16xf32> to vector<16xf32>
      %swap3A_3591 = vector.shape_cast %add3A_3582 : vector<16xf32> to vector<1x16xf32>
      tpu.vector_store %arg7[%swap3A_3587, %swap3A_3588], %swap3A_3591 {strides = array<i32>} : memref<256x32xf32, #tpu.memory_space<vmem>>, vector<1x16xf32>,
      %get3A_3592 = arith.constant 1 : i32
      %get3A_3593 = arith.constant 64 : i32
      %get3A_3594 = arith.index_cast %get3A_3592 : i32 to index
      %get3A_3595 = arith.index_cast %get3A_3593 : i32 to index
      %get3A_3596 = arith.constant 16 : index
      %get3A_3597 = tpu.vector_load %arg6[%get3A_3594, %get3A_3595, %get3A_3596] {strides = array<i32>} : memref<2x128x128xf32, #tpu.memory_space<vmem>>, vector<1x1x16xf32>,
      %get3A_3598 = vector.shape_cast %get3A_3597 : vector<1x1x16xf32> to vector<16xf32>
      %get3A_3599 = arith.constant 1 : i32
      %get3A_3600 = arith.constant 65 : i32
      %get3A_3601 = arith.index_cast %get3A_3599 : i32 to index
      %get3A_3602 = arith.index_cast %get3A_3600 : i32 to index
      %get3A_3603 = arith.constant 16 : index
      %get3A_3604 = tpu.vector_load %arg6[%get3A_3601, %get3A_3602, %get3A_3603] {strides = array<i32>} : memref<2x128x128xf32, #tpu.memory_space<vmem>>, vector<1x1x16xf32>,
      %get3A_3605 = vector.shape_cast %get3A_3604 : vector<1x1x16xf32> to vector<16xf32>
      %add3A_3606 = arith.addf %get3A_3598, %get3A_3605 : vector<16xf32>
      %get3A_3607 = arith.constant 1 : i32
      %get3A_3608 = arith.constant 66 : i32
      %get3A_3609 = arith.index_cast %get3A_3607 : i32 to index
      %get3A_3610 = arith.index_cast %get3A_3608 : i32 to index
      %get3A_3611 = arith.constant 16 : index
      %get3A_3612 = tpu.vector_load %arg6[%get3A_3609, %get3A_3610, %get3A_3611] {strides = array<i32>} : memref<2x128x128xf32, #tpu.memory_space<vmem>>, vector<1x1x16xf32>,
      %get3A_3613 = vector.shape_cast %get3A_3612 : vector<1x1x16xf32> to vector<16xf32>
      %add3A_3614 = arith.addf %add3A_3606, %get3A_3613 : vector<16xf32>
      %get3A_3615 = arith.constant 1 : i32
      %get3A_3616 = arith.constant 67 : i32
      %get3A_3617 = arith.index_cast %get3A_3615 : i32 to index
      %get3A_3618 = arith.index_cast %get3A_3616 : i32 to index
      %get3A_3619 = arith.constant 16 : index
      %get3A_3620 = tpu.vector_load %arg6[%get3A_3617, %get3A_3618, %get3A_3619] {strides = array<i32>} : memref<2x128x128xf32, #tpu.memory_space<vmem>>, vector<1x1x16xf32>,
      %get3A_3621 = vector.shape_cast %get3A_3620 : vector<1x1x16xf32> to vector<16xf32>
      %add3A_3622 = arith.addf %add3A_3614, %get3A_3621 : vector<16xf32>
      %get3A_3623 = arith.constant 1 : i32
      %get3A_3624 = arith.constant 68 : i32
      %get3A_3625 = arith.index_cast %get3A_3623 : i32 to index
      %get3A_3626 = arith.index_cast %get3A_3624 : i32 to index
      %get3A_3627 = arith.constant 16 : index
      %get3A_3628 = tpu.vector_load %arg6[%get3A_3625, %get3A_3626, %get3A_3627] {strides = array<i32>} : memref<2x128x128xf32, #tpu.memory_space<vmem>>, vector<1x1x16xf32>,
      %get3A_3629 = vector.shape_cast %get3A_3628 : vector<1x1x16xf32> to vector<16xf32>
      %add3A_3630 = arith.addf %add3A_3622, %get3A_3629 : vector<16xf32>
      %get3A_3631 = arith.constant 1 : i32
      %get3A_3632 = arith.constant 69 : i32
      %get3A_3633 = arith.index_cast %get3A_3631 : i32 to index
      %get3A_3634 = arith.index_cast %get3A_3632 : i32 to index
      %get3A_3635 = arith.constant 16 : index
      %get3A_3636 = tpu.vector_load %arg6[%get3A_3633, %get3A_3634, %get3A_3635] {strides = array<i32>} : memref<2x128x128xf32, #tpu.memory_space<vmem>>, vector<1x1x16xf32>,
      %get3A_3637 = vector.shape_cast %get3A_3636 : vector<1x1x16xf32> to vector<16xf32>
      %add3A_3638 = arith.addf %add3A_3630, %get3A_3637 : vector<16xf32>
      %get3A_3639 = arith.constant 1 : i32
      %get3A_3640 = arith.constant 70 : i32
      %get3A_3641 = arith.index_cast %get3A_3639 : i32 to index
      %get3A_3642 = arith.index_cast %get3A_3640 : i32 to index
      %get3A_3643 = arith.constant 16 : index
      %get3A_3644 = tpu.vector_load %arg6[%get3A_3641, %get3A_3642, %get3A_3643] {strides = array<i32>} : memref<2x128x128xf32, #tpu.memory_space<vmem>>, vector<1x1x16xf32>,
      %get3A_3645 = vector.shape_cast %get3A_3644 : vector<1x1x16xf32> to vector<16xf32>
      %add3A_3646 = arith.addf %add3A_3638, %get3A_3645 : vector<16xf32>
      %get3A_3647 = arith.constant 1 : i32
      %get3A_3648 = arith.constant 71 : i32
      %get3A_3649 = arith.index_cast %get3A_3647 : i32 to index
      %get3A_3650 = arith.index_cast %get3A_3648 : i32 to index
      %get3A_3651 = arith.constant 16 : index
      %get3A_3652 = tpu.vector_load %arg6[%get3A_3649, %get3A_3650, %get3A_3651] {strides = array<i32>} : memref<2x128x128xf32, #tpu.memory_space<vmem>>, vector<1x1x16xf32>,
      %get3A_3653 = vector.shape_cast %get3A_3652 : vector<1x1x16xf32> to vector<16xf32>
      %add3A_3654 = arith.addf %add3A_3646, %get3A_3653 : vector<16xf32>
      %mul3A_3655 = arith.constant 16 : i32
      %mul3A_3656 = arith.muli %add3A_2367, %mul3A_3655 : i32
      %add3A_3657 = arith.constant 8 : i32
      %add3A_3658 = arith.addi %mul3A_3656, %add3A_3657 : i32
      %swap3A_3659 = arith.index_cast %add3A_3658 : i32 to index
      %swap3A_3660 = arith.constant 16 : index
      %swap3A_3661 = tpu.vector_load %arg7[%swap3A_3659, %swap3A_3660] {strides = array<i32>} : memref<256x32xf32, #tpu.memory_space<vmem>>, vector<1x16xf32>,
      %swap3A_3662 = vector.shape_cast %swap3A_3661 : vector<1x16xf32> to vector<16xf32>
      %swap3A_3663 = vector.shape_cast %add3A_3654 : vector<16xf32> to vector<1x16xf32>
      tpu.vector_store %arg7[%swap3A_3659, %swap3A_3660], %swap3A_3663 {strides = array<i32>} : memref<256x32xf32, #tpu.memory_space<vmem>>, vector<1x16xf32>,
      %get3A_3664 = arith.constant 1 : i32
      %get3A_3665 = arith.constant 72 : i32
      %get3A_3666 = arith.index_cast %get3A_3664 : i32 to index
      %get3A_3667 = arith.index_cast %get3A_3665 : i32 to index
      %get3A_3668 = arith.constant 0 : index
      %get3A_3669 = tpu.vector_load %arg6[%get3A_3666, %get3A_3667, %get3A_3668] {strides = array<i32>} : memref<2x128x128xf32, #tpu.memory_space<vmem>>, vector<1x1x16xf32>,
      %get3A_3670 = vector.shape_cast %get3A_3669 : vector<1x1x16xf32> to vector<16xf32>
      %get3A_3671 = arith.constant 1 : i32
      %get3A_3672 = arith.constant 73 : i32
      %get3A_3673 = arith.index_cast %get3A_3671 : i32 to index
      %get3A_3674 = arith.index_cast %get3A_3672 : i32 to index
      %get3A_3675 = arith.constant 0 : index
      %get3A_3676 = tpu.vector_load %arg6[%get3A_3673, %get3A_3674, %get3A_3675] {strides = array<i32>} : memref<2x128x128xf32, #tpu.memory_space<vmem>>, vector<1x1x16xf32>,
      %get3A_3677 = vector.shape_cast %get3A_3676 : vector<1x1x16xf32> to vector<16xf32>
      %add3A_3678 = arith.addf %get3A_3670, %get3A_3677 : vector<16xf32>
      %get3A_3679 = arith.constant 1 : i32
      %get3A_3680 = arith.constant 74 : i32
      %get3A_3681 = arith.index_cast %get3A_3679 : i32 to index
      %get3A_3682 = arith.index_cast %get3A_3680 : i32 to index
      %get3A_3683 = arith.constant 0 : index
      %get3A_3684 = tpu.vector_load %arg6[%get3A_3681, %get3A_3682, %get3A_3683] {strides = array<i32>} : memref<2x128x128xf32, #tpu.memory_space<vmem>>, vector<1x1x16xf32>,
      %get3A_3685 = vector.shape_cast %get3A_3684 : vector<1x1x16xf32> to vector<16xf32>
      %add3A_3686 = arith.addf %add3A_3678, %get3A_3685 : vector<16xf32>
      %get3A_3687 = arith.constant 1 : i32
      %get3A_3688 = arith.constant 75 : i32
      %get3A_3689 = arith.index_cast %get3A_3687 : i32 to index
      %get3A_3690 = arith.index_cast %get3A_3688 : i32 to index
      %get3A_3691 = arith.constant 0 : index
      %get3A_3692 = tpu.vector_load %arg6[%get3A_3689, %get3A_3690, %get3A_3691] {strides = array<i32>} : memref<2x128x128xf32, #tpu.memory_space<vmem>>, vector<1x1x16xf32>,
      %get3A_3693 = vector.shape_cast %get3A_3692 : vector<1x1x16xf32> to vector<16xf32>
      %add3A_3694 = arith.addf %add3A_3686, %get3A_3693 : vector<16xf32>
      %get3A_3695 = arith.constant 1 : i32
      %get3A_3696 = arith.constant 76 : i32
      %get3A_3697 = arith.index_cast %get3A_3695 : i32 to index
      %get3A_3698 = arith.index_cast %get3A_3696 : i32 to index
      %get3A_3699 = arith.constant 0 : index
      %get3A_3700 = tpu.vector_load %arg6[%get3A_3697, %get3A_3698, %get3A_3699] {strides = array<i32>} : memref<2x128x128xf32, #tpu.memory_space<vmem>>, vector<1x1x16xf32>,
      %get3A_3701 = vector.shape_cast %get3A_3700 : vector<1x1x16xf32> to vector<16xf32>
      %add3A_3702 = arith.addf %add3A_3694, %get3A_3701 : vector<16xf32>
      %get3A_3703 = arith.constant 1 : i32
      %get3A_3704 = arith.constant 77 : i32
      %get3A_3705 = arith.index_cast %get3A_3703 : i32 to index
      %get3A_3706 = arith.index_cast %get3A_3704 : i32 to index
      %get3A_3707 = arith.constant 0 : index
      %get3A_3708 = tpu.vector_load %arg6[%get3A_3705, %get3A_3706, %get3A_3707] {strides = array<i32>} : memref<2x128x128xf32, #tpu.memory_space<vmem>>, vector<1x1x16xf32>,
      %get3A_3709 = vector.shape_cast %get3A_3708 : vector<1x1x16xf32> to vector<16xf32>
      %add3A_3710 = arith.addf %add3A_3702, %get3A_3709 : vector<16xf32>
      %get3A_3711 = arith.constant 1 : i32
      %get3A_3712 = arith.constant 78 : i32
      %get3A_3713 = arith.index_cast %get3A_3711 : i32 to index
      %get3A_3714 = arith.index_cast %get3A_3712 : i32 to index
      %get3A_3715 = arith.constant 0 : index
      %get3A_3716 = tpu.vector_load %arg6[%get3A_3713, %get3A_3714, %get3A_3715] {strides = array<i32>} : memref<2x128x128xf32, #tpu.memory_space<vmem>>, vector<1x1x16xf32>,
      %get3A_3717 = vector.shape_cast %get3A_3716 : vector<1x1x16xf32> to vector<16xf32>
      %add3A_3718 = arith.addf %add3A_3710, %get3A_3717 : vector<16xf32>
      %get3A_3719 = arith.constant 1 : i32
      %get3A_3720 = arith.constant 79 : i32
      %get3A_3721 = arith.index_cast %get3A_3719 : i32 to index
      %get3A_3722 = arith.index_cast %get3A_3720 : i32 to index
      %get3A_3723 = arith.constant 0 : index
      %get3A_3724 = tpu.vector_load %arg6[%get3A_3721, %get3A_3722, %get3A_3723] {strides = array<i32>} : memref<2x128x128xf32, #tpu.memory_space<vmem>>, vector<1x1x16xf32>,
      %get3A_3725 = vector.shape_cast %get3A_3724 : vector<1x1x16xf32> to vector<16xf32>
      %add3A_3726 = arith.addf %add3A_3718, %get3A_3725 : vector<16xf32>
      %mul3A_3727 = arith.constant 16 : i32
      %mul3A_3728 = arith.muli %add3A_2367, %mul3A_3727 : i32
      %add3A_3729 = arith.constant 9 : i32
      %add3A_3730 = arith.addi %mul3A_3728, %add3A_3729 : i32
      %swap3A_3731 = arith.index_cast %add3A_3730 : i32 to index
      %swap3A_3732 = arith.constant 0 : index
      %swap3A_3733 = tpu.vector_load %arg7[%swap3A_3731, %swap3A_3732] {strides = array<i32>} : memref<256x32xf32, #tpu.memory_space<vmem>>, vector<1x16xf32>,
      %swap3A_3734 = vector.shape_cast %swap3A_3733 : vector<1x16xf32> to vector<16xf32>
      %swap3A_3735 = vector.shape_cast %add3A_3726 : vector<16xf32> to vector<1x16xf32>
      tpu.vector_store %arg7[%swap3A_3731, %swap3A_3732], %swap3A_3735 {strides = array<i32>} : memref<256x32xf32, #tpu.memory_space<vmem>>, vector<1x16xf32>,
      %get3A_3736 = arith.constant 1 : i32
      %get3A_3737 = arith.constant 72 : i32
      %get3A_3738 = arith.index_cast %get3A_3736 : i32 to index
      %get3A_3739 = arith.index_cast %get3A_3737 : i32 to index
      %get3A_3740 = arith.constant 16 : index
      %get3A_3741 = tpu.vector_load %arg6[%get3A_3738, %get3A_3739, %get3A_3740] {strides = array<i32>} : memref<2x128x128xf32, #tpu.memory_space<vmem>>, vector<1x1x16xf32>,
      %get3A_3742 = vector.shape_cast %get3A_3741 : vector<1x1x16xf32> to vector<16xf32>
      %get3A_3743 = arith.constant 1 : i32
      %get3A_3744 = arith.constant 73 : i32
      %get3A_3745 = arith.index_cast %get3A_3743 : i32 to index
      %get3A_3746 = arith.index_cast %get3A_3744 : i32 to index
      %get3A_3747 = arith.constant 16 : index
      %get3A_3748 = tpu.vector_load %arg6[%get3A_3745, %get3A_3746, %get3A_3747] {strides = array<i32>} : memref<2x128x128xf32, #tpu.memory_space<vmem>>, vector<1x1x16xf32>,
      %get3A_3749 = vector.shape_cast %get3A_3748 : vector<1x1x16xf32> to vector<16xf32>
      %add3A_3750 = arith.addf %get3A_3742, %get3A_3749 : vector<16xf32>
      %get3A_3751 = arith.constant 1 : i32
      %get3A_3752 = arith.constant 74 : i32
      %get3A_3753 = arith.index_cast %get3A_3751 : i32 to index
      %get3A_3754 = arith.index_cast %get3A_3752 : i32 to index
      %get3A_3755 = arith.constant 16 : index
      %get3A_3756 = tpu.vector_load %arg6[%get3A_3753, %get3A_3754, %get3A_3755] {strides = array<i32>} : memref<2x128x128xf32, #tpu.memory_space<vmem>>, vector<1x1x16xf32>,
      %get3A_3757 = vector.shape_cast %get3A_3756 : vector<1x1x16xf32> to vector<16xf32>
      %add3A_3758 = arith.addf %add3A_3750, %get3A_3757 : vector<16xf32>
      %get3A_3759 = arith.constant 1 : i32
      %get3A_3760 = arith.constant 75 : i32
      %get3A_3761 = arith.index_cast %get3A_3759 : i32 to index
      %get3A_3762 = arith.index_cast %get3A_3760 : i32 to index
      %get3A_3763 = arith.constant 16 : index
      %get3A_3764 = tpu.vector_load %arg6[%get3A_3761, %get3A_3762, %get3A_3763] {strides = array<i32>} : memref<2x128x128xf32, #tpu.memory_space<vmem>>, vector<1x1x16xf32>,
      %get3A_3765 = vector.shape_cast %get3A_3764 : vector<1x1x16xf32> to vector<16xf32>
      %add3A_3766 = arith.addf %add3A_3758, %get3A_3765 : vector<16xf32>
      %get3A_3767 = arith.constant 1 : i32
      %get3A_3768 = arith.constant 76 : i32
      %get3A_3769 = arith.index_cast %get3A_3767 : i32 to index
      %get3A_3770 = arith.index_cast %get3A_3768 : i32 to index
      %get3A_3771 = arith.constant 16 : index
      %get3A_3772 = tpu.vector_load %arg6[%get3A_3769, %get3A_3770, %get3A_3771] {strides = array<i32>} : memref<2x128x128xf32, #tpu.memory_space<vmem>>, vector<1x1x16xf32>,
      %get3A_3773 = vector.shape_cast %get3A_3772 : vector<1x1x16xf32> to vector<16xf32>
      %add3A_3774 = arith.addf %add3A_3766, %get3A_3773 : vector<16xf32>
      %get3A_3775 = arith.constant 1 : i32
      %get3A_3776 = arith.constant 77 : i32
      %get3A_3777 = arith.index_cast %get3A_3775 : i32 to index
      %get3A_3778 = arith.index_cast %get3A_3776 : i32 to index
      %get3A_3779 = arith.constant 16 : index
      %get3A_3780 = tpu.vector_load %arg6[%get3A_3777, %get3A_3778, %get3A_3779] {strides = array<i32>} : memref<2x128x128xf32, #tpu.memory_space<vmem>>, vector<1x1x16xf32>,
      %get3A_3781 = vector.shape_cast %get3A_3780 : vector<1x1x16xf32> to vector<16xf32>
      %add3A_3782 = arith.addf %add3A_3774, %get3A_3781 : vector<16xf32>
      %get3A_3783 = arith.constant 1 : i32
      %get3A_3784 = arith.constant 78 : i32
      %get3A_3785 = arith.index_cast %get3A_3783 : i32 to index
      %get3A_3786 = arith.index_cast %get3A_3784 : i32 to index
      %get3A_3787 = arith.constant 16 : index
      %get3A_3788 = tpu.vector_load %arg6[%get3A_3785, %get3A_3786, %get3A_3787] {strides = array<i32>} : memref<2x128x128xf32, #tpu.memory_space<vmem>>, vector<1x1x16xf32>,
      %get3A_3789 = vector.shape_cast %get3A_3788 : vector<1x1x16xf32> to vector<16xf32>
      %add3A_3790 = arith.addf %add3A_3782, %get3A_3789 : vector<16xf32>
      %get3A_3791 = arith.constant 1 : i32
      %get3A_3792 = arith.constant 79 : i32
      %get3A_3793 = arith.index_cast %get3A_3791 : i32 to index
      %get3A_3794 = arith.index_cast %get3A_3792 : i32 to index
      %get3A_3795 = arith.constant 16 : index
      %get3A_3796 = tpu.vector_load %arg6[%get3A_3793, %get3A_3794, %get3A_3795] {strides = array<i32>} : memref<2x128x128xf32, #tpu.memory_space<vmem>>, vector<1x1x16xf32>,
      %get3A_3797 = vector.shape_cast %get3A_3796 : vector<1x1x16xf32> to vector<16xf32>
      %add3A_3798 = arith.addf %add3A_3790, %get3A_3797 : vector<16xf32>
      %mul3A_3799 = arith.constant 16 : i32
      %mul3A_3800 = arith.muli %add3A_2367, %mul3A_3799 : i32
      %add3A_3801 = arith.constant 9 : i32
      %add3A_3802 = arith.addi %mul3A_3800, %add3A_3801 : i32
      %swap3A_3803 = arith.index_cast %add3A_3802 : i32 to index
      %swap3A_3804 = arith.constant 16 : index
      %swap3A_3805 = tpu.vector_load %arg7[%swap3A_3803, %swap3A_3804] {strides = array<i32>} : memref<256x32xf32, #tpu.memory_space<vmem>>, vector<1x16xf32>,
      %swap3A_3806 = vector.shape_cast %swap3A_3805 : vector<1x16xf32> to vector<16xf32>
      %swap3A_3807 = vector.shape_cast %add3A_3798 : vector<16xf32> to vector<1x16xf32>
      tpu.vector_store %arg7[%swap3A_3803, %swap3A_3804], %swap3A_3807 {strides = array<i32>} : memref<256x32xf32, #tpu.memory_space<vmem>>, vector<1x16xf32>,
      %get3A_3808 = arith.constant 1 : i32
      %get3A_3809 = arith.constant 80 : i32
      %get3A_3810 = arith.index_cast %get3A_3808 : i32 to index
      %get3A_3811 = arith.index_cast %get3A_3809 : i32 to index
      %get3A_3812 = arith.constant 0 : index
      %get3A_3813 = tpu.vector_load %arg6[%get3A_3810, %get3A_3811, %get3A_3812] {strides = array<i32>} : memref<2x128x128xf32, #tpu.memory_space<vmem>>, vector<1x1x16xf32>,
      %get3A_3814 = vector.shape_cast %get3A_3813 : vector<1x1x16xf32> to vector<16xf32>
      %get3A_3815 = arith.constant 1 : i32
      %get3A_3816 = arith.constant 81 : i32
      %get3A_3817 = arith.index_cast %get3A_3815 : i32 to index
      %get3A_3818 = arith.index_cast %get3A_3816 : i32 to index
      %get3A_3819 = arith.constant 0 : index
      %get3A_3820 = tpu.vector_load %arg6[%get3A_3817, %get3A_3818, %get3A_3819] {strides = array<i32>} : memref<2x128x128xf32, #tpu.memory_space<vmem>>, vector<1x1x16xf32>,
      %get3A_3821 = vector.shape_cast %get3A_3820 : vector<1x1x16xf32> to vector<16xf32>
      %add3A_3822 = arith.addf %get3A_3814, %get3A_3821 : vector<16xf32>
      %get3A_3823 = arith.constant 1 : i32
      %get3A_3824 = arith.constant 82 : i32
      %get3A_3825 = arith.index_cast %get3A_3823 : i32 to index
      %get3A_3826 = arith.index_cast %get3A_3824 : i32 to index
      %get3A_3827 = arith.constant 0 : index
      %get3A_3828 = tpu.vector_load %arg6[%get3A_3825, %get3A_3826, %get3A_3827] {strides = array<i32>} : memref<2x128x128xf32, #tpu.memory_space<vmem>>, vector<1x1x16xf32>,
      %get3A_3829 = vector.shape_cast %get3A_3828 : vector<1x1x16xf32> to vector<16xf32>
      %add3A_3830 = arith.addf %add3A_3822, %get3A_3829 : vector<16xf32>
      %get3A_3831 = arith.constant 1 : i32
      %get3A_3832 = arith.constant 83 : i32
      %get3A_3833 = arith.index_cast %get3A_3831 : i32 to index
      %get3A_3834 = arith.index_cast %get3A_3832 : i32 to index
      %get3A_3835 = arith.constant 0 : index
      %get3A_3836 = tpu.vector_load %arg6[%get3A_3833, %get3A_3834, %get3A_3835] {strides = array<i32>} : memref<2x128x128xf32, #tpu.memory_space<vmem>>, vector<1x1x16xf32>,
      %get3A_3837 = vector.shape_cast %get3A_3836 : vector<1x1x16xf32> to vector<16xf32>
      %add3A_3838 = arith.addf %add3A_3830, %get3A_3837 : vector<16xf32>
      %get3A_3839 = arith.constant 1 : i32
      %get3A_3840 = arith.constant 84 : i32
      %get3A_3841 = arith.index_cast %get3A_3839 : i32 to index
      %get3A_3842 = arith.index_cast %get3A_3840 : i32 to index
      %get3A_3843 = arith.constant 0 : index
      %get3A_3844 = tpu.vector_load %arg6[%get3A_3841, %get3A_3842, %get3A_3843] {strides = array<i32>} : memref<2x128x128xf32, #tpu.memory_space<vmem>>, vector<1x1x16xf32>,
      %get3A_3845 = vector.shape_cast %get3A_3844 : vector<1x1x16xf32> to vector<16xf32>
      %add3A_3846 = arith.addf %add3A_3838, %get3A_3845 : vector<16xf32>
      %get3A_3847 = arith.constant 1 : i32
      %get3A_3848 = arith.constant 85 : i32
      %get3A_3849 = arith.index_cast %get3A_3847 : i32 to index
      %get3A_3850 = arith.index_cast %get3A_3848 : i32 to index
      %get3A_3851 = arith.constant 0 : index
      %get3A_3852 = tpu.vector_load %arg6[%get3A_3849, %get3A_3850, %get3A_3851] {strides = array<i32>} : memref<2x128x128xf32, #tpu.memory_space<vmem>>, vector<1x1x16xf32>,
      %get3A_3853 = vector.shape_cast %get3A_3852 : vector<1x1x16xf32> to vector<16xf32>
      %add3A_3854 = arith.addf %add3A_3846, %get3A_3853 : vector<16xf32>
      %get3A_3855 = arith.constant 1 : i32
      %get3A_3856 = arith.constant 86 : i32
      %get3A_3857 = arith.index_cast %get3A_3855 : i32 to index
      %get3A_3858 = arith.index_cast %get3A_3856 : i32 to index
      %get3A_3859 = arith.constant 0 : index
      %get3A_3860 = tpu.vector_load %arg6[%get3A_3857, %get3A_3858, %get3A_3859] {strides = array<i32>} : memref<2x128x128xf32, #tpu.memory_space<vmem>>, vector<1x1x16xf32>,
      %get3A_3861 = vector.shape_cast %get3A_3860 : vector<1x1x16xf32> to vector<16xf32>
      %add3A_3862 = arith.addf %add3A_3854, %get3A_3861 : vector<16xf32>
      %get3A_3863 = arith.constant 1 : i32
      %get3A_3864 = arith.constant 87 : i32
      %get3A_3865 = arith.index_cast %get3A_3863 : i32 to index
      %get3A_3866 = arith.index_cast %get3A_3864 : i32 to index
      %get3A_3867 = arith.constant 0 : index
      %get3A_3868 = tpu.vector_load %arg6[%get3A_3865, %get3A_3866, %get3A_3867] {strides = array<i32>} : memref<2x128x128xf32, #tpu.memory_space<vmem>>, vector<1x1x16xf32>,
      %get3A_3869 = vector.shape_cast %get3A_3868 : vector<1x1x16xf32> to vector<16xf32>
      %add3A_3870 = arith.addf %add3A_3862, %get3A_3869 : vector<16xf32>
      %mul3A_3871 = arith.constant 16 : i32
      %mul3A_3872 = arith.muli %add3A_2367, %mul3A_3871 : i32
      %add3A_3873 = arith.constant 10 : i32
      %add3A_3874 = arith.addi %mul3A_3872, %add3A_3873 : i32
      %swap3A_3875 = arith.index_cast %add3A_3874 : i32 to index
      %swap3A_3876 = arith.constant 0 : index
      %swap3A_3877 = tpu.vector_load %arg7[%swap3A_3875, %swap3A_3876] {strides = array<i32>} : memref<256x32xf32, #tpu.memory_space<vmem>>, vector<1x16xf32>,
      %swap3A_3878 = vector.shape_cast %swap3A_3877 : vector<1x16xf32> to vector<16xf32>
      %swap3A_3879 = vector.shape_cast %add3A_3870 : vector<16xf32> to vector<1x16xf32>
      tpu.vector_store %arg7[%swap3A_3875, %swap3A_3876], %swap3A_3879 {strides = array<i32>} : memref<256x32xf32, #tpu.memory_space<vmem>>, vector<1x16xf32>,
      %get3A_3880 = arith.constant 1 : i32
      %get3A_3881 = arith.constant 80 : i32
      %get3A_3882 = arith.index_cast %get3A_3880 : i32 to index
      %get3A_3883 = arith.index_cast %get3A_3881 : i32 to index
      %get3A_3884 = arith.constant 16 : index
      %get3A_3885 = tpu.vector_load %arg6[%get3A_3882, %get3A_3883, %get3A_3884] {strides = array<i32>} : memref<2x128x128xf32, #tpu.memory_space<vmem>>, vector<1x1x16xf32>,
      %get3A_3886 = vector.shape_cast %get3A_3885 : vector<1x1x16xf32> to vector<16xf32>
      %get3A_3887 = arith.constant 1 : i32
      %get3A_3888 = arith.constant 81 : i32
      %get3A_3889 = arith.index_cast %get3A_3887 : i32 to index
      %get3A_3890 = arith.index_cast %get3A_3888 : i32 to index
      %get3A_3891 = arith.constant 16 : index
      %get3A_3892 = tpu.vector_load %arg6[%get3A_3889, %get3A_3890, %get3A_3891] {strides = array<i32>} : memref<2x128x128xf32, #tpu.memory_space<vmem>>, vector<1x1x16xf32>,
      %get3A_3893 = vector.shape_cast %get3A_3892 : vector<1x1x16xf32> to vector<16xf32>
      %add3A_3894 = arith.addf %get3A_3886, %get3A_3893 : vector<16xf32>
      %get3A_3895 = arith.constant 1 : i32
      %get3A_3896 = arith.constant 82 : i32
      %get3A_3897 = arith.index_cast %get3A_3895 : i32 to index
      %get3A_3898 = arith.index_cast %get3A_3896 : i32 to index
      %get3A_3899 = arith.constant 16 : index
      %get3A_3900 = tpu.vector_load %arg6[%get3A_3897, %get3A_3898, %get3A_3899] {strides = array<i32>} : memref<2x128x128xf32, #tpu.memory_space<vmem>>, vector<1x1x16xf32>,
      %get3A_3901 = vector.shape_cast %get3A_3900 : vector<1x1x16xf32> to vector<16xf32>
      %add3A_3902 = arith.addf %add3A_3894, %get3A_3901 : vector<16xf32>
      %get3A_3903 = arith.constant 1 : i32
      %get3A_3904 = arith.constant 83 : i32
      %get3A_3905 = arith.index_cast %get3A_3903 : i32 to index
      %get3A_3906 = arith.index_cast %get3A_3904 : i32 to index
      %get3A_3907 = arith.constant 16 : index
      %get3A_3908 = tpu.vector_load %arg6[%get3A_3905, %get3A_3906, %get3A_3907] {strides = array<i32>} : memref<2x128x128xf32, #tpu.memory_space<vmem>>, vector<1x1x16xf32>,
      %get3A_3909 = vector.shape_cast %get3A_3908 : vector<1x1x16xf32> to vector<16xf32>
      %add3A_3910 = arith.addf %add3A_3902, %get3A_3909 : vector<16xf32>
      %get3A_3911 = arith.constant 1 : i32
      %get3A_3912 = arith.constant 84 : i32
      %get3A_3913 = arith.index_cast %get3A_3911 : i32 to index
      %get3A_3914 = arith.index_cast %get3A_3912 : i32 to index
      %get3A_3915 = arith.constant 16 : index
      %get3A_3916 = tpu.vector_load %arg6[%get3A_3913, %get3A_3914, %get3A_3915] {strides = array<i32>} : memref<2x128x128xf32, #tpu.memory_space<vmem>>, vector<1x1x16xf32>,
      %get3A_3917 = vector.shape_cast %get3A_3916 : vector<1x1x16xf32> to vector<16xf32>
      %add3A_3918 = arith.addf %add3A_3910, %get3A_3917 : vector<16xf32>
      %get3A_3919 = arith.constant 1 : i32
      %get3A_3920 = arith.constant 85 : i32
      %get3A_3921 = arith.index_cast %get3A_3919 : i32 to index
      %get3A_3922 = arith.index_cast %get3A_3920 : i32 to index
      %get3A_3923 = arith.constant 16 : index
      %get3A_3924 = tpu.vector_load %arg6[%get3A_3921, %get3A_3922, %get3A_3923] {strides = array<i32>} : memref<2x128x128xf32, #tpu.memory_space<vmem>>, vector<1x1x16xf32>,
      %get3A_3925 = vector.shape_cast %get3A_3924 : vector<1x1x16xf32> to vector<16xf32>
      %add3A_3926 = arith.addf %add3A_3918, %get3A_3925 : vector<16xf32>
      %get3A_3927 = arith.constant 1 : i32
      %get3A_3928 = arith.constant 86 : i32
      %get3A_3929 = arith.index_cast %get3A_3927 : i32 to index
      %get3A_3930 = arith.index_cast %get3A_3928 : i32 to index
      %get3A_3931 = arith.constant 16 : index
      %get3A_3932 = tpu.vector_load %arg6[%get3A_3929, %get3A_3930, %get3A_3931] {strides = array<i32>} : memref<2x128x128xf32, #tpu.memory_space<vmem>>, vector<1x1x16xf32>,
      %get3A_3933 = vector.shape_cast %get3A_3932 : vector<1x1x16xf32> to vector<16xf32>
      %add3A_3934 = arith.addf %add3A_3926, %get3A_3933 : vector<16xf32>
      %get3A_3935 = arith.constant 1 : i32
      %get3A_3936 = arith.constant 87 : i32
      %get3A_3937 = arith.index_cast %get3A_3935 : i32 to index
      %get3A_3938 = arith.index_cast %get3A_3936 : i32 to index
      %get3A_3939 = arith.constant 16 : index
      %get3A_3940 = tpu.vector_load %arg6[%get3A_3937, %get3A_3938, %get3A_3939] {strides = array<i32>} : memref<2x128x128xf32, #tpu.memory_space<vmem>>, vector<1x1x16xf32>,
      %get3A_3941 = vector.shape_cast %get3A_3940 : vector<1x1x16xf32> to vector<16xf32>
      %add3A_3942 = arith.addf %add3A_3934, %get3A_3941 : vector<16xf32>
      %mul3A_3943 = arith.constant 16 : i32
      %mul3A_3944 = arith.muli %add3A_2367, %mul3A_3943 : i32
      %add3A_3945 = arith.constant 10 : i32
      %add3A_3946 = arith.addi %mul3A_3944, %add3A_3945 : i32
      %swap3A_3947 = arith.index_cast %add3A_3946 : i32 to index
      %swap3A_3948 = arith.constant 16 : index
      %swap3A_3949 = tpu.vector_load %arg7[%swap3A_3947, %swap3A_3948] {strides = array<i32>} : memref<256x32xf32, #tpu.memory_space<vmem>>, vector<1x16xf32>,
      %swap3A_3950 = vector.shape_cast %swap3A_3949 : vector<1x16xf32> to vector<16xf32>
      %swap3A_3951 = vector.shape_cast %add3A_3942 : vector<16xf32> to vector<1x16xf32>
      tpu.vector_store %arg7[%swap3A_3947, %swap3A_3948], %swap3A_3951 {strides = array<i32>} : memref<256x32xf32, #tpu.memory_space<vmem>>, vector<1x16xf32>,
      %get3A_3952 = arith.constant 1 : i32
      %get3A_3953 = arith.constant 88 : i32
      %get3A_3954 = arith.index_cast %get3A_3952 : i32 to index
      %get3A_3955 = arith.index_cast %get3A_3953 : i32 to index
      %get3A_3956 = arith.constant 0 : index
      %get3A_3957 = tpu.vector_load %arg6[%get3A_3954, %get3A_3955, %get3A_3956] {strides = array<i32>} : memref<2x128x128xf32, #tpu.memory_space<vmem>>, vector<1x1x16xf32>,
      %get3A_3958 = vector.shape_cast %get3A_3957 : vector<1x1x16xf32> to vector<16xf32>
      %get3A_3959 = arith.constant 1 : i32
      %get3A_3960 = arith.constant 89 : i32
      %get3A_3961 = arith.index_cast %get3A_3959 : i32 to index
      %get3A_3962 = arith.index_cast %get3A_3960 : i32 to index
      %get3A_3963 = arith.constant 0 : index
      %get3A_3964 = tpu.vector_load %arg6[%get3A_3961, %get3A_3962, %get3A_3963] {strides = array<i32>} : memref<2x128x128xf32, #tpu.memory_space<vmem>>, vector<1x1x16xf32>,
      %get3A_3965 = vector.shape_cast %get3A_3964 : vector<1x1x16xf32> to vector<16xf32>
      %add3A_3966 = arith.addf %get3A_3958, %get3A_3965 : vector<16xf32>
      %get3A_3967 = arith.constant 1 : i32
      %get3A_3968 = arith.constant 90 : i32
      %get3A_3969 = arith.index_cast %get3A_3967 : i32 to index
      %get3A_3970 = arith.index_cast %get3A_3968 : i32 to index
      %get3A_3971 = arith.constant 0 : index
      %get3A_3972 = tpu.vector_load %arg6[%get3A_3969, %get3A_3970, %get3A_3971] {strides = array<i32>} : memref<2x128x128xf32, #tpu.memory_space<vmem>>, vector<1x1x16xf32>,
      %get3A_3973 = vector.shape_cast %get3A_3972 : vector<1x1x16xf32> to vector<16xf32>
      %add3A_3974 = arith.addf %add3A_3966, %get3A_3973 : vector<16xf32>
      %get3A_3975 = arith.constant 1 : i32
      %get3A_3976 = arith.constant 91 : i32
      %get3A_3977 = arith.index_cast %get3A_3975 : i32 to index
      %get3A_3978 = arith.index_cast %get3A_3976 : i32 to index
      %get3A_3979 = arith.constant 0 : index
      %get3A_3980 = tpu.vector_load %arg6[%get3A_3977, %get3A_3978, %get3A_3979] {strides = array<i32>} : memref<2x128x128xf32, #tpu.memory_space<vmem>>, vector<1x1x16xf32>,
      %get3A_3981 = vector.shape_cast %get3A_3980 : vector<1x1x16xf32> to vector<16xf32>
      %add3A_3982 = arith.addf %add3A_3974, %get3A_3981 : vector<16xf32>
      %get3A_3983 = arith.constant 1 : i32
      %get3A_3984 = arith.constant 92 : i32
      %get3A_3985 = arith.index_cast %get3A_3983 : i32 to index
      %get3A_3986 = arith.index_cast %get3A_3984 : i32 to index
      %get3A_3987 = arith.constant 0 : index
      %get3A_3988 = tpu.vector_load %arg6[%get3A_3985, %get3A_3986, %get3A_3987] {strides = array<i32>} : memref<2x128x128xf32, #tpu.memory_space<vmem>>, vector<1x1x16xf32>,
      %get3A_3989 = vector.shape_cast %get3A_3988 : vector<1x1x16xf32> to vector<16xf32>
      %add3A_3990 = arith.addf %add3A_3982, %get3A_3989 : vector<16xf32>
      %get3A_3991 = arith.constant 1 : i32
      %get3A_3992 = arith.constant 93 : i32
      %get3A_3993 = arith.index_cast %get3A_3991 : i32 to index
      %get3A_3994 = arith.index_cast %get3A_3992 : i32 to index
      %get3A_3995 = arith.constant 0 : index
      %get3A_3996 = tpu.vector_load %arg6[%get3A_3993, %get3A_3994, %get3A_3995] {strides = array<i32>} : memref<2x128x128xf32, #tpu.memory_space<vmem>>, vector<1x1x16xf32>,
      %get3A_3997 = vector.shape_cast %get3A_3996 : vector<1x1x16xf32> to vector<16xf32>
      %add3A_3998 = arith.addf %add3A_3990, %get3A_3997 : vector<16xf32>
      %get3A_3999 = arith.constant 1 : i32
      %get3A_4000 = arith.constant 94 : i32
      %get3A_4001 = arith.index_cast %get3A_3999 : i32 to index
      %get3A_4002 = arith.index_cast %get3A_4000 : i32 to index
      %get3A_4003 = arith.constant 0 : index
      %get3A_4004 = tpu.vector_load %arg6[%get3A_4001, %get3A_4002, %get3A_4003] {strides = array<i32>} : memref<2x128x128xf32, #tpu.memory_space<vmem>>, vector<1x1x16xf32>,
      %get3A_4005 = vector.shape_cast %get3A_4004 : vector<1x1x16xf32> to vector<16xf32>
      %add3A_4006 = arith.addf %add3A_3998, %get3A_4005 : vector<16xf32>
      %get3A_4007 = arith.constant 1 : i32
      %get3A_4008 = arith.constant 95 : i32
      %get3A_4009 = arith.index_cast %get3A_4007 : i32 to index
      %get3A_4010 = arith.index_cast %get3A_4008 : i32 to index
      %get3A_4011 = arith.constant 0 : index
      %get3A_4012 = tpu.vector_load %arg6[%get3A_4009, %get3A_4010, %get3A_4011] {strides = array<i32>} : memref<2x128x128xf32, #tpu.memory_space<vmem>>, vector<1x1x16xf32>,
      %get3A_4013 = vector.shape_cast %get3A_4012 : vector<1x1x16xf32> to vector<16xf32>
      %add3A_4014 = arith.addf %add3A_4006, %get3A_4013 : vector<16xf32>
      %mul3A_4015 = arith.constant 16 : i32
      %mul3A_4016 = arith.muli %add3A_2367, %mul3A_4015 : i32
      %add3A_4017 = arith.constant 11 : i32
      %add3A_4018 = arith.addi %mul3A_4016, %add3A_4017 : i32
      %swap3A_4019 = arith.index_cast %add3A_4018 : i32 to index
      %swap3A_4020 = arith.constant 0 : index
      %swap3A_4021 = tpu.vector_load %arg7[%swap3A_4019, %swap3A_4020] {strides = array<i32>} : memref<256x32xf32, #tpu.memory_space<vmem>>, vector<1x16xf32>,
      %swap3A_4022 = vector.shape_cast %swap3A_4021 : vector<1x16xf32> to vector<16xf32>
      %swap3A_4023 = vector.shape_cast %add3A_4014 : vector<16xf32> to vector<1x16xf32>
      tpu.vector_store %arg7[%swap3A_4019, %swap3A_4020], %swap3A_4023 {strides = array<i32>} : memref<256x32xf32, #tpu.memory_space<vmem>>, vector<1x16xf32>,
      %get3A_4024 = arith.constant 1 : i32
      %get3A_4025 = arith.constant 88 : i32
      %get3A_4026 = arith.index_cast %get3A_4024 : i32 to index
      %get3A_4027 = arith.index_cast %get3A_4025 : i32 to index
      %get3A_4028 = arith.constant 16 : index
      %get3A_4029 = tpu.vector_load %arg6[%get3A_4026, %get3A_4027, %get3A_4028] {strides = array<i32>} : memref<2x128x128xf32, #tpu.memory_space<vmem>>, vector<1x1x16xf32>,
      %get3A_4030 = vector.shape_cast %get3A_4029 : vector<1x1x16xf32> to vector<16xf32>
      %get3A_4031 = arith.constant 1 : i32
      %get3A_4032 = arith.constant 89 : i32
      %get3A_4033 = arith.index_cast %get3A_4031 : i32 to index
      %get3A_4034 = arith.index_cast %get3A_4032 : i32 to index
      %get3A_4035 = arith.constant 16 : index
      %get3A_4036 = tpu.vector_load %arg6[%get3A_4033, %get3A_4034, %get3A_4035] {strides = array<i32>} : memref<2x128x128xf32, #tpu.memory_space<vmem>>, vector<1x1x16xf32>,
      %get3A_4037 = vector.shape_cast %get3A_4036 : vector<1x1x16xf32> to vector<16xf32>
      %add3A_4038 = arith.addf %get3A_4030, %get3A_4037 : vector<16xf32>
      %get3A_4039 = arith.constant 1 : i32
      %get3A_4040 = arith.constant 90 : i32
      %get3A_4041 = arith.index_cast %get3A_4039 : i32 to index
      %get3A_4042 = arith.index_cast %get3A_4040 : i32 to index
      %get3A_4043 = arith.constant 16 : index
      %get3A_4044 = tpu.vector_load %arg6[%get3A_4041, %get3A_4042, %get3A_4043] {strides = array<i32>} : memref<2x128x128xf32, #tpu.memory_space<vmem>>, vector<1x1x16xf32>,
      %get3A_4045 = vector.shape_cast %get3A_4044 : vector<1x1x16xf32> to vector<16xf32>
      %add3A_4046 = arith.addf %add3A_4038, %get3A_4045 : vector<16xf32>
      %get3A_4047 = arith.constant 1 : i32
      %get3A_4048 = arith.constant 91 : i32
      %get3A_4049 = arith.index_cast %get3A_4047 : i32 to index
      %get3A_4050 = arith.index_cast %get3A_4048 : i32 to index
      %get3A_4051 = arith.constant 16 : index
      %get3A_4052 = tpu.vector_load %arg6[%get3A_4049, %get3A_4050, %get3A_4051] {strides = array<i32>} : memref<2x128x128xf32, #tpu.memory_space<vmem>>, vector<1x1x16xf32>,
      %get3A_4053 = vector.shape_cast %get3A_4052 : vector<1x1x16xf32> to vector<16xf32>
      %add3A_4054 = arith.addf %add3A_4046, %get3A_4053 : vector<16xf32>
      %get3A_4055 = arith.constant 1 : i32
      %get3A_4056 = arith.constant 92 : i32
      %get3A_4057 = arith.index_cast %get3A_4055 : i32 to index
      %get3A_4058 = arith.index_cast %get3A_4056 : i32 to index
      %get3A_4059 = arith.constant 16 : index
      %get3A_4060 = tpu.vector_load %arg6[%get3A_4057, %get3A_4058, %get3A_4059] {strides = array<i32>} : memref<2x128x128xf32, #tpu.memory_space<vmem>>, vector<1x1x16xf32>,
      %get3A_4061 = vector.shape_cast %get3A_4060 : vector<1x1x16xf32> to vector<16xf32>
      %add3A_4062 = arith.addf %add3A_4054, %get3A_4061 : vector<16xf32>
      %get3A_4063 = arith.constant 1 : i32
      %get3A_4064 = arith.constant 93 : i32
      %get3A_4065 = arith.index_cast %get3A_4063 : i32 to index
      %get3A_4066 = arith.index_cast %get3A_4064 : i32 to index
      %get3A_4067 = arith.constant 16 : index
      %get3A_4068 = tpu.vector_load %arg6[%get3A_4065, %get3A_4066, %get3A_4067] {strides = array<i32>} : memref<2x128x128xf32, #tpu.memory_space<vmem>>, vector<1x1x16xf32>,
      %get3A_4069 = vector.shape_cast %get3A_4068 : vector<1x1x16xf32> to vector<16xf32>
      %add3A_4070 = arith.addf %add3A_4062, %get3A_4069 : vector<16xf32>
      %get3A_4071 = arith.constant 1 : i32
      %get3A_4072 = arith.constant 94 : i32
      %get3A_4073 = arith.index_cast %get3A_4071 : i32 to index
      %get3A_4074 = arith.index_cast %get3A_4072 : i32 to index
      %get3A_4075 = arith.constant 16 : index
      %get3A_4076 = tpu.vector_load %arg6[%get3A_4073, %get3A_4074, %get3A_4075] {strides = array<i32>} : memref<2x128x128xf32, #tpu.memory_space<vmem>>, vector<1x1x16xf32>,
      %get3A_4077 = vector.shape_cast %get3A_4076 : vector<1x1x16xf32> to vector<16xf32>
      %add3A_4078 = arith.addf %add3A_4070, %get3A_4077 : vector<16xf32>
      %get3A_4079 = arith.constant 1 : i32
      %get3A_4080 = arith.constant 95 : i32
      %get3A_4081 = arith.index_cast %get3A_4079 : i32 to index
      %get3A_4082 = arith.index_cast %get3A_4080 : i32 to index
      %get3A_4083 = arith.constant 16 : index
      %get3A_4084 = tpu.vector_load %arg6[%get3A_4081, %get3A_4082, %get3A_4083] {strides = array<i32>} : memref<2x128x128xf32, #tpu.memory_space<vmem>>, vector<1x1x16xf32>,
      %get3A_4085 = vector.shape_cast %get3A_4084 : vector<1x1x16xf32> to vector<16xf32>
      %add3A_4086 = arith.addf %add3A_4078, %get3A_4085 : vector<16xf32>
      %mul3A_4087 = arith.constant 16 : i32
      %mul3A_4088 = arith.muli %add3A_2367, %mul3A_4087 : i32
      %add3A_4089 = arith.constant 11 : i32
      %add3A_4090 = arith.addi %mul3A_4088, %add3A_4089 : i32
      %swap3A_4091 = arith.index_cast %add3A_4090 : i32 to index
      %swap3A_4092 = arith.constant 16 : index
      %swap3A_4093 = tpu.vector_load %arg7[%swap3A_4091, %swap3A_4092] {strides = array<i32>} : memref<256x32xf32, #tpu.memory_space<vmem>>, vector<1x16xf32>,
      %swap3A_4094 = vector.shape_cast %swap3A_4093 : vector<1x16xf32> to vector<16xf32>
      %swap3A_4095 = vector.shape_cast %add3A_4086 : vector<16xf32> to vector<1x16xf32>
      tpu.vector_store %arg7[%swap3A_4091, %swap3A_4092], %swap3A_4095 {strides = array<i32>} : memref<256x32xf32, #tpu.memory_space<vmem>>, vector<1x16xf32>,
      %get3A_4096 = arith.constant 1 : i32
      %get3A_4097 = arith.constant 96 : i32
      %get3A_4098 = arith.index_cast %get3A_4096 : i32 to index
      %get3A_4099 = arith.index_cast %get3A_4097 : i32 to index
      %get3A_4100 = arith.constant 0 : index
      %get3A_4101 = tpu.vector_load %arg6[%get3A_4098, %get3A_4099, %get3A_4100] {strides = array<i32>} : memref<2x128x128xf32, #tpu.memory_space<vmem>>, vector<1x1x16xf32>,
      %get3A_4102 = vector.shape_cast %get3A_4101 : vector<1x1x16xf32> to vector<16xf32>
      %get3A_4103 = arith.constant 1 : i32
      %get3A_4104 = arith.constant 97 : i32
      %get3A_4105 = arith.index_cast %get3A_4103 : i32 to index
      %get3A_4106 = arith.index_cast %get3A_4104 : i32 to index
      %get3A_4107 = arith.constant 0 : index
      %get3A_4108 = tpu.vector_load %arg6[%get3A_4105, %get3A_4106, %get3A_4107] {strides = array<i32>} : memref<2x128x128xf32, #tpu.memory_space<vmem>>, vector<1x1x16xf32>,
      %get3A_4109 = vector.shape_cast %get3A_4108 : vector<1x1x16xf32> to vector<16xf32>
      %add3A_4110 = arith.addf %get3A_4102, %get3A_4109 : vector<16xf32>
      %get3A_4111 = arith.constant 1 : i32
      %get3A_4112 = arith.constant 98 : i32
      %get3A_4113 = arith.index_cast %get3A_4111 : i32 to index
      %get3A_4114 = arith.index_cast %get3A_4112 : i32 to index
      %get3A_4115 = arith.constant 0 : index
      %get3A_4116 = tpu.vector_load %arg6[%get3A_4113, %get3A_4114, %get3A_4115] {strides = array<i32>} : memref<2x128x128xf32, #tpu.memory_space<vmem>>, vector<1x1x16xf32>,
      %get3A_4117 = vector.shape_cast %get3A_4116 : vector<1x1x16xf32> to vector<16xf32>
      %add3A_4118 = arith.addf %add3A_4110, %get3A_4117 : vector<16xf32>
      %get3A_4119 = arith.constant 1 : i32
      %get3A_4120 = arith.constant 99 : i32
      %get3A_4121 = arith.index_cast %get3A_4119 : i32 to index
      %get3A_4122 = arith.index_cast %get3A_4120 : i32 to index
      %get3A_4123 = arith.constant 0 : index
      %get3A_4124 = tpu.vector_load %arg6[%get3A_4121, %get3A_4122, %get3A_4123] {strides = array<i32>} : memref<2x128x128xf32, #tpu.memory_space<vmem>>, vector<1x1x16xf32>,
      %get3A_4125 = vector.shape_cast %get3A_4124 : vector<1x1x16xf32> to vector<16xf32>
      %add3A_4126 = arith.addf %add3A_4118, %get3A_4125 : vector<16xf32>
      %get3A_4127 = arith.constant 1 : i32
      %get3A_4128 = arith.constant 100 : i32
      %get3A_4129 = arith.index_cast %get3A_4127 : i32 to index
      %get3A_4130 = arith.index_cast %get3A_4128 : i32 to index
      %get3A_4131 = arith.constant 0 : index
      %get3A_4132 = tpu.vector_load %arg6[%get3A_4129, %get3A_4130, %get3A_4131] {strides = array<i32>} : memref<2x128x128xf32, #tpu.memory_space<vmem>>, vector<1x1x16xf32>,
      %get3A_4133 = vector.shape_cast %get3A_4132 : vector<1x1x16xf32> to vector<16xf32>
      %add3A_4134 = arith.addf %add3A_4126, %get3A_4133 : vector<16xf32>
      %get3A_4135 = arith.constant 1 : i32
      %get3A_4136 = arith.constant 101 : i32
      %get3A_4137 = arith.index_cast %get3A_4135 : i32 to index
      %get3A_4138 = arith.index_cast %get3A_4136 : i32 to index
      %get3A_4139 = arith.constant 0 : index
      %get3A_4140 = tpu.vector_load %arg6[%get3A_4137, %get3A_4138, %get3A_4139] {strides = array<i32>} : memref<2x128x128xf32, #tpu.memory_space<vmem>>, vector<1x1x16xf32>,
      %get3A_4141 = vector.shape_cast %get3A_4140 : vector<1x1x16xf32> to vector<16xf32>
      %add3A_4142 = arith.addf %add3A_4134, %get3A_4141 : vector<16xf32>
      %get3A_4143 = arith.constant 1 : i32
      %get3A_4144 = arith.constant 102 : i32
      %get3A_4145 = arith.index_cast %get3A_4143 : i32 to index
      %get3A_4146 = arith.index_cast %get3A_4144 : i32 to index
      %get3A_4147 = arith.constant 0 : index
      %get3A_4148 = tpu.vector_load %arg6[%get3A_4145, %get3A_4146, %get3A_4147] {strides = array<i32>} : memref<2x128x128xf32, #tpu.memory_space<vmem>>, vector<1x1x16xf32>,
      %get3A_4149 = vector.shape_cast %get3A_4148 : vector<1x1x16xf32> to vector<16xf32>
      %add3A_4150 = arith.addf %add3A_4142, %get3A_4149 : vector<16xf32>
      %get3A_4151 = arith.constant 1 : i32
      %get3A_4152 = arith.constant 103 : i32
      %get3A_4153 = arith.index_cast %get3A_4151 : i32 to index
      %get3A_4154 = arith.index_cast %get3A_4152 : i32 to index
      %get3A_4155 = arith.constant 0 : index
      %get3A_4156 = tpu.vector_load %arg6[%get3A_4153, %get3A_4154, %get3A_4155] {strides = array<i32>} : memref<2x128x128xf32, #tpu.memory_space<vmem>>, vector<1x1x16xf32>,
      %get3A_4157 = vector.shape_cast %get3A_4156 : vector<1x1x16xf32> to vector<16xf32>
      %add3A_4158 = arith.addf %add3A_4150, %get3A_4157 : vector<16xf32>
      %mul3A_4159 = arith.constant 16 : i32
      %mul3A_4160 = arith.muli %add3A_2367, %mul3A_4159 : i32
      %add3A_4161 = arith.constant 12 : i32
      %add3A_4162 = arith.addi %mul3A_4160, %add3A_4161 : i32
      %swap3A_4163 = arith.index_cast %add3A_4162 : i32 to index
      %swap3A_4164 = arith.constant 0 : index
      %swap3A_4165 = tpu.vector_load %arg7[%swap3A_4163, %swap3A_4164] {strides = array<i32>} : memref<256x32xf32, #tpu.memory_space<vmem>>, vector<1x16xf32>,
      %swap3A_4166 = vector.shape_cast %swap3A_4165 : vector<1x16xf32> to vector<16xf32>
      %swap3A_4167 = vector.shape_cast %add3A_4158 : vector<16xf32> to vector<1x16xf32>
      tpu.vector_store %arg7[%swap3A_4163, %swap3A_4164], %swap3A_4167 {strides = array<i32>} : memref<256x32xf32, #tpu.memory_space<vmem>>, vector<1x16xf32>,
      %get3A_4168 = arith.constant 1 : i32
      %get3A_4169 = arith.constant 96 : i32
      %get3A_4170 = arith.index_cast %get3A_4168 : i32 to index
      %get3A_4171 = arith.index_cast %get3A_4169 : i32 to index
      %get3A_4172 = arith.constant 16 : index
      %get3A_4173 = tpu.vector_load %arg6[%get3A_4170, %get3A_4171, %get3A_4172] {strides = array<i32>} : memref<2x128x128xf32, #tpu.memory_space<vmem>>, vector<1x1x16xf32>,
      %get3A_4174 = vector.shape_cast %get3A_4173 : vector<1x1x16xf32> to vector<16xf32>
      %get3A_4175 = arith.constant 1 : i32
      %get3A_4176 = arith.constant 97 : i32
      %get3A_4177 = arith.index_cast %get3A_4175 : i32 to index
      %get3A_4178 = arith.index_cast %get3A_4176 : i32 to index
      %get3A_4179 = arith.constant 16 : index
      %get3A_4180 = tpu.vector_load %arg6[%get3A_4177, %get3A_4178, %get3A_4179] {strides = array<i32>} : memref<2x128x128xf32, #tpu.memory_space<vmem>>, vector<1x1x16xf32>,
      %get3A_4181 = vector.shape_cast %get3A_4180 : vector<1x1x16xf32> to vector<16xf32>
      %add3A_4182 = arith.addf %get3A_4174, %get3A_4181 : vector<16xf32>
      %get3A_4183 = arith.constant 1 : i32
      %get3A_4184 = arith.constant 98 : i32
      %get3A_4185 = arith.index_cast %get3A_4183 : i32 to index
      %get3A_4186 = arith.index_cast %get3A_4184 : i32 to index
      %get3A_4187 = arith.constant 16 : index
      %get3A_4188 = tpu.vector_load %arg6[%get3A_4185, %get3A_4186, %get3A_4187] {strides = array<i32>} : memref<2x128x128xf32, #tpu.memory_space<vmem>>, vector<1x1x16xf32>,
      %get3A_4189 = vector.shape_cast %get3A_4188 : vector<1x1x16xf32> to vector<16xf32>
      %add3A_4190 = arith.addf %add3A_4182, %get3A_4189 : vector<16xf32>
      %get3A_4191 = arith.constant 1 : i32
      %get3A_4192 = arith.constant 99 : i32
      %get3A_4193 = arith.index_cast %get3A_4191 : i32 to index
      %get3A_4194 = arith.index_cast %get3A_4192 : i32 to index
      %get3A_4195 = arith.constant 16 : index
      %get3A_4196 = tpu.vector_load %arg6[%get3A_4193, %get3A_4194, %get3A_4195] {strides = array<i32>} : memref<2x128x128xf32, #tpu.memory_space<vmem>>, vector<1x1x16xf32>,
      %get3A_4197 = vector.shape_cast %get3A_4196 : vector<1x1x16xf32> to vector<16xf32>
      %add3A_4198 = arith.addf %add3A_4190, %get3A_4197 : vector<16xf32>
      %get3A_4199 = arith.constant 1 : i32
      %get3A_4200 = arith.constant 100 : i32
      %get3A_4201 = arith.index_cast %get3A_4199 : i32 to index
      %get3A_4202 = arith.index_cast %get3A_4200 : i32 to index
      %get3A_4203 = arith.constant 16 : index
      %get3A_4204 = tpu.vector_load %arg6[%get3A_4201, %get3A_4202, %get3A_4203] {strides = array<i32>} : memref<2x128x128xf32, #tpu.memory_space<vmem>>, vector<1x1x16xf32>,
      %get3A_4205 = vector.shape_cast %get3A_4204 : vector<1x1x16xf32> to vector<16xf32>
      %add3A_4206 = arith.addf %add3A_4198, %get3A_4205 : vector<16xf32>
      %get3A_4207 = arith.constant 1 : i32
      %get3A_4208 = arith.constant 101 : i32
      %get3A_4209 = arith.index_cast %get3A_4207 : i32 to index
      %get3A_4210 = arith.index_cast %get3A_4208 : i32 to index
      %get3A_4211 = arith.constant 16 : index
      %get3A_4212 = tpu.vector_load %arg6[%get3A_4209, %get3A_4210, %get3A_4211] {strides = array<i32>} : memref<2x128x128xf32, #tpu.memory_space<vmem>>, vector<1x1x16xf32>,
      %get3A_4213 = vector.shape_cast %get3A_4212 : vector<1x1x16xf32> to vector<16xf32>
      %add3A_4214 = arith.addf %add3A_4206, %get3A_4213 : vector<16xf32>
      %get3A_4215 = arith.constant 1 : i32
      %get3A_4216 = arith.constant 102 : i32
      %get3A_4217 = arith.index_cast %get3A_4215 : i32 to index
      %get3A_4218 = arith.index_cast %get3A_4216 : i32 to index
      %get3A_4219 = arith.constant 16 : index
      %get3A_4220 = tpu.vector_load %arg6[%get3A_4217, %get3A_4218, %get3A_4219] {strides = array<i32>} : memref<2x128x128xf32, #tpu.memory_space<vmem>>, vector<1x1x16xf32>,
      %get3A_4221 = vector.shape_cast %get3A_4220 : vector<1x1x16xf32> to vector<16xf32>
      %add3A_4222 = arith.addf %add3A_4214, %get3A_4221 : vector<16xf32>
      %get3A_4223 = arith.constant 1 : i32
      %get3A_4224 = arith.constant 103 : i32
      %get3A_4225 = arith.index_cast %get3A_4223 : i32 to index
      %get3A_4226 = arith.index_cast %get3A_4224 : i32 to index
      %get3A_4227 = arith.constant 16 : index
      %get3A_4228 = tpu.vector_load %arg6[%get3A_4225, %get3A_4226, %get3A_4227] {strides = array<i32>} : memref<2x128x128xf32, #tpu.memory_space<vmem>>, vector<1x1x16xf32>,
      %get3A_4229 = vector.shape_cast %get3A_4228 : vector<1x1x16xf32> to vector<16xf32>
      %add3A_4230 = arith.addf %add3A_4222, %get3A_4229 : vector<16xf32>
      %mul3A_4231 = arith.constant 16 : i32
      %mul3A_4232 = arith.muli %add3A_2367, %mul3A_4231 : i32
      %add3A_4233 = arith.constant 12 : i32
      %add3A_4234 = arith.addi %mul3A_4232, %add3A_4233 : i32
      %swap3A_4235 = arith.index_cast %add3A_4234 : i32 to index
      %swap3A_4236 = arith.constant 16 : index
      %swap3A_4237 = tpu.vector_load %arg7[%swap3A_4235, %swap3A_4236] {strides = array<i32>} : memref<256x32xf32, #tpu.memory_space<vmem>>, vector<1x16xf32>,
      %swap3A_4238 = vector.shape_cast %swap3A_4237 : vector<1x16xf32> to vector<16xf32>
      %swap3A_4239 = vector.shape_cast %add3A_4230 : vector<16xf32> to vector<1x16xf32>
      tpu.vector_store %arg7[%swap3A_4235, %swap3A_4236], %swap3A_4239 {strides = array<i32>} : memref<256x32xf32, #tpu.memory_space<vmem>>, vector<1x16xf32>,
      %get3A_4240 = arith.constant 1 : i32
      %get3A_4241 = arith.constant 104 : i32
      %get3A_4242 = arith.index_cast %get3A_4240 : i32 to index
      %get3A_4243 = arith.index_cast %get3A_4241 : i32 to index
      %get3A_4244 = arith.constant 0 : index
      %get3A_4245 = tpu.vector_load %arg6[%get3A_4242, %get3A_4243, %get3A_4244] {strides = array<i32>} : memref<2x128x128xf32, #tpu.memory_space<vmem>>, vector<1x1x16xf32>,
      %get3A_4246 = vector.shape_cast %get3A_4245 : vector<1x1x16xf32> to vector<16xf32>
      %get3A_4247 = arith.constant 1 : i32
      %get3A_4248 = arith.constant 105 : i32
      %get3A_4249 = arith.index_cast %get3A_4247 : i32 to index
      %get3A_4250 = arith.index_cast %get3A_4248 : i32 to index
      %get3A_4251 = arith.constant 0 : index
      %get3A_4252 = tpu.vector_load %arg6[%get3A_4249, %get3A_4250, %get3A_4251] {strides = array<i32>} : memref<2x128x128xf32, #tpu.memory_space<vmem>>, vector<1x1x16xf32>,
      %get3A_4253 = vector.shape_cast %get3A_4252 : vector<1x1x16xf32> to vector<16xf32>
      %add3A_4254 = arith.addf %get3A_4246, %get3A_4253 : vector<16xf32>
      %get3A_4255 = arith.constant 1 : i32
      %get3A_4256 = arith.constant 106 : i32
      %get3A_4257 = arith.index_cast %get3A_4255 : i32 to index
      %get3A_4258 = arith.index_cast %get3A_4256 : i32 to index
      %get3A_4259 = arith.constant 0 : index
      %get3A_4260 = tpu.vector_load %arg6[%get3A_4257, %get3A_4258, %get3A_4259] {strides = array<i32>} : memref<2x128x128xf32, #tpu.memory_space<vmem>>, vector<1x1x16xf32>,
      %get3A_4261 = vector.shape_cast %get3A_4260 : vector<1x1x16xf32> to vector<16xf32>
      %add3A_4262 = arith.addf %add3A_4254, %get3A_4261 : vector<16xf32>
      %get3A_4263 = arith.constant 1 : i32
      %get3A_4264 = arith.constant 107 : i32
      %get3A_4265 = arith.index_cast %get3A_4263 : i32 to index
      %get3A_4266 = arith.index_cast %get3A_4264 : i32 to index
      %get3A_4267 = arith.constant 0 : index
      %get3A_4268 = tpu.vector_load %arg6[%get3A_4265, %get3A_4266, %get3A_4267] {strides = array<i32>} : memref<2x128x128xf32, #tpu.memory_space<vmem>>, vector<1x1x16xf32>,
      %get3A_4269 = vector.shape_cast %get3A_4268 : vector<1x1x16xf32> to vector<16xf32>
      %add3A_4270 = arith.addf %add3A_4262, %get3A_4269 : vector<16xf32>
      %get3A_4271 = arith.constant 1 : i32
      %get3A_4272 = arith.constant 108 : i32
      %get3A_4273 = arith.index_cast %get3A_4271 : i32 to index
      %get3A_4274 = arith.index_cast %get3A_4272 : i32 to index
      %get3A_4275 = arith.constant 0 : index
      %get3A_4276 = tpu.vector_load %arg6[%get3A_4273, %get3A_4274, %get3A_4275] {strides = array<i32>} : memref<2x128x128xf32, #tpu.memory_space<vmem>>, vector<1x1x16xf32>,
      %get3A_4277 = vector.shape_cast %get3A_4276 : vector<1x1x16xf32> to vector<16xf32>
      %add3A_4278 = arith.addf %add3A_4270, %get3A_4277 : vector<16xf32>
      %get3A_4279 = arith.constant 1 : i32
      %get3A_4280 = arith.constant 109 : i32
      %get3A_4281 = arith.index_cast %get3A_4279 : i32 to index
      %get3A_4282 = arith.index_cast %get3A_4280 : i32 to index
      %get3A_4283 = arith.constant 0 : index
      %get3A_4284 = tpu.vector_load %arg6[%get3A_4281, %get3A_4282, %get3A_4283] {strides = array<i32>} : memref<2x128x128xf32, #tpu.memory_space<vmem>>, vector<1x1x16xf32>,
      %get3A_4285 = vector.shape_cast %get3A_4284 : vector<1x1x16xf32> to vector<16xf32>
      %add3A_4286 = arith.addf %add3A_4278, %get3A_4285 : vector<16xf32>
      %get3A_4287 = arith.constant 1 : i32
      %get3A_4288 = arith.constant 110 : i32
      %get3A_4289 = arith.index_cast %get3A_4287 : i32 to index
      %get3A_4290 = arith.index_cast %get3A_4288 : i32 to index
      %get3A_4291 = arith.constant 0 : index
      %get3A_4292 = tpu.vector_load %arg6[%get3A_4289, %get3A_4290, %get3A_4291] {strides = array<i32>} : memref<2x128x128xf32, #tpu.memory_space<vmem>>, vector<1x1x16xf32>,
      %get3A_4293 = vector.shape_cast %get3A_4292 : vector<1x1x16xf32> to vector<16xf32>
      %add3A_4294 = arith.addf %add3A_4286, %get3A_4293 : vector<16xf32>
      %get3A_4295 = arith.constant 1 : i32
      %get3A_4296 = arith.constant 111 : i32
      %get3A_4297 = arith.index_cast %get3A_4295 : i32 to index
      %get3A_4298 = arith.index_cast %get3A_4296 : i32 to index
      %get3A_4299 = arith.constant 0 : index
      %get3A_4300 = tpu.vector_load %arg6[%get3A_4297, %get3A_4298, %get3A_4299] {strides = array<i32>} : memref<2x128x128xf32, #tpu.memory_space<vmem>>, vector<1x1x16xf32>,
      %get3A_4301 = vector.shape_cast %get3A_4300 : vector<1x1x16xf32> to vector<16xf32>
      %add3A_4302 = arith.addf %add3A_4294, %get3A_4301 : vector<16xf32>
      %mul3A_4303 = arith.constant 16 : i32
      %mul3A_4304 = arith.muli %add3A_2367, %mul3A_4303 : i32
      %add3A_4305 = arith.constant 13 : i32
      %add3A_4306 = arith.addi %mul3A_4304, %add3A_4305 : i32
      %swap3A_4307 = arith.index_cast %add3A_4306 : i32 to index
      %swap3A_4308 = arith.constant 0 : index
      %swap3A_4309 = tpu.vector_load %arg7[%swap3A_4307, %swap3A_4308] {strides = array<i32>} : memref<256x32xf32, #tpu.memory_space<vmem>>, vector<1x16xf32>,
      %swap3A_4310 = vector.shape_cast %swap3A_4309 : vector<1x16xf32> to vector<16xf32>
      %swap3A_4311 = vector.shape_cast %add3A_4302 : vector<16xf32> to vector<1x16xf32>
      tpu.vector_store %arg7[%swap3A_4307, %swap3A_4308], %swap3A_4311 {strides = array<i32>} : memref<256x32xf32, #tpu.memory_space<vmem>>, vector<1x16xf32>,
      %get3A_4312 = arith.constant 1 : i32
      %get3A_4313 = arith.constant 104 : i32
      %get3A_4314 = arith.index_cast %get3A_4312 : i32 to index
      %get3A_4315 = arith.index_cast %get3A_4313 : i32 to index
      %get3A_4316 = arith.constant 16 : index
      %get3A_4317 = tpu.vector_load %arg6[%get3A_4314, %get3A_4315, %get3A_4316] {strides = array<i32>} : memref<2x128x128xf32, #tpu.memory_space<vmem>>, vector<1x1x16xf32>,
      %get3A_4318 = vector.shape_cast %get3A_4317 : vector<1x1x16xf32> to vector<16xf32>
      %get3A_4319 = arith.constant 1 : i32
      %get3A_4320 = arith.constant 105 : i32
      %get3A_4321 = arith.index_cast %get3A_4319 : i32 to index
      %get3A_4322 = arith.index_cast %get3A_4320 : i32 to index
      %get3A_4323 = arith.constant 16 : index
      %get3A_4324 = tpu.vector_load %arg6[%get3A_4321, %get3A_4322, %get3A_4323] {strides = array<i32>} : memref<2x128x128xf32, #tpu.memory_space<vmem>>, vector<1x1x16xf32>,
      %get3A_4325 = vector.shape_cast %get3A_4324 : vector<1x1x16xf32> to vector<16xf32>
      %add3A_4326 = arith.addf %get3A_4318, %get3A_4325 : vector<16xf32>
      %get3A_4327 = arith.constant 1 : i32
      %get3A_4328 = arith.constant 106 : i32
      %get3A_4329 = arith.index_cast %get3A_4327 : i32 to index
      %get3A_4330 = arith.index_cast %get3A_4328 : i32 to index
      %get3A_4331 = arith.constant 16 : index
      %get3A_4332 = tpu.vector_load %arg6[%get3A_4329, %get3A_4330, %get3A_4331] {strides = array<i32>} : memref<2x128x128xf32, #tpu.memory_space<vmem>>, vector<1x1x16xf32>,
      %get3A_4333 = vector.shape_cast %get3A_4332 : vector<1x1x16xf32> to vector<16xf32>
      %add3A_4334 = arith.addf %add3A_4326, %get3A_4333 : vector<16xf32>
      %get3A_4335 = arith.constant 1 : i32
      %get3A_4336 = arith.constant 107 : i32
      %get3A_4337 = arith.index_cast %get3A_4335 : i32 to index
      %get3A_4338 = arith.index_cast %get3A_4336 : i32 to index
      %get3A_4339 = arith.constant 16 : index
      %get3A_4340 = tpu.vector_load %arg6[%get3A_4337, %get3A_4338, %get3A_4339] {strides = array<i32>} : memref<2x128x128xf32, #tpu.memory_space<vmem>>, vector<1x1x16xf32>,
      %get3A_4341 = vector.shape_cast %get3A_4340 : vector<1x1x16xf32> to vector<16xf32>
      %add3A_4342 = arith.addf %add3A_4334, %get3A_4341 : vector<16xf32>
      %get3A_4343 = arith.constant 1 : i32
      %get3A_4344 = arith.constant 108 : i32
      %get3A_4345 = arith.index_cast %get3A_4343 : i32 to index
      %get3A_4346 = arith.index_cast %get3A_4344 : i32 to index
      %get3A_4347 = arith.constant 16 : index
      %get3A_4348 = tpu.vector_load %arg6[%get3A_4345, %get3A_4346, %get3A_4347] {strides = array<i32>} : memref<2x128x128xf32, #tpu.memory_space<vmem>>, vector<1x1x16xf32>,
      %get3A_4349 = vector.shape_cast %get3A_4348 : vector<1x1x16xf32> to vector<16xf32>
      %add3A_4350 = arith.addf %add3A_4342, %get3A_4349 : vector<16xf32>
      %get3A_4351 = arith.constant 1 : i32
      %get3A_4352 = arith.constant 109 : i32
      %get3A_4353 = arith.index_cast %get3A_4351 : i32 to index
      %get3A_4354 = arith.index_cast %get3A_4352 : i32 to index
      %get3A_4355 = arith.constant 16 : index
      %get3A_4356 = tpu.vector_load %arg6[%get3A_4353, %get3A_4354, %get3A_4355] {strides = array<i32>} : memref<2x128x128xf32, #tpu.memory_space<vmem>>, vector<1x1x16xf32>,
      %get3A_4357 = vector.shape_cast %get3A_4356 : vector<1x1x16xf32> to vector<16xf32>
      %add3A_4358 = arith.addf %add3A_4350, %get3A_4357 : vector<16xf32>
      %get3A_4359 = arith.constant 1 : i32
      %get3A_4360 = arith.constant 110 : i32
      %get3A_4361 = arith.index_cast %get3A_4359 : i32 to index
      %get3A_4362 = arith.index_cast %get3A_4360 : i32 to index
      %get3A_4363 = arith.constant 16 : index
      %get3A_4364 = tpu.vector_load %arg6[%get3A_4361, %get3A_4362, %get3A_4363] {strides = array<i32>} : memref<2x128x128xf32, #tpu.memory_space<vmem>>, vector<1x1x16xf32>,
      %get3A_4365 = vector.shape_cast %get3A_4364 : vector<1x1x16xf32> to vector<16xf32>
      %add3A_4366 = arith.addf %add3A_4358, %get3A_4365 : vector<16xf32>
      %get3A_4367 = arith.constant 1 : i32
      %get3A_4368 = arith.constant 111 : i32
      %get3A_4369 = arith.index_cast %get3A_4367 : i32 to index
      %get3A_4370 = arith.index_cast %get3A_4368 : i32 to index
      %get3A_4371 = arith.constant 16 : index
      %get3A_4372 = tpu.vector_load %arg6[%get3A_4369, %get3A_4370, %get3A_4371] {strides = array<i32>} : memref<2x128x128xf32, #tpu.memory_space<vmem>>, vector<1x1x16xf32>,
      %get3A_4373 = vector.shape_cast %get3A_4372 : vector<1x1x16xf32> to vector<16xf32>
      %add3A_4374 = arith.addf %add3A_4366, %get3A_4373 : vector<16xf32>
      %mul3A_4375 = arith.constant 16 : i32
      %mul3A_4376 = arith.muli %add3A_2367, %mul3A_4375 : i32
      %add3A_4377 = arith.constant 13 : i32
      %add3A_4378 = arith.addi %mul3A_4376, %add3A_4377 : i32
      %swap3A_4379 = arith.index_cast %add3A_4378 : i32 to index
      %swap3A_4380 = arith.constant 16 : index
      %swap3A_4381 = tpu.vector_load %arg7[%swap3A_4379, %swap3A_4380] {strides = array<i32>} : memref<256x32xf32, #tpu.memory_space<vmem>>, vector<1x16xf32>,
      %swap3A_4382 = vector.shape_cast %swap3A_4381 : vector<1x16xf32> to vector<16xf32>
      %swap3A_4383 = vector.shape_cast %add3A_4374 : vector<16xf32> to vector<1x16xf32>
      tpu.vector_store %arg7[%swap3A_4379, %swap3A_4380], %swap3A_4383 {strides = array<i32>} : memref<256x32xf32, #tpu.memory_space<vmem>>, vector<1x16xf32>,
      %get3A_4384 = arith.constant 1 : i32
      %get3A_4385 = arith.constant 112 : i32
      %get3A_4386 = arith.index_cast %get3A_4384 : i32 to index
      %get3A_4387 = arith.index_cast %get3A_4385 : i32 to index
      %get3A_4388 = arith.constant 0 : index
      %get3A_4389 = tpu.vector_load %arg6[%get3A_4386, %get3A_4387, %get3A_4388] {strides = array<i32>} : memref<2x128x128xf32, #tpu.memory_space<vmem>>, vector<1x1x16xf32>,
      %get3A_4390 = vector.shape_cast %get3A_4389 : vector<1x1x16xf32> to vector<16xf32>
      %get3A_4391 = arith.constant 1 : i32
      %get3A_4392 = arith.constant 113 : i32
      %get3A_4393 = arith.index_cast %get3A_4391 : i32 to index
      %get3A_4394 = arith.index_cast %get3A_4392 : i32 to index
      %get3A_4395 = arith.constant 0 : index
      %get3A_4396 = tpu.vector_load %arg6[%get3A_4393, %get3A_4394, %get3A_4395] {strides = array<i32>} : memref<2x128x128xf32, #tpu.memory_space<vmem>>, vector<1x1x16xf32>,
      %get3A_4397 = vector.shape_cast %get3A_4396 : vector<1x1x16xf32> to vector<16xf32>
      %add3A_4398 = arith.addf %get3A_4390, %get3A_4397 : vector<16xf32>
      %get3A_4399 = arith.constant 1 : i32
      %get3A_4400 = arith.constant 114 : i32
      %get3A_4401 = arith.index_cast %get3A_4399 : i32 to index
      %get3A_4402 = arith.index_cast %get3A_4400 : i32 to index
      %get3A_4403 = arith.constant 0 : index
      %get3A_4404 = tpu.vector_load %arg6[%get3A_4401, %get3A_4402, %get3A_4403] {strides = array<i32>} : memref<2x128x128xf32, #tpu.memory_space<vmem>>, vector<1x1x16xf32>,
      %get3A_4405 = vector.shape_cast %get3A_4404 : vector<1x1x16xf32> to vector<16xf32>
      %add3A_4406 = arith.addf %add3A_4398, %get3A_4405 : vector<16xf32>
      %get3A_4407 = arith.constant 1 : i32
      %get3A_4408 = arith.constant 115 : i32
      %get3A_4409 = arith.index_cast %get3A_4407 : i32 to index
      %get3A_4410 = arith.index_cast %get3A_4408 : i32 to index
      %get3A_4411 = arith.constant 0 : index
      %get3A_4412 = tpu.vector_load %arg6[%get3A_4409, %get3A_4410, %get3A_4411] {strides = array<i32>} : memref<2x128x128xf32, #tpu.memory_space<vmem>>, vector<1x1x16xf32>,
      %get3A_4413 = vector.shape_cast %get3A_4412 : vector<1x1x16xf32> to vector<16xf32>
      %add3A_4414 = arith.addf %add3A_4406, %get3A_4413 : vector<16xf32>
      %get3A_4415 = arith.constant 1 : i32
      %get3A_4416 = arith.constant 116 : i32
      %get3A_4417 = arith.index_cast %get3A_4415 : i32 to index
      %get3A_4418 = arith.index_cast %get3A_4416 : i32 to index
      %get3A_4419 = arith.constant 0 : index
      %get3A_4420 = tpu.vector_load %arg6[%get3A_4417, %get3A_4418, %get3A_4419] {strides = array<i32>} : memref<2x128x128xf32, #tpu.memory_space<vmem>>, vector<1x1x16xf32>,
      %get3A_4421 = vector.shape_cast %get3A_4420 : vector<1x1x16xf32> to vector<16xf32>
      %add3A_4422 = arith.addf %add3A_4414, %get3A_4421 : vector<16xf32>
      %get3A_4423 = arith.constant 1 : i32
      %get3A_4424 = arith.constant 117 : i32
      %get3A_4425 = arith.index_cast %get3A_4423 : i32 to index
      %get3A_4426 = arith.index_cast %get3A_4424 : i32 to index
      %get3A_4427 = arith.constant 0 : index
      %get3A_4428 = tpu.vector_load %arg6[%get3A_4425, %get3A_4426, %get3A_4427] {strides = array<i32>} : memref<2x128x128xf32, #tpu.memory_space<vmem>>, vector<1x1x16xf32>,
      %get3A_4429 = vector.shape_cast %get3A_4428 : vector<1x1x16xf32> to vector<16xf32>
      %add3A_4430 = arith.addf %add3A_4422, %get3A_4429 : vector<16xf32>
      %get3A_4431 = arith.constant 1 : i32
      %get3A_4432 = arith.constant 118 : i32
      %get3A_4433 = arith.index_cast %get3A_4431 : i32 to index
      %get3A_4434 = arith.index_cast %get3A_4432 : i32 to index
      %get3A_4435 = arith.constant 0 : index
      %get3A_4436 = tpu.vector_load %arg6[%get3A_4433, %get3A_4434, %get3A_4435] {strides = array<i32>} : memref<2x128x128xf32, #tpu.memory_space<vmem>>, vector<1x1x16xf32>,
      %get3A_4437 = vector.shape_cast %get3A_4436 : vector<1x1x16xf32> to vector<16xf32>
      %add3A_4438 = arith.addf %add3A_4430, %get3A_4437 : vector<16xf32>
      %get3A_4439 = arith.constant 1 : i32
      %get3A_4440 = arith.constant 119 : i32
      %get3A_4441 = arith.index_cast %get3A_4439 : i32 to index
      %get3A_4442 = arith.index_cast %get3A_4440 : i32 to index
      %get3A_4443 = arith.constant 0 : index
      %get3A_4444 = tpu.vector_load %arg6[%get3A_4441, %get3A_4442, %get3A_4443] {strides = array<i32>} : memref<2x128x128xf32, #tpu.memory_space<vmem>>, vector<1x1x16xf32>,
      %get3A_4445 = vector.shape_cast %get3A_4444 : vector<1x1x16xf32> to vector<16xf32>
      %add3A_4446 = arith.addf %add3A_4438, %get3A_4445 : vector<16xf32>
      %mul3A_4447 = arith.constant 16 : i32
      %mul3A_4448 = arith.muli %add3A_2367, %mul3A_4447 : i32
      %add3A_4449 = arith.constant 14 : i32
      %add3A_4450 = arith.addi %mul3A_4448, %add3A_4449 : i32
      %swap3A_4451 = arith.index_cast %add3A_4450 : i32 to index
      %swap3A_4452 = arith.constant 0 : index
      %swap3A_4453 = tpu.vector_load %arg7[%swap3A_4451, %swap3A_4452] {strides = array<i32>} : memref<256x32xf32, #tpu.memory_space<vmem>>, vector<1x16xf32>,
      %swap3A_4454 = vector.shape_cast %swap3A_4453 : vector<1x16xf32> to vector<16xf32>
      %swap3A_4455 = vector.shape_cast %add3A_4446 : vector<16xf32> to vector<1x16xf32>
      tpu.vector_store %arg7[%swap3A_4451, %swap3A_4452], %swap3A_4455 {strides = array<i32>} : memref<256x32xf32, #tpu.memory_space<vmem>>, vector<1x16xf32>,
      %get3A_4456 = arith.constant 1 : i32
      %get3A_4457 = arith.constant 112 : i32
      %get3A_4458 = arith.index_cast %get3A_4456 : i32 to index
      %get3A_4459 = arith.index_cast %get3A_4457 : i32 to index
      %get3A_4460 = arith.constant 16 : index
      %get3A_4461 = tpu.vector_load %arg6[%get3A_4458, %get3A_4459, %get3A_4460] {strides = array<i32>} : memref<2x128x128xf32, #tpu.memory_space<vmem>>, vector<1x1x16xf32>,
      %get3A_4462 = vector.shape_cast %get3A_4461 : vector<1x1x16xf32> to vector<16xf32>
      %get3A_4463 = arith.constant 1 : i32
      %get3A_4464 = arith.constant 113 : i32
      %get3A_4465 = arith.index_cast %get3A_4463 : i32 to index
      %get3A_4466 = arith.index_cast %get3A_4464 : i32 to index
      %get3A_4467 = arith.constant 16 : index
      %get3A_4468 = tpu.vector_load %arg6[%get3A_4465, %get3A_4466, %get3A_4467] {strides = array<i32>} : memref<2x128x128xf32, #tpu.memory_space<vmem>>, vector<1x1x16xf32>,
      %get3A_4469 = vector.shape_cast %get3A_4468 : vector<1x1x16xf32> to vector<16xf32>
      %add3A_4470 = arith.addf %get3A_4462, %get3A_4469 : vector<16xf32>
      %get3A_4471 = arith.constant 1 : i32
      %get3A_4472 = arith.constant 114 : i32
      %get3A_4473 = arith.index_cast %get3A_4471 : i32 to index
      %get3A_4474 = arith.index_cast %get3A_4472 : i32 to index
      %get3A_4475 = arith.constant 16 : index
      %get3A_4476 = tpu.vector_load %arg6[%get3A_4473, %get3A_4474, %get3A_4475] {strides = array<i32>} : memref<2x128x128xf32, #tpu.memory_space<vmem>>, vector<1x1x16xf32>,
      %get3A_4477 = vector.shape_cast %get3A_4476 : vector<1x1x16xf32> to vector<16xf32>
      %add3A_4478 = arith.addf %add3A_4470, %get3A_4477 : vector<16xf32>
      %get3A_4479 = arith.constant 1 : i32
      %get3A_4480 = arith.constant 115 : i32
      %get3A_4481 = arith.index_cast %get3A_4479 : i32 to index
      %get3A_4482 = arith.index_cast %get3A_4480 : i32 to index
      %get3A_4483 = arith.constant 16 : index
      %get3A_4484 = tpu.vector_load %arg6[%get3A_4481, %get3A_4482, %get3A_4483] {strides = array<i32>} : memref<2x128x128xf32, #tpu.memory_space<vmem>>, vector<1x1x16xf32>,
      %get3A_4485 = vector.shape_cast %get3A_4484 : vector<1x1x16xf32> to vector<16xf32>
      %add3A_4486 = arith.addf %add3A_4478, %get3A_4485 : vector<16xf32>
      %get3A_4487 = arith.constant 1 : i32
      %get3A_4488 = arith.constant 116 : i32
      %get3A_4489 = arith.index_cast %get3A_4487 : i32 to index
      %get3A_4490 = arith.index_cast %get3A_4488 : i32 to index
      %get3A_4491 = arith.constant 16 : index
      %get3A_4492 = tpu.vector_load %arg6[%get3A_4489, %get3A_4490, %get3A_4491] {strides = array<i32>} : memref<2x128x128xf32, #tpu.memory_space<vmem>>, vector<1x1x16xf32>,
      %get3A_4493 = vector.shape_cast %get3A_4492 : vector<1x1x16xf32> to vector<16xf32>
      %add3A_4494 = arith.addf %add3A_4486, %get3A_4493 : vector<16xf32>
      %get3A_4495 = arith.constant 1 : i32
      %get3A_4496 = arith.constant 117 : i32
      %get3A_4497 = arith.index_cast %get3A_4495 : i32 to index
      %get3A_4498 = arith.index_cast %get3A_4496 : i32 to index
      %get3A_4499 = arith.constant 16 : index
      %get3A_4500 = tpu.vector_load %arg6[%get3A_4497, %get3A_4498, %get3A_4499] {strides = array<i32>} : memref<2x128x128xf32, #tpu.memory_space<vmem>>, vector<1x1x16xf32>,
      %get3A_4501 = vector.shape_cast %get3A_4500 : vector<1x1x16xf32> to vector<16xf32>
      %add3A_4502 = arith.addf %add3A_4494, %get3A_4501 : vector<16xf32>
      %get3A_4503 = arith.constant 1 : i32
      %get3A_4504 = arith.constant 118 : i32
      %get3A_4505 = arith.index_cast %get3A_4503 : i32 to index
      %get3A_4506 = arith.index_cast %get3A_4504 : i32 to index
      %get3A_4507 = arith.constant 16 : index
      %get3A_4508 = tpu.vector_load %arg6[%get3A_4505, %get3A_4506, %get3A_4507] {strides = array<i32>} : memref<2x128x128xf32, #tpu.memory_space<vmem>>, vector<1x1x16xf32>,
      %get3A_4509 = vector.shape_cast %get3A_4508 : vector<1x1x16xf32> to vector<16xf32>
      %add3A_4510 = arith.addf %add3A_4502, %get3A_4509 : vector<16xf32>
      %get3A_4511 = arith.constant 1 : i32
      %get3A_4512 = arith.constant 119 : i32
      %get3A_4513 = arith.index_cast %get3A_4511 : i32 to index
      %get3A_4514 = arith.index_cast %get3A_4512 : i32 to index
      %get3A_4515 = arith.constant 16 : index
      %get3A_4516 = tpu.vector_load %arg6[%get3A_4513, %get3A_4514, %get3A_4515] {strides = array<i32>} : memref<2x128x128xf32, #tpu.memory_space<vmem>>, vector<1x1x16xf32>,
      %get3A_4517 = vector.shape_cast %get3A_4516 : vector<1x1x16xf32> to vector<16xf32>
      %add3A_4518 = arith.addf %add3A_4510, %get3A_4517 : vector<16xf32>
      %mul3A_4519 = arith.constant 16 : i32
      %mul3A_4520 = arith.muli %add3A_2367, %mul3A_4519 : i32
      %add3A_4521 = arith.constant 14 : i32
      %add3A_4522 = arith.addi %mul3A_4520, %add3A_4521 : i32
      %swap3A_4523 = arith.index_cast %add3A_4522 : i32 to index
      %swap3A_4524 = arith.constant 16 : index
      %swap3A_4525 = tpu.vector_load %arg7[%swap3A_4523, %swap3A_4524] {strides = array<i32>} : memref<256x32xf32, #tpu.memory_space<vmem>>, vector<1x16xf32>,
      %swap3A_4526 = vector.shape_cast %swap3A_4525 : vector<1x16xf32> to vector<16xf32>
      %swap3A_4527 = vector.shape_cast %add3A_4518 : vector<16xf32> to vector<1x16xf32>
      tpu.vector_store %arg7[%swap3A_4523, %swap3A_4524], %swap3A_4527 {strides = array<i32>} : memref<256x32xf32, #tpu.memory_space<vmem>>, vector<1x16xf32>,
      %get3A_4528 = arith.constant 1 : i32
      %get3A_4529 = arith.constant 120 : i32
      %get3A_4530 = arith.index_cast %get3A_4528 : i32 to index
      %get3A_4531 = arith.index_cast %get3A_4529 : i32 to index
      %get3A_4532 = arith.constant 0 : index
      %get3A_4533 = tpu.vector_load %arg6[%get3A_4530, %get3A_4531, %get3A_4532] {strides = array<i32>} : memref<2x128x128xf32, #tpu.memory_space<vmem>>, vector<1x1x16xf32>,
      %get3A_4534 = vector.shape_cast %get3A_4533 : vector<1x1x16xf32> to vector<16xf32>
      %get3A_4535 = arith.constant 1 : i32
      %get3A_4536 = arith.constant 121 : i32
      %get3A_4537 = arith.index_cast %get3A_4535 : i32 to index
      %get3A_4538 = arith.index_cast %get3A_4536 : i32 to index
      %get3A_4539 = arith.constant 0 : index
      %get3A_4540 = tpu.vector_load %arg6[%get3A_4537, %get3A_4538, %get3A_4539] {strides = array<i32>} : memref<2x128x128xf32, #tpu.memory_space<vmem>>, vector<1x1x16xf32>,
      %get3A_4541 = vector.shape_cast %get3A_4540 : vector<1x1x16xf32> to vector<16xf32>
      %add3A_4542 = arith.addf %get3A_4534, %get3A_4541 : vector<16xf32>
      %get3A_4543 = arith.constant 1 : i32
      %get3A_4544 = arith.constant 122 : i32
      %get3A_4545 = arith.index_cast %get3A_4543 : i32 to index
      %get3A_4546 = arith.index_cast %get3A_4544 : i32 to index
      %get3A_4547 = arith.constant 0 : index
      %get3A_4548 = tpu.vector_load %arg6[%get3A_4545, %get3A_4546, %get3A_4547] {strides = array<i32>} : memref<2x128x128xf32, #tpu.memory_space<vmem>>, vector<1x1x16xf32>,
      %get3A_4549 = vector.shape_cast %get3A_4548 : vector<1x1x16xf32> to vector<16xf32>
      %add3A_4550 = arith.addf %add3A_4542, %get3A_4549 : vector<16xf32>
      %get3A_4551 = arith.constant 1 : i32
      %get3A_4552 = arith.constant 123 : i32
      %get3A_4553 = arith.index_cast %get3A_4551 : i32 to index
      %get3A_4554 = arith.index_cast %get3A_4552 : i32 to index
      %get3A_4555 = arith.constant 0 : index
      %get3A_4556 = tpu.vector_load %arg6[%get3A_4553, %get3A_4554, %get3A_4555] {strides = array<i32>} : memref<2x128x128xf32, #tpu.memory_space<vmem>>, vector<1x1x16xf32>,
      %get3A_4557 = vector.shape_cast %get3A_4556 : vector<1x1x16xf32> to vector<16xf32>
      %add3A_4558 = arith.addf %add3A_4550, %get3A_4557 : vector<16xf32>
      %get3A_4559 = arith.constant 1 : i32
      %get3A_4560 = arith.constant 124 : i32
      %get3A_4561 = arith.index_cast %get3A_4559 : i32 to index
      %get3A_4562 = arith.index_cast %get3A_4560 : i32 to index
      %get3A_4563 = arith.constant 0 : index
      %get3A_4564 = tpu.vector_load %arg6[%get3A_4561, %get3A_4562, %get3A_4563] {strides = array<i32>} : memref<2x128x128xf32, #tpu.memory_space<vmem>>, vector<1x1x16xf32>,
      %get3A_4565 = vector.shape_cast %get3A_4564 : vector<1x1x16xf32> to vector<16xf32>
      %add3A_4566 = arith.addf %add3A_4558, %get3A_4565 : vector<16xf32>
      %get3A_4567 = arith.constant 1 : i32
      %get3A_4568 = arith.constant 125 : i32
      %get3A_4569 = arith.index_cast %get3A_4567 : i32 to index
      %get3A_4570 = arith.index_cast %get3A_4568 : i32 to index
      %get3A_4571 = arith.constant 0 : index
      %get3A_4572 = tpu.vector_load %arg6[%get3A_4569, %get3A_4570, %get3A_4571] {strides = array<i32>} : memref<2x128x128xf32, #tpu.memory_space<vmem>>, vector<1x1x16xf32>,
      %get3A_4573 = vector.shape_cast %get3A_4572 : vector<1x1x16xf32> to vector<16xf32>
      %add3A_4574 = arith.addf %add3A_4566, %get3A_4573 : vector<16xf32>
      %get3A_4575 = arith.constant 1 : i32
      %get3A_4576 = arith.constant 126 : i32
      %get3A_4577 = arith.index_cast %get3A_4575 : i32 to index
      %get3A_4578 = arith.index_cast %get3A_4576 : i32 to index
      %get3A_4579 = arith.constant 0 : index
      %get3A_4580 = tpu.vector_load %arg6[%get3A_4577, %get3A_4578, %get3A_4579] {strides = array<i32>} : memref<2x128x128xf32, #tpu.memory_space<vmem>>, vector<1x1x16xf32>,
      %get3A_4581 = vector.shape_cast %get3A_4580 : vector<1x1x16xf32> to vector<16xf32>
      %add3A_4582 = arith.addf %add3A_4574, %get3A_4581 : vector<16xf32>
      %get3A_4583 = arith.constant 1 : i32
      %get3A_4584 = arith.constant 127 : i32
      %get3A_4585 = arith.index_cast %get3A_4583 : i32 to index
      %get3A_4586 = arith.index_cast %get3A_4584 : i32 to index
      %get3A_4587 = arith.constant 0 : index
      %get3A_4588 = tpu.vector_load %arg6[%get3A_4585, %get3A_4586, %get3A_4587] {strides = array<i32>} : memref<2x128x128xf32, #tpu.memory_space<vmem>>, vector<1x1x16xf32>,
      %get3A_4589 = vector.shape_cast %get3A_4588 : vector<1x1x16xf32> to vector<16xf32>
      %add3A_4590 = arith.addf %add3A_4582, %get3A_4589 : vector<16xf32>
      %mul3A_4591 = arith.constant 16 : i32
      %mul3A_4592 = arith.muli %add3A_2367, %mul3A_4591 : i32
      %add3A_4593 = arith.constant 15 : i32
      %add3A_4594 = arith.addi %mul3A_4592, %add3A_4593 : i32
      %swap3A_4595 = arith.index_cast %add3A_4594 : i32 to index
      %swap3A_4596 = arith.constant 0 : index
      %swap3A_4597 = tpu.vector_load %arg7[%swap3A_4595, %swap3A_4596] {strides = array<i32>} : memref<256x32xf32, #tpu.memory_space<vmem>>, vector<1x16xf32>,
      %swap3A_4598 = vector.shape_cast %swap3A_4597 : vector<1x16xf32> to vector<16xf32>
      %swap3A_4599 = vector.shape_cast %add3A_4590 : vector<16xf32> to vector<1x16xf32>
      tpu.vector_store %arg7[%swap3A_4595, %swap3A_4596], %swap3A_4599 {strides = array<i32>} : memref<256x32xf32, #tpu.memory_space<vmem>>, vector<1x16xf32>,
      %get3A_4600 = arith.constant 1 : i32
      %get3A_4601 = arith.constant 120 : i32
      %get3A_4602 = arith.index_cast %get3A_4600 : i32 to index
      %get3A_4603 = arith.index_cast %get3A_4601 : i32 to index
      %get3A_4604 = arith.constant 16 : index
      %get3A_4605 = tpu.vector_load %arg6[%get3A_4602, %get3A_4603, %get3A_4604] {strides = array<i32>} : memref<2x128x128xf32, #tpu.memory_space<vmem>>, vector<1x1x16xf32>,
      %get3A_4606 = vector.shape_cast %get3A_4605 : vector<1x1x16xf32> to vector<16xf32>
      %get3A_4607 = arith.constant 1 : i32
      %get3A_4608 = arith.constant 121 : i32
      %get3A_4609 = arith.index_cast %get3A_4607 : i32 to index
      %get3A_4610 = arith.index_cast %get3A_4608 : i32 to index
      %get3A_4611 = arith.constant 16 : index
      %get3A_4612 = tpu.vector_load %arg6[%get3A_4609, %get3A_4610, %get3A_4611] {strides = array<i32>} : memref<2x128x128xf32, #tpu.memory_space<vmem>>, vector<1x1x16xf32>,
      %get3A_4613 = vector.shape_cast %get3A_4612 : vector<1x1x16xf32> to vector<16xf32>
      %add3A_4614 = arith.addf %get3A_4606, %get3A_4613 : vector<16xf32>
      %get3A_4615 = arith.constant 1 : i32
      %get3A_4616 = arith.constant 122 : i32
      %get3A_4617 = arith.index_cast %get3A_4615 : i32 to index
      %get3A_4618 = arith.index_cast %get3A_4616 : i32 to index
      %get3A_4619 = arith.constant 16 : index
      %get3A_4620 = tpu.vector_load %arg6[%get3A_4617, %get3A_4618, %get3A_4619] {strides = array<i32>} : memref<2x128x128xf32, #tpu.memory_space<vmem>>, vector<1x1x16xf32>,
      %get3A_4621 = vector.shape_cast %get3A_4620 : vector<1x1x16xf32> to vector<16xf32>
      %add3A_4622 = arith.addf %add3A_4614, %get3A_4621 : vector<16xf32>
      %get3A_4623 = arith.constant 1 : i32
      %get3A_4624 = arith.constant 123 : i32
      %get3A_4625 = arith.index_cast %get3A_4623 : i32 to index
      %get3A_4626 = arith.index_cast %get3A_4624 : i32 to index
      %get3A_4627 = arith.constant 16 : index
      %get3A_4628 = tpu.vector_load %arg6[%get3A_4625, %get3A_4626, %get3A_4627] {strides = array<i32>} : memref<2x128x128xf32, #tpu.memory_space<vmem>>, vector<1x1x16xf32>,
      %get3A_4629 = vector.shape_cast %get3A_4628 : vector<1x1x16xf32> to vector<16xf32>
      %add3A_4630 = arith.addf %add3A_4622, %get3A_4629 : vector<16xf32>
      %get3A_4631 = arith.constant 1 : i32
      %get3A_4632 = arith.constant 124 : i32
      %get3A_4633 = arith.index_cast %get3A_4631 : i32 to index
      %get3A_4634 = arith.index_cast %get3A_4632 : i32 to index
      %get3A_4635 = arith.constant 16 : index
      %get3A_4636 = tpu.vector_load %arg6[%get3A_4633, %get3A_4634, %get3A_4635] {strides = array<i32>} : memref<2x128x128xf32, #tpu.memory_space<vmem>>, vector<1x1x16xf32>,
      %get3A_4637 = vector.shape_cast %get3A_4636 : vector<1x1x16xf32> to vector<16xf32>
      %add3A_4638 = arith.addf %add3A_4630, %get3A_4637 : vector<16xf32>
      %get3A_4639 = arith.constant 1 : i32
      %get3A_4640 = arith.constant 125 : i32
      %get3A_4641 = arith.index_cast %get3A_4639 : i32 to index
      %get3A_4642 = arith.index_cast %get3A_4640 : i32 to index
      %get3A_4643 = arith.constant 16 : index
      %get3A_4644 = tpu.vector_load %arg6[%get3A_4641, %get3A_4642, %get3A_4643] {strides = array<i32>} : memref<2x128x128xf32, #tpu.memory_space<vmem>>, vector<1x1x16xf32>,
      %get3A_4645 = vector.shape_cast %get3A_4644 : vector<1x1x16xf32> to vector<16xf32>
      %add3A_4646 = arith.addf %add3A_4638, %get3A_4645 : vector<16xf32>
      %get3A_4647 = arith.constant 1 : i32
      %get3A_4648 = arith.constant 126 : i32
      %get3A_4649 = arith.index_cast %get3A_4647 : i32 to index
      %get3A_4650 = arith.index_cast %get3A_4648 : i32 to index
      %get3A_4651 = arith.constant 16 : index
      %get3A_4652 = tpu.vector_load %arg6[%get3A_4649, %get3A_4650, %get3A_4651] {strides = array<i32>} : memref<2x128x128xf32, #tpu.memory_space<vmem>>, vector<1x1x16xf32>,
      %get3A_4653 = vector.shape_cast %get3A_4652 : vector<1x1x16xf32> to vector<16xf32>
      %add3A_4654 = arith.addf %add3A_4646, %get3A_4653 : vector<16xf32>
      %get3A_4655 = arith.constant 1 : i32
      %get3A_4656 = arith.constant 127 : i32
      %get3A_4657 = arith.index_cast %get3A_4655 : i32 to index
      %get3A_4658 = arith.index_cast %get3A_4656 : i32 to index
      %get3A_4659 = arith.constant 16 : index
      %get3A_4660 = tpu.vector_load %arg6[%get3A_4657, %get3A_4658, %get3A_4659] {strides = array<i32>} : memref<2x128x128xf32, #tpu.memory_space<vmem>>, vector<1x1x16xf32>,
      %get3A_4661 = vector.shape_cast %get3A_4660 : vector<1x1x16xf32> to vector<16xf32>
      %add3A_4662 = arith.addf %add3A_4654, %get3A_4661 : vector<16xf32>
      %mul3A_4663 = arith.constant 16 : i32
      %mul3A_4664 = arith.muli %add3A_2367, %mul3A_4663 : i32
      %add3A_4665 = arith.constant 15 : i32
      %add3A_4666 = arith.addi %mul3A_4664, %add3A_4665 : i32
      %swap3A_4667 = arith.index_cast %add3A_4666 : i32 to index
      %swap3A_4668 = arith.constant 16 : index
      %swap3A_4669 = tpu.vector_load %arg7[%swap3A_4667, %swap3A_4668] {strides = array<i32>} : memref<256x32xf32, #tpu.memory_space<vmem>>, vector<1x16xf32>,
      %swap3A_4670 = vector.shape_cast %swap3A_4669 : vector<1x16xf32> to vector<16xf32>
      %swap3A_4671 = vector.shape_cast %add3A_4662 : vector<16xf32> to vector<1x16xf32>
      tpu.vector_store %arg7[%swap3A_4667, %swap3A_4668], %swap3A_4671 {strides = array<i32>} : memref<256x32xf32, #tpu.memory_space<vmem>>, vector<1x16xf32>,
      %lt3A_4672 = arith.constant 7 : i32
      %lt3A_4673 = arith.cmpi slt, %scan3A_30, %lt3A_4672 : i32
      %convert_element_type3A_4674 = arith.extui %lt3A_4673 : i1 to i32
      %cond3A_4675 = arith.constant 0 : i32
      %cond3A_4676 = arith.cmpi ne, %convert_element_type3A_4674, %cond3A_4675 : i32
      scf.if %cond3A_4676 {
        %add3A_4677 = arith.constant 3 : i32
        %add3A_4678 = arith.addi %mul3A_32, %add3A_4677 : i32
        %mul3A_4679 = arith.constant 128 : i32
        %mul3A_4680 = arith.muli %add3A_4678, %mul3A_4679 : i32
        %multiple_of3A_4681 = tpu.assume_multiple %mul3A_4680, 128 : i32
        %dma_start3A_4682 = arith.constant 1 : i32
        %dma_start3A_4683 = arith.constant 0 : i32
        %dma_start3A_4684 = arith.constant 0 : i32
        %dma_start3A_4685 = tpu.memref_slice %arg6[%dma_start3A_4682, %dma_start3A_4683, %dma_start3A_4684] : memref<2x128x128xf32, #tpu.memory_space<vmem>> -> memref<1x128x128xf32, #tpu.memory_space<vmem>>
        %dma_start3A_4686 = tpu.memref_squeeze %dma_start3A_4685 : memref<1x128x128xf32, #tpu.memory_space<vmem>> -> memref<128x128xf32, #tpu.memory_space<vmem>>
        %dma_start3A_4687 = tpu.memref_slice %arg5[%multiple_of3A_4681] : memref<2048xi32, #tpu.memory_space<vmem>> -> memref<128xi32, #tpu.memory_space<vmem>>
        %dma_start3A_4688 = arith.constant 0 : i32
        %dma_start3A_4689 = arith.constant 0 : i32
        %dma_start3A_4690 = tpu.memref_slice %arg3[%dma_start3A_4688, %dma_start3A_4689] : memref<8192x128xf32, #tpu.memory_space<hbm>> -> memref<8192x128xf32, #tpu.memory_space<hbm>>
        tpu.enqueue_indirect_dma source(%dma_start3A_4690 : memref<8192x128xf32, #tpu.memory_space<hbm>>) target(%dma_start3A_4686 : memref<128x128xf32, #tpu.memory_space<vmem>>) offsets(%dma_start3A_4687 : memref<128xi32, #tpu.memory_space<vmem>>) semaphore(%arg9 : memref<!tpu.dma_semaphore, #tpu.memory_space<semaphore_mem>>)
      } else {
      }
    }
    %scan3A_29 = arith.constant 8 : i32
    "tpu.region"() ({
      %run_scoped3A = tpu.sem_alloc : memref<!tpu.dma_semaphore, #tpu.memory_space<semaphore_mem>>
      %dma_start3A_30 = arith.constant 0 : i32
      %dma_start3A_31 = tpu.memref_slice %arg4[%mul3A_2, %dma_start3A_30] : memref<8192x32xf32, #tpu.memory_space<hbm>> -> memref<256x32xf32, #tpu.memory_space<hbm>>
      %dma_start3A_32 = arith.constant 0 : i32
      %dma_start3A_33 = tpu.memref_slice %arg4[%mul3A_2, %dma_start3A_32] : memref<8192x32xf32, #tpu.memory_space<hbm>> -> memref<256x32xf32, #tpu.memory_space<hbm>>
      tpu.enqueue_dma source(%arg7 : memref<256x32xf32, #tpu.memory_space<vmem>>) target(%dma_start3A_33 : memref<256x32xf32, #tpu.memory_space<hbm>>) target_semaphore(%run_scoped3A : memref<!tpu.dma_semaphore, #tpu.memory_space<semaphore_mem>>)
      %dma_wait3A = arith.constant 0 : i32
      %dma_wait3A_34 = tpu.memref_slice %arg4[%mul3A_2, %dma_wait3A] : memref<8192x32xf32, #tpu.memory_space<hbm>> -> memref<256x32xf32, #tpu.memory_space<hbm>>
      %dma_wait3A_35 = arith.constant 0 : i32
      %dma_wait3A_36 = tpu.memref_slice %arg4[%mul3A_2, %dma_wait3A_35] : memref<8192x32xf32, #tpu.memory_space<hbm>> -> memref<256x32xf32, #tpu.memory_space<hbm>>
      tpu.wait_dma2 semaphore(%run_scoped3A : memref<!tpu.dma_semaphore, #tpu.memory_space<semaphore_mem>>) src(%arg7 : memref<256x32xf32, #tpu.memory_space<vmem>>) dst(%dma_wait3A_36 : memref<256x32xf32, #tpu.memory_space<hbm>>)
      tpu.yield
    }) : () -> ()
    return
  }
}

module attributes {stable_mosaic.version = 14 : i64} {
  func.func @_knn_body(%arg0: i32, %arg1: i32, %arg2: memref<1x2048x6xf32, #tpu.memory_space<vmem>>, %arg3: memref<1x6x2048xf32, #tpu.memory_space<vmem>>, %arg4: memref<4x32xf32, #tpu.memory_space<vmem>>, %arg5: memref<1x32xf32, #tpu.memory_space<vmem>>, %arg6: memref<32x32xf32, #tpu.memory_space<vmem>>, %arg7: memref<1x32xf32, #tpu.memory_space<vmem>>, %arg8: memref<1x512x128xf32, #tpu.memory_space<vmem>>, %arg9: memref<1x512x8xi32, #tpu.memory_space<vmem>>) attributes {dimension_semantics = [#tpu.dimension_semantics<arbitrary>, #tpu.dimension_semantics<arbitrary>], iteration_bounds = array<i64: 4, 4>, scalar_prefetch = 0 : i64, scratch_operands = 0 : i64, tpu.core_type = #tpu.core_type<tc>, window_params = [{transform_indices = @transform_0, window_bounds = array<i64: 1, 2048, 6>}, {transform_indices = @transform_1, window_bounds = array<i64: 1, 6, 2048>}, {pipeline_mode = #tpu.pipeline_mode<synchronous>, transform_indices = @transform_2, window_bounds = array<i64: 4, 32>}, {pipeline_mode = #tpu.pipeline_mode<synchronous>, transform_indices = @transform_3, window_bounds = array<i64: 1, 32>}, {pipeline_mode = #tpu.pipeline_mode<synchronous>, transform_indices = @transform_4, window_bounds = array<i64: 32, 32>}, {pipeline_mode = #tpu.pipeline_mode<synchronous>, transform_indices = @transform_5, window_bounds = array<i64: 1, 32>}, {transform_indices = @transform_6, window_bounds = array<i64: 1, 512, 128>}, {transform_indices = @transform_7, window_bounds = array<i64: 1, 512, 8>}]} {
    %get3A = arith.constant 0 : index
    %get3A_0 = arith.constant 0 : index
    %get3A_1 = arith.constant 0 : index
    %get3A_2 = vector.load %arg2[%get3A, %get3A_0, %get3A_1] : memref<1x2048x6xf32, #tpu.memory_space<vmem>>, vector<1x2048x6xf32>
    %get3A_3 = vector.shape_cast %get3A_2 : vector<1x2048x6xf32> to vector<2048x6xf32>
    %slice3A = vector.extract_strided_slice %get3A_3 {offsets = [0, 2], sizes = [2048, 4], strides = [1, 1]} : vector<2048x6xf32> to vector<2048x4xf32>
    %mul3A = arith.constant 512 : i32
    %mul3A_4 = arith.muli %arg1, %mul3A : i32
    %get3A_5 = arith.constant 0 : index
    %get3A_6 = arith.index_cast %mul3A_4 : i32 to index
    %get3A_7 = arith.constant 0 : index
    %get3A_8 = vector.load %arg2[%get3A_5, %get3A_6, %get3A_7] : memref<1x2048x6xf32, #tpu.memory_space<vmem>>, vector<1x512x6xf32>
    %get3A_9 = vector.shape_cast %get3A_8 : vector<1x512x6xf32> to vector<512x6xf32>
    %slice3A_10 = vector.extract_strided_slice %get3A_9 {offsets = [0, 0], sizes = [512, 1], strides = [1, 1]} : vector<512x6xf32> to vector<512x1xf32>
    %slice3A_11 = vector.extract_strided_slice %get3A_9 {offsets = [0, 1], sizes = [512, 1], strides = [1, 1]} : vector<512x6xf32> to vector<512x1xf32>
    %get3A_12 = arith.constant 0 : index
    %get3A_13 = arith.constant 0 : index
    %get3A_14 = arith.constant 0 : index
    %get3A_15 = vector.load %arg3[%get3A_12, %get3A_13, %get3A_14] : memref<1x6x2048xf32, #tpu.memory_space<vmem>>, vector<1x1x2048xf32>
    %get3A_16 = vector.shape_cast %get3A_15 : vector<1x1x2048xf32> to vector<1x2048xf32>
    %get3A_17 = arith.constant 0 : index
    %get3A_18 = arith.constant 1 : index
    %get3A_19 = arith.constant 0 : index
    %get3A_20 = vector.load %arg3[%get3A_17, %get3A_18, %get3A_19] : memref<1x6x2048xf32, #tpu.memory_space<vmem>>, vector<1x1x2048xf32>
    %get3A_21 = vector.shape_cast %get3A_20 : vector<1x1x2048xf32> to vector<1x2048xf32>
    %sub3A = vector.broadcast %slice3A_10 : vector<512x1xf32> to vector<512x2048xf32>
    %sub3A_22 = vector.broadcast %get3A_16 : vector<1x2048xf32> to vector<512x2048xf32>
    %sub3A_23 = arith.subf %sub3A, %sub3A_22 : vector<512x2048xf32>
    %integer_pow3A = arith.mulf %sub3A_23, %sub3A_23 : vector<512x2048xf32>
    %sub3A_24 = vector.broadcast %slice3A_11 : vector<512x1xf32> to vector<512x2048xf32>
    %sub3A_25 = vector.broadcast %get3A_21 : vector<1x2048xf32> to vector<512x2048xf32>
    %sub3A_26 = arith.subf %sub3A_24, %sub3A_25 : vector<512x2048xf32>
    %integer_pow3A_27 = arith.mulf %sub3A_26, %sub3A_26 : vector<512x2048xf32>
    %add3A = arith.addf %integer_pow3A, %integer_pow3A_27 : vector<512x2048xf32>
    %sqrt3A = math.sqrt %add3A : vector<512x2048xf32>
    %iota3A = tpu.iota {dimensions = array<i32: 1>} : vector<512x2048xi32>
    %broadcast_in_dim3A = arith.constant 0.000000e+00 : f32
    %broadcast_in_dim3A_28 = vector.broadcast %broadcast_in_dim3A : f32 to vector<512x2048xf32>
    %eq3A = arith.constant 0.000000e+00 : f32
    %eq3A_29 = vector.broadcast %eq3A : f32 to vector<512x2048xf32>
    %eq3A_30 = arith.cmpf oeq, %sqrt3A, %eq3A_29 : vector<512x2048xf32>
    %jit3A = arith.constant 2048 : i32
    %broadcast_in_dim3A_31 = vector.broadcast %jit3A : i32 to vector<512x2048xi32>
    %select_n3A = arith.select %eq3A_30, %iota3A, %broadcast_in_dim3A_31 : vector<512x2048xi1>, vector<512x2048xi32>
    %reduce_min3A = arith.constant dense<2147483647> : vector<512xi32>
    %reduce_min3A_32 = vector.multi_reduction <minsi>, %select_n3A, %reduce_min3A [1] : vector<512x2048xi32> to vector<512xi32>
    %broadcast_in_dim3A_33 = vector.shape_cast %reduce_min3A_32 : vector<512xi32> to vector<512x1xi32>
    %eq3A_34 = vector.broadcast %broadcast_in_dim3A_33 : vector<512x1xi32> to vector<512x2048xi32>
    %eq3A_35 = arith.cmpi eq, %iota3A, %eq3A_34 : vector<512x2048xi32>
    %jit3A_36 = arith.constant 3.000000e+38 : f32
    %broadcast_in_dim3A_37 = vector.broadcast %jit3A_36 : f32 to vector<512x2048xf32>
    %select_n3A_38 = arith.select %eq3A_35, %broadcast_in_dim3A_37, %sqrt3A : vector<512x2048xi1>, vector<512x2048xf32>
    %argmin3A = tpu.reduce_index %select_n3A_38 {axis = 1 : i32, kind = #tpu.reduction_kind<arg_min>} : vector<512x2048xf32> -> vector<512xi32>
    %broadcast_in_dim3A_39 = vector.shape_cast %argmin3A : vector<512xi32> to vector<512x1xi32>
    %eq3A_40 = vector.broadcast %broadcast_in_dim3A_39 : vector<512x1xi32> to vector<512x2048xi32>
    %eq3A_41 = arith.cmpi eq, %iota3A, %eq3A_40 : vector<512x2048xi32>
    %convert_element_type3A = arith.extui %eq3A_41 : vector<512x2048xi1> to vector<512x2048xi32>
    %convert_element_type3A_42 = arith.sitofp %convert_element_type3A : vector<512x2048xi32> to vector<512x2048xf32>
    %add3A_43 = arith.addf %broadcast_in_dim3A_28, %convert_element_type3A_42 : vector<512x2048xf32>
    %squeeze3A = vector.shape_cast %broadcast_in_dim3A_39 : vector<512x1xi32> to vector<512xi32>
    %mul3A_44 = arith.constant 2048 : i32
    %mul3A_45 = arith.muli %arg0, %mul3A_44 : i32
    %add3A_46 = vector.broadcast %mul3A_45 : i32 to vector<512xi32>
    %add3A_47 = arith.addi %squeeze3A, %add3A_46 : vector<512xi32>
    %swap3A = arith.constant 0 : index
    %swap3A_48 = arith.constant 0 : index
    %swap3A_49 = arith.constant 0 : index
    %swap3A_50 = vector.load %arg9[%swap3A, %swap3A_48, %swap3A_49] : memref<1x512x8xi32, #tpu.memory_space<vmem>>, vector<1x512x1xi32>
    %swap3A_51 = vector.shape_cast %swap3A_50 : vector<1x512x1xi32> to vector<512xi32>
    %swap3A_52 = vector.shape_cast %add3A_47 : vector<512xi32> to vector<1x512x1xi32>
    tpu.vector_store %arg9[%swap3A, %swap3A_48, %swap3A_49], %swap3A_52 {strides = array<i32>} : memref<1x512x8xi32, #tpu.memory_space<vmem>>, vector<1x512x1xi32>,
    %jit3A_53 = arith.constant 3.000000e+38 : f32
    %broadcast_in_dim3A_54 = vector.broadcast %jit3A_53 : f32 to vector<512x2048xf32>
    %select_n3A_55 = arith.select %eq3A_41, %broadcast_in_dim3A_54, %select_n3A_38 : vector<512x2048xi1>, vector<512x2048xf32>
    %argmin3A_56 = tpu.reduce_index %select_n3A_55 {axis = 1 : i32, kind = #tpu.reduction_kind<arg_min>} : vector<512x2048xf32> -> vector<512xi32>
    %broadcast_in_dim3A_57 = vector.shape_cast %argmin3A_56 : vector<512xi32> to vector<512x1xi32>
    %eq3A_58 = vector.broadcast %broadcast_in_dim3A_57 : vector<512x1xi32> to vector<512x2048xi32>
    %eq3A_59 = arith.cmpi eq, %iota3A, %eq3A_58 : vector<512x2048xi32>
    %convert_element_type3A_60 = arith.extui %eq3A_59 : vector<512x2048xi1> to vector<512x2048xi32>
    %convert_element_type3A_61 = arith.sitofp %convert_element_type3A_60 : vector<512x2048xi32> to vector<512x2048xf32>
    %add3A_62 = arith.addf %add3A_43, %convert_element_type3A_61 : vector<512x2048xf32>
    %squeeze3A_63 = vector.shape_cast %broadcast_in_dim3A_57 : vector<512x1xi32> to vector<512xi32>
    %mul3A_64 = arith.constant 2048 : i32
    %mul3A_65 = arith.muli %arg0, %mul3A_64 : i32
    %add3A_66 = vector.broadcast %mul3A_65 : i32 to vector<512xi32>
    %add3A_67 = arith.addi %squeeze3A_63, %add3A_66 : vector<512xi32>
    %swap3A_68 = arith.constant 0 : index
    %swap3A_69 = arith.constant 0 : index
    %swap3A_70 = arith.constant 1 : index
    %swap3A_71 = vector.load %arg9[%swap3A_68, %swap3A_69, %swap3A_70] : memref<1x512x8xi32, #tpu.memory_space<vmem>>, vector<1x512x1xi32>
    %swap3A_72 = vector.shape_cast %swap3A_71 : vector<1x512x1xi32> to vector<512xi32>
    %swap3A_73 = vector.shape_cast %add3A_67 : vector<512xi32> to vector<1x512x1xi32>
    tpu.vector_store %arg9[%swap3A_68, %swap3A_69, %swap3A_70], %swap3A_73 {strides = array<i32>} : memref<1x512x8xi32, #tpu.memory_space<vmem>>, vector<1x512x1xi32>,
    %jit3A_74 = arith.constant 3.000000e+38 : f32
    %broadcast_in_dim3A_75 = vector.broadcast %jit3A_74 : f32 to vector<512x2048xf32>
    %select_n3A_76 = arith.select %eq3A_59, %broadcast_in_dim3A_75, %select_n3A_55 : vector<512x2048xi1>, vector<512x2048xf32>
    %argmin3A_77 = tpu.reduce_index %select_n3A_76 {axis = 1 : i32, kind = #tpu.reduction_kind<arg_min>} : vector<512x2048xf32> -> vector<512xi32>
    %broadcast_in_dim3A_78 = vector.shape_cast %argmin3A_77 : vector<512xi32> to vector<512x1xi32>
    %eq3A_79 = vector.broadcast %broadcast_in_dim3A_78 : vector<512x1xi32> to vector<512x2048xi32>
    %eq3A_80 = arith.cmpi eq, %iota3A, %eq3A_79 : vector<512x2048xi32>
    %convert_element_type3A_81 = arith.extui %eq3A_80 : vector<512x2048xi1> to vector<512x2048xi32>
    %convert_element_type3A_82 = arith.sitofp %convert_element_type3A_81 : vector<512x2048xi32> to vector<512x2048xf32>
    %add3A_83 = arith.addf %add3A_62, %convert_element_type3A_82 : vector<512x2048xf32>
    %squeeze3A_84 = vector.shape_cast %broadcast_in_dim3A_78 : vector<512x1xi32> to vector<512xi32>
    %mul3A_85 = arith.constant 2048 : i32
    %mul3A_86 = arith.muli %arg0, %mul3A_85 : i32
    %add3A_87 = vector.broadcast %mul3A_86 : i32 to vector<512xi32>
    %add3A_88 = arith.addi %squeeze3A_84, %add3A_87 : vector<512xi32>
    %swap3A_89 = arith.constant 0 : index
    %swap3A_90 = arith.constant 0 : index
    %swap3A_91 = arith.constant 2 : index
    %swap3A_92 = vector.load %arg9[%swap3A_89, %swap3A_90, %swap3A_91] : memref<1x512x8xi32, #tpu.memory_space<vmem>>, vector<1x512x1xi32>
    %swap3A_93 = vector.shape_cast %swap3A_92 : vector<1x512x1xi32> to vector<512xi32>
    %swap3A_94 = vector.shape_cast %add3A_88 : vector<512xi32> to vector<1x512x1xi32>
    tpu.vector_store %arg9[%swap3A_89, %swap3A_90, %swap3A_91], %swap3A_94 {strides = array<i32>} : memref<1x512x8xi32, #tpu.memory_space<vmem>>, vector<1x512x1xi32>,
    %jit3A_95 = arith.constant 3.000000e+38 : f32
    %broadcast_in_dim3A_96 = vector.broadcast %jit3A_95 : f32 to vector<512x2048xf32>
    %select_n3A_97 = arith.select %eq3A_80, %broadcast_in_dim3A_96, %select_n3A_76 : vector<512x2048xi1>, vector<512x2048xf32>
    %argmin3A_98 = tpu.reduce_index %select_n3A_97 {axis = 1 : i32, kind = #tpu.reduction_kind<arg_min>} : vector<512x2048xf32> -> vector<512xi32>
    %broadcast_in_dim3A_99 = vector.shape_cast %argmin3A_98 : vector<512xi32> to vector<512x1xi32>
    %eq3A_100 = vector.broadcast %broadcast_in_dim3A_99 : vector<512x1xi32> to vector<512x2048xi32>
    %eq3A_101 = arith.cmpi eq, %iota3A, %eq3A_100 : vector<512x2048xi32>
    %convert_element_type3A_102 = arith.extui %eq3A_101 : vector<512x2048xi1> to vector<512x2048xi32>
    %convert_element_type3A_103 = arith.sitofp %convert_element_type3A_102 : vector<512x2048xi32> to vector<512x2048xf32>
    %add3A_104 = arith.addf %add3A_83, %convert_element_type3A_103 : vector<512x2048xf32>
    %squeeze3A_105 = vector.shape_cast %broadcast_in_dim3A_99 : vector<512x1xi32> to vector<512xi32>
    %mul3A_106 = arith.constant 2048 : i32
    %mul3A_107 = arith.muli %arg0, %mul3A_106 : i32
    %add3A_108 = vector.broadcast %mul3A_107 : i32 to vector<512xi32>
    %add3A_109 = arith.addi %squeeze3A_105, %add3A_108 : vector<512xi32>
    %swap3A_110 = arith.constant 0 : index
    %swap3A_111 = arith.constant 0 : index
    %swap3A_112 = arith.constant 3 : index
    %swap3A_113 = vector.load %arg9[%swap3A_110, %swap3A_111, %swap3A_112] : memref<1x512x8xi32, #tpu.memory_space<vmem>>, vector<1x512x1xi32>
    %swap3A_114 = vector.shape_cast %swap3A_113 : vector<1x512x1xi32> to vector<512xi32>
    %swap3A_115 = vector.shape_cast %add3A_109 : vector<512xi32> to vector<1x512x1xi32>
    tpu.vector_store %arg9[%swap3A_110, %swap3A_111, %swap3A_112], %swap3A_115 {strides = array<i32>} : memref<1x512x8xi32, #tpu.memory_space<vmem>>, vector<1x512x1xi32>,
    %jit3A_116 = arith.constant 3.000000e+38 : f32
    %broadcast_in_dim3A_117 = vector.broadcast %jit3A_116 : f32 to vector<512x2048xf32>
    %select_n3A_118 = arith.select %eq3A_101, %broadcast_in_dim3A_117, %select_n3A_97 : vector<512x2048xi1>, vector<512x2048xf32>
    %argmin3A_119 = tpu.reduce_index %select_n3A_118 {axis = 1 : i32, kind = #tpu.reduction_kind<arg_min>} : vector<512x2048xf32> -> vector<512xi32>
    %broadcast_in_dim3A_120 = vector.shape_cast %argmin3A_119 : vector<512xi32> to vector<512x1xi32>
    %eq3A_121 = vector.broadcast %broadcast_in_dim3A_120 : vector<512x1xi32> to vector<512x2048xi32>
    %eq3A_122 = arith.cmpi eq, %iota3A, %eq3A_121 : vector<512x2048xi32>
    %convert_element_type3A_123 = arith.extui %eq3A_122 : vector<512x2048xi1> to vector<512x2048xi32>
    %convert_element_type3A_124 = arith.sitofp %convert_element_type3A_123 : vector<512x2048xi32> to vector<512x2048xf32>
    %add3A_125 = arith.addf %add3A_104, %convert_element_type3A_124 : vector<512x2048xf32>
    %squeeze3A_126 = vector.shape_cast %broadcast_in_dim3A_120 : vector<512x1xi32> to vector<512xi32>
    %mul3A_127 = arith.constant 2048 : i32
    %mul3A_128 = arith.muli %arg0, %mul3A_127 : i32
    %add3A_129 = vector.broadcast %mul3A_128 : i32 to vector<512xi32>
    %add3A_130 = arith.addi %squeeze3A_126, %add3A_129 : vector<512xi32>
    %swap3A_131 = arith.constant 0 : index
    %swap3A_132 = arith.constant 0 : index
    %swap3A_133 = arith.constant 4 : index
    %swap3A_134 = vector.load %arg9[%swap3A_131, %swap3A_132, %swap3A_133] : memref<1x512x8xi32, #tpu.memory_space<vmem>>, vector<1x512x1xi32>
    %swap3A_135 = vector.shape_cast %swap3A_134 : vector<1x512x1xi32> to vector<512xi32>
    %swap3A_136 = vector.shape_cast %add3A_130 : vector<512xi32> to vector<1x512x1xi32>
    tpu.vector_store %arg9[%swap3A_131, %swap3A_132, %swap3A_133], %swap3A_136 {strides = array<i32>} : memref<1x512x8xi32, #tpu.memory_space<vmem>>, vector<1x512x1xi32>,
    %jit3A_137 = arith.constant 3.000000e+38 : f32
    %broadcast_in_dim3A_138 = vector.broadcast %jit3A_137 : f32 to vector<512x2048xf32>
    %select_n3A_139 = arith.select %eq3A_122, %broadcast_in_dim3A_138, %select_n3A_118 : vector<512x2048xi1>, vector<512x2048xf32>
    %argmin3A_140 = tpu.reduce_index %select_n3A_139 {axis = 1 : i32, kind = #tpu.reduction_kind<arg_min>} : vector<512x2048xf32> -> vector<512xi32>
    %broadcast_in_dim3A_141 = vector.shape_cast %argmin3A_140 : vector<512xi32> to vector<512x1xi32>
    %eq3A_142 = vector.broadcast %broadcast_in_dim3A_141 : vector<512x1xi32> to vector<512x2048xi32>
    %eq3A_143 = arith.cmpi eq, %iota3A, %eq3A_142 : vector<512x2048xi32>
    %convert_element_type3A_144 = arith.extui %eq3A_143 : vector<512x2048xi1> to vector<512x2048xi32>
    %convert_element_type3A_145 = arith.sitofp %convert_element_type3A_144 : vector<512x2048xi32> to vector<512x2048xf32>
    %add3A_146 = arith.addf %add3A_125, %convert_element_type3A_145 : vector<512x2048xf32>
    %squeeze3A_147 = vector.shape_cast %broadcast_in_dim3A_141 : vector<512x1xi32> to vector<512xi32>
    %mul3A_148 = arith.constant 2048 : i32
    %mul3A_149 = arith.muli %arg0, %mul3A_148 : i32
    %add3A_150 = vector.broadcast %mul3A_149 : i32 to vector<512xi32>
    %add3A_151 = arith.addi %squeeze3A_147, %add3A_150 : vector<512xi32>
    %swap3A_152 = arith.constant 0 : index
    %swap3A_153 = arith.constant 0 : index
    %swap3A_154 = arith.constant 5 : index
    %swap3A_155 = vector.load %arg9[%swap3A_152, %swap3A_153, %swap3A_154] : memref<1x512x8xi32, #tpu.memory_space<vmem>>, vector<1x512x1xi32>
    %swap3A_156 = vector.shape_cast %swap3A_155 : vector<1x512x1xi32> to vector<512xi32>
    %swap3A_157 = vector.shape_cast %add3A_151 : vector<512xi32> to vector<1x512x1xi32>
    tpu.vector_store %arg9[%swap3A_152, %swap3A_153, %swap3A_154], %swap3A_157 {strides = array<i32>} : memref<1x512x8xi32, #tpu.memory_space<vmem>>, vector<1x512x1xi32>,
    %jit3A_158 = arith.constant 3.000000e+38 : f32
    %broadcast_in_dim3A_159 = vector.broadcast %jit3A_158 : f32 to vector<512x2048xf32>
    %select_n3A_160 = arith.select %eq3A_143, %broadcast_in_dim3A_159, %select_n3A_139 : vector<512x2048xi1>, vector<512x2048xf32>
    %argmin3A_161 = tpu.reduce_index %select_n3A_160 {axis = 1 : i32, kind = #tpu.reduction_kind<arg_min>} : vector<512x2048xf32> -> vector<512xi32>
    %broadcast_in_dim3A_162 = vector.shape_cast %argmin3A_161 : vector<512xi32> to vector<512x1xi32>
    %eq3A_163 = vector.broadcast %broadcast_in_dim3A_162 : vector<512x1xi32> to vector<512x2048xi32>
    %eq3A_164 = arith.cmpi eq, %iota3A, %eq3A_163 : vector<512x2048xi32>
    %convert_element_type3A_165 = arith.extui %eq3A_164 : vector<512x2048xi1> to vector<512x2048xi32>
    %convert_element_type3A_166 = arith.sitofp %convert_element_type3A_165 : vector<512x2048xi32> to vector<512x2048xf32>
    %add3A_167 = arith.addf %add3A_146, %convert_element_type3A_166 : vector<512x2048xf32>
    %squeeze3A_168 = vector.shape_cast %broadcast_in_dim3A_162 : vector<512x1xi32> to vector<512xi32>
    %mul3A_169 = arith.constant 2048 : i32
    %mul3A_170 = arith.muli %arg0, %mul3A_169 : i32
    %add3A_171 = vector.broadcast %mul3A_170 : i32 to vector<512xi32>
    %add3A_172 = arith.addi %squeeze3A_168, %add3A_171 : vector<512xi32>
    %swap3A_173 = arith.constant 0 : index
    %swap3A_174 = arith.constant 0 : index
    %swap3A_175 = arith.constant 6 : index
    %swap3A_176 = vector.load %arg9[%swap3A_173, %swap3A_174, %swap3A_175] : memref<1x512x8xi32, #tpu.memory_space<vmem>>, vector<1x512x1xi32>
    %swap3A_177 = vector.shape_cast %swap3A_176 : vector<1x512x1xi32> to vector<512xi32>
    %swap3A_178 = vector.shape_cast %add3A_172 : vector<512xi32> to vector<1x512x1xi32>
    tpu.vector_store %arg9[%swap3A_173, %swap3A_174, %swap3A_175], %swap3A_178 {strides = array<i32>} : memref<1x512x8xi32, #tpu.memory_space<vmem>>, vector<1x512x1xi32>,
    %jit3A_179 = arith.constant 3.000000e+38 : f32
    %broadcast_in_dim3A_180 = vector.broadcast %jit3A_179 : f32 to vector<512x2048xf32>
    %select_n3A_181 = arith.select %eq3A_164, %broadcast_in_dim3A_180, %select_n3A_160 : vector<512x2048xi1>, vector<512x2048xf32>
    %argmin3A_182 = tpu.reduce_index %select_n3A_181 {axis = 1 : i32, kind = #tpu.reduction_kind<arg_min>} : vector<512x2048xf32> -> vector<512xi32>
    %broadcast_in_dim3A_183 = vector.shape_cast %argmin3A_182 : vector<512xi32> to vector<512x1xi32>
    %eq3A_184 = vector.broadcast %broadcast_in_dim3A_183 : vector<512x1xi32> to vector<512x2048xi32>
    %eq3A_185 = arith.cmpi eq, %iota3A, %eq3A_184 : vector<512x2048xi32>
    %convert_element_type3A_186 = arith.extui %eq3A_185 : vector<512x2048xi1> to vector<512x2048xi32>
    %convert_element_type3A_187 = arith.sitofp %convert_element_type3A_186 : vector<512x2048xi32> to vector<512x2048xf32>
    %add3A_188 = arith.addf %add3A_167, %convert_element_type3A_187 : vector<512x2048xf32>
    %squeeze3A_189 = vector.shape_cast %broadcast_in_dim3A_183 : vector<512x1xi32> to vector<512xi32>
    %mul3A_190 = arith.constant 2048 : i32
    %mul3A_191 = arith.muli %arg0, %mul3A_190 : i32
    %add3A_192 = vector.broadcast %mul3A_191 : i32 to vector<512xi32>
    %add3A_193 = arith.addi %squeeze3A_189, %add3A_192 : vector<512xi32>
    %swap3A_194 = arith.constant 0 : index
    %swap3A_195 = arith.constant 0 : index
    %swap3A_196 = arith.constant 7 : index
    %swap3A_197 = vector.load %arg9[%swap3A_194, %swap3A_195, %swap3A_196] : memref<1x512x8xi32, #tpu.memory_space<vmem>>, vector<1x512x1xi32>
    %swap3A_198 = vector.shape_cast %swap3A_197 : vector<1x512x1xi32> to vector<512xi32>
    %swap3A_199 = vector.shape_cast %add3A_193 : vector<512xi32> to vector<1x512x1xi32>
    tpu.vector_store %arg9[%swap3A_194, %swap3A_195, %swap3A_196], %swap3A_199 {strides = array<i32>} : memref<1x512x8xi32, #tpu.memory_space<vmem>>, vector<1x512x1xi32>,
    %convert_element_type3A_200 = arith.truncf %slice3A : vector<2048x4xf32> to vector<2048x4xbf16>
    %convert_element_type3A_201 = arith.extf %convert_element_type3A_200 : vector<2048x4xbf16> to vector<2048x4xf32>
    %sub3A_202 = arith.subf %slice3A, %convert_element_type3A_201 : vector<2048x4xf32>
    %convert_element_type3A_203 = arith.truncf %sub3A_202 : vector<2048x4xf32> to vector<2048x4xbf16>
    %convert_element_type3A_204 = arith.extf %convert_element_type3A_203 : vector<2048x4xbf16> to vector<2048x4xf32>
    %sub3A_205 = arith.subf %sub3A_202, %convert_element_type3A_204 : vector<2048x4xf32>
    %dot_general3A = arith.constant dense<0.000000e+00> : vector<512x4xf32>
    %dot_general3A_206 = tpu.matmul %add3A_188, %convert_element_type3A_201, %dot_general3A {dimension_numbers = #tpu.dot_dimension_numbers<[1], [0], [0], [1], [0, 0, 1, 1], [], []>, transpose_lhs_hint = false} : vector<512x2048xf32>, vector<2048x4xf32>, vector<512x4xf32> -> vector<512x4xf32>
    %dot_general3A_207 = arith.constant dense<0.000000e+00> : vector<512x4xf32>
    %dot_general3A_208 = tpu.matmul %add3A_188, %convert_element_type3A_204, %dot_general3A_207 {dimension_numbers = #tpu.dot_dimension_numbers<[1], [0], [0], [1], [0, 0, 1, 1], [], []>, transpose_lhs_hint = false} : vector<512x2048xf32>, vector<2048x4xf32>, vector<512x4xf32> -> vector<512x4xf32>
    %add3A_209 = arith.addf %dot_general3A_206, %dot_general3A_208 : vector<512x4xf32>
    %dot_general3A_210 = arith.constant dense<0.000000e+00> : vector<512x4xf32>
    %dot_general3A_211 = tpu.matmul %add3A_188, %sub3A_205, %dot_general3A_210 {dimension_numbers = #tpu.dot_dimension_numbers<[1], [0], [0], [1], [0, 0, 1, 1], [], []>, transpose_lhs_hint = false} : vector<512x2048xf32>, vector<2048x4xf32>, vector<512x4xf32> -> vector<512x4xf32>
    %add3A_212 = arith.addf %add3A_209, %dot_general3A_211 : vector<512x4xf32>
    %mul3A_213 = arith.constant 1.250000e-01 : f32
    %mul3A_214 = vector.broadcast %mul3A_213 : f32 to vector<512x4xf32>
    %mul3A_215 = arith.mulf %add3A_212, %mul3A_214 : vector<512x4xf32>
    %get3A_216 = arith.constant 0 : index
    %get3A_217 = arith.constant 0 : index
    %get3A_218 = vector.load %arg4[%get3A_216, %get3A_217] : memref<4x32xf32, #tpu.memory_space<vmem>>, vector<4x32xf32>
    %dot_general3A_219 = arith.constant dense<0.000000e+00> : vector<512x32xf32>
    %dot_general3A_220 = tpu.matmul %mul3A_215, %get3A_218, %dot_general3A_219 {dimension_numbers = #tpu.dot_dimension_numbers<[1], [0], [0], [1], [0, 0, 1, 1], [], []>, transpose_lhs_hint = false} : vector<512x4xf32>, vector<4x32xf32>, vector<512x32xf32> -> vector<512x32xf32>
    %get3A_221 = arith.constant 0 : index
    %get3A_222 = arith.constant 0 : index
    %get3A_223 = vector.load %arg5[%get3A_221, %get3A_222] : memref<1x32xf32, #tpu.memory_space<vmem>>, vector<1x32xf32>
    %add3A_224 = vector.broadcast %get3A_223 : vector<1x32xf32> to vector<512x32xf32>
    %add3A_225 = arith.addf %dot_general3A_220, %add3A_224 : vector<512x32xf32>
    %max3A = arith.constant 0.000000e+00 : f32
    %max3A_226 = vector.broadcast %max3A : f32 to vector<512x32xf32>
    %max3A_227 = arith.maximumf %add3A_225, %max3A_226 : vector<512x32xf32>
    %get3A_228 = arith.constant 0 : index
    %get3A_229 = arith.constant 0 : index
    %get3A_230 = vector.load %arg6[%get3A_228, %get3A_229] : memref<32x32xf32, #tpu.memory_space<vmem>>, vector<32x32xf32>
    %dot_general3A_231 = arith.constant dense<0.000000e+00> : vector<512x32xf32>
    %dot_general3A_232 = tpu.matmul %max3A_227, %get3A_230, %dot_general3A_231 {dimension_numbers = #tpu.dot_dimension_numbers<[1], [0], [0], [1], [0, 0, 1, 1], [], []>, transpose_lhs_hint = false} : vector<512x32xf32>, vector<32x32xf32>, vector<512x32xf32> -> vector<512x32xf32>
    %get3A_233 = arith.constant 0 : index
    %get3A_234 = arith.constant 0 : index
    %get3A_235 = vector.load %arg7[%get3A_233, %get3A_234] : memref<1x32xf32, #tpu.memory_space<vmem>>, vector<1x32xf32>
    %add3A_236 = vector.broadcast %get3A_235 : vector<1x32xf32> to vector<512x32xf32>
    %add3A_237 = arith.addf %dot_general3A_232, %add3A_236 : vector<512x32xf32>
    %swap3A_238 = arith.constant 0 : index
    %swap3A_239 = arith.constant 0 : index
    %swap3A_240 = arith.constant 0 : index
    %swap3A_241 = vector.load %arg8[%swap3A_238, %swap3A_239, %swap3A_240] : memref<1x512x128xf32, #tpu.memory_space<vmem>>, vector<1x512x32xf32>
    %swap3A_242 = vector.shape_cast %swap3A_241 : vector<1x512x32xf32> to vector<512x32xf32>
    %swap3A_243 = vector.shape_cast %add3A_237 : vector<512x32xf32> to vector<1x512x32xf32>
    tpu.vector_store %arg8[%swap3A_238, %swap3A_239, %swap3A_240], %swap3A_243 {strides = array<i32>} : memref<1x512x128xf32, #tpu.memory_space<vmem>>, vector<1x512x32xf32>,
    return
  }
  func.func @transform_0(%arg0: i32, %arg1: i32) -> (i32, i32, i32) {
    %c0_i32 = arith.constant 0 : i32
    %c0_i32_0 = arith.constant 0 : i32
    %c0_i32_1 = arith.constant 0 : i32
    return %arg0, %c0_i32, %c0_i32_0 : i32, i32, i32
  }
  func.func @transform_1(%arg0: i32, %arg1: i32) -> (i32, i32, i32) {
    %c0_i32 = arith.constant 0 : i32
    %c0_i32_0 = arith.constant 0 : i32
    %c0_i32_1 = arith.constant 0 : i32
    return %arg0, %c0_i32, %c0_i32_0 : i32, i32, i32
  }
  func.func @transform_2(%arg0: i32, %arg1: i32) -> (i32, i32) {
    %c0_i32 = arith.constant 0 : i32
    %c0_i32_0 = arith.constant 0 : i32
    %c0_i32_1 = arith.constant 0 : i32
    return %c0_i32, %c0_i32_0 : i32, i32
  }
  func.func @transform_3(%arg0: i32, %arg1: i32) -> (i32, i32) {
    %c0_i32 = arith.constant 0 : i32
    %c0_i32_0 = arith.constant 0 : i32
    %c0_i32_1 = arith.constant 0 : i32
    return %c0_i32, %c0_i32_0 : i32, i32
  }
  func.func @transform_4(%arg0: i32, %arg1: i32) -> (i32, i32) {
    %c0_i32 = arith.constant 0 : i32
    %c0_i32_0 = arith.constant 0 : i32
    %c0_i32_1 = arith.constant 0 : i32
    return %c0_i32, %c0_i32_0 : i32, i32
  }
  func.func @transform_5(%arg0: i32, %arg1: i32) -> (i32, i32) {
    %c0_i32 = arith.constant 0 : i32
    %c0_i32_0 = arith.constant 0 : i32
    %c0_i32_1 = arith.constant 0 : i32
    return %c0_i32, %c0_i32_0 : i32, i32
  }
  func.func @transform_6(%arg0: i32, %arg1: i32) -> (i32, i32, i32) {
    %c0_i32 = arith.constant 0 : i32
    %c0_i32_0 = arith.constant 0 : i32
    return %arg0, %arg1, %c0_i32 : i32, i32, i32
  }
  func.func @transform_7(%arg0: i32, %arg1: i32) -> (i32, i32, i32) {
    %c0_i32 = arith.constant 0 : i32
    %c0_i32_0 = arith.constant 0 : i32
    return %arg0, %arg1, %c0_i32 : i32, i32, i32
  }
}

module attributes {stable_mosaic.version = 14 : i64} {
  func.func @_tail_body(%arg0: i32, %arg1: i32, %arg2: memref<1x512x6xf32, #tpu.memory_space<vmem>>, %arg3: memref<1x512x128xf32, #tpu.memory_space<vmem>>, %arg4: memref<1x512x32xf32, #tpu.memory_space<vmem>>, %arg5: memref<32x32xf32, #tpu.memory_space<vmem>>, %arg6: memref<1x32xf32, #tpu.memory_space<vmem>>, %arg7: memref<32x32xf32, #tpu.memory_space<vmem>>, %arg8: memref<1x32xf32, #tpu.memory_space<vmem>>, %arg9: memref<68x128xf32, #tpu.memory_space<vmem>>, %arg10: memref<1x128xf32, #tpu.memory_space<vmem>>, %arg11: memref<128x64xf32, #tpu.memory_space<vmem>>, %arg12: memref<1x64xf32, #tpu.memory_space<vmem>>, %arg13: memref<64x32xf32, #tpu.memory_space<vmem>>, %arg14: memref<1x32xf32, #tpu.memory_space<vmem>>, %arg15: memref<1x32xf32, #tpu.memory_space<vmem>>, %arg16: memref<1x32xf32, #tpu.memory_space<vmem>>, %arg17: memref<1x32xf32, #tpu.memory_space<vmem>>, %arg18: memref<1x32xf32, #tpu.memory_space<vmem>>, %arg19: memref<32x1xf32, #tpu.memory_space<vmem>>, %arg20: memref<1x1xf32, #tpu.memory_space<vmem>>, %arg21: memref<1x512x1xf32, #tpu.memory_space<vmem>>) attributes {dimension_semantics = [#tpu.dimension_semantics<arbitrary>, #tpu.dimension_semantics<arbitrary>], iteration_bounds = array<i64: 4, 4>, scalar_prefetch = 0 : i64, scratch_operands = 0 : i64, tpu.core_type = #tpu.core_type<tc>, window_params = [{transform_indices = @transform_0, window_bounds = array<i64: 1, 512, 6>}, {transform_indices = @transform_1, window_bounds = array<i64: 1, 512, 128>}, {transform_indices = @transform_2, window_bounds = array<i64: 1, 512, 32>}, {pipeline_mode = #tpu.pipeline_mode<synchronous>, transform_indices = @transform_3, window_bounds = array<i64: 32, 32>}, {pipeline_mode = #tpu.pipeline_mode<synchronous>, transform_indices = @transform_4, window_bounds = array<i64: 1, 32>}, {pipeline_mode = #tpu.pipeline_mode<synchronous>, transform_indices = @transform_5, window_bounds = array<i64: 32, 32>}, {pipeline_mode = #tpu.pipeline_mode<synchronous>, transform_indices = @transform_6, window_bounds = array<i64: 1, 32>}, {pipeline_mode = #tpu.pipeline_mode<synchronous>, transform_indices = @transform_7, window_bounds = array<i64: 68, 128>}, {pipeline_mode = #tpu.pipeline_mode<synchronous>, transform_indices = @transform_8, window_bounds = array<i64: 1, 128>}, {pipeline_mode = #tpu.pipeline_mode<synchronous>, transform_indices = @transform_9, window_bounds = array<i64: 128, 64>}, {pipeline_mode = #tpu.pipeline_mode<synchronous>, transform_indices = @transform_10, window_bounds = array<i64: 1, 64>}, {pipeline_mode = #tpu.pipeline_mode<synchronous>, transform_indices = @transform_11, window_bounds = array<i64: 64, 32>}, {pipeline_mode = #tpu.pipeline_mode<synchronous>, transform_indices = @transform_12, window_bounds = array<i64: 1, 32>}, {pipeline_mode = #tpu.pipeline_mode<synchronous>, transform_indices = @transform_13, window_bounds = array<i64: 1, 32>}, {pipeline_mode = #tpu.pipeline_mode<synchronous>, transform_indices = @transform_14, window_bounds = array<i64: 1, 32>}, {pipeline_mode = #tpu.pipeline_mode<synchronous>, transform_indices = @transform_15, window_bounds = array<i64: 1, 32>}, {pipeline_mode = #tpu.pipeline_mode<synchronous>, transform_indices = @transform_16, window_bounds = array<i64: 1, 32>}, {pipeline_mode = #tpu.pipeline_mode<synchronous>, transform_indices = @transform_17, window_bounds = array<i64: 32, 1>}, {pipeline_mode = #tpu.pipeline_mode<synchronous>, transform_indices = @transform_18, window_bounds = array<i64: 1, 1>}, {transform_indices = @transform_19, window_bounds = array<i64: 1, 512, 1>}]} {
    %get3A = arith.constant 0 : index
    %get3A_0 = arith.constant 0 : index
    %get3A_1 = arith.constant 0 : index
    %get3A_2 = vector.load %arg2[%get3A, %get3A_0, %get3A_1] : memref<1x512x6xf32, #tpu.memory_space<vmem>>, vector<1x512x6xf32>
    %get3A_3 = vector.shape_cast %get3A_2 : vector<1x512x6xf32> to vector<512x6xf32>
    %slice3A = vector.extract_strided_slice %get3A_3 {offsets = [0, 0], sizes = [512, 2], strides = [1, 1]} : vector<512x6xf32> to vector<512x2xf32>
    %get3A_4 = arith.constant 0 : index
    %get3A_5 = arith.constant 0 : index
    %get3A_6 = arith.constant 0 : index
    %get3A_7 = vector.load %arg4[%get3A_4, %get3A_5, %get3A_6] : memref<1x512x32xf32, #tpu.memory_space<vmem>>, vector<1x512x32xf32>
    %get3A_8 = vector.shape_cast %get3A_7 : vector<1x512x32xf32> to vector<512x32xf32>
    %mul3A = arith.constant 1.250000e-01 : f32
    %mul3A_9 = vector.broadcast %mul3A : f32 to vector<512x32xf32>
    %mul3A_10 = arith.mulf %get3A_8, %mul3A_9 : vector<512x32xf32>
    %get3A_11 = arith.constant 0 : index
    %get3A_12 = arith.constant 0 : index
    %get3A_13 = vector.load %arg5[%get3A_11, %get3A_12] : memref<32x32xf32, #tpu.memory_space<vmem>>, vector<32x32xf32>
    %dot_general3A = arith.constant dense<0.000000e+00> : vector<512x32xf32>
    %dot_general3A_14 = tpu.matmul %mul3A_10, %get3A_13, %dot_general3A {dimension_numbers = #tpu.dot_dimension_numbers<[1], [0], [0], [1], [0, 0, 1, 1], [], []>, transpose_lhs_hint = false} : vector<512x32xf32>, vector<32x32xf32>, vector<512x32xf32> -> vector<512x32xf32>
    %get3A_15 = arith.constant 0 : index
    %get3A_16 = arith.constant 0 : index
    %get3A_17 = vector.load %arg6[%get3A_15, %get3A_16] : memref<1x32xf32, #tpu.memory_space<vmem>>, vector<1x32xf32>
    %add3A = vector.broadcast %get3A_17 : vector<1x32xf32> to vector<512x32xf32>
    %add3A_18 = arith.addf %dot_general3A_14, %add3A : vector<512x32xf32>
    %max3A = arith.constant 0.000000e+00 : f32
    %max3A_19 = vector.broadcast %max3A : f32 to vector<512x32xf32>
    %max3A_20 = arith.maximumf %add3A_18, %max3A_19 : vector<512x32xf32>
    %get3A_21 = arith.constant 0 : index
    %get3A_22 = arith.constant 0 : index
    %get3A_23 = vector.load %arg7[%get3A_21, %get3A_22] : memref<32x32xf32, #tpu.memory_space<vmem>>, vector<32x32xf32>
    %dot_general3A_24 = arith.constant dense<0.000000e+00> : vector<512x32xf32>
    %dot_general3A_25 = tpu.matmul %max3A_20, %get3A_23, %dot_general3A_24 {dimension_numbers = #tpu.dot_dimension_numbers<[1], [0], [0], [1], [0, 0, 1, 1], [], []>, transpose_lhs_hint = false} : vector<512x32xf32>, vector<32x32xf32>, vector<512x32xf32> -> vector<512x32xf32>
    %get3A_26 = arith.constant 0 : index
    %get3A_27 = arith.constant 0 : index
    %get3A_28 = vector.load %arg8[%get3A_26, %get3A_27] : memref<1x32xf32, #tpu.memory_space<vmem>>, vector<1x32xf32>
    %add3A_29 = vector.broadcast %get3A_28 : vector<1x32xf32> to vector<512x32xf32>
    %add3A_30 = arith.addf %dot_general3A_25, %add3A_29 : vector<512x32xf32>
    %get3A_31 = arith.constant 0 : index
    %get3A_32 = arith.constant 0 : index
    %get3A_33 = arith.constant 0 : index
    %get3A_34 = vector.load %arg3[%get3A_31, %get3A_32, %get3A_33] : memref<1x512x128xf32, #tpu.memory_space<vmem>>, vector<1x512x128xf32>
    %get3A_35 = vector.shape_cast %get3A_34 : vector<1x512x128xf32> to vector<512x128xf32>
    %slice3A_36 = vector.extract_strided_slice %get3A_35 {offsets = [0, 0], sizes = [512, 32], strides = [1, 1]} : vector<512x128xf32> to vector<512x32xf32>
    %concatenate3A = tpu.concatenate %slice3A, %slice3A_36, %slice3A, %add3A_30 in 1 : vector<512x2xf32>, vector<512x32xf32>, vector<512x2xf32>, vector<512x32xf32> -> vector<512x68xf32>
    %get3A_37 = arith.constant 0 : index
    %get3A_38 = arith.constant 0 : index
    %get3A_39 = vector.load %arg9[%get3A_37, %get3A_38] : memref<68x128xf32, #tpu.memory_space<vmem>>, vector<68x128xf32>
    %dot_general3A_40 = arith.constant dense<0.000000e+00> : vector<512x128xf32>
    %dot_general3A_41 = tpu.matmul %concatenate3A, %get3A_39, %dot_general3A_40 {dimension_numbers = #tpu.dot_dimension_numbers<[1], [0], [0], [1], [0, 0, 1, 1], [], []>, transpose_lhs_hint = false} : vector<512x68xf32>, vector<68x128xf32>, vector<512x128xf32> -> vector<512x128xf32>
    %get3A_42 = arith.constant 0 : index
    %get3A_43 = arith.constant 0 : index
    %get3A_44 = vector.load %arg10[%get3A_42, %get3A_43] : memref<1x128xf32, #tpu.memory_space<vmem>>, vector<1x128xf32>
    %add3A_45 = vector.broadcast %get3A_44 : vector<1x128xf32> to vector<512x128xf32>
    %add3A_46 = arith.addf %dot_general3A_41, %add3A_45 : vector<512x128xf32>
    %max3A_47 = arith.constant 0.000000e+00 : f32
    %max3A_48 = vector.broadcast %max3A_47 : f32 to vector<512x128xf32>
    %max3A_49 = arith.maximumf %add3A_46, %max3A_48 : vector<512x128xf32>
    %get3A_50 = arith.constant 0 : index
    %get3A_51 = arith.constant 0 : index
    %get3A_52 = vector.load %arg11[%get3A_50, %get3A_51] : memref<128x64xf32, #tpu.memory_space<vmem>>, vector<128x64xf32>
    %dot_general3A_53 = arith.constant dense<0.000000e+00> : vector<512x64xf32>
    %dot_general3A_54 = tpu.matmul %max3A_49, %get3A_52, %dot_general3A_53 {dimension_numbers = #tpu.dot_dimension_numbers<[1], [0], [0], [1], [0, 0, 1, 1], [], []>, transpose_lhs_hint = false} : vector<512x128xf32>, vector<128x64xf32>, vector<512x64xf32> -> vector<512x64xf32>
    %get3A_55 = arith.constant 0 : index
    %get3A_56 = arith.constant 0 : index
    %get3A_57 = vector.load %arg12[%get3A_55, %get3A_56] : memref<1x64xf32, #tpu.memory_space<vmem>>, vector<1x64xf32>
    %add3A_58 = vector.broadcast %get3A_57 : vector<1x64xf32> to vector<512x64xf32>
    %add3A_59 = arith.addf %dot_general3A_54, %add3A_58 : vector<512x64xf32>
    %max3A_60 = arith.constant 0.000000e+00 : f32
    %max3A_61 = vector.broadcast %max3A_60 : f32 to vector<512x64xf32>
    %max3A_62 = arith.maximumf %add3A_59, %max3A_61 : vector<512x64xf32>
    %get3A_63 = arith.constant 0 : index
    %get3A_64 = arith.constant 0 : index
    %get3A_65 = vector.load %arg13[%get3A_63, %get3A_64] : memref<64x32xf32, #tpu.memory_space<vmem>>, vector<64x32xf32>
    %dot_general3A_66 = arith.constant dense<0.000000e+00> : vector<512x32xf32>
    %dot_general3A_67 = tpu.matmul %max3A_62, %get3A_65, %dot_general3A_66 {dimension_numbers = #tpu.dot_dimension_numbers<[1], [0], [0], [1], [0, 0, 1, 1], [], []>, transpose_lhs_hint = false} : vector<512x64xf32>, vector<64x32xf32>, vector<512x32xf32> -> vector<512x32xf32>
    %get3A_68 = arith.constant 0 : index
    %get3A_69 = arith.constant 0 : index
    %get3A_70 = vector.load %arg14[%get3A_68, %get3A_69] : memref<1x32xf32, #tpu.memory_space<vmem>>, vector<1x32xf32>
    %add3A_71 = vector.broadcast %get3A_70 : vector<1x32xf32> to vector<512x32xf32>
    %add3A_72 = arith.addf %dot_general3A_67, %add3A_71 : vector<512x32xf32>
    %max3A_73 = arith.constant 0.000000e+00 : f32
    %max3A_74 = vector.broadcast %max3A_73 : f32 to vector<512x32xf32>
    %max3A_75 = arith.maximumf %add3A_72, %max3A_74 : vector<512x32xf32>
    %get3A_76 = arith.constant 0 : index
    %get3A_77 = arith.constant 0 : index
    %get3A_78 = vector.load %arg15[%get3A_76, %get3A_77] : memref<1x32xf32, #tpu.memory_space<vmem>>, vector<1x32xf32>
    %get3A_79 = arith.constant 0 : index
    %get3A_80 = arith.constant 0 : index
    %get3A_81 = vector.load %arg16[%get3A_79, %get3A_80] : memref<1x32xf32, #tpu.memory_space<vmem>>, vector<1x32xf32>
    %get3A_82 = arith.constant 0 : index
    %get3A_83 = arith.constant 0 : index
    %get3A_84 = vector.load %arg17[%get3A_82, %get3A_83] : memref<1x32xf32, #tpu.memory_space<vmem>>, vector<1x32xf32>
    %get3A_85 = arith.constant 0 : index
    %get3A_86 = arith.constant 0 : index
    %get3A_87 = vector.load %arg18[%get3A_85, %get3A_86] : memref<1x32xf32, #tpu.memory_space<vmem>>, vector<1x32xf32>
    %sub3A = vector.broadcast %get3A_84 : vector<1x32xf32> to vector<512x32xf32>
    %sub3A_88 = arith.subf %max3A_75, %sub3A : vector<512x32xf32>
    %mul3A_89 = vector.broadcast %get3A_78 : vector<1x32xf32> to vector<512x32xf32>
    %mul3A_90 = arith.mulf %mul3A_89, %sub3A_88 : vector<512x32xf32>
    %add3A_91 = arith.constant 1.000000e-03 : f32
    %add3A_92 = vector.broadcast %add3A_91 : f32 to vector<1x32xf32>
    %add3A_93 = arith.addf %get3A_87, %add3A_92 : vector<1x32xf32>
    %sqrt3A = math.sqrt %add3A_93 : vector<1x32xf32>
    %div3A = vector.broadcast %sqrt3A : vector<1x32xf32> to vector<512x32xf32>
    %div3A_94 = arith.divf %mul3A_90, %div3A : vector<512x32xf32>
    %add3A_95 = vector.broadcast %get3A_81 : vector<1x32xf32> to vector<512x32xf32>
    %add3A_96 = arith.addf %div3A_94, %add3A_95 : vector<512x32xf32>
    %get3A_97 = arith.constant 0 : index
    %get3A_98 = arith.constant 0 : index
    %get3A_99 = vector.load %arg19[%get3A_97, %get3A_98] : memref<32x1xf32, #tpu.memory_space<vmem>>, vector<32x1xf32>
    %dot_general3A_100 = arith.constant dense<0.000000e+00> : vector<512x1xf32>
    %dot_general3A_101 = tpu.matmul %add3A_96, %get3A_99, %dot_general3A_100 {dimension_numbers = #tpu.dot_dimension_numbers<[1], [0], [0], [1], [0, 0, 1, 1], [], []>, transpose_lhs_hint = false} : vector<512x32xf32>, vector<32x1xf32>, vector<512x1xf32> -> vector<512x1xf32>
    %get3A_102 = arith.constant 0 : index
    %get3A_103 = arith.constant 0 : index
    %get3A_104 = vector.load %arg20[%get3A_102, %get3A_103] : memref<1x1xf32, #tpu.memory_space<vmem>>, vector<1x1xf32>
    %add3A_105 = vector.broadcast %get3A_104 : vector<1x1xf32> to vector<512x1xf32>
    %add3A_106 = arith.addf %dot_general3A_101, %add3A_105 : vector<512x1xf32>
    %swap3A = arith.constant 0 : index
    %swap3A_107 = arith.constant 0 : index
    %swap3A_108 = arith.constant 0 : index
    %swap3A_109 = vector.load %arg21[%swap3A, %swap3A_107, %swap3A_108] : memref<1x512x1xf32, #tpu.memory_space<vmem>>, vector<1x512x1xf32>
    %swap3A_110 = vector.shape_cast %swap3A_109 : vector<1x512x1xf32> to vector<512x1xf32>
    %swap3A_111 = vector.shape_cast %add3A_106 : vector<512x1xf32> to vector<1x512x1xf32>
    tpu.vector_store %arg21[%swap3A, %swap3A_107, %swap3A_108], %swap3A_111 {strides = array<i32>} : memref<1x512x1xf32, #tpu.memory_space<vmem>>, vector<1x512x1xf32>,
    return
  }
  func.func @transform_0(%arg0: i32, %arg1: i32) -> (i32, i32, i32) {
    %c0_i32 = arith.constant 0 : i32
    %c0_i32_0 = arith.constant 0 : i32
    return %arg0, %arg1, %c0_i32 : i32, i32, i32
  }
  func.func @transform_1(%arg0: i32, %arg1: i32) -> (i32, i32, i32) {
    %c0_i32 = arith.constant 0 : i32
    %c0_i32_0 = arith.constant 0 : i32
    return %arg0, %arg1, %c0_i32 : i32, i32, i32
  }
  func.func @transform_2(%arg0: i32, %arg1: i32) -> (i32, i32, i32) {
    %c0_i32 = arith.constant 0 : i32
    %c0_i32_0 = arith.constant 0 : i32
    return %arg0, %arg1, %c0_i32 : i32, i32, i32
  }
  func.func @transform_3(%arg0: i32, %arg1: i32) -> (i32, i32) {
    %c0_i32 = arith.constant 0 : i32
    %c0_i32_0 = arith.constant 0 : i32
    %c0_i32_1 = arith.constant 0 : i32
    return %c0_i32, %c0_i32_0 : i32, i32
  }
  func.func @transform_4(%arg0: i32, %arg1: i32) -> (i32, i32) {
    %c0_i32 = arith.constant 0 : i32
    %c0_i32_0 = arith.constant 0 : i32
    %c0_i32_1 = arith.constant 0 : i32
    return %c0_i32, %c0_i32_0 : i32, i32
  }
  func.func @transform_5(%arg0: i32, %arg1: i32) -> (i32, i32) {
    %c0_i32 = arith.constant 0 : i32
    %c0_i32_0 = arith.constant 0 : i32
    %c0_i32_1 = arith.constant 0 : i32
    return %c0_i32, %c0_i32_0 : i32, i32
  }
  func.func @transform_6(%arg0: i32, %arg1: i32) -> (i32, i32) {
    %c0_i32 = arith.constant 0 : i32
    %c0_i32_0 = arith.constant 0 : i32
    %c0_i32_1 = arith.constant 0 : i32
    return %c0_i32, %c0_i32_0 : i32, i32
  }
  func.func @transform_7(%arg0: i32, %arg1: i32) -> (i32, i32) {
    %c0_i32 = arith.constant 0 : i32
    %c0_i32_0 = arith.constant 0 : i32
    %c0_i32_1 = arith.constant 0 : i32
    return %c0_i32, %c0_i32_0 : i32, i32
  }
  func.func @transform_8(%arg0: i32, %arg1: i32) -> (i32, i32) {
    %c0_i32 = arith.constant 0 : i32
    %c0_i32_0 = arith.constant 0 : i32
    %c0_i32_1 = arith.constant 0 : i32
    return %c0_i32, %c0_i32_0 : i32, i32
  }
  func.func @transform_9(%arg0: i32, %arg1: i32) -> (i32, i32) {
    %c0_i32 = arith.constant 0 : i32
    %c0_i32_0 = arith.constant 0 : i32
    %c0_i32_1 = arith.constant 0 : i32
    return %c0_i32, %c0_i32_0 : i32, i32
  }
  func.func @transform_10(%arg0: i32, %arg1: i32) -> (i32, i32) {
    %c0_i32 = arith.constant 0 : i32
    %c0_i32_0 = arith.constant 0 : i32
    %c0_i32_1 = arith.constant 0 : i32
    return %c0_i32, %c0_i32_0 : i32, i32
  }
  func.func @transform_11(%arg0: i32, %arg1: i32) -> (i32, i32) {
    %c0_i32 = arith.constant 0 : i32
    %c0_i32_0 = arith.constant 0 : i32
    %c0_i32_1 = arith.constant 0 : i32
    return %c0_i32, %c0_i32_0 : i32, i32
  }
  func.func @transform_12(%arg0: i32, %arg1: i32) -> (i32, i32) {
    %c0_i32 = arith.constant 0 : i32
    %c0_i32_0 = arith.constant 0 : i32
    %c0_i32_1 = arith.constant 0 : i32
    return %c0_i32, %c0_i32_0 : i32, i32
  }
  func.func @transform_13(%arg0: i32, %arg1: i32) -> (i32, i32) {
    %c0_i32 = arith.constant 0 : i32
    %c0_i32_0 = arith.constant 0 : i32
    %c0_i32_1 = arith.constant 0 : i32
    return %c0_i32, %c0_i32_0 : i32, i32
  }
  func.func @transform_14(%arg0: i32, %arg1: i32) -> (i32, i32) {
    %c0_i32 = arith.constant 0 : i32
    %c0_i32_0 = arith.constant 0 : i32
    %c0_i32_1 = arith.constant 0 : i32
    return %c0_i32, %c0_i32_0 : i32, i32
  }
  func.func @transform_15(%arg0: i32, %arg1: i32) -> (i32, i32) {
    %c0_i32 = arith.constant 0 : i32
    %c0_i32_0 = arith.constant 0 : i32
    %c0_i32_1 = arith.constant 0 : i32
    return %c0_i32, %c0_i32_0 : i32, i32
  }
  func.func @transform_16(%arg0: i32, %arg1: i32) -> (i32, i32) {
    %c0_i32 = arith.constant 0 : i32
    %c0_i32_0 = arith.constant 0 : i32
    %c0_i32_1 = arith.constant 0 : i32
    return %c0_i32, %c0_i32_0 : i32, i32
  }
  func.func @transform_17(%arg0: i32, %arg1: i32) -> (i32, i32) {
    %c0_i32 = arith.constant 0 : i32
    %c0_i32_0 = arith.constant 0 : i32
    %c0_i32_1 = arith.constant 0 : i32
    return %c0_i32, %c0_i32_0 : i32, i32
  }
  func.func @transform_18(%arg0: i32, %arg1: i32) -> (i32, i32) {
    %c0_i32 = arith.constant 0 : i32
    %c0_i32_0 = arith.constant 0 : i32
    %c0_i32_1 = arith.constant 0 : i32
    return %c0_i32, %c0_i32_0 : i32, i32
  }
  func.func @transform_19(%arg0: i32, %arg1: i32) -> (i32, i32, i32) {
    %c0_i32 = arith.constant 0 : i32
    %c0_i32_0 = arith.constant 0 : i32
    return %arg0, %arg1, %c0_i32 : i32, i32, i32
  }
}

</mosaic_0001>

<sc_bundles>
// kernel: kernel.5.cloned.1.call-start
scs
__scs_entry_jumppad:
0x0: {  	(pc) =	sbr.rel $0x88, $3  }
0x1: {  	(tag) =	ssettag $0x0;
	lr =	simm.s32 $0x1  }
0x2: {  	[smem:$0x3F88] =	sst lr;
	_ =	strace $0xD0000000  }
0x3: {  	_ = 	snop  }
0x4: {  	_ = 	snop  }
0x5: {  	_ = 	snop  }
0x6: {  	_ = 	snop  }
0x7: {  	_ = 	snop  }
__scs_overlays_trampoline_lowered:
0x8: {  	[smem:$0x3F97] =	sst s0  }
0x9: {  	[smem:$0x3F98] =	sst s1  }
0xa: {  	[smem:$0x3F99] =	sst s2  }
0xb: {  	[smem:$0x3F9A] =	sst s3  }
0xc: {  	[smem:$0x3F9B] =	sst s4  }
0xd: {  	[smem:$0x3F9C] =	sst s5  }
0xe: {  	[smem:$0x3F9D] =	sst s6  }
0xf: {  	[smem:$0x3F9E] =	sst s7  }
0x10: {  	[smem:$0x3F9F] =	sst s8  }
0x11: {  	[smem:$0x3FA0] =	sst s9;
	s0 =	simm.s32 @!p0 $0x0  }
0x12: {  	s1 =	sld [smem:$0x3F86];
	s0 =	simm.s32 @p0 $0x1  }
0x13: {  	[smem:$0x3FA1] =	sst s0;
	s0 =	simm.s32 @!p1 $0x0  }
0x14: {  	s2 =	sld [smem:$0x3F85];
	s0 =	simm.s32 @p1 $0x1  }
0x15: {  	[smem:$0x3FA2] =	sst s0;
	s0 =	simm.s32 @!p2 $0x0  }
0x16: {  	s3 =	sld [smem:$0x3FDB];
	s0 =	simm.s32 @p2 $0x1  }
0x17: {  	s4 =	simm.s32 $0x1BF5;
	[smem:$0x3FA4] =	sst s0  }
0x18: {  	s0 =	sld [smem:$0x3F87];
	_ =	swait.ge [sflag:s4], $0x0  }
0x19: {  	s7 =	sld [smem:$0x3F88]  }
0x1a: {  	s8 =	sadd.s32 $0xFFFFE003, lr  }
0x1b: {  	s9 =	sadd.s32 $0xFFFFFEF7, lr;
	s5 =	simm.s32 $0xFFFFFFFF;
	p2 =	slt.u32 s8, $0xFFFFF086  }
0x1c: {  	p1 =	slt.u32 s9, $0xF7A;
	s5 =	simm.s32 @!p2 $0x0  }
0x1d: {  	s5 =	simm.s32 @p1 $0x1;
	p0 =	seq.s32 s7, s2  }
0x1e: {  	s7 =	smul.u32 @!p0 $0xF7A, s2;
	p2 =	seq.s32 @!p0 s5, $0x0  }
0x1f: {  	s9 =	smul.u32 $0xF7A, s1;
	s8 =	simm.s32 @!p0 $0x1BF5;
	p2 =	por !p2, p0  }
0x20: {  	[sflag:s8] =	ssyncset.s32 @!p0 $0xFFFFF086;
	s6 =	sadd.s32 @!p0 s3, s7;
	s7 =	simm.s32 @!p0 $0x108  }
0x21: {  	s3 =	sadd.s32 s3, s9;
	s6 =	sadd.s32 @!p0 $0x88, s6;
	s7 =	simm.s32 @p2 $0x1082  }
0x22: {  	[simem:s7], [sflag:s8] =	dma.local @!p0 [hbm:s6], $0xF7A  }
0x23: {  	s9 =	sor.u32 $0xD0000000, s2;
	s6 =	simm.s32 $0x108;
	_ =	swait.ge @!p0 [sflag:s8], $0x0  }
0x24: {  	s3 =	sadd.s32 $0x88, s3;
	s6 =	simm.s32 @!p1 $0x1082;
	[sflag:s4] =	ssyncset.s32 $0xFFFFF086  }
0x25: {  	[simem:s6], [sflag:s4] =	dma.local [hbm:s3], $0xF7A  }
0x26: {  	[smem:$0x3F88] =	sst s1;
	(tag) =	ssettag s2;
	_ =	strace s9  }
0x27: {  	s1 =	sld [smem:$0x3F98]  }
0x28: {  	s2 =	sld [smem:$0x3F99]  }
0x29: {  	s4 =	sld [smem:$0x3F9B]  }
0x2a: {  	p0 =	seq.s32 s5, $0x0;
	s5 =	sld [smem:$0x3F9C]  }
0x2b: {  	s6 =	sld [smem:$0x3F9D]  }
0x2c: {  	s7 =	sld [smem:$0x3F9E]  }
0x2d: {  	s3 =	simm.s32 $0x108;
	s8 =	sld [smem:$0x3F9F]  }
0x2e: {  	s3 =	simm.s32 @!p0 $0x1082;
	s9 =	sld [smem:$0x3FA0]  }
0x2f: {  	lr =	sadd.s32 s0, s3;
	s0 =	sld [smem:$0x3F97]  }
0x30: {  	s3 =	sld [smem:$0x3F9A]  }
0x31: {  	[smem:$0x3FA3] =	sst s10  }
0x32: {  	s10 =	sld [smem:$0x3FA1];
	_ =	sdelay $0x3  }
0x33: {  	p0 =	seq.s32 s10, $0x1;
	s10 =	sld [smem:$0x3FA3];
	_ =	sdelay $0x3  }
0x34: {  	[smem:$0x3FA3] =	sst s10  }
0x35: {  	s10 =	sld [smem:$0x3FA2];
	_ =	sdelay $0x3  }
0x36: {  	p1 =	seq.s32 s10, $0x1;
	s10 =	sld [smem:$0x3FA3];
	_ =	sdelay $0x3  }
0x37: {  	[smem:$0x3FA3] =	sst s10  }
0x38: {  	s10 =	sld [smem:$0x3FA4]  }
0x39: {  	_ = 	snop;
	(pc) =	sbr.ind lr, $3  }
0x3a: {  	_ = 	snop  }
0x3b: {  	_ = 	snop  }
0x3c: {  	p2 =	seq.s32 s10, $0x1;
	s10 =	sld [smem:$0x3FA3]  }
0x3d: {  	_ =	shalt  }
0x3e: {  	_ =	shalt  }
0x3f: {  	_ =	shalt  }
0x40: {  	_ =	shalt  }
0x41: {  	_ =	shalt  }
0x42: {  	_ =	shalt  }
0x43: {  	_ =	shalt  }
0x44: {  	_ =	shalt  }
0x45: {  	_ =	shalt  }
0x46: {  	_ =	shalt  }
0x47: {  	_ =	shalt  }
0x48: {  	_ =	shalt  }
0x49: {  	_ =	shalt  }
0x4a: {  	_ =	shalt  }
0x4b: {  	_ =	shalt  }
0x4c: {  	_ =	shalt  }
0x4d: {  	_ =	shalt  }
0x4e: {  	_ =	shalt  }
0x4f: {  	_ =	shalt  }
0x50: {  	_ =	shalt  }
0x51: {  	_ =	shalt  }
0x52: {  	_ =	shalt  }
0x53: {  	_ =	shalt  }
0x54: {  	_ =	shalt  }
0x55: {  	_ =	shalt  }
0x56: {  	_ =	shalt  }
0x57: {  	_ =	shalt  }
0x58: {  	_ =	shalt  }
0x59: {  	_ =	shalt  }
0x5a: {  	_ =	shalt  }
0x5b: {  	_ =	shalt  }
0x5c: {  	_ =	shalt  }
0x5d: {  	_ =	shalt  }
0x5e: {  	_ =	shalt  }
0x5f: {  	_ =	shalt  }
0x60: {  	_ =	shalt  }
0x61: {  	_ =	shalt  }
0x62: {  	_ =	shalt  }
0x63: {  	_ =	shalt  }
0x64: {  	_ =	shalt  }
0x65: {  	_ =	shalt  }
0x66: {  	_ =	shalt  }
0x67: {  	_ =	shalt  }
0x68: {  	_ =	shalt  }
0x69: {  	_ =	shalt  }
0x6a: {  	_ =	shalt  }
0x6b: {  	_ =	shalt  }
0x6c: {  	_ =	shalt  }
0x6d: {  	_ =	shalt  }
0x6e: {  	_ =	shalt  }
0x6f: {  	_ =	shalt  }
0x70: {  	_ =	shalt  }
0x71: {  	_ =	shalt  }
0x72: {  	_ =	shalt  }
0x73: {  	_ =	shalt  }
0x74: {  	_ =	shalt  }
0x75: {  	_ =	shalt  }
0x76: {  	_ =	shalt  }
0x77: {  	_ =	shalt  }
0x78: {  	_ =	shalt  }
0x79: {  	_ =	shalt  }
0x7a: {  	_ =	shalt  }
0x7b: {  	_ =	shalt  }
0x7c: {  	_ =	shalt  }
0x7d: {  	_ =	shalt  }
0x7e: {  	_ =	shalt  }
0x7f: {  	_ =	shalt  }
0x80: {  	_ =	shalt  }
0x81: {  	_ =	shalt  }
0x82: {  	_ =	shalt  }
0x83: {  	_ =	shalt  }
0x84: {  	_ =	shalt  }
0x85: {  	_ =	shalt  }
0x86: {  	_ =	shalt  }
0x87: {  	_ =	shalt  }
.Lfunc_end0:
.L_simem_size_0:
called_computation_lowered:
.L_overlay_start_0:
0x88: {  	s2 =	sld [smem:$0x3FD9]  }
0x89: {  	s3 =	sld [smem:$0x3FFE];
	_ =	sdelay $0x1  }
0x8a: {  	s1 =	srdreg.scid  }
0x8b: {  	s0 =	sand.u32 $0x1, s1  }
0x8c: {  	s16 =	sshll.u32 s0, $0xA;
	s2 =	sadd.s32 s3, s2  }
0x8d: {  	s2 =	sadd.s32 s2, s16  }
0x8e: {  	[smem:$0x3FAF] =	sst s2  }
0x8f: {  	_ = 	snop  }
0x90: {  	(tm) =	ssettm $0x1  }
0x91: {  	s17 =	sld [smem:$0x3FFB];
	_ =	sdelay $0x3  }
0x92: {  	_ =	strace s17  }
0x93: {  	s2 =	sld [smem:$0x3FFC];
	_ =	sdelay $0x3  }
0x94: {  	_ =	strace s2  }
0x95: {  	s2 =	sld [smem:$0x3FFD];
	_ =	sdelay $0x3  }
0x96: {  	_ =	strace s2  }
0x97: {  	_ =	strace $0x8FFFFFFF  }
0x98: {  	s18 =	sld [smem:$0x3FDB];
	_ =	sdelay $0x1  }
0x99: {  	s19 =	simm.s32 $_scs_section_size  }
0x9a: {  	s4 =	simm.s32 $_size__tile_overlayer_lowered;
	s5 =	simm.s32 $_tile_overlayer_lowered  }
0x9b: {  	s22 =	simm.s32 $0x1BFF;
	s21 =	sshll.u32 s5, $0x1;
	s2 =	sadd.s32 s19, s18  }
0x9c: {  	s6 =	simm.s32 $0x0;
	s20 =	sshll.u32 s4, $0x1;
	s4 =	sadd.s32 s21, s2  }
0x9d: {  	[timem:s6], [sflag:s22] =	dma.local [hbm:s4], s20  }
0x9e: {  	_ =	swait.ge [sflag:s22], s20  }
0x9f: {  	s3 =	ssub.s32 $0x0, s20;
	[sflag:s22] =	ssyncset.done $0x0  }
0xa0: {  	[sflag:s22] =	ssyncadd.s32 s3;
	_ =	sdelay $0x1  }
0xa1: {  	s23 =	simm.s32 $0x1B8B  }
0xa2: {  	_ =	swait.ge [sflag:s23], $0x1  }
0xa3: {  	[sflag:s23] =	ssyncset.done $0x0  }
0xa4: {  	s25 =	simm.s32 $0x1B8E;
	s24 =	sld [smem:$0x3FFE];
	[sflag:s23] =	ssyncadd.s32 $0xFFFFFFFF  }
0xa5: {  	s26 =	simm.s32 $execute0_lowered;
	[smem:$0x3FD2] =	sst s25  }
0xa6: {  	s4 =	sshll.u32 s26, $0x1;
	_ =	strace $0x80000046;
	[dreg:$0x1] =	wrdreg $0xFFFFFFFF  }
0xa7: {  	s28 =	simm.s32 $_size_execute0_lowered;
	s2 =	sadd.s32 s2, s4;
	[dreg:$0x0] =	wrdreg $0x0  }
0xa8: {  	s4 =	sshll.u32 s28, $0x1;
	[dreg:$0x2] =	wrdreg s2  }
0xa9: {  	[dreg:$0x3] =	wrdreg s4  }
0xaa: {  	[dreg:$0x4] =	wrdreg $0xC0  }
0xab: {  	_ =	task [dreg:s6], $0x5FFFF  }
0xac: {  	[dreg:$0x1] =	wrdreg $0xFFFFFFFF  }
0xad: {  	[dreg:$0x0] =	wrdreg $0x60  }
0xae: {  	[dreg:$0x2] =	wrdreg s24  }
0xaf: {  	[dreg:$0x3] =	wrdreg $0x9  }
0xb0: {  	_ =	task.clear_ibuf [dreg:s6], $0x4FFFF;
	_ =	strace $0x90000046  }
0xb1: {  	s29 =	simm.s32 $0x9;
	_ =	strace $0x80000048  }
0xb2: {  	_ =	swait.ge [sflag:s29], $0x1  }
0xb3: {  	[sflag:s29] =	ssyncadd.s32 $0xFFFFFFFF  }
0xb4: {  	_ =	strace $0x90000048  }
0xb5: {  	_ =	sfence  }
0xb6: {  	s30 =	sld [smem:$0x0];
	_ =	sdelay $0x2  }
0xb7: {  	s31 =	sshll.u32 s1, $0xD;
	s1 =	sshrl.u32 s1, $0x2  }
0xb8: {  	s3 =	sand.u32 $0x4000, s31;
	s1 =	sadd.s32 s1, s30  }
0xb9: {  	s0 =	sor.u32 s3, s0;
	s1 =	sshll.u32 s1, $0x11  }
0xba: {  	s0 =	sor.u32 s1, s0  }
0xbb: {  	s0 =	sadd.s32 $0x8F2B, s0  }
0xbc: {  	[sflag:s0] =	ssyncadd.remote.s32 $0x1  }
0xbd: {  	_ =	sfence.sel $0xFFFF  }
0xbe: {  	[dreg:$0x0] =	wrdreg $0xFFFFFFFF;
	(pc) =	sbr.abs _section_cstart, $3  }
0xbf: {  	[dreg:$0x1] =	wrdreg $0xFFFFFFFF  }
0xc0: {  	_ =	task.clear_ibuf [dreg:s6], $0x2FFFF;
	_ =	strace $0x9FFFFFFF  }
0xc1: {  	(tm) =	ssettm $0x7FFFFFFF  }
tec
execute0_lowered:
.L_overlay_start_1:
0x0: {  	(tag) =	ssettag $0x1  }
0x1: {  	s4 =	rddreg [dreg:$0x0]  }
0x2: {  	s0 =	rddreg [dreg:$0x1];
	s3 =	srdreg.scid  }
0x3: {  	s1 =	stileid.u32;
	s2 =	simm.s32 $0x0;
	s8 =	simm.s32 $0x80  }
0x4: {  	s9 =	simm.s32 $0x800;
	s10 =	simm.s32 $0x4800;
	s11 =	simm.s32 $0x1  }
0x5: {  	s12 =	simm.s32 $0x2;
	s13 =	simm.s32 $0x8800;
	s14 =	simm.s32 $0x0  }
0x6: {  	s3 =	sand.u32 $0x1, s3;
	s5 =	sshll.u32 s1, $0x1;
	[smem:$0x7FF] =	sst s2  }
.Ltmp0:
0x7: {  	s5 =	sor.u32 s3, s5;
	_ =	strace $0x80000047;
	(pc) =	sbr.rel .LBB2_1-.Ltmp0, $4  }
0x8: {  	s7 =	ssub.s32 $0x2, s3;
	s3 =	sadd.s32 $0x3400, s4;
	s6 =	sshll.u32 s5, $0x8  }
0x9: {  	s5 =	sshll.u32 s5, $0xC;
	s31 =	sshrl.u32 s7, $0x1;
	s6 =	sadd.s32 s6, s4  }
0xa: {  	s5 =	sadd.s32 s5, s4;
	s7 =	ssub.s32 s7, s31;
	s4 =	sadd.s32 $0x23400, s6  }
0xb: {  	s5 =	sadd.s32 $0x25400, s5;
	s6 =	smax.u32 s7, $0x1;
	s7 =	simm.s32 $0x3  }
.LBB2_4:
0xc: {  	s14 =	sadd.s32 $0x1, s14  }
0xd: {  	p0 =	sne.s32 s14, s6  }
.Ltmp1:
0xe: {  	_ = 	snop;
	(pc) =	sbr.rel @!p0 .LBB2_5-.Ltmp1, $4  }
0xf: {  	[hbm4b:s5+s2] =	stream.linear.scatter [tilespmem:s13], [sflag:$0x3], $0x8000, $0x38;
	[tilespmem:$0x10800] =	vst v63  }
0x10: {  	_ =	swait.ge [sflag:s7], $0x8000  }
0x11: {  	[sflag:s7] =	ssyncset.done $0x0  }
0x12: {  	[sflag:s7] =	ssyncadd.s32 $0xFFFF8000  }
.LBB2_1:
0x13: {  	[tilespmem:s2], [sflag:$0x3] =	stream.linear.gather [hbm4b:s4+s2], $0x800, $0x38;
	[tilespmem:$0x10800] =	vst v63  }
0x14: {  	_ =	swait.ge [sflag:s7], $0x800  }
0x15: {  	[sflag:s7] =	ssyncset.done $0x0  }
0x16: {  	[sflag:s7] =	ssyncadd.s32 $0xFFFFF800  }
0x17: {  	[tilespmem:s9], [sflag:$0x1] =	stream.indirect.gather [hbm4b:s3+s8], $0x80, s2, s8, $0xb8;
	[tilespmem:$0x10800] =	vst v63  }
0x18: {  	s15 =	simm.s32 $0xFFFFE400;
	s16 =	simm.s32 $0x9000  }
0x19: {  	[tilespmem:s10], [sflag:$0x2] =	stream.indirect.gather [hbm4b:s3+s8], $0x80, s8, s8, $0xb8;
	[tilespmem:$0x10800] =	vst v63  }
.LBB2_2:
0x1a: {  	_ =	swait.ge [sflag:s11], $0x4000  }
0x1b: {  	[sflag:s11] =	ssyncset.done $0x0  }
0x1c: {  	[sflag:s11] =	ssyncadd.s32 $0xFFFFC000  }
0x1d: {  	v0 =	vld [tilespmem:$0x800]  }
0x1e: {  	v1 =	vld [tilespmem:$0x880];
	_ =	sdelay $0x1  }
0x1f: {  	v2 =	vld [tilespmem:$0x900];
	_ =	sdelay $0x1  }
0x20: {  	v3 =	vld [tilespmem:$0x980]  }
0x21: {  	v0 =	vadd.f32 v1, v0  }
0x22: {  	v26 =	vld [tilespmem:$0xA00]  }
0x23: {  	v0 =	vadd.f32 v2, v0  }
0x24: {  	v27 =	vld [tilespmem:$0xA80]  }
0x25: {  	v0 =	vadd.f32 v3, v0  }
0x26: {  	v28 =	vld [tilespmem:$0xB00]  }
0x27: {  	v0 =	vadd.f32 v26, v0  }
0x28: {  	v29 =	vld [tilespmem:$0xB80]  }
0x29: {  	v0 =	vadd.f32 v27, v0;
	_ =	sdelay $0x1  }
0x2a: {  	v0 =	vadd.f32 v28, v0;
	_ =	sdelay $0x1  }
0x2b: {  	v0 =	vadd.f32 v29, v0;
	_ =	sdelay $0x1  }
0x2c: {  	[tilespmem:s16+$0xFFFFF800] =	vst v0  }
0x2d: {  	v0 =	vld [tilespmem:$0x810]  }
0x2e: {  	v30 =	vld [tilespmem:$0x890];
	_ =	sdelay $0x1  }
0x2f: {  	v31 =	vld [tilespmem:$0x910];
	_ =	sdelay $0x1  }
0x30: {  	v32 =	vld [tilespmem:$0x990]  }
0x31: {  	v0 =	vadd.f32 v30, v0  }
0x32: {  	v33 =	vld [tilespmem:$0xA10]  }
0x33: {  	v0 =	vadd.f32 v31, v0  }
0x34: {  	v34 =	vld [tilespmem:$0xA90]  }
0x35: {  	v0 =	vadd.f32 v32, v0  }
0x36: {  	v35 =	vld [tilespmem:$0xB10]  }
0x37: {  	v0 =	vadd.f32 v33, v0  }
0x38: {  	v36 =	vld [tilespmem:$0xB90]  }
0x39: {  	v0 =	vadd.f32 v34, v0;
	_ =	sdelay $0x1  }
0x3a: {  	v0 =	vadd.f32 v35, v0;
	_ =	sdelay $0x1  }
0x3b: {  	v0 =	vadd.f32 v36, v0;
	_ =	sdelay $0x1  }
0x3c: {  	[tilespmem:s16+$0xFFFFF810] =	vst v0  }
0x3d: {  	v0 =	vld [tilespmem:$0xC00]  }
0x3e: {  	v37 =	vld [tilespmem:$0xC80];
	_ =	sdelay $0x1  }
0x3f: {  	v38 =	vld [tilespmem:$0xD00];
	_ =	sdelay $0x1  }
0x40: {  	v39 =	vld [tilespmem:$0xD80]  }
0x41: {  	v0 =	vadd.f32 v37, v0  }
0x42: {  	v40 =	vld [tilespmem:$0xE00]  }
0x43: {  	v0 =	vadd.f32 v38, v0  }
0x44: {  	v41 =	vld [tilespmem:$0xE80]  }
0x45: {  	v0 =	vadd.f32 v39, v0  }
0x46: {  	v42 =	vld [tilespmem:$0xF00]  }
0x47: {  	v0 =	vadd.f32 v40, v0  }
0x48: {  	v43 =	vld [tilespmem:$0xF80]  }
0x49: {  	v0 =	vadd.f32 v41, v0;
	_ =	sdelay $0x1  }
0x4a: {  	v0 =	vadd.f32 v42, v0;
	_ =	sdelay $0x1  }
0x4b: {  	v0 =	vadd.f32 v43, v0;
	_ =	sdelay $0x1  }
0x4c: {  	[tilespmem:s16+$0xFFFFF880] =	vst v0  }
0x4d: {  	v0 =	vld [tilespmem:$0xC10]  }
0x4e: {  	v44 =	vld [tilespmem:$0xC90];
	_ =	sdelay $0x1  }
0x4f: {  	v45 =	vld [tilespmem:$0xD10];
	_ =	sdelay $0x1  }
0x50: {  	v46 =	vld [tilespmem:$0xD90]  }
0x51: {  	v0 =	vadd.f32 v44, v0  }
0x52: {  	v47 =	vld [tilespmem:$0xE10]  }
0x53: {  	v0 =	vadd.f32 v45, v0  }
0x54: {  	v48 =	vld [tilespmem:$0xE90]  }
0x55: {  	v0 =	vadd.f32 v46, v0  }
0x56: {  	v49 =	vld [tilespmem:$0xF10]  }
0x57: {  	v0 =	vadd.f32 v47, v0  }
0x58: {  	v50 =	vld [tilespmem:$0xF90]  }
0x59: {  	v0 =	vadd.f32 v48, v0;
	_ =	sdelay $0x1  }
0x5a: {  	v0 =	vadd.f32 v49, v0;
	_ =	sdelay $0x1  }
0x5b: {  	v0 =	vadd.f32 v50, v0;
	_ =	sdelay $0x1  }
0x5c: {  	[tilespmem:s16+$0xFFFFF890] =	vst v0  }
0x5d: {  	v0 =	vld [tilespmem:$0x1000]  }
0x5e: {  	v51 =	vld [tilespmem:$0x1080];
	_ =	sdelay $0x1  }
0x5f: {  	v52 =	vld [tilespmem:$0x1100];
	_ =	sdelay $0x1  }
0x60: {  	v53 =	vld [tilespmem:$0x1180]  }
0x61: {  	v0 =	vadd.f32 v51, v0  }
0x62: {  	v54 =	vld [tilespmem:$0x1200]  }
0x63: {  	v0 =	vadd.f32 v52, v0  }
0x64: {  	v55 =	vld [tilespmem:$0x1280]  }
0x65: {  	v0 =	vadd.f32 v53, v0  }
0x66: {  	v56 =	vld [tilespmem:$0x1300]  }
0x67: {  	v0 =	vadd.f32 v54, v0  }
0x68: {  	v57 =	vld [tilespmem:$0x1380]  }
0x69: {  	v0 =	vadd.f32 v55, v0;
	_ =	sdelay $0x1  }
0x6a: {  	v0 =	vadd.f32 v56, v0;
	_ =	sdelay $0x1  }
0x6b: {  	v0 =	vadd.f32 v57, v0;
	_ =	sdelay $0x1  }
0x6c: {  	[tilespmem:s16+$0xFFFFF900] =	vst v0  }
0x6d: {  	v0 =	vld [tilespmem:$0x1010]  }
0x6e: {  	v58 =	vld [tilespmem:$0x1090];
	_ =	sdelay $0x1  }
0x6f: {  	v59 =	vld [tilespmem:$0x1110];
	_ =	sdelay $0x1  }
0x70: {  	v60 =	vld [tilespmem:$0x1190]  }
0x71: {  	v0 =	vadd.f32 v58, v0  }
0x72: {  	v61 =	vld [tilespmem:$0x1210]  }
0x73: {  	v0 =	vadd.f32 v59, v0  }
0x74: {  	v62 =	vld [tilespmem:$0x1290]  }
0x75: {  	v0 =	vadd.f32 v60, v0  }
0x76: {  	v63 =	vld [tilespmem:$0x1310]  }
0x77: {  	v0 =	vadd.f32 v61, v0  }
0x78: {  	v5 =	vld [tilespmem:$0x1390]  }
0x79: {  	v0 =	vadd.f32 v62, v0;
	_ =	sdelay $0x1  }
0x7a: {  	v0 =	vadd.f32 v63, v0;
	_ =	sdelay $0x1  }
0x7b: {  	v0 =	vadd.f32 v5, v0;
	_ =	sdelay $0x1  }
0x7c: {  	[tilespmem:s16+$0xFFFFF910] =	vst v0  }
0x7d: {  	v0 =	vld [tilespmem:$0x1400]  }
0x7e: {  	v6 =	vld [tilespmem:$0x1480];
	_ =	sdelay $0x1  }
0x7f: {  	v7 =	vld [tilespmem:$0x1500];
	_ =	sdelay $0x1  }
0x80: {  	v8 =	vld [tilespmem:$0x1580]  }
0x81: {  	v0 =	vadd.f32 v6, v0  }
0x82: {  	v9 =	vld [tilespmem:$0x1600]  }
0x83: {  	v0 =	vadd.f32 v7, v0  }
0x84: {  	v10 =	vld [tilespmem:$0x1680]  }
0x85: {  	v0 =	vadd.f32 v8, v0  }
0x86: {  	v11 =	vld [tilespmem:$0x1700]  }
0x87: {  	v0 =	vadd.f32 v9, v0  }
0x88: {  	v12 =	vld [tilespmem:$0x1780]  }
0x89: {  	v0 =	vadd.f32 v10, v0;
	_ =	sdelay $0x1  }
0x8a: {  	v0 =	vadd.f32 v11, v0;
	_ =	sdelay $0x1  }
0x8b: {  	v0 =	vadd.f32 v12, v0;
	_ =	sdelay $0x1  }
0x8c: {  	[tilespmem:s16+$0xFFFFF980] =	vst v0  }
0x8d: {  	v0 =	vld [tilespmem:$0x1410]  }
0x8e: {  	v13 =	vld [tilespmem:$0x1490];
	_ =	sdelay $0x1  }
0x8f: {  	v14 =	vld [tilespmem:$0x1510];
	_ =	sdelay $0x1  }
0x90: {  	v15 =	vld [tilespmem:$0x1590]  }
0x91: {  	v0 =	vadd.f32 v13, v0  }
0x92: {  	v16 =	vld [tilespmem:$0x1610]  }
0x93: {  	v0 =	vadd.f32 v14, v0  }
0x94: {  	v17 =	vld [tilespmem:$0x1690]  }
0x95: {  	v0 =	vadd.f32 v15, v0  }
0x96: {  	v18 =	vld [tilespmem:$0x1710]  }
0x97: {  	v0 =	vadd.f32 v16, v0  }
0x98: {  	v19 =	vld [tilespmem:$0x1790]  }
0x99: {  	v0 =	vadd.f32 v17, v0;
	_ =	sdelay $0x1  }
0x9a: {  	v0 =	vadd.f32 v18, v0;
	_ =	sdelay $0x1  }
0x9b: {  	v0 =	vadd.f32 v19, v0;
	_ =	sdelay $0x1  }
0x9c: {  	[tilespmem:s16+$0xFFFFF990] =	vst v0  }
0x9d: {  	v0 =	vld [tilespmem:$0x1800]  }
0x9e: {  	v20 =	vld [tilespmem:$0x1880];
	_ =	sdelay $0x1  }
0x9f: {  	v21 =	vld [tilespmem:$0x1900];
	_ =	sdelay $0x1  }
0xa0: {  	v22 =	vld [tilespmem:$0x1980]  }
0xa1: {  	v0 =	vadd.f32 v20, v0  }
0xa2: {  	v23 =	vld [tilespmem:$0x1A00]  }
0xa3: {  	v0 =	vadd.f32 v21, v0  }
0xa4: {  	v24 =	vld [tilespmem:$0x1A80]  }
0xa5: {  	v0 =	vadd.f32 v22, v0  }
0xa6: {  	v25 =	vld [tilespmem:$0x1B00]  }
0xa7: {  	v0 =	vadd.f32 v23, v0  }
0xa8: {  	v26 =	vld [tilespmem:$0x1B80]  }
0xa9: {  	v0 =	vadd.f32 v24, v0;
	_ =	sdelay $0x1  }
0xaa: {  	v0 =	vadd.f32 v25, v0;
	_ =	sdelay $0x1  }
0xab: {  	v0 =	vadd.f32 v26, v0;
	_ =	sdelay $0x1  }
0xac: {  	[tilespmem:s16+$0xFFFFFA00] =	vst v0  }
0xad: {  	v0 =	vld [tilespmem:$0x1810]  }
0xae: {  	v27 =	vld [tilespmem:$0x1890];
	_ =	sdelay $0x1  }
0xaf: {  	v28 =	vld [tilespmem:$0x1910];
	_ =	sdelay $0x1  }
0xb0: {  	v29 =	vld [tilespmem:$0x1990]  }
0xb1: {  	v0 =	vadd.f32 v27, v0  }
0xb2: {  	v30 =	vld [tilespmem:$0x1A10]  }
0xb3: {  	v0 =	vadd.f32 v28, v0  }
0xb4: {  	v31 =	vld [tilespmem:$0x1A90]  }
0xb5: {  	v0 =	vadd.f32 v29, v0  }
0xb6: {  	v32 =	vld [tilespmem:$0x1B10]  }
0xb7: {  	v0 =	vadd.f32 v30, v0  }
0xb8: {  	v33 =	vld [tilespmem:$0x1B90]  }
0xb9: {  	v0 =	vadd.f32 v31, v0;
	_ =	sdelay $0x1  }
0xba: {  	v0 =	vadd.f32 v32, v0;
	_ =	sdelay $0x1  }
0xbb: {  	v0 =	vadd.f32 v33, v0;
	_ =	sdelay $0x1  }
0xbc: {  	[tilespmem:s16+$0xFFFFFA10] =	vst v0  }
0xbd: {  	v0 =	vld [tilespmem:$0x1C00]  }
0xbe: {  	v34 =	vld [tilespmem:$0x1C80];
	_ =	sdelay $0x1  }
0xbf: {  	v35 =	vld [tilespmem:$0x1D00];
	_ =	sdelay $0x1  }
0xc0: {  	v36 =	vld [tilespmem:$0x1D80]  }
0xc1: {  	v0 =	vadd.f32 v34, v0  }
0xc2: {  	v37 =	vld [tilespmem:$0x1E00]  }
0xc3: {  	v0 =	vadd.f32 v35, v0  }
0xc4: {  	v38 =	vld [tilespmem:$0x1E80]  }
0xc5: {  	v0 =	vadd.f32 v36, v0  }
0xc6: {  	v39 =	vld [tilespmem:$0x1F00]  }
0xc7: {  	v0 =	vadd.f32 v37, v0  }
0xc8: {  	v40 =	vld [tilespmem:$0x1F80]  }
0xc9: {  	v0 =	vadd.f32 v38, v0;
	_ =	sdelay $0x1  }
0xca: {  	v0 =	vadd.f32 v39, v0;
	_ =	sdelay $0x1  }
0xcb: {  	v0 =	vadd.f32 v40, v0;
	_ =	sdelay $0x1  }
0xcc: {  	[tilespmem:s16+$0xFFFFFA80] =	vst v0  }
0xcd: {  	v0 =	vld [tilespmem:$0x1C10]  }
0xce: {  	v41 =	vld [tilespmem:$0x1C90];
	_ =	sdelay $0x1  }
0xcf: {  	v42 =	vld [tilespmem:$0x1D10];
	_ =	sdelay $0x1  }
0xd0: {  	v43 =	vld [tilespmem:$0x1D90]  }
0xd1: {  	v0 =	vadd.f32 v41, v0  }
0xd2: {  	v44 =	vld [tilespmem:$0x1E10]  }
0xd3: {  	v0 =	vadd.f32 v42, v0  }
0xd4: {  	v45 =	vld [tilespmem:$0x1E90]  }
0xd5: {  	v0 =	vadd.f32 v43, v0  }
0xd6: {  	v46 =	vld [tilespmem:$0x1F10]  }
0xd7: {  	v0 =	vadd.f32 v44, v0  }
0xd8: {  	v47 =	vld [tilespmem:$0x1F90]  }
0xd9: {  	v0 =	vadd.f32 v45, v0;
	_ =	sdelay $0x1  }
0xda: {  	v0 =	vadd.f32 v46, v0;
	_ =	sdelay $0x1  }
0xdb: {  	v0 =	vadd.f32 v47, v0;
	_ =	sdelay $0x1  }
0xdc: {  	[tilespmem:s16+$0xFFFFFA90] =	vst v0  }
0xdd: {  	v0 =	vld [tilespmem:$0x2000]  }
0xde: {  	v48 =	vld [tilespmem:$0x2080];
	_ =	sdelay $0x1  }
0xdf: {  	v49 =	vld [tilespmem:$0x2100];
	_ =	sdelay $0x1  }
0xe0: {  	v50 =	vld [tilespmem:$0x2180]  }
0xe1: {  	v0 =	vadd.f32 v48, v0  }
0xe2: {  	v51 =	vld [tilespmem:$0x2200]  }
0xe3: {  	v0 =	vadd.f32 v49, v0  }
0xe4: {  	v52 =	vld [tilespmem:$0x2280]  }
0xe5: {  	v0 =	vadd.f32 v50, v0  }
0xe6: {  	v53 =	vld [tilespmem:$0x2300]  }
0xe7: {  	v0 =	vadd.f32 v51, v0  }
0xe8: {  	v54 =	vld [tilespmem:$0x2380]  }
0xe9: {  	v0 =	vadd.f32 v52, v0;
	_ =	sdelay $0x1  }
0xea: {  	v0 =	vadd.f32 v53, v0;
	_ =	sdelay $0x1  }
0xeb: {  	v0 =	vadd.f32 v54, v0;
	_ =	sdelay $0x1  }
0xec: {  	[tilespmem:s16+$0xFFFFFB00] =	vst v0  }
0xed: {  	v0 =	vld [tilespmem:$0x2010]  }
0xee: {  	v55 =	vld [tilespmem:$0x2090];
	_ =	sdelay $0x1  }
0xef: {  	v56 =	vld [tilespmem:$0x2110];
	_ =	sdelay $0x1  }
0xf0: {  	v57 =	vld [tilespmem:$0x2190]  }
0xf1: {  	v0 =	vadd.f32 v55, v0  }
0xf2: {  	v58 =	vld [tilespmem:$0x2210]  }
0xf3: {  	v0 =	vadd.f32 v56, v0  }
0xf4: {  	v59 =	vld [tilespmem:$0x2290]  }
0xf5: {  	v0 =	vadd.f32 v57, v0  }
0xf6: {  	v60 =	vld [tilespmem:$0x2310]  }
0xf7: {  	v0 =	vadd.f32 v58, v0  }
0xf8: {  	v61 =	vld [tilespmem:$0x2390]  }
0xf9: {  	v0 =	vadd.f32 v59, v0;
	_ =	sdelay $0x1  }
0xfa: {  	v0 =	vadd.f32 v60, v0;
	_ =	sdelay $0x1  }
0xfb: {  	v0 =	vadd.f32 v61, v0;
	_ =	sdelay $0x1  }
0xfc: {  	[tilespmem:s16+$0xFFFFFB10] =	vst v0  }
0xfd: {  	v0 =	vld [tilespmem:$0x2400]  }
0xfe: {  	v62 =	vld [tilespmem:$0x2480];
	_ =	sdelay $0x1  }
0xff: {  	v63 =	vld [tilespmem:$0x2500];
	_ =	sdelay $0x1  }
0x100: {  	v6 =	vld [tilespmem:$0x2580]  }
0x101: {  	v0 =	vadd.f32 v62, v0  }
0x102: {  	v7 =	vld [tilespmem:$0x2600]  }
0x103: {  	v0 =	vadd.f32 v63, v0  }
0x104: {  	v8 =	vld [tilespmem:$0x2680]  }
0x105: {  	v0 =	vadd.f32 v6, v0  }
0x106: {  	v9 =	vld [tilespmem:$0x2700]  }
0x107: {  	v0 =	vadd.f32 v7, v0  }
0x108: {  	v10 =	vld [tilespmem:$0x2780]  }
0x109: {  	v0 =	vadd.f32 v8, v0;
	_ =	sdelay $0x1  }
0x10a: {  	v0 =	vadd.f32 v9, v0;
	_ =	sdelay $0x1  }
0x10b: {  	v0 =	vadd.f32 v10, v0;
	_ =	sdelay $0x1  }
0x10c: {  	[tilespmem:s16+$0xFFFFFB80] =	vst v0  }
0x10d: {  	v0 =	vld [tilespmem:$0x2410]  }
0x10e: {  	v11 =	vld [tilespmem:$0x2490];
	_ =	sdelay $0x1  }
0x10f: {  	v12 =	vld [tilespmem:$0x2510];
	_ =	sdelay $0x1  }
0x110: {  	v13 =	vld [tilespmem:$0x2590]  }
0x111: {  	v0 =	vadd.f32 v11, v0  }
0x112: {  	v14 =	vld [tilespmem:$0x2610]  }
0x113: {  	v0 =	vadd.f32 v12, v0  }
0x114: {  	v15 =	vld [tilespmem:$0x2690]  }
0x115: {  	v0 =	vadd.f32 v13, v0  }
0x116: {  	v16 =	vld [tilespmem:$0x2710]  }
0x117: {  	v0 =	vadd.f32 v14, v0  }
0x118: {  	v17 =	vld [tilespmem:$0x2790]  }
0x119: {  	v0 =	vadd.f32 v15, v0;
	_ =	sdelay $0x1  }
0x11a: {  	v0 =	vadd.f32 v16, v0;
	_ =	sdelay $0x1  }
0x11b: {  	v0 =	vadd.f32 v17, v0;
	_ =	sdelay $0x1  }
0x11c: {  	[tilespmem:s16+$0xFFFFFB90] =	vst v0  }
0x11d: {  	v0 =	vld [tilespmem:$0x2800]  }
0x11e: {  	v18 =	vld [tilespmem:$0x2880];
	_ =	sdelay $0x1  }
0x11f: {  	v19 =	vld [tilespmem:$0x2900];
	_ =	sdelay $0x1  }
0x120: {  	v20 =	vld [tilespmem:$0x2980]  }
0x121: {  	v0 =	vadd.f32 v18, v0  }
0x122: {  	v21 =	vld [tilespmem:$0x2A00]  }
0x123: {  	v0 =	vadd.f32 v19, v0  }
0x124: {  	v22 =	vld [tilespmem:$0x2A80]  }
0x125: {  	v0 =	vadd.f32 v20, v0  }
0x126: {  	v23 =	vld [tilespmem:$0x2B00]  }
0x127: {  	v0 =	vadd.f32 v21, v0  }
0x128: {  	v24 =	vld [tilespmem:$0x2B80]  }
0x129: {  	v0 =	vadd.f32 v22, v0;
	_ =	sdelay $0x1  }
0x12a: {  	v0 =	vadd.f32 v23, v0;
	_ =	sdelay $0x1  }
0x12b: {  	v0 =	vadd.f32 v24, v0;
	_ =	sdelay $0x1  }
0x12c: {  	[tilespmem:s16+$0xFFFFFC00] =	vst v0  }
0x12d: {  	v0 =	vld [tilespmem:$0x2810]  }
0x12e: {  	v25 =	vld [tilespmem:$0x2890];
	_ =	sdelay $0x1  }
0x12f: {  	v26 =	vld [tilespmem:$0x2910];
	_ =	sdelay $0x1  }
0x130: {  	v27 =	vld [tilespmem:$0x2990]  }
0x131: {  	v0 =	vadd.f32 v25, v0  }
0x132: {  	v28 =	vld [tilespmem:$0x2A10]  }
0x133: {  	v0 =	vadd.f32 v26, v0  }
0x134: {  	v29 =	vld [tilespmem:$0x2A90]  }
0x135: {  	v0 =	vadd.f32 v27, v0  }
0x136: {  	v30 =	vld [tilespmem:$0x2B10]  }
0x137: {  	v0 =	vadd.f32 v28, v0  }
0x138: {  	v31 =	vld [tilespmem:$0x2B90]  }
0x139: {  	v0 =	vadd.f32 v29, v0;
	_ =	sdelay $0x1  }
0x13a: {  	v0 =	vadd.f32 v30, v0;
	_ =	sdelay $0x1  }
0x13b: {  	v0 =	vadd.f32 v31, v0;
	_ =	sdelay $0x1  }
0x13c: {  	[tilespmem:s16+$0xFFFFFC10] =	vst v0  }
0x13d: {  	v0 =	vld [tilespmem:$0x2C00]  }
0x13e: {  	v32 =	vld [tilespmem:$0x2C80];
	_ =	sdelay $0x1  }
0x13f: {  	v33 =	vld [tilespmem:$0x2D00];
	_ =	sdelay $0x1  }
0x140: {  	v34 =	vld [tilespmem:$0x2D80]  }
0x141: {  	v0 =	vadd.f32 v32, v0  }
0x142: {  	v35 =	vld [tilespmem:$0x2E00]  }
0x143: {  	v0 =	vadd.f32 v33, v0  }
0x144: {  	v36 =	vld [tilespmem:$0x2E80]  }
0x145: {  	v0 =	vadd.f32 v34, v0  }
0x146: {  	v37 =	vld [tilespmem:$0x2F00]  }
0x147: {  	v0 =	vadd.f32 v35, v0  }
0x148: {  	v38 =	vld [tilespmem:$0x2F80]  }
0x149: {  	v0 =	vadd.f32 v36, v0;
	_ =	sdelay $0x1  }
0x14a: {  	v0 =	vadd.f32 v37, v0;
	_ =	sdelay $0x1  }
0x14b: {  	v0 =	vadd.f32 v38, v0;
	_ =	sdelay $0x1  }
0x14c: {  	[tilespmem:s16+$0xFFFFFC80] =	vst v0  }
0x14d: {  	v0 =	vld [tilespmem:$0x2C10]  }
0x14e: {  	v39 =	vld [tilespmem:$0x2C90];
	_ =	sdelay $0x1  }
0x14f: {  	v40 =	vld [tilespmem:$0x2D10];
	_ =	sdelay $0x1  }
0x150: {  	v41 =	vld [tilespmem:$0x2D90]  }
0x151: {  	v0 =	vadd.f32 v39, v0  }
0x152: {  	v42 =	vld [tilespmem:$0x2E10]  }
0x153: {  	v0 =	vadd.f32 v40, v0  }
0x154: {  	v43 =	vld [tilespmem:$0x2E90]  }
0x155: {  	v0 =	vadd.f32 v41, v0  }
0x156: {  	v44 =	vld [tilespmem:$0x2F10]  }
0x157: {  	v0 =	vadd.f32 v42, v0  }
0x158: {  	v45 =	vld [tilespmem:$0x2F90]  }
0x159: {  	v0 =	vadd.f32 v43, v0;
	_ =	sdelay $0x1  }
0x15a: {  	v0 =	vadd.f32 v44, v0;
	_ =	sdelay $0x1  }
0x15b: {  	v0 =	vadd.f32 v45, v0;
	_ =	sdelay $0x1  }
0x15c: {  	[tilespmem:s16+$0xFFFFFC90] =	vst v0  }
0x15d: {  	v0 =	vld [tilespmem:$0x3000]  }
0x15e: {  	v46 =	vld [tilespmem:$0x3080];
	_ =	sdelay $0x1  }
0x15f: {  	v47 =	vld [tilespmem:$0x3100];
	_ =	sdelay $0x1  }
0x160: {  	v48 =	vld [tilespmem:$0x3180]  }
0x161: {  	v0 =	vadd.f32 v46, v0  }
0x162: {  	v49 =	vld [tilespmem:$0x3200]  }
0x163: {  	v0 =	vadd.f32 v47, v0  }
0x164: {  	v50 =	vld [tilespmem:$0x3280]  }
0x165: {  	v0 =	vadd.f32 v48, v0  }
0x166: {  	v51 =	vld [tilespmem:$0x3300]  }
0x167: {  	v0 =	vadd.f32 v49, v0  }
0x168: {  	v52 =	vld [tilespmem:$0x3380]  }
0x169: {  	v0 =	vadd.f32 v50, v0;
	_ =	sdelay $0x1  }
0x16a: {  	v0 =	vadd.f32 v51, v0;
	_ =	sdelay $0x1  }
0x16b: {  	v0 =	vadd.f32 v52, v0;
	_ =	sdelay $0x1  }
0x16c: {  	[tilespmem:s16+$0xFFFFFD00] =	vst v0  }
0x16d: {  	v0 =	vld [tilespmem:$0x3010]  }
0x16e: {  	v53 =	vld [tilespmem:$0x3090];
	_ =	sdelay $0x1  }
0x16f: {  	v54 =	vld [tilespmem:$0x3110];
	_ =	sdelay $0x1  }
0x170: {  	v55 =	vld [tilespmem:$0x3190]  }
0x171: {  	v0 =	vadd.f32 v53, v0  }
0x172: {  	v56 =	vld [tilespmem:$0x3210]  }
0x173: {  	v0 =	vadd.f32 v54, v0  }
0x174: {  	v57 =	vld [tilespmem:$0x3290]  }
0x175: {  	v0 =	vadd.f32 v55, v0  }
0x176: {  	v58 =	vld [tilespmem:$0x3310]  }
0x177: {  	v0 =	vadd.f32 v56, v0  }
0x178: {  	v59 =	vld [tilespmem:$0x3390]  }
0x179: {  	v0 =	vadd.f32 v57, v0;
	_ =	sdelay $0x1  }
0x17a: {  	v0 =	vadd.f32 v58, v0;
	_ =	sdelay $0x1  }
0x17b: {  	v0 =	vadd.f32 v59, v0;
	_ =	sdelay $0x1  }
0x17c: {  	[tilespmem:s16+$0xFFFFFD10] =	vst v0  }
0x17d: {  	v0 =	vld [tilespmem:$0x3400]  }
0x17e: {  	v60 =	vld [tilespmem:$0x3480];
	_ =	sdelay $0x1  }
0x17f: {  	v61 =	vld [tilespmem:$0x3500];
	_ =	sdelay $0x1  }
0x180: {  	v62 =	vld [tilespmem:$0x3580]  }
0x181: {  	v0 =	vadd.f32 v60, v0  }
0x182: {  	v63 =	vld [tilespmem:$0x3600]  }
0x183: {  	v0 =	vadd.f32 v61, v0  }
0x184: {  	v6 =	vld [tilespmem:$0x3680]  }
0x185: {  	v0 =	vadd.f32 v62, v0  }
0x186: {  	v7 =	vld [tilespmem:$0x3700]  }
0x187: {  	v0 =	vadd.f32 v63, v0  }
0x188: {  	v8 =	vld [tilespmem:$0x3780]  }
0x189: {  	v0 =	vadd.f32 v6, v0;
	_ =	sdelay $0x1  }
0x18a: {  	v0 =	vadd.f32 v7, v0;
	_ =	sdelay $0x1  }
0x18b: {  	v0 =	vadd.f32 v8, v0;
	_ =	sdelay $0x1  }
0x18c: {  	[tilespmem:s16+$0xFFFFFD80] =	vst v0  }
0x18d: {  	v0 =	vld [tilespmem:$0x3410]  }
0x18e: {  	v9 =	vld [tilespmem:$0x3490];
	_ =	sdelay $0x1  }
0x18f: {  	v10 =	vld [tilespmem:$0x3510];
	_ =	sdelay $0x1  }
0x190: {  	v11 =	vld [tilespmem:$0x3590]  }
0x191: {  	v0 =	vadd.f32 v9, v0  }
0x192: {  	v12 =	vld [tilespmem:$0x3610]  }
0x193: {  	v0 =	vadd.f32 v10, v0  }
0x194: {  	v13 =	vld [tilespmem:$0x3690]  }
0x195: {  	v0 =	vadd.f32 v11, v0  }
0x196: {  	v14 =	vld [tilespmem:$0x3710]  }
0x197: {  	v0 =	vadd.f32 v12, v0  }
0x198: {  	v15 =	vld [tilespmem:$0x3790]  }
0x199: {  	v0 =	vadd.f32 v13, v0;
	_ =	sdelay $0x1  }
0x19a: {  	v0 =	vadd.f32 v14, v0;
	_ =	sdelay $0x1  }
0x19b: {  	v0 =	vadd.f32 v15, v0;
	_ =	sdelay $0x1  }
0x19c: {  	[tilespmem:s16+$0xFFFFFD90] =	vst v0  }
0x19d: {  	v0 =	vld [tilespmem:$0x3800]  }
0x19e: {  	v16 =	vld [tilespmem:$0x3880];
	_ =	sdelay $0x1  }
0x19f: {  	v17 =	vld [tilespmem:$0x3900];
	_ =	sdelay $0x1  }
0x1a0: {  	v18 =	vld [tilespmem:$0x3980]  }
0x1a1: {  	v0 =	vadd.f32 v16, v0  }
0x1a2: {  	v19 =	vld [tilespmem:$0x3A00]  }
0x1a3: {  	v0 =	vadd.f32 v17, v0  }
0x1a4: {  	v20 =	vld [tilespmem:$0x3A80]  }
0x1a5: {  	v0 =	vadd.f32 v18, v0  }
0x1a6: {  	v21 =	vld [tilespmem:$0x3B00]  }
0x1a7: {  	v0 =	vadd.f32 v19, v0  }
0x1a8: {  	v22 =	vld [tilespmem:$0x3B80]  }
0x1a9: {  	v0 =	vadd.f32 v20, v0;
	_ =	sdelay $0x1  }
0x1aa: {  	v0 =	vadd.f32 v21, v0;
	_ =	sdelay $0x1  }
0x1ab: {  	v0 =	vadd.f32 v22, v0;
	_ =	sdelay $0x1  }
0x1ac: {  	[tilespmem:s16+$0xFFFFFE00] =	vst v0  }
0x1ad: {  	v0 =	vld [tilespmem:$0x3810]  }
0x1ae: {  	v23 =	vld [tilespmem:$0x3890];
	_ =	sdelay $0x1  }
0x1af: {  	v24 =	vld [tilespmem:$0x3910];
	_ =	sdelay $0x1  }
0x1b0: {  	v25 =	vld [tilespmem:$0x3990]  }
0x1b1: {  	v0 =	vadd.f32 v23, v0  }
0x1b2: {  	v26 =	vld [tilespmem:$0x3A10]  }
0x1b3: {  	v0 =	vadd.f32 v24, v0  }
0x1b4: {  	v27 =	vld [tilespmem:$0x3A90]  }
0x1b5: {  	v0 =	vadd.f32 v25, v0  }
0x1b6: {  	v28 =	vld [tilespmem:$0x3B10]  }
0x1b7: {  	v0 =	vadd.f32 v26, v0  }
0x1b8: {  	v29 =	vld [tilespmem:$0x3B90]  }
0x1b9: {  	v0 =	vadd.f32 v27, v0;
	_ =	sdelay $0x1  }
0x1ba: {  	v0 =	vadd.f32 v28, v0;
	_ =	sdelay $0x1  }
0x1bb: {  	v0 =	vadd.f32 v29, v0;
	_ =	sdelay $0x1  }
0x1bc: {  	[tilespmem:s16+$0xFFFFFE10] =	vst v0  }
0x1bd: {  	v0 =	vld [tilespmem:$0x3C00]  }
0x1be: {  	v30 =	vld [tilespmem:$0x3C80];
	_ =	sdelay $0x1  }
0x1bf: {  	v31 =	vld [tilespmem:$0x3D00];
	_ =	sdelay $0x1  }
0x1c0: {  	v32 =	vld [tilespmem:$0x3D80]  }
0x1c1: {  	v0 =	vadd.f32 v30, v0  }
0x1c2: {  	v33 =	vld [tilespmem:$0x3E00]  }
0x1c3: {  	v0 =	vadd.f32 v31, v0  }
0x1c4: {  	v34 =	vld [tilespmem:$0x3E80]  }
0x1c5: {  	v0 =	vadd.f32 v32, v0  }
0x1c6: {  	v35 =	vld [tilespmem:$0x3F00]  }
0x1c7: {  	v0 =	vadd.f32 v33, v0  }
0x1c8: {  	v36 =	vld [tilespmem:$0x3F80]  }
0x1c9: {  	v0 =	vadd.f32 v34, v0;
	_ =	sdelay $0x1  }
0x1ca: {  	v0 =	vadd.f32 v35, v0;
	_ =	sdelay $0x1  }
0x1cb: {  	v0 =	vadd.f32 v36, v0;
	_ =	sdelay $0x1  }
0x1cc: {  	[tilespmem:s16+$0xFFFFFE80] =	vst v0  }
0x1cd: {  	v0 =	vld [tilespmem:$0x3C10]  }
0x1ce: {  	v37 =	vld [tilespmem:$0x3C90];
	_ =	sdelay $0x1  }
0x1cf: {  	v38 =	vld [tilespmem:$0x3D10];
	_ =	sdelay $0x1  }
0x1d0: {  	v39 =	vld [tilespmem:$0x3D90]  }
0x1d1: {  	v0 =	vadd.f32 v37, v0  }
0x1d2: {  	v40 =	vld [tilespmem:$0x3E10]  }
0x1d3: {  	v0 =	vadd.f32 v38, v0  }
0x1d4: {  	v41 =	vld [tilespmem:$0x3E90]  }
0x1d5: {  	v0 =	vadd.f32 v39, v0  }
0x1d6: {  	v42 =	vld [tilespmem:$0x3F10]  }
0x1d7: {  	v0 =	vadd.f32 v40, v0  }
0x1d8: {  	v43 =	vld [tilespmem:$0x3F90]  }
0x1d9: {  	v0 =	vadd.f32 v41, v0;
	_ =	sdelay $0x1  }
0x1da: {  	v0 =	vadd.f32 v42, v0;
	_ =	sdelay $0x1  }
0x1db: {  	v0 =	vadd.f32 v43, v0;
	_ =	sdelay $0x1  }
0x1dc: {  	[tilespmem:s16+$0xFFFFFE90] =	vst v0  }
0x1dd: {  	v0 =	vld [tilespmem:$0x4000]  }
0x1de: {  	v44 =	vld [tilespmem:$0x4080];
	_ =	sdelay $0x1  }
0x1df: {  	v45 =	vld [tilespmem:$0x4100];
	_ =	sdelay $0x1  }
0x1e0: {  	v46 =	vld [tilespmem:$0x4180]  }
0x1e1: {  	v0 =	vadd.f32 v44, v0  }
0x1e2: {  	v47 =	vld [tilespmem:$0x4200]  }
0x1e3: {  	v0 =	vadd.f32 v45, v0  }
0x1e4: {  	v48 =	vld [tilespmem:$0x4280]  }
0x1e5: {  	v0 =	vadd.f32 v46, v0  }
0x1e6: {  	v49 =	vld [tilespmem:$0x4300]  }
0x1e7: {  	v0 =	vadd.f32 v47, v0  }
0x1e8: {  	v50 =	vld [tilespmem:$0x4380]  }
0x1e9: {  	v0 =	vadd.f32 v48, v0;
	_ =	sdelay $0x1  }
0x1ea: {  	v0 =	vadd.f32 v49, v0;
	_ =	sdelay $0x1  }
0x1eb: {  	v0 =	vadd.f32 v50, v0;
	_ =	sdelay $0x1  }
0x1ec: {  	[tilespmem:s16+$0xFFFFFF00] =	vst v0  }
0x1ed: {  	v0 =	vld [tilespmem:$0x4010]  }
0x1ee: {  	v51 =	vld [tilespmem:$0x4090];
	_ =	sdelay $0x1  }
0x1ef: {  	v52 =	vld [tilespmem:$0x4110];
	_ =	sdelay $0x1  }
0x1f0: {  	v53 =	vld [tilespmem:$0x4190]  }
0x1f1: {  	v0 =	vadd.f32 v51, v0  }
0x1f2: {  	v54 =	vld [tilespmem:$0x4210]  }
0x1f3: {  	v0 =	vadd.f32 v52, v0  }
0x1f4: {  	v55 =	vld [tilespmem:$0x4290]  }
0x1f5: {  	v0 =	vadd.f32 v53, v0  }
0x1f6: {  	v56 =	vld [tilespmem:$0x4310]  }
0x1f7: {  	v0 =	vadd.f32 v54, v0  }
0x1f8: {  	v57 =	vld [tilespmem:$0x4390]  }
0x1f9: {  	v0 =	vadd.f32 v55, v0;
	_ =	sdelay $0x1  }
0x1fa: {  	v0 =	vadd.f32 v56, v0;
	_ =	sdelay $0x1  }
0x1fb: {  	v0 =	vadd.f32 v57, v0;
	_ =	sdelay $0x1  }
0x1fc: {  	[tilespmem:s16+$0xFFFFFF10] =	vst v0  }
0x1fd: {  	v0 =	vld [tilespmem:$0x4400]  }
0x1fe: {  	v58 =	vld [tilespmem:$0x4480];
	_ =	sdelay $0x1  }
0x1ff: {  	v59 =	vld [tilespmem:$0x4500];
	_ =	sdelay $0x1  }
0x200: {  	v60 =	vld [tilespmem:$0x4580]  }
0x201: {  	v0 =	vadd.f32 v58, v0  }
0x202: {  	v61 =	vld [tilespmem:$0x4600]  }
0x203: {  	v0 =	vadd.f32 v59, v0  }
0x204: {  	v62 =	vld [tilespmem:$0x4680]  }
0x205: {  	v0 =	vadd.f32 v60, v0  }
0x206: {  	v63 =	vld [tilespmem:$0x4700]  }
0x207: {  	v0 =	vadd.f32 v61, v0  }
0x208: {  	v5 =	vld [tilespmem:$0x4780]  }
0x209: {  	v0 =	vadd.f32 v62, v0;
	_ =	sdelay $0x1  }
0x20a: {  	v0 =	vadd.f32 v63, v0;
	_ =	sdelay $0x1  }
0x20b: {  	v0 =	vadd.f32 v5, v0;
	_ =	sdelay $0x1  }
0x20c: {  	[tilespmem:s16+$0xFFFFFF80] =	vst v0  }
0x20d: {  	v0 =	vld [tilespmem:$0x4410]  }
0x20e: {  	v6 =	vld [tilespmem:$0x4490];
	_ =	sdelay $0x1  }
0x20f: {  	v7 =	vld [tilespmem:$0x4510];
	_ =	sdelay $0x1  }
0x210: {  	v8 =	vld [tilespmem:$0x4590]  }
0x211: {  	v0 =	vadd.f32 v6, v0  }
0x212: {  	v9 =	vld [tilespmem:$0x4610]  }
0x213: {  	v0 =	vadd.f32 v7, v0  }
0x214: {  	v10 =	vld [tilespmem:$0x4690]  }
0x215: {  	v0 =	vadd.f32 v8, v0  }
0x216: {  	v11 =	vld [tilespmem:$0x4710]  }
0x217: {  	v0 =	vadd.f32 v9, v0  }
0x218: {  	v12 =	vld [tilespmem:$0x4790]  }
0x219: {  	v0 =	vadd.f32 v10, v0;
	_ =	sdelay $0x1  }
0x21a: {  	v0 =	vadd.f32 v11, v0;
	_ =	sdelay $0x1  }
0x21b: {  	p0 =	seq.s32 s15, $0x0;
	v0 =	vadd.f32 v12, v0  }
0x21c: {  	s17 =	sshra.s32 @!p0 s15, $0x2  }
0x21d: {  	s18 =	simm.s32 @!p0 $0x80;
	s19 =	simm.s32 @!p0 $0x800;
	s17 =	sadd.s32 @!p0 $0x800, s17;
	[tilespmem:s16+$0xFFFFFF90] =	vst v0  }
0x21e: {  	[tilespmem:s19], [sflag:$0x1] =	stream.indirect.gather @!p0 [hbm4b:s3+s18], $0x80, s17, s18, $0xb8;
	[tilespmem:$0x10800] =	vst v63  }
0x21f: {  	_ =	swait.ge [sflag:s12], $0x4000  }
0x220: {  	[sflag:s12] =	ssyncset.done $0x0  }
0x221: {  	[sflag:s12] =	ssyncadd.s32 $0xFFFFC000  }
0x222: {  	v13 =	vld [tilespmem:$0x4800]  }
0x223: {  	v14 =	vld [tilespmem:$0x4880];
	_ =	sdelay $0x1  }
0x224: {  	v15 =	vld [tilespmem:$0x4900];
	_ =	sdelay $0x1  }
0x225: {  	v16 =	vld [tilespmem:$0x4980]  }
0x226: {  	v0 =	vadd.f32 v14, v13  }
0x227: {  	v17 =	vld [tilespmem:$0x4A00]  }
0x228: {  	v0 =	vadd.f32 v15, v0  }
0x229: {  	v18 =	vld [tilespmem:$0x4A80]  }
0x22a: {  	v0 =	vadd.f32 v16, v0  }
0x22b: {  	v19 =	vld [tilespmem:$0x4B00]  }
0x22c: {  	v0 =	vadd.f32 v17, v0  }
0x22d: {  	v20 =	vld [tilespmem:$0x4B80]  }
0x22e: {  	v0 =	vadd.f32 v18, v0;
	_ =	sdelay $0x1  }
0x22f: {  	v0 =	vadd.f32 v19, v0;
	_ =	sdelay $0x1  }
0x230: {  	v0 =	vadd.f32 v20, v0;
	_ =	sdelay $0x1  }
0x231: {  	[tilespmem:s16+$0x0] =	vst v0  }
0x232: {  	v0 =	vld [tilespmem:$0x4810]  }
0x233: {  	v21 =	vld [tilespmem:$0x4890];
	_ =	sdelay $0x1  }
0x234: {  	v22 =	vld [tilespmem:$0x4910];
	_ =	sdelay $0x1  }
0x235: {  	v23 =	vld [tilespmem:$0x4990]  }
0x236: {  	v0 =	vadd.f32 v21, v0  }
0x237: {  	v24 =	vld [tilespmem:$0x4A10]  }
0x238: {  	v0 =	vadd.f32 v22, v0  }
0x239: {  	v25 =	vld [tilespmem:$0x4A90]  }
0x23a: {  	v0 =	vadd.f32 v23, v0  }
0x23b: {  	v26 =	vld [tilespmem:$0x4B10]  }
0x23c: {  	v0 =	vadd.f32 v24, v0  }
0x23d: {  	v27 =	vld [tilespmem:$0x4B90]  }
0x23e: {  	v0 =	vadd.f32 v25, v0;
	_ =	sdelay $0x1  }
0x23f: {  	v0 =	vadd.f32 v26, v0;
	_ =	sdelay $0x1  }
0x240: {  	v0 =	vadd.f32 v27, v0;
	_ =	sdelay $0x1  }
0x241: {  	[tilespmem:s16+$0x10] =	vst v0  }
0x242: {  	v0 =	vld [tilespmem:$0x4C00]  }
0x243: {  	v28 =	vld [tilespmem:$0x4C80];
	_ =	sdelay $0x1  }
0x244: {  	v29 =	vld [tilespmem:$0x4D00];
	_ =	sdelay $0x1  }
0x245: {  	v30 =	vld [tilespmem:$0x4D80]  }
0x246: {  	v0 =	vadd.f32 v28, v0  }
0x247: {  	v31 =	vld [tilespmem:$0x4E00]  }
0x248: {  	v0 =	vadd.f32 v29, v0  }
0x249: {  	v32 =	vld [tilespmem:$0x4E80]  }
0x24a: {  	v0 =	vadd.f32 v30, v0  }
0x24b: {  	v33 =	vld [tilespmem:$0x4F00]  }
0x24c: {  	v0 =	vadd.f32 v31, v0  }
0x24d: {  	v34 =	vld [tilespmem:$0x4F80]  }
0x24e: {  	v0 =	vadd.f32 v32, v0;
	_ =	sdelay $0x1  }
0x24f: {  	v0 =	vadd.f32 v33, v0;
	_ =	sdelay $0x1  }
0x250: {  	v0 =	vadd.f32 v34, v0;
	_ =	sdelay $0x1  }
0x251: {  	[tilespmem:s16+$0x80] =	vst v0  }
0x252: {  	v0 =	vld [tilespmem:$0x4C10]  }
0x253: {  	v35 =	vld [tilespmem:$0x4C90];
	_ =	sdelay $0x1  }
0x254: {  	v36 =	vld [tilespmem:$0x4D10];
	_ =	sdelay $0x1  }
0x255: {  	v37 =	vld [tilespmem:$0x4D90]  }
0x256: {  	v0 =	vadd.f32 v35, v0  }
0x257: {  	v38 =	vld [tilespmem:$0x4E10]  }
0x258: {  	v0 =	vadd.f32 v36, v0  }
0x259: {  	v39 =	vld [tilespmem:$0x4E90]  }
0x25a: {  	v0 =	vadd.f32 v37, v0  }
0x25b: {  	v40 =	vld [tilespmem:$0x4F10]  }
0x25c: {  	v0 =	vadd.f32 v38, v0  }
0x25d: {  	v41 =	vld [tilespmem:$0x4F90]  }
0x25e: {  	v0 =	vadd.f32 v39, v0;
	_ =	sdelay $0x1  }
0x25f: {  	v0 =	vadd.f32 v40, v0;
	_ =	sdelay $0x1  }
0x260: {  	v0 =	vadd.f32 v41, v0;
	_ =	sdelay $0x1  }
0x261: {  	[tilespmem:s16+$0x90] =	vst v0  }
0x262: {  	v0 =	vld [tilespmem:$0x5000]  }
0x263: {  	v42 =	vld [tilespmem:$0x5080];
	_ =	sdelay $0x1  }
0x264: {  	v43 =	vld [tilespmem:$0x5100];
	_ =	sdelay $0x1  }
0x265: {  	v44 =	vld [tilespmem:$0x5180]  }
0x266: {  	v0 =	vadd.f32 v42, v0  }
0x267: {  	v45 =	vld [tilespmem:$0x5200]  }
0x268: {  	v0 =	vadd.f32 v43, v0  }
0x269: {  	v46 =	vld [tilespmem:$0x5280]  }
0x26a: {  	v0 =	vadd.f32 v44, v0  }
0x26b: {  	v47 =	vld [tilespmem:$0x5300]  }
0x26c: {  	v0 =	vadd.f32 v45, v0  }
0x26d: {  	v48 =	vld [tilespmem:$0x5380]  }
0x26e: {  	v0 =	vadd.f32 v46, v0;
	_ =	sdelay $0x1  }
0x26f: {  	v0 =	vadd.f32 v47, v0;
	_ =	sdelay $0x1  }
0x270: {  	v0 =	vadd.f32 v48, v0;
	_ =	sdelay $0x1  }
0x271: {  	[tilespmem:s16+$0x100] =	vst v0  }
0x272: {  	v0 =	vld [tilespmem:$0x5010]  }
0x273: {  	v49 =	vld [tilespmem:$0x5090];
	_ =	sdelay $0x1  }
0x274: {  	v50 =	vld [tilespmem:$0x5110];
	_ =	sdelay $0x1  }
0x275: {  	v51 =	vld [tilespmem:$0x5190]  }
0x276: {  	v0 =	vadd.f32 v49, v0  }
0x277: {  	v52 =	vld [tilespmem:$0x5210]  }
0x278: {  	v0 =	vadd.f32 v50, v0  }
0x279: {  	v53 =	vld [tilespmem:$0x5290]  }
0x27a: {  	v0 =	vadd.f32 v51, v0  }
0x27b: {  	v54 =	vld [tilespmem:$0x5310]  }
0x27c: {  	v0 =	vadd.f32 v52, v0  }
0x27d: {  	v55 =	vld [tilespmem:$0x5390]  }
0x27e: {  	v0 =	vadd.f32 v53, v0;
	_ =	sdelay $0x1  }
0x27f: {  	v0 =	vadd.f32 v54, v0;
	_ =	sdelay $0x1  }
0x280: {  	v0 =	vadd.f32 v55, v0;
	_ =	sdelay $0x1  }
0x281: {  	[tilespmem:s16+$0x110] =	vst v0  }
0x282: {  	v0 =	vld [tilespmem:$0x5400]  }
0x283: {  	v56 =	vld [tilespmem:$0x5480];
	_ =	sdelay $0x1  }
0x284: {  	v57 =	vld [tilespmem:$0x5500];
	_ =	sdelay $0x1  }
0x285: {  	v58 =	vld [tilespmem:$0x5580]  }
0x286: {  	v0 =	vadd.f32 v56, v0  }
0x287: {  	v59 =	vld [tilespmem:$0x5600]  }
0x288: {  	v0 =	vadd.f32 v57, v0  }
0x289: {  	v60 =	vld [tilespmem:$0x5680]  }
0x28a: {  	v0 =	vadd.f32 v58, v0  }
0x28b: {  	v61 =	vld [tilespmem:$0x5700]  }
0x28c: {  	v0 =	vadd.f32 v59, v0  }
0x28d: {  	v62 =	vld [tilespmem:$0x5780]  }
0x28e: {  	v0 =	vadd.f32 v60, v0;
	_ =	sdelay $0x1  }
0x28f: {  	v0 =	vadd.f32 v61, v0;
	_ =	sdelay $0x1  }
0x290: {  	v0 =	vadd.f32 v62, v0;
	_ =	sdelay $0x1  }
0x291: {  	[tilespmem:s16+$0x180] =	vst v0  }
0x292: {  	v0 =	vld [tilespmem:$0x5410]  }
0x293: {  	v63 =	vld [tilespmem:$0x5490];
	_ =	sdelay $0x1  }
0x294: {  	v6 =	vld [tilespmem:$0x5510];
	_ =	sdelay $0x1  }
0x295: {  	v7 =	vld [tilespmem:$0x5590]  }
0x296: {  	v0 =	vadd.f32 v63, v0  }
0x297: {  	v8 =	vld [tilespmem:$0x5610]  }
0x298: {  	v0 =	vadd.f32 v6, v0  }
0x299: {  	v9 =	vld [tilespmem:$0x5690]  }
0x29a: {  	v0 =	vadd.f32 v7, v0  }
0x29b: {  	v10 =	vld [tilespmem:$0x5710]  }
0x29c: {  	v0 =	vadd.f32 v8, v0  }
0x29d: {  	v11 =	vld [tilespmem:$0x5790]  }
0x29e: {  	v0 =	vadd.f32 v9, v0;
	_ =	sdelay $0x1  }
0x29f: {  	v0 =	vadd.f32 v10, v0;
	_ =	sdelay $0x1  }
0x2a0: {  	v0 =	vadd.f32 v11, v0;
	_ =	sdelay $0x1  }
0x2a1: {  	[tilespmem:s16+$0x190] =	vst v0  }
0x2a2: {  	v0 =	vld [tilespmem:$0x5800]  }
0x2a3: {  	v12 =	vld [tilespmem:$0x5880];
	_ =	sdelay $0x1  }
0x2a4: {  	v13 =	vld [tilespmem:$0x5900];
	_ =	sdelay $0x1  }
0x2a5: {  	v14 =	vld [tilespmem:$0x5980]  }
0x2a6: {  	v0 =	vadd.f32 v12, v0  }
0x2a7: {  	v15 =	vld [tilespmem:$0x5A00]  }
0x2a8: {  	v0 =	vadd.f32 v13, v0  }
0x2a9: {  	v16 =	vld [tilespmem:$0x5A80]  }
0x2aa: {  	v0 =	vadd.f32 v14, v0  }
0x2ab: {  	v17 =	vld [tilespmem:$0x5B00]  }
0x2ac: {  	v0 =	vadd.f32 v15, v0  }
0x2ad: {  	v18 =	vld [tilespmem:$0x5B80]  }
0x2ae: {  	v0 =	vadd.f32 v16, v0;
	_ =	sdelay $0x1  }
0x2af: {  	v0 =	vadd.f32 v17, v0;
	_ =	sdelay $0x1  }
0x2b0: {  	v0 =	vadd.f32 v18, v0;
	_ =	sdelay $0x1  }
0x2b1: {  	[tilespmem:s16+$0x200] =	vst v0  }
0x2b2: {  	v0 =	vld [tilespmem:$0x5810]  }
0x2b3: {  	v19 =	vld [tilespmem:$0x5890];
	_ =	sdelay $0x1  }
0x2b4: {  	v20 =	vld [tilespmem:$0x5910];
	_ =	sdelay $0x1  }
0x2b5: {  	v21 =	vld [tilespmem:$0x5990]  }
0x2b6: {  	v0 =	vadd.f32 v19, v0  }
0x2b7: {  	v22 =	vld [tilespmem:$0x5A10]  }
0x2b8: {  	v0 =	vadd.f32 v20, v0  }
0x2b9: {  	v23 =	vld [tilespmem:$0x5A90]  }
0x2ba: {  	v0 =	vadd.f32 v21, v0  }
0x2bb: {  	v24 =	vld [tilespmem:$0x5B10]  }
0x2bc: {  	v0 =	vadd.f32 v22, v0  }
0x2bd: {  	v25 =	vld [tilespmem:$0x5B90]  }
0x2be: {  	v0 =	vadd.f32 v23, v0;
	_ =	sdelay $0x1  }
0x2bf: {  	v0 =	vadd.f32 v24, v0;
	_ =	sdelay $0x1  }
0x2c0: {  	v0 =	vadd.f32 v25, v0;
	_ =	sdelay $0x1  }
0x2c1: {  	[tilespmem:s16+$0x210] =	vst v0  }
0x2c2: {  	v0 =	vld [tilespmem:$0x5C00]  }
0x2c3: {  	v26 =	vld [tilespmem:$0x5C80];
	_ =	sdelay $0x1  }
0x2c4: {  	v27 =	vld [tilespmem:$0x5D00];
	_ =	sdelay $0x1  }
0x2c5: {  	v28 =	vld [tilespmem:$0x5D80]  }
0x2c6: {  	v0 =	vadd.f32 v26, v0  }
0x2c7: {  	v29 =	vld [tilespmem:$0x5E00]  }
0x2c8: {  	v0 =	vadd.f32 v27, v0  }
0x2c9: {  	v30 =	vld [tilespmem:$0x5E80]  }
0x2ca: {  	v0 =	vadd.f32 v28, v0  }
0x2cb: {  	v31 =	vld [tilespmem:$0x5F00]  }
0x2cc: {  	v0 =	vadd.f32 v29, v0  }
0x2cd: {  	v32 =	vld [tilespmem:$0x5F80]  }
0x2ce: {  	v0 =	vadd.f32 v30, v0;
	_ =	sdelay $0x1  }
0x2cf: {  	v0 =	vadd.f32 v31, v0;
	_ =	sdelay $0x1  }
0x2d0: {  	v0 =	vadd.f32 v32, v0;
	_ =	sdelay $0x1  }
0x2d1: {  	[tilespmem:s16+$0x280] =	vst v0  }
0x2d2: {  	v0 =	vld [tilespmem:$0x5C10]  }
0x2d3: {  	v33 =	vld [tilespmem:$0x5C90];
	_ =	sdelay $0x1  }
0x2d4: {  	v34 =	vld [tilespmem:$0x5D10];
	_ =	sdelay $0x1  }
0x2d5: {  	v35 =	vld [tilespmem:$0x5D90]  }
0x2d6: {  	v0 =	vadd.f32 v33, v0  }
0x2d7: {  	v36 =	vld [tilespmem:$0x5E10]  }
0x2d8: {  	v0 =	vadd.f32 v34, v0  }
0x2d9: {  	v37 =	vld [tilespmem:$0x5E90]  }
0x2da: {  	v0 =	vadd.f32 v35, v0  }
0x2db: {  	v38 =	vld [tilespmem:$0x5F10]  }
0x2dc: {  	v0 =	vadd.f32 v36, v0  }
0x2dd: {  	v39 =	vld [tilespmem:$0x5F90]  }
0x2de: {  	v0 =	vadd.f32 v37, v0;
	_ =	sdelay $0x1  }
0x2df: {  	v0 =	vadd.f32 v38, v0;
	_ =	sdelay $0x1  }
0x2e0: {  	v0 =	vadd.f32 v39, v0;
	_ =	sdelay $0x1  }
0x2e1: {  	[tilespmem:s16+$0x290] =	vst v0  }
0x2e2: {  	v0 =	vld [tilespmem:$0x6000]  }
0x2e3: {  	v40 =	vld [tilespmem:$0x6080];
	_ =	sdelay $0x1  }
0x2e4: {  	v41 =	vld [tilespmem:$0x6100];
	_ =	sdelay $0x1  }
0x2e5: {  	v42 =	vld [tilespmem:$0x6180]  }
0x2e6: {  	v0 =	vadd.f32 v40, v0  }
0x2e7: {  	v43 =	vld [tilespmem:$0x6200]  }
0x2e8: {  	v0 =	vadd.f32 v41, v0  }
0x2e9: {  	v44 =	vld [tilespmem:$0x6280]  }
0x2ea: {  	v0 =	vadd.f32 v42, v0  }
0x2eb: {  	v45 =	vld [tilespmem:$0x6300]  }
0x2ec: {  	v0 =	vadd.f32 v43, v0  }
0x2ed: {  	v46 =	vld [tilespmem:$0x6380]  }
0x2ee: {  	v0 =	vadd.f32 v44, v0;
	_ =	sdelay $0x1  }
0x2ef: {  	v0 =	vadd.f32 v45, v0;
	_ =	sdelay $0x1  }
0x2f0: {  	v0 =	vadd.f32 v46, v0;
	_ =	sdelay $0x1  }
0x2f1: {  	[tilespmem:s16+$0x300] =	vst v0  }
0x2f2: {  	v0 =	vld [tilespmem:$0x6010]  }
0x2f3: {  	v47 =	vld [tilespmem:$0x6090];
	_ =	sdelay $0x1  }
0x2f4: {  	v48 =	vld [tilespmem:$0x6110];
	_ =	sdelay $0x1  }
0x2f5: {  	v49 =	vld [tilespmem:$0x6190]  }
0x2f6: {  	v0 =	vadd.f32 v47, v0  }
0x2f7: {  	v50 =	vld [tilespmem:$0x6210]  }
0x2f8: {  	v0 =	vadd.f32 v48, v0  }
0x2f9: {  	v51 =	vld [tilespmem:$0x6290]  }
0x2fa: {  	v0 =	vadd.f32 v49, v0  }
0x2fb: {  	v52 =	vld [tilespmem:$0x6310]  }
0x2fc: {  	v0 =	vadd.f32 v50, v0  }
0x2fd: {  	v53 =	vld [tilespmem:$0x6390]  }
0x2fe: {  	v0 =	vadd.f32 v51, v0;
	_ =	sdelay $0x1  }
0x2ff: {  	v0 =	vadd.f32 v52, v0;
	_ =	sdelay $0x1  }
0x300: {  	v0 =	vadd.f32 v53, v0;
	_ =	sdelay $0x1  }
0x301: {  	[tilespmem:s16+$0x310] =	vst v0  }
0x302: {  	v0 =	vld [tilespmem:$0x6400]  }
0x303: {  	v54 =	vld [tilespmem:$0x6480];
	_ =	sdelay $0x1  }
0x304: {  	v55 =	vld [tilespmem:$0x6500];
	_ =	sdelay $0x1  }
0x305: {  	v56 =	vld [tilespmem:$0x6580]  }
0x306: {  	v0 =	vadd.f32 v54, v0  }
0x307: {  	v57 =	vld [tilespmem:$0x6600]  }
0x308: {  	v0 =	vadd.f32 v55, v0  }
0x309: {  	v58 =	vld [tilespmem:$0x6680]  }
0x30a: {  	v0 =	vadd.f32 v56, v0  }
0x30b: {  	v59 =	vld [tilespmem:$0x6700]  }
0x30c: {  	v0 =	vadd.f32 v57, v0  }
0x30d: {  	v60 =	vld [tilespmem:$0x6780]  }
0x30e: {  	v0 =	vadd.f32 v58, v0;
	_ =	sdelay $0x1  }
0x30f: {  	v0 =	vadd.f32 v59, v0;
	_ =	sdelay $0x1  }
0x310: {  	v0 =	vadd.f32 v60, v0;
	_ =	sdelay $0x1  }
0x311: {  	[tilespmem:s16+$0x380] =	vst v0  }
0x312: {  	v0 =	vld [tilespmem:$0x6410]  }
0x313: {  	v61 =	vld [tilespmem:$0x6490];
	_ =	sdelay $0x1  }
0x314: {  	v62 =	vld [tilespmem:$0x6510];
	_ =	sdelay $0x1  }
0x315: {  	v63 =	vld [tilespmem:$0x6590]  }
0x316: {  	v0 =	vadd.f32 v61, v0  }
0x317: {  	v6 =	vld [tilespmem:$0x6610]  }
0x318: {  	v0 =	vadd.f32 v62, v0  }
0x319: {  	v7 =	vld [tilespmem:$0x6690]  }
0x31a: {  	v0 =	vadd.f32 v63, v0  }
0x31b: {  	v8 =	vld [tilespmem:$0x6710]  }
0x31c: {  	v0 =	vadd.f32 v6, v0  }
0x31d: {  	v9 =	vld [tilespmem:$0x6790]  }
0x31e: {  	v0 =	vadd.f32 v7, v0;
	_ =	sdelay $0x1  }
0x31f: {  	v0 =	vadd.f32 v8, v0;
	_ =	sdelay $0x1  }
0x320: {  	v0 =	vadd.f32 v9, v0;
	_ =	sdelay $0x1  }
0x321: {  	[tilespmem:s16+$0x390] =	vst v0  }
0x322: {  	v0 =	vld [tilespmem:$0x6800]  }
0x323: {  	v10 =	vld [tilespmem:$0x6880];
	_ =	sdelay $0x1  }
0x324: {  	v11 =	vld [tilespmem:$0x6900];
	_ =	sdelay $0x1  }
0x325: {  	v12 =	vld [tilespmem:$0x6980]  }
0x326: {  	v0 =	vadd.f32 v10, v0  }
0x327: {  	v13 =	vld [tilespmem:$0x6A00]  }
0x328: {  	v0 =	vadd.f32 v11, v0  }
0x329: {  	v14 =	vld [tilespmem:$0x6A80]  }
0x32a: {  	v0 =	vadd.f32 v12, v0  }
0x32b: {  	v15 =	vld [tilespmem:$0x6B00]  }
0x32c: {  	v0 =	vadd.f32 v13, v0  }
0x32d: {  	v16 =	vld [tilespmem:$0x6B80]  }
0x32e: {  	v0 =	vadd.f32 v14, v0;
	_ =	sdelay $0x1  }
0x32f: {  	v0 =	vadd.f32 v15, v0;
	_ =	sdelay $0x1  }
0x330: {  	v0 =	vadd.f32 v16, v0;
	_ =	sdelay $0x1  }
0x331: {  	[tilespmem:s16+$0x400] =	vst v0  }
0x332: {  	v0 =	vld [tilespmem:$0x6810]  }
0x333: {  	v17 =	vld [tilespmem:$0x6890];
	_ =	sdelay $0x1  }
0x334: {  	v18 =	vld [tilespmem:$0x6910];
	_ =	sdelay $0x1  }
0x335: {  	v19 =	vld [tilespmem:$0x6990]  }
0x336: {  	v0 =	vadd.f32 v17, v0  }
0x337: {  	v20 =	vld [tilespmem:$0x6A10]  }
0x338: {  	v0 =	vadd.f32 v18, v0  }
0x339: {  	v21 =	vld [tilespmem:$0x6A90]  }
0x33a: {  	v0 =	vadd.f32 v19, v0  }
0x33b: {  	v22 =	vld [tilespmem:$0x6B10]  }
0x33c: {  	v0 =	vadd.f32 v20, v0  }
0x33d: {  	v23 =	vld [tilespmem:$0x6B90]  }
0x33e: {  	v0 =	vadd.f32 v21, v0;
	_ =	sdelay $0x1  }
0x33f: {  	v0 =	vadd.f32 v22, v0;
	_ =	sdelay $0x1  }
0x340: {  	v0 =	vadd.f32 v23, v0;
	_ =	sdelay $0x1  }
0x341: {  	[tilespmem:s16+$0x410] =	vst v0  }
0x342: {  	v0 =	vld [tilespmem:$0x6C00]  }
0x343: {  	v24 =	vld [tilespmem:$0x6C80];
	_ =	sdelay $0x1  }
0x344: {  	v25 =	vld [tilespmem:$0x6D00];
	_ =	sdelay $0x1  }
0x345: {  	v26 =	vld [tilespmem:$0x6D80]  }
0x346: {  	v0 =	vadd.f32 v24, v0  }
0x347: {  	v27 =	vld [tilespmem:$0x6E00]  }
0x348: {  	v0 =	vadd.f32 v25, v0  }
0x349: {  	v28 =	vld [tilespmem:$0x6E80]  }
0x34a: {  	v0 =	vadd.f32 v26, v0  }
0x34b: {  	v29 =	vld [tilespmem:$0x6F00]  }
0x34c: {  	v0 =	vadd.f32 v27, v0  }
0x34d: {  	v30 =	vld [tilespmem:$0x6F80]  }
0x34e: {  	v0 =	vadd.f32 v28, v0;
	_ =	sdelay $0x1  }
0x34f: {  	v0 =	vadd.f32 v29, v0;
	_ =	sdelay $0x1  }
0x350: {  	v0 =	vadd.f32 v30, v0;
	_ =	sdelay $0x1  }
0x351: {  	[tilespmem:s16+$0x480] =	vst v0  }
0x352: {  	v0 =	vld [tilespmem:$0x6C10]  }
0x353: {  	v31 =	vld [tilespmem:$0x6C90];
	_ =	sdelay $0x1  }
0x354: {  	v32 =	vld [tilespmem:$0x6D10];
	_ =	sdelay $0x1  }
0x355: {  	v33 =	vld [tilespmem:$0x6D90]  }
0x356: {  	v0 =	vadd.f32 v31, v0  }
0x357: {  	v34 =	vld [tilespmem:$0x6E10]  }
0x358: {  	v0 =	vadd.f32 v32, v0  }
0x359: {  	v35 =	vld [tilespmem:$0x6E90]  }
0x35a: {  	v0 =	vadd.f32 v33, v0  }
0x35b: {  	v36 =	vld [tilespmem:$0x6F10]  }
0x35c: {  	v0 =	vadd.f32 v34, v0  }
0x35d: {  	v37 =	vld [tilespmem:$0x6F90]  }
0x35e: {  	v0 =	vadd.f32 v35, v0;
	_ =	sdelay $0x1  }
0x35f: {  	v0 =	vadd.f32 v36, v0;
	_ =	sdelay $0x1  }
0x360: {  	v0 =	vadd.f32 v37, v0;
	_ =	sdelay $0x1  }
0x361: {  	[tilespmem:s16+$0x490] =	vst v0  }
0x362: {  	v0 =	vld [tilespmem:$0x7000]  }
0x363: {  	v38 =	vld [tilespmem:$0x7080];
	_ =	sdelay $0x1  }
0x364: {  	v39 =	vld [tilespmem:$0x7100];
	_ =	sdelay $0x1  }
0x365: {  	v40 =	vld [tilespmem:$0x7180]  }
0x366: {  	v0 =	vadd.f32 v38, v0  }
0x367: {  	v41 =	vld [tilespmem:$0x7200]  }
0x368: {  	v0 =	vadd.f32 v39, v0  }
0x369: {  	v42 =	vld [tilespmem:$0x7280]  }
0x36a: {  	v0 =	vadd.f32 v40, v0  }
0x36b: {  	v43 =	vld [tilespmem:$0x7300]  }
0x36c: {  	v0 =	vadd.f32 v41, v0  }
0x36d: {  	v44 =	vld [tilespmem:$0x7380]  }
0x36e: {  	v0 =	vadd.f32 v42, v0;
	_ =	sdelay $0x1  }
0x36f: {  	v0 =	vadd.f32 v43, v0;
	_ =	sdelay $0x1  }
0x370: {  	v0 =	vadd.f32 v44, v0;
	_ =	sdelay $0x1  }
0x371: {  	[tilespmem:s16+$0x500] =	vst v0  }
0x372: {  	v0 =	vld [tilespmem:$0x7010]  }
0x373: {  	v45 =	vld [tilespmem:$0x7090];
	_ =	sdelay $0x1  }
0x374: {  	v46 =	vld [tilespmem:$0x7110];
	_ =	sdelay $0x1  }
0x375: {  	v47 =	vld [tilespmem:$0x7190]  }
0x376: {  	v0 =	vadd.f32 v45, v0  }
0x377: {  	v48 =	vld [tilespmem:$0x7210]  }
0x378: {  	v0 =	vadd.f32 v46, v0  }
0x379: {  	v49 =	vld [tilespmem:$0x7290]  }
0x37a: {  	v0 =	vadd.f32 v47, v0  }
0x37b: {  	v50 =	vld [tilespmem:$0x7310]  }
0x37c: {  	v0 =	vadd.f32 v48, v0  }
0x37d: {  	v51 =	vld [tilespmem:$0x7390]  }
0x37e: {  	v0 =	vadd.f32 v49, v0;
	_ =	sdelay $0x1  }
0x37f: {  	v0 =	vadd.f32 v50, v0;
	_ =	sdelay $0x1  }
0x380: {  	v0 =	vadd.f32 v51, v0;
	_ =	sdelay $0x1  }
0x381: {  	[tilespmem:s16+$0x510] =	vst v0  }
0x382: {  	v0 =	vld [tilespmem:$0x7400]  }
0x383: {  	v52 =	vld [tilespmem:$0x7480];
	_ =	sdelay $0x1  }
0x384: {  	v53 =	vld [tilespmem:$0x7500];
	_ =	sdelay $0x1  }
0x385: {  	v54 =	vld [tilespmem:$0x7580]  }
0x386: {  	v0 =	vadd.f32 v52, v0  }
0x387: {  	v55 =	vld [tilespmem:$0x7600]  }
0x388: {  	v0 =	vadd.f32 v53, v0  }
0x389: {  	v56 =	vld [tilespmem:$0x7680]  }
0x38a: {  	v0 =	vadd.f32 v54, v0  }
0x38b: {  	v57 =	vld [tilespmem:$0x7700]  }
0x38c: {  	v0 =	vadd.f32 v55, v0  }
0x38d: {  	v58 =	vld [tilespmem:$0x7780]  }
0x38e: {  	v0 =	vadd.f32 v56, v0;
	_ =	sdelay $0x1  }
0x38f: {  	v0 =	vadd.f32 v57, v0;
	_ =	sdelay $0x1  }
0x390: {  	v0 =	vadd.f32 v58, v0;
	_ =	sdelay $0x1  }
0x391: {  	[tilespmem:s16+$0x580] =	vst v0  }
0x392: {  	v0 =	vld [tilespmem:$0x7410]  }
0x393: {  	v59 =	vld [tilespmem:$0x7490];
	_ =	sdelay $0x1  }
0x394: {  	v60 =	vld [tilespmem:$0x7510];
	_ =	sdelay $0x1  }
0x395: {  	v61 =	vld [tilespmem:$0x7590]  }
0x396: {  	v0 =	vadd.f32 v59, v0  }
0x397: {  	v62 =	vld [tilespmem:$0x7610]  }
0x398: {  	v0 =	vadd.f32 v60, v0  }
0x399: {  	v63 =	vld [tilespmem:$0x7690]  }
0x39a: {  	v0 =	vadd.f32 v61, v0  }
0x39b: {  	v6 =	vld [tilespmem:$0x7710]  }
0x39c: {  	v0 =	vadd.f32 v62, v0  }
0x39d: {  	v7 =	vld [tilespmem:$0x7790]  }
0x39e: {  	v0 =	vadd.f32 v63, v0;
	_ =	sdelay $0x1  }
0x39f: {  	v0 =	vadd.f32 v6, v0;
	_ =	sdelay $0x1  }
0x3a0: {  	v0 =	vadd.f32 v7, v0;
	_ =	sdelay $0x1  }
0x3a1: {  	[tilespmem:s16+$0x590] =	vst v0  }
0x3a2: {  	v0 =	vld [tilespmem:$0x7800]  }
0x3a3: {  	v8 =	vld [tilespmem:$0x7880];
	_ =	sdelay $0x1  }
0x3a4: {  	v9 =	vld [tilespmem:$0x7900];
	_ =	sdelay $0x1  }
0x3a5: {  	v10 =	vld [tilespmem:$0x7980]  }
0x3a6: {  	v0 =	vadd.f32 v8, v0  }
0x3a7: {  	v11 =	vld [tilespmem:$0x7A00]  }
0x3a8: {  	v0 =	vadd.f32 v9, v0  }
0x3a9: {  	v12 =	vld [tilespmem:$0x7A80]  }
0x3aa: {  	v0 =	vadd.f32 v10, v0  }
0x3ab: {  	v13 =	vld [tilespmem:$0x7B00]  }
0x3ac: {  	v0 =	vadd.f32 v11, v0  }
0x3ad: {  	v14 =	vld [tilespmem:$0x7B80]  }
0x3ae: {  	v0 =	vadd.f32 v12, v0;
	_ =	sdelay $0x1  }
0x3af: {  	v0 =	vadd.f32 v13, v0;
	_ =	sdelay $0x1  }
0x3b0: {  	v0 =	vadd.f32 v14, v0;
	_ =	sdelay $0x1  }
0x3b1: {  	[tilespmem:s16+$0x600] =	vst v0  }
0x3b2: {  	v0 =	vld [tilespmem:$0x7810]  }
0x3b3: {  	v15 =	vld [tilespmem:$0x7890];
	_ =	sdelay $0x1  }
0x3b4: {  	v16 =	vld [tilespmem:$0x7910];
	_ =	sdelay $0x1  }
0x3b5: {  	v17 =	vld [tilespmem:$0x7990]  }
0x3b6: {  	v0 =	vadd.f32 v15, v0  }
0x3b7: {  	v18 =	vld [tilespmem:$0x7A10]  }
0x3b8: {  	v0 =	vadd.f32 v16, v0  }
0x3b9: {  	v19 =	vld [tilespmem:$0x7A90]  }
0x3ba: {  	v0 =	vadd.f32 v17, v0  }
0x3bb: {  	v20 =	vld [tilespmem:$0x7B10]  }
0x3bc: {  	v0 =	vadd.f32 v18, v0  }
0x3bd: {  	v21 =	vld [tilespmem:$0x7B90]  }
0x3be: {  	v0 =	vadd.f32 v19, v0;
	_ =	sdelay $0x1  }
0x3bf: {  	v0 =	vadd.f32 v20, v0;
	_ =	sdelay $0x1  }
0x3c0: {  	v0 =	vadd.f32 v21, v0;
	_ =	sdelay $0x1  }
0x3c1: {  	[tilespmem:s16+$0x610] =	vst v0  }
0x3c2: {  	v0 =	vld [tilespmem:$0x7C00]  }
0x3c3: {  	v22 =	vld [tilespmem:$0x7C80];
	_ =	sdelay $0x1  }
0x3c4: {  	v23 =	vld [tilespmem:$0x7D00];
	_ =	sdelay $0x1  }
0x3c5: {  	v24 =	vld [tilespmem:$0x7D80]  }
0x3c6: {  	v0 =	vadd.f32 v22, v0  }
0x3c7: {  	v25 =	vld [tilespmem:$0x7E00]  }
0x3c8: {  	v0 =	vadd.f32 v23, v0  }
0x3c9: {  	v26 =	vld [tilespmem:$0x7E80]  }
0x3ca: {  	v0 =	vadd.f32 v24, v0  }
0x3cb: {  	v27 =	vld [tilespmem:$0x7F00]  }
0x3cc: {  	v0 =	vadd.f32 v25, v0  }
0x3cd: {  	v28 =	vld [tilespmem:$0x7F80]  }
0x3ce: {  	v0 =	vadd.f32 v26, v0;
	_ =	sdelay $0x1  }
0x3cf: {  	v0 =	vadd.f32 v27, v0;
	_ =	sdelay $0x1  }
0x3d0: {  	v0 =	vadd.f32 v28, v0;
	_ =	sdelay $0x1  }
0x3d1: {  	[tilespmem:s16+$0x680] =	vst v0  }
0x3d2: {  	v0 =	vld [tilespmem:$0x7C10]  }
0x3d3: {  	v29 =	vld [tilespmem:$0x7C90];
	_ =	sdelay $0x1  }
0x3d4: {  	v30 =	vld [tilespmem:$0x7D10];
	_ =	sdelay $0x1  }
0x3d5: {  	v31 =	vld [tilespmem:$0x7D90]  }
0x3d6: {  	v0 =	vadd.f32 v29, v0  }
0x3d7: {  	v32 =	vld [tilespmem:$0x7E10]  }
0x3d8: {  	v0 =	vadd.f32 v30, v0  }
0x3d9: {  	v33 =	vld [tilespmem:$0x7E90]  }
0x3da: {  	v0 =	vadd.f32 v31, v0  }
0x3db: {  	v34 =	vld [tilespmem:$0x7F10]  }
0x3dc: {  	v0 =	vadd.f32 v32, v0  }
0x3dd: {  	v35 =	vld [tilespmem:$0x7F90]  }
0x3de: {  	v0 =	vadd.f32 v33, v0;
	_ =	sdelay $0x1  }
0x3df: {  	v0 =	vadd.f32 v34, v0;
	_ =	sdelay $0x1  }
0x3e0: {  	v0 =	vadd.f32 v35, v0;
	_ =	sdelay $0x1  }
0x3e1: {  	[tilespmem:s16+$0x690] =	vst v0  }
0x3e2: {  	v0 =	vld [tilespmem:$0x8000]  }
0x3e3: {  	v36 =	vld [tilespmem:$0x8080];
	_ =	sdelay $0x1  }
0x3e4: {  	v37 =	vld [tilespmem:$0x8100];
	_ =	sdelay $0x1  }
0x3e5: {  	v38 =	vld [tilespmem:$0x8180]  }
0x3e6: {  	v0 =	vadd.f32 v36, v0  }
0x3e7: {  	v39 =	vld [tilespmem:$0x8200]  }
0x3e8: {  	v0 =	vadd.f32 v37, v0  }
0x3e9: {  	v40 =	vld [tilespmem:$0x8280]  }
0x3ea: {  	v0 =	vadd.f32 v38, v0  }
0x3eb: {  	v41 =	vld [tilespmem:$0x8300]  }
0x3ec: {  	v0 =	vadd.f32 v39, v0  }
0x3ed: {  	v42 =	vld [tilespmem:$0x8380]  }
0x3ee: {  	v0 =	vadd.f32 v40, v0;
	_ =	sdelay $0x1  }
0x3ef: {  	v0 =	vadd.f32 v41, v0;
	_ =	sdelay $0x1  }
0x3f0: {  	v0 =	vadd.f32 v42, v0;
	_ =	sdelay $0x1  }
0x3f1: {  	[tilespmem:s16+$0x700] =	vst v0  }
0x3f2: {  	v0 =	vld [tilespmem:$0x8010]  }
0x3f3: {  	v43 =	vld [tilespmem:$0x8090];
	_ =	sdelay $0x1  }
0x3f4: {  	v44 =	vld [tilespmem:$0x8110];
	_ =	sdelay $0x1  }
0x3f5: {  	v45 =	vld [tilespmem:$0x8190]  }
0x3f6: {  	v0 =	vadd.f32 v43, v0  }
0x3f7: {  	v46 =	vld [tilespmem:$0x8210]  }
0x3f8: {  	v0 =	vadd.f32 v44, v0  }
0x3f9: {  	v47 =	vld [tilespmem:$0x8290]  }
0x3fa: {  	v0 =	vadd.f32 v45, v0  }
0x3fb: {  	v48 =	vld [tilespmem:$0x8310]  }
0x3fc: {  	v0 =	vadd.f32 v46, v0  }
0x3fd: {  	v49 =	vld [tilespmem:$0x8390]  }
0x3fe: {  	v0 =	vadd.f32 v47, v0;
	_ =	sdelay $0x1  }
0x3ff: {  	v0 =	vadd.f32 v48, v0;
	_ =	sdelay $0x1  }
0x400: {  	v0 =	vadd.f32 v49, v0;
	_ =	sdelay $0x1  }
0x401: {  	[tilespmem:s16+$0x710] =	vst v0  }
0x402: {  	v0 =	vld [tilespmem:$0x8400]  }
0x403: {  	v50 =	vld [tilespmem:$0x8480];
	_ =	sdelay $0x1  }
0x404: {  	v51 =	vld [tilespmem:$0x8500];
	_ =	sdelay $0x1  }
0x405: {  	v52 =	vld [tilespmem:$0x8580]  }
0x406: {  	v0 =	vadd.f32 v50, v0  }
0x407: {  	v53 =	vld [tilespmem:$0x8600]  }
0x408: {  	v0 =	vadd.f32 v51, v0  }
0x409: {  	v54 =	vld [tilespmem:$0x8680]  }
0x40a: {  	v0 =	vadd.f32 v52, v0  }
0x40b: {  	v55 =	vld [tilespmem:$0x8700]  }
0x40c: {  	v0 =	vadd.f32 v53, v0  }
0x40d: {  	v56 =	vld [tilespmem:$0x8780]  }
0x40e: {  	v0 =	vadd.f32 v54, v0;
	_ =	sdelay $0x1  }
0x40f: {  	v0 =	vadd.f32 v55, v0;
	_ =	sdelay $0x1  }
0x410: {  	v0 =	vadd.f32 v56, v0;
	_ =	sdelay $0x1  }
0x411: {  	[tilespmem:s16+$0x780] =	vst v0  }
0x412: {  	v0 =	vld [tilespmem:$0x8410]  }
0x413: {  	v57 =	vld [tilespmem:$0x8490];
	_ =	sdelay $0x1  }
0x414: {  	v58 =	vld [tilespmem:$0x8510];
	_ =	sdelay $0x1  }
0x415: {  	v59 =	vld [tilespmem:$0x8590]  }
0x416: {  	v0 =	vadd.f32 v57, v0  }
0x417: {  	v60 =	vld [tilespmem:$0x8610]  }
0x418: {  	v0 =	vadd.f32 v58, v0  }
0x419: {  	v61 =	vld [tilespmem:$0x8690]  }
0x41a: {  	v0 =	vadd.f32 v59, v0  }
0x41b: {  	v62 =	vld [tilespmem:$0x8710]  }
0x41c: {  	v0 =	vadd.f32 v60, v0  }
0x41d: {  	v63 =	vld [tilespmem:$0x8790]  }
0x41e: {  	v0 =	vadd.f32 v61, v0;
	_ =	sdelay $0x1  }
.Ltmp2:
0x41f: {  	v0 =	vadd.f32 v62, v0;
	(pc) =	sbr.rel @p0 .LBB2_4-.Ltmp2, $3  }
0x420: {  	_ = 	snop  }
0x421: {  	v0 =	vadd.f32 v63, v0;
	_ =	sdelay $0x1  }
0x422: {  	[tilespmem:s16+$0x790] =	vst v0  }
.Ltmp3:
0x423: {  	(pc) =	sbr.rel .LBB2_2-.Ltmp3, $4  }
0x424: {  	_ = 	snop  }
0x425: {  	s17 =	sshra.s32 s15, $0x2  }
0x426: {  	s15 =	sadd.s32 $0x400, s15;
	s16 =	sadd.s32 $0x1000, s16;
	s17 =	sadd.s32 $0x880, s17  }
0x427: {  	[tilespmem:s10], [sflag:$0x2] =	stream.indirect.gather [hbm4b:s3+s8], $0x80, s17, s8, $0xb8;
	[tilespmem:$0x10800] =	vst v63  }
.LBB2_5:
0x428: {  	_ =	sfence.sel $0x180000  }
0x429: {  	[bflag:$0x0] =	sbarrier.arrive $0xFFFF  }
0x42a: {  	p0 =	sne.s32 s1, $0x0;
	_ =	strace $0x90000047  }
0x42b: {  	s0 =	sadd.s32 @!p0 $0x100000, s0;
	[bflag:$0x2] =	sbarrier.arrive $0xFFFF  }
0x42c: {  	[sflag:s0] =	ssyncadd.tile.s32 @!p0 $0x1;
	_ =	shalt  }
.Lfunc_end2:
_tile_overlayer_lowered:
.L_overlay_start_2:
0x42d: {  	(tag) =	ssettag $0x2  }
0x42e: {  	s0 =	rddreg [dreg:$0x0];
	s2 =	stileid.u32  }
0x42f: {  	s1 =	rddreg [dreg:$0x1];
	p0 =	sne.s32 s2, $0x0  }
0x430: {  	s3 =	rddreg [dreg:$0x2];
	[bflag:$0x3] =	sbarrier.arrive $0xFFFF;
	s2 =	simm.s32 @!p0 $0x1C03  }
0x431: {  	[timem:s3], [sflag:s2] =	dma.local @!p0 [hbm:s0], s1  }
0x432: {  	s0 =	simm.s32 @!p0 $0x3  }
0x433: {  	_ =	swait.ge @!p0 [sflag:s0], s1  }
0x434: {  	s1 =	ssub.s32 @!p0 $0x0, s1;
	[sflag:s0] =	ssyncset.done @!p0 $0x0  }
0x435: {  	[sflag:s0] =	ssyncadd.s32 @!p0 s1  }
0x436: {  	[bflag:$0x3] =	sbarrier.arrive $0xFFFF  }
0x437: {  	_ =	shalt  }

</sc_bundles>
